<compile_context>
chip_gen: v7x
topology: tpu7x:2x2x1
jax: 0.10.2.dev20260603
libtpu: 0.0.44.dev20260713+nightly
codegen_flags: <defaults>
</compile_context>

<pallas_src>
import functools

import jax
import jax.numpy as jnp
from jax import lax
from jax.experimental import pallas as pl
from jax.experimental.pallas import tpu as pltpu
from jax.experimental.pallas import tpu_sc as plsc

_N_NODES = 10000
_N_EDGES = 320000
_D_FEAT = 128
_D_EDGE = 16
_HID = 128

_NC, _NS = 2, 16
_NW = _NC * _NS
_CH = 128
_N_PAD = 10240
_RPT = _N_PAD // _NS

_SLICES = (
    (2560, 20, 0),
    (3600, 28, 16),
    (3840, 30, 0),
)
_EPW_S = 10000
_NFULL_S, _TAIL_S = 78, 16

_EB = 2560
_NB = 1000

_f32 = jnp.float32
_bf16 = jnp.bfloat16

_MESH = dict(core_axis_name="c", subcore_axis_name="s",
             num_cores=_NC, num_subcores=_NS)


def _softplus(v):
    return jnp.maximum(v, 0.0) + jnp.log1p(jnp.exp(-jnp.abs(v)))


def _proj_body(x_ref, ws_ref, wd_ref, xs_ref, xd_ref):
    xv = x_ref[...]
    xs_ref[...] = jnp.dot(xv, ws_ref[...], preferred_element_type=_f32)
    xd_ref[...] = jnp.dot(xv, wd_ref[...], preferred_element_type=_f32)


_proj = pl.pallas_call(
    _proj_body,
    grid=(_N_NODES // _NB,),
    in_specs=[
        pl.BlockSpec((_NB, _D_FEAT), lambda i: (i, 0)),
        pl.BlockSpec((_D_FEAT, _HID), lambda i: (0, 0)),
        pl.BlockSpec((_D_FEAT, _HID), lambda i: (0, 0)),
    ],
    out_specs=[
        pl.BlockSpec((_NB, _HID), lambda i: (i, 0)),
        pl.BlockSpec((_NB, _HID), lambda i: (i, 0)),
    ],
    out_shape=[
        jax.ShapeDtypeStruct((_N_NODES, _HID), _f32),
        jax.ShapeDtypeStruct((_N_NODES, _HID), _f32),
    ],
)


@functools.cache
def _make_gather(epw, nfull, tail):
  def _body(rm, cm, rt, ct, xs, xd, g_out,
            ir_v, ic_v, irt_v, ict_v,
            ba0, bb0, ba1, bb1,
            sa0, sb0, sa1, sb1, w0, w1):
    c = lax.axis_index("c")
    s = lax.axis_index("s")
    wid = s * _NC + c
    base = wid * epw
    pltpu.sync_copy(rm.at[wid], ir_v)
    pltpu.sync_copy(cm.at[wid], ic_v)
    if tail:
        pltpu.sync_copy(rt.at[wid], irt_v)
        pltpu.sync_copy(ct.at[wid], ict_v)

    def _add(dst, src, rows):
        def add_row(r, carry):
            for k in range(_HID // 16):
                sl = pl.ds(k * 16, 16)
                plsc.addupdate(dst.at[r, sl], src[r, sl])
            return carry
        lax.fori_loop(0, rows, add_row, 0)

    def _issue(j, ba, bb, sa, sb):
        pltpu.async_copy(xs.at[ir_v.at[j]], ba, sa)
        pltpu.async_copy(xd.at[ic_v.at[j]], bb, sb)

    def _wait_gathers(j, ba, bb, sa, sb):
        pltpu.make_async_copy(xs.at[ir_v.at[j]], ba, sa).wait()
        pltpu.make_async_copy(xd.at[ic_v.at[j]], bb, sb).wait()

    _issue(0, ba0, bb0, sa0, sb0)
    _issue(1, ba1, bb1, sa1, sb1)

    def body(k, carry):
        j0 = 2 * k
        j1 = 2 * k + 1
        _wait_gathers(j0, ba0, bb0, sa0, sb0)
        _add(ba0, bb0, _CH)
        pltpu.async_copy(ba0, g_out.at[pl.ds(base + j0 * _CH, _CH)], w0)
        _wait_gathers(j1, ba1, bb1, sa1, sb1)
        _add(ba1, bb1, _CH)
        pltpu.async_copy(ba1, g_out.at[pl.ds(base + j1 * _CH, _CH)], w1)
        pltpu.make_async_copy(ba0, g_out.at[pl.ds(base + j0 * _CH, _CH)], w0).wait()
        _issue(j0 + 2, ba0, bb0, sa0, sb0)
        pltpu.make_async_copy(ba1, g_out.at[pl.ds(base + j1 * _CH, _CH)], w1).wait()
        _issue(j1 + 2, ba1, bb1, sa1, sb1)
        return carry

    lax.fori_loop(0, nfull // 2 - 1, body, 0)

    j0 = nfull - 2
    j1 = nfull - 1
    _wait_gathers(j0, ba0, bb0, sa0, sb0)
    _add(ba0, bb0, _CH)
    pltpu.sync_copy(ba0, g_out.at[pl.ds(base + j0 * _CH, _CH)])
    _wait_gathers(j1, ba1, bb1, sa1, sb1)
    _add(ba1, bb1, _CH)
    pltpu.sync_copy(ba1, g_out.at[pl.ds(base + j1 * _CH, _CH)])

    if tail:
        tbase = base + nfull * _CH
        cpa = pltpu.async_copy(xs.at[irt_v], ba0.at[pl.ds(0, tail)], sa0)
        cpb = pltpu.async_copy(xd.at[ict_v], bb0.at[pl.ds(0, tail)], sb0)
        cpa.wait()
        cpb.wait()
        _add(ba0, bb0, tail)
        pltpu.sync_copy(ba0.at[pl.ds(0, tail)], g_out.at[pl.ds(tbase, tail)])

  return pl.kernel(
      _body,
      out_type=jax.ShapeDtypeStruct((_NW * epw, _HID), _f32),
      mesh=plsc.VectorSubcoreMesh(**_MESH),
      scratch_types=[
          pltpu.VMEM((nfull, _CH), jnp.int32),
          pltpu.VMEM((nfull, _CH), jnp.int32),
          pltpu.VMEM((max(tail, 8),), jnp.int32),
          pltpu.VMEM((max(tail, 8),), jnp.int32),
          pltpu.VMEM((_CH, _HID), _f32),
          pltpu.VMEM((_CH, _HID), _f32),
          pltpu.VMEM((_CH, _HID), _f32),
          pltpu.VMEM((_CH, _HID), _f32),
          pltpu.SemaphoreType.DMA,
          pltpu.SemaphoreType.DMA,
          pltpu.SemaphoreType.DMA,
          pltpu.SemaphoreType.DMA,
          pltpu.SemaphoreType.DMA,
          pltpu.SemaphoreType.DMA,
      ],
  )


def _edge_math(g_ref, eat_ref, w1e_ref, b1_ref, w2_ref, b2_ref, out_ref):
    ea_term = lax.dot_general(eat_ref[...].astype(_bf16), w1e_ref[...],
                              (((0,), (0,)), ((), ())),
                              preferred_element_type=_f32)
    pre = g_ref[...] + ea_term + b1_ref[...]
    h = _softplus(pre)
    out_ref[...] = jnp.dot(h.astype(_bf16), w2_ref[...],
                           preferred_element_type=_f32) + b2_ref[...]


def _edge_body2(e_ref, g_ref, eat_ref, w1e_ref, b1_ref, w2_ref, b2_ref, out_ref):
    del e_ref
    _edge_math(g_ref, eat_ref, w1e_ref, b1_ref, w2_ref, b2_ref, out_ref)


_W_SPECS = [
    pl.BlockSpec((_D_EDGE, _HID), lambda i: (0, 0)),
    pl.BlockSpec((1, _HID), lambda i: (0, 0)),
    pl.BlockSpec((_HID, _HID), lambda i: (0, 0)),
    pl.BlockSpec((1, _HID), lambda i: (0, 0)),
]


@functools.cache
def _make_edge(nblocks, boff, aliased):
    gspec = pl.BlockSpec((_EB, _HID), lambda i: (i, 0))
    easpec = pl.BlockSpec((_D_EDGE, _EB), lambda i, o=boff: (0, i + o))
    ospec = pl.BlockSpec((_EB, _HID), lambda i, o=boff: (i + o, 0))
    oshape = jax.ShapeDtypeStruct((_N_EDGES, _HID), _f32)
    if not aliased:
        return pl.pallas_call(
            _edge_math, grid=(nblocks,),
            in_specs=[gspec, easpec, *_W_SPECS],
            out_specs=ospec, out_shape=oshape)
    return pl.pallas_call(
        _edge_body2, grid=(nblocks,),
        in_specs=[pl.BlockSpec(memory_space=pltpu.MemorySpace.HBM),
                  gspec, easpec, *_W_SPECS],
        out_specs=ospec, out_shape=oshape,
        input_output_aliases={0: 0})


@functools.cache
def _make_scatter(epw, nfull, tail, base_off):
  def _body(rm, rt, e_in, out, ir_v, irt_v, eb0, eb1, tbuf, acc, s0, s1):
    c = lax.axis_index("c")
    s = lax.axis_index("s")
    wid = s * _NC + c
    base = base_off + wid * epw
    pltpu.sync_copy(rm.at[wid], ir_v)
    if tail:
        pltpu.sync_copy(rt.at[wid], irt_v)

    def zrow(r, carry):
        for k in range(_HID // 16):
            eb0[r, pl.ds(k * 16, 16)] = jnp.zeros((16,), _f32)
        return carry

    lax.fori_loop(0, _CH, zrow, 0)
    row0 = s * _RPT
    for t in range(_RPT // _CH):
        pltpu.sync_copy(eb0, acc.at[pl.ds(row0 + t * _CH, _CH)])
    plsc.subcore_barrier()

    pltpu.async_copy(e_in.at[pl.ds(base, _CH)], eb0, s0)
    pltpu.async_copy(e_in.at[pl.ds(base + _CH, _CH)], eb1, s1)

    def step(k, carry):
        j0 = 2 * k
        j1 = 2 * k + 1
        pltpu.make_async_copy(e_in.at[pl.ds(base + j0 * _CH, _CH)], eb0, s0).wait()
        pltpu.sync_copy(eb0, acc.at[ir_v.at[j0]], add=True)
        pltpu.async_copy(e_in.at[pl.ds(base + (j0 + 2) * _CH, _CH)], eb0, s0)
        pltpu.make_async_copy(e_in.at[pl.ds(base + j1 * _CH, _CH)], eb1, s1).wait()
        pltpu.sync_copy(eb1, acc.at[ir_v.at[j1]], add=True)
        pltpu.async_copy(e_in.at[pl.ds(base + (j1 + 2) * _CH, _CH)], eb1, s1)
        return carry

    lax.fori_loop(0, nfull // 2 - 1, step, 0)
    j0 = nfull - 2
    j1 = nfull - 1
    pltpu.make_async_copy(e_in.at[pl.ds(base + j0 * _CH, _CH)], eb0, s0).wait()
    pltpu.sync_copy(eb0, acc.at[ir_v.at[j0]], add=True)
    pltpu.make_async_copy(e_in.at[pl.ds(base + j1 * _CH, _CH)], eb1, s1).wait()
    pltpu.sync_copy(eb1, acc.at[ir_v.at[j1]], add=True)
    if tail:
        pltpu.sync_copy(e_in.at[pl.ds(base + nfull * _CH, tail)], tbuf)
        pltpu.sync_copy(tbuf, acc.at[irt_v], add=True)
    plsc.subcore_barrier()
    pltpu.sync_copy(acc.at[pl.ds(row0, _RPT)], out.at[c, pl.ds(row0, _RPT)])

  return pl.kernel(
      _body,
      out_type=jax.ShapeDtypeStruct((_NC, _N_PAD, _HID), _f32),
      mesh=plsc.VectorSubcoreMesh(**_MESH),
      scratch_types=[
          pltpu.VMEM((nfull, _CH), jnp.int32),
          pltpu.VMEM((max(tail, 8),), jnp.int32),
          pltpu.VMEM((_CH, _HID), _f32),
          pltpu.VMEM((_CH, _HID), _f32),
          pltpu.VMEM((max(tail, 8), _HID), _f32),
          pltpu.VMEM_SHARED((_N_PAD, _HID), _f32),
          pltpu.SemaphoreType.DMA,
          pltpu.SemaphoreType.DMA,
      ],
  )


_NGRID = _N_NODES // _NB


def _node_body(x_ref, m1_ref, gs_ref, w1x_ref, w1m_ref, b1_ref, w2_ref,
               b2_ref, g1x_ref, g1e_ref, g1g_ref, gb1_ref, g2_ref, gb2_ref,
               xu_ref, gu_ref, accx, accm):
    i = pl.program_id(0)
    msg = m1_ref[0] + m1_ref[1]
    pre = (jnp.dot(x_ref[...], w1x_ref[...], preferred_element_type=_f32)
           + jnp.dot(msg, w1m_ref[...], preferred_element_type=_f32)
           + b1_ref[...])
    h = _softplus(pre)
    xu = jnp.dot(h, w2_ref[...], preferred_element_type=_f32) + b2_ref[...]
    xu_ref[...] = xu
    bx = jnp.sum(xu, axis=0, keepdims=True)
    bm = jnp.sum(msg, axis=0, keepdims=True)

    @pl.when(i == 0)
    def _():
        accx[...] = bx
        accm[...] = bm

    @pl.when(i > 0)
    def _():
        accx[...] = accx[...] + bx
        accm[...] = accm[...] + bm

    @pl.when(i == _NGRID - 1)
    def _():
        mx = accx[...] * (1.0 / _N_NODES)
        me = accm[...] * (1.0 / _N_EDGES)
        gpre = (jnp.dot(mx, g1x_ref[...], preferred_element_type=_f32)
                + jnp.dot(me, g1e_ref[...], preferred_element_type=_f32)
                + jnp.dot(gs_ref[...], g1g_ref[...], preferred_element_type=_f32)
                + gb1_ref[...])
        gh = _softplus(gpre)
        gu_ref[...] = jnp.dot(gh, g2_ref[...], preferred_element_type=_f32) + gb2_ref[...]


_node = pl.pallas_call(
    _node_body,
    grid=(_NGRID,),
    in_specs=[
        pl.BlockSpec((_NB, _D_FEAT), lambda i: (i, 0)),
        pl.BlockSpec((_NC, _NB, _HID), lambda i: (0, i, 0)),
        pl.BlockSpec((1, _HID), lambda i: (0, 0)),
        pl.BlockSpec((_D_FEAT, _HID), lambda i: (0, 0)),
        pl.BlockSpec((_HID, _HID), lambda i: (0, 0)),
        pl.BlockSpec((1, _HID), lambda i: (0, 0)),
        pl.BlockSpec((_HID, _HID), lambda i: (0, 0)),
        pl.BlockSpec((1, _HID), lambda i: (0, 0)),
        pl.BlockSpec((_HID, _HID), lambda i: (0, 0)),
        pl.BlockSpec((_HID, _HID), lambda i: (0, 0)),
        pl.BlockSpec((_HID, _HID), lambda i: (0, 0)),
        pl.BlockSpec((1, _HID), lambda i: (0, 0)),
        pl.BlockSpec((_HID, _HID), lambda i: (0, 0)),
        pl.BlockSpec((1, _HID), lambda i: (0, 0)),
    ],
    out_specs=[
        pl.BlockSpec((_NB, _HID), lambda i: (i, 0)),
        pl.BlockSpec((1, _HID), lambda i: (0, 0)),
    ],
    out_shape=[
        jax.ShapeDtypeStruct((_N_NODES, _HID), _f32),
        jax.ShapeDtypeStruct((1, _HID), _f32),
    ],
    scratch_shapes=[
        pltpu.VMEM((1, _HID), _f32),
        pltpu.VMEM((1, _HID), _f32),
    ],
)


def kernel(x, edge_index, edge_attr, global_state, eW1, eb1, eW2, eb2,
           nW1, nb1, nW2, nb2, gW1, gb1, gW2, gb2):
    row = edge_index[0].astype(jnp.int32)
    col = edge_index[1].astype(jnp.int32)
    dummy = jnp.zeros((_NW, 8), jnp.int32)

    eW1e = eW1[:_D_EDGE]
    eW1s = eW1[_D_EDGE:_D_EDGE + _D_FEAT]
    eW1d = eW1[_D_EDGE + _D_FEAT:]

    xs, xd = _proj(x, eW1s, eW1d)

    ea_t = edge_attr.T
    ew = (eW1e.astype(_bf16), eb1.reshape(1, _HID), eW2.astype(_bf16),
          eb2.reshape(1, _HID))

    gs_list = []
    off = 0
    for epw, nfull, tail in _SLICES:
        h = _NW * epw
        r = row[off:off + h].reshape(_NW, epw)
        c = col[off:off + h].reshape(_NW, epw)
        rm = r[:, : nfull * _CH].reshape(_NW, nfull, _CH)
        cm = c[:, : nfull * _CH].reshape(_NW, nfull, _CH)
        rt = r[:, nfull * _CH:] if tail else dummy
        ct = c[:, nfull * _CH:] if tail else dummy
        gs_list.append(_make_gather(epw, nfull, tail)(rm, cm, rt, ct, xs, xd))
        off += h

    e_out = None
    boff = 0
    for (epw, nfull, tail), g in zip(_SLICES, gs_list):
        nblocks = _NW * epw // _EB
        if e_out is None:
            e_out = _make_edge(nblocks, boff, False)(g, ea_t, *ew)
        else:
            e_out = _make_edge(nblocks, boff, True)(e_out, g, ea_t, *ew)
        boff += nblocks

    rs = row.reshape(_NW, _EPW_S)
    rms = rs[:, : _NFULL_S * _CH].reshape(_NW, _NFULL_S, _CH)
    rts = rs[:, _NFULL_S * _CH:]
    msgp = _make_scatter(_EPW_S, _NFULL_S, _TAIL_S, 0)(rms, rts, e_out)

    xu, gu = _node(x, msgp, global_state,
                   nW1[:_D_FEAT], nW1[_D_FEAT:], nb1.reshape(1, _HID),
                   nW2, nb2.reshape(1, _HID),
                   gW1[:_HID], gW1[_HID:2 * _HID], gW1[2 * _HID:],
                   gb1.reshape(1, _HID), gW2, gb2.reshape(1, _HID))
    return (xu, e_out, gu)

# --- scband reference (transcript-rebuilt; emitter-appended) ---
"""Pipeline reference for scband-megnet-block-37855841747614 (READ-ONLY COPY).

The authoritative reference and input builder live on the scoring server;
editing this copy changes nothing except your own understanding.
"""

import jax, jax.numpy as jnp
import numpy as np

N_NODES = 10000
N_EDGES = 320000
D_FEAT = 128
D_EDGE = 16
HIDDEN = 128
G_DIM = 128


def setup_inputs(seed: int = 0) -> dict:
    key = jax.random.key(seed)
    ks = jax.random.split(key, 20)
    x = jax.random.normal(ks[0], (N_NODES, D_FEAT), dtype=jnp.float32)
    edge_index = jax.random.randint(ks[1], (2, N_EDGES), 0, N_NODES, dtype=jnp.int64)
    edge_attr = jax.random.normal(ks[2], (N_EDGES, D_EDGE), dtype=jnp.float32)
    global_state = jax.random.normal(ks[3], (1, G_DIM), dtype=jnp.float32)
    s = 0.02
    # edge_mlp: input = d_edge + 2*d_feat = 272
    eW1 = jax.random.normal(ks[4], (D_EDGE + 2 * D_FEAT, HIDDEN), dtype=jnp.float32) * s
    eb1 = jnp.zeros((HIDDEN,), dtype=jnp.float32)
    eW2 = jax.random.normal(ks[5], (HIDDEN, HIDDEN), dtype=jnp.float32) * s
    eb2 = jnp.zeros((HIDDEN,), dtype=jnp.float32)
    # node_mlp: input = d_feat + hidden = 256
    nW1 = jax.random.normal(ks[6], (D_FEAT + HIDDEN, HIDDEN), dtype=jnp.float32) * s
    nb1 = jnp.zeros((HIDDEN,), dtype=jnp.float32)
    nW2 = jax.random.normal(ks[7], (HIDDEN, HIDDEN), dtype=jnp.float32) * s
    nb2 = jnp.zeros((HIDDEN,), dtype=jnp.float32)
    # global_mlp: input = hidden + hidden + g_dim = 384
    gW1 = jax.random.normal(ks[8], (2 * HIDDEN + G_DIM, HIDDEN), dtype=jnp.float32) * s
    gb1 = jnp.zeros((HIDDEN,), dtype=jnp.float32)
    gW2 = jax.random.normal(ks[9], (HIDDEN, HIDDEN), dtype=jnp.float32) * s
    gb2 = jnp.zeros((HIDDEN,), dtype=jnp.float32)
    return {"x": x, "edge_index": edge_index, "edge_attr": edge_attr, "global_state": global_state,
            "eW1": eW1, "eb1": eb1, "eW2": eW2, "eb2": eb2,
            "nW1": nW1, "nb1": nb1, "nW2": nW2, "nb2": nb2,
            "gW1": gW1, "gb1": gb1, "gW2": gW2, "gb2": gb2}


def reference(x, edge_index, edge_attr, global_state,
              eW1, eb1, eW2, eb2, nW1, nb1, nW2, nb2, gW1, gb1, gW2, gb2):
    row = edge_index[0]
    col = edge_index[1]
    src_features = jnp.take(x, row, axis=0)
    dst_features = jnp.take(x, col, axis=0)
    edge_inputs = jnp.concatenate([edge_attr, src_features, dst_features], axis=-1)
    h = jax.nn.softplus(edge_inputs @ eW1 + eb1)
    edge_attr_updated = h @ eW2 + eb2
    # tf.scatter_nd sums contributions for duplicate indices -> scatter-add
    node_messages = jnp.zeros((x.shape[0], edge_attr_updated.shape[-1]), dtype=x.dtype).at[row].add(edge_attr_updated)
    node_inputs = jnp.concatenate([x, node_messages], axis=-1)
    x_updated = jax.nn.softplus(node_inputs @ nW1 + nb1) @ nW2 + nb2
    global_inputs = jnp.concatenate([
        jnp.mean(x_updated, axis=0, keepdims=True),
        jnp.mean(edge_attr_updated, axis=0, keepdims=True),
        global_state], axis=-1)
    global_updated = jax.nn.softplus(global_inputs @ gW1 + gb1) @ gW2 + gb2
    return (x_updated, edge_attr_updated, global_updated)

if __name__ == "__main__":
    import jax
    _d = setup_inputs()
    print(jax.jit(kernel)(*tuple(_d.values())))

</pallas_src>

<mosaic_0001>
#map = affine_map<(d0, d1) -> (0, 0, 0)>
#map1 = affine_map<(d0, d1) -> (0, 0)>
module attributes {stable_mosaic.version = 14 : i64} {
  func.func @_body(%arg0: i32, %arg1: i32, %arg2: memref<32x30x128xi32, #tpu.memory_space<hbm>>, %arg3: memref<32x30x128xi32, #tpu.memory_space<hbm>>, %arg4: memref<32x8xi32, #tpu.memory_space<hbm>>, %arg5: memref<32x8xi32, #tpu.memory_space<hbm>>, %arg6: memref<10000x128xf32, #tpu.memory_space<hbm>>, %arg7: memref<10000x128xf32, #tpu.memory_space<hbm>>, %arg8: memref<122880x128xf32, #tpu.memory_space<hbm>>, %arg9: memref<30x128xi32, #tpu.memory_space<vmem>>, %arg10: memref<30x128xi32, #tpu.memory_space<vmem>>, %arg11: memref<8xi32, #tpu.memory_space<vmem>>, %arg12: memref<8xi32, #tpu.memory_space<vmem>>, %arg13: memref<128x128xf32, #tpu.memory_space<vmem>>, %arg14: memref<128x128xf32, #tpu.memory_space<vmem>>, %arg15: memref<128x128xf32, #tpu.memory_space<vmem>>, %arg16: memref<128x128xf32, #tpu.memory_space<vmem>>, %arg17: memref<!tpu.dma_semaphore, #tpu.memory_space<semaphore_mem>>, %arg18: memref<!tpu.dma_semaphore, #tpu.memory_space<semaphore_mem>>, %arg19: memref<!tpu.dma_semaphore, #tpu.memory_space<semaphore_mem>>, %arg20: memref<!tpu.dma_semaphore, #tpu.memory_space<semaphore_mem>>, %arg21: memref<!tpu.dma_semaphore, #tpu.memory_space<semaphore_mem>>, %arg22: memref<!tpu.dma_semaphore, #tpu.memory_space<semaphore_mem>>) attributes {dimension_semantics = [#tpu.dimension_semantics<core_parallel>, #tpu.dimension_semantics<subcore_parallel>], iteration_bounds = array<i64: 2, 16>, scalar_prefetch = 0 : i64, scratch_operands = 14 : i64, tpu.core_type = #tpu.core_type<sc_vector_subcore>, window_params = [{transform_indices = #map}, {transform_indices = #map}, {transform_indices = #map1}, {transform_indices = #map1}, {transform_indices = #map1}, {transform_indices = #map1}, {transform_indices = #map1}]} {
    %mul3A = arith.constant 2 : i32
    %mul3A_0 = arith.muli %arg1, %mul3A : i32
    %add3A = arith.addi %mul3A_0, %arg0 : i32
    %mul3A_1 = arith.constant 3840 : i32
    %mul3A_2 = arith.muli %add3A, %mul3A_1 : i32
    "tpu.region"() ({
      %run_scoped3A = tpu.sem_alloc : memref<!tpu.dma_semaphore, #tpu.memory_space<semaphore_mem>>
      %dma_start3A_78 = arith.constant 0 : i32
      %dma_start3A_79 = arith.constant 0 : i32
      %dma_start3A_80 = tpu.memref_slice %arg2[%add3A, %dma_start3A_78, %dma_start3A_79] : memref<32x30x128xi32, #tpu.memory_space<hbm>> -> memref<1x30x128xi32, #tpu.memory_space<hbm>>
      %dma_start3A_81 = tpu.memref_squeeze %dma_start3A_80 : memref<1x30x128xi32, #tpu.memory_space<hbm>> -> memref<30x128xi32, #tpu.memory_space<hbm>>
      %dma_start3A_82 = arith.constant 0 : i32
      %dma_start3A_83 = arith.constant 0 : i32
      %dma_start3A_84 = tpu.memref_slice %arg2[%add3A, %dma_start3A_82, %dma_start3A_83] : memref<32x30x128xi32, #tpu.memory_space<hbm>> -> memref<1x30x128xi32, #tpu.memory_space<hbm>>
      %dma_start3A_85 = tpu.memref_squeeze %dma_start3A_84 : memref<1x30x128xi32, #tpu.memory_space<hbm>> -> memref<30x128xi32, #tpu.memory_space<hbm>>
      tpu.enqueue_dma source(%dma_start3A_85 : memref<30x128xi32, #tpu.memory_space<hbm>>) target(%arg9 : memref<30x128xi32, #tpu.memory_space<vmem>>) target_semaphore(%run_scoped3A : memref<!tpu.dma_semaphore, #tpu.memory_space<semaphore_mem>>)
      %dma_wait3A_86 = arith.constant 0 : i32
      %dma_wait3A_87 = arith.constant 0 : i32
      %dma_wait3A_88 = tpu.memref_slice %arg2[%add3A, %dma_wait3A_86, %dma_wait3A_87] : memref<32x30x128xi32, #tpu.memory_space<hbm>> -> memref<1x30x128xi32, #tpu.memory_space<hbm>>
      %dma_wait3A_89 = tpu.memref_squeeze %dma_wait3A_88 : memref<1x30x128xi32, #tpu.memory_space<hbm>> -> memref<30x128xi32, #tpu.memory_space<hbm>>
      %dma_wait3A_90 = arith.constant 0 : i32
      %dma_wait3A_91 = arith.constant 0 : i32
      %dma_wait3A_92 = tpu.memref_slice %arg2[%add3A, %dma_wait3A_90, %dma_wait3A_91] : memref<32x30x128xi32, #tpu.memory_space<hbm>> -> memref<1x30x128xi32, #tpu.memory_space<hbm>>
      %dma_wait3A_93 = tpu.memref_squeeze %dma_wait3A_92 : memref<1x30x128xi32, #tpu.memory_space<hbm>> -> memref<30x128xi32, #tpu.memory_space<hbm>>
      tpu.wait_dma2 semaphore(%run_scoped3A : memref<!tpu.dma_semaphore, #tpu.memory_space<semaphore_mem>>) src(%dma_wait3A_93 : memref<30x128xi32, #tpu.memory_space<hbm>>) dst(%arg9 : memref<30x128xi32, #tpu.memory_space<vmem>>)
      tpu.yield
    }) : () -> ()
    "tpu.region"() ({
      %run_scoped3A = tpu.sem_alloc : memref<!tpu.dma_semaphore, #tpu.memory_space<semaphore_mem>>
      %dma_start3A_78 = arith.constant 0 : i32
      %dma_start3A_79 = arith.constant 0 : i32
      %dma_start3A_80 = tpu.memref_slice %arg3[%add3A, %dma_start3A_78, %dma_start3A_79] : memref<32x30x128xi32, #tpu.memory_space<hbm>> -> memref<1x30x128xi32, #tpu.memory_space<hbm>>
      %dma_start3A_81 = tpu.memref_squeeze %dma_start3A_80 : memref<1x30x128xi32, #tpu.memory_space<hbm>> -> memref<30x128xi32, #tpu.memory_space<hbm>>
      %dma_start3A_82 = arith.constant 0 : i32
      %dma_start3A_83 = arith.constant 0 : i32
      %dma_start3A_84 = tpu.memref_slice %arg3[%add3A, %dma_start3A_82, %dma_start3A_83] : memref<32x30x128xi32, #tpu.memory_space<hbm>> -> memref<1x30x128xi32, #tpu.memory_space<hbm>>
      %dma_start3A_85 = tpu.memref_squeeze %dma_start3A_84 : memref<1x30x128xi32, #tpu.memory_space<hbm>> -> memref<30x128xi32, #tpu.memory_space<hbm>>
      tpu.enqueue_dma source(%dma_start3A_85 : memref<30x128xi32, #tpu.memory_space<hbm>>) target(%arg10 : memref<30x128xi32, #tpu.memory_space<vmem>>) target_semaphore(%run_scoped3A : memref<!tpu.dma_semaphore, #tpu.memory_space<semaphore_mem>>)
      %dma_wait3A_86 = arith.constant 0 : i32
      %dma_wait3A_87 = arith.constant 0 : i32
      %dma_wait3A_88 = tpu.memref_slice %arg3[%add3A, %dma_wait3A_86, %dma_wait3A_87] : memref<32x30x128xi32, #tpu.memory_space<hbm>> -> memref<1x30x128xi32, #tpu.memory_space<hbm>>
      %dma_wait3A_89 = tpu.memref_squeeze %dma_wait3A_88 : memref<1x30x128xi32, #tpu.memory_space<hbm>> -> memref<30x128xi32, #tpu.memory_space<hbm>>
      %dma_wait3A_90 = arith.constant 0 : i32
      %dma_wait3A_91 = arith.constant 0 : i32
      %dma_wait3A_92 = tpu.memref_slice %arg3[%add3A, %dma_wait3A_90, %dma_wait3A_91] : memref<32x30x128xi32, #tpu.memory_space<hbm>> -> memref<1x30x128xi32, #tpu.memory_space<hbm>>
      %dma_wait3A_93 = tpu.memref_squeeze %dma_wait3A_92 : memref<1x30x128xi32, #tpu.memory_space<hbm>> -> memref<30x128xi32, #tpu.memory_space<hbm>>
      tpu.wait_dma2 semaphore(%run_scoped3A : memref<!tpu.dma_semaphore, #tpu.memory_space<semaphore_mem>>) src(%dma_wait3A_93 : memref<30x128xi32, #tpu.memory_space<hbm>>) dst(%arg10 : memref<30x128xi32, #tpu.memory_space<vmem>>)
      tpu.yield
    }) : () -> ()
    %dma_start3A = arith.constant 0 : i32
    %dma_start3A_3 = arith.constant 0 : i32
    %dma_start3A_4 = tpu.memref_slice %arg9[%dma_start3A, %dma_start3A_3] : memref<30x128xi32, #tpu.memory_space<vmem>> -> memref<1x128xi32, #tpu.memory_space<vmem>>
    %dma_start3A_5 = tpu.memref_squeeze %dma_start3A_4 : memref<1x128xi32, #tpu.memory_space<vmem>> -> memref<128xi32, #tpu.memory_space<vmem>>
    %dma_start3A_6 = arith.constant 0 : i32
    %dma_start3A_7 = arith.constant 0 : i32
    %dma_start3A_8 = tpu.memref_slice %arg6[%dma_start3A_6, %dma_start3A_7] : memref<10000x128xf32, #tpu.memory_space<hbm>> -> memref<10000x128xf32, #tpu.memory_space<hbm>>
    tpu.enqueue_indirect_dma source(%dma_start3A_8 : memref<10000x128xf32, #tpu.memory_space<hbm>>) target(%arg13 : memref<128x128xf32, #tpu.memory_space<vmem>>) offsets(%dma_start3A_5 : memref<128xi32, #tpu.memory_space<vmem>>) semaphore(%arg17 : memref<!tpu.dma_semaphore, #tpu.memory_space<semaphore_mem>>)
    %dma_start3A_9 = arith.constant 0 : i32
    %dma_start3A_10 = arith.constant 0 : i32
    %dma_start3A_11 = tpu.memref_slice %arg10[%dma_start3A_9, %dma_start3A_10] : memref<30x128xi32, #tpu.memory_space<vmem>> -> memref<1x128xi32, #tpu.memory_space<vmem>>
    %dma_start3A_12 = tpu.memref_squeeze %dma_start3A_11 : memref<1x128xi32, #tpu.memory_space<vmem>> -> memref<128xi32, #tpu.memory_space<vmem>>
    %dma_start3A_13 = arith.constant 0 : i32
    %dma_start3A_14 = arith.constant 0 : i32
    %dma_start3A_15 = tpu.memref_slice %arg7[%dma_start3A_13, %dma_start3A_14] : memref<10000x128xf32, #tpu.memory_space<hbm>> -> memref<10000x128xf32, #tpu.memory_space<hbm>>
    tpu.enqueue_indirect_dma source(%dma_start3A_15 : memref<10000x128xf32, #tpu.memory_space<hbm>>) target(%arg14 : memref<128x128xf32, #tpu.memory_space<vmem>>) offsets(%dma_start3A_12 : memref<128xi32, #tpu.memory_space<vmem>>) semaphore(%arg18 : memref<!tpu.dma_semaphore, #tpu.memory_space<semaphore_mem>>)
    %dma_start3A_16 = arith.constant 1 : i32
    %dma_start3A_17 = arith.constant 0 : i32
    %dma_start3A_18 = tpu.memref_slice %arg9[%dma_start3A_16, %dma_start3A_17] : memref<30x128xi32, #tpu.memory_space<vmem>> -> memref<1x128xi32, #tpu.memory_space<vmem>>
    %dma_start3A_19 = tpu.memref_squeeze %dma_start3A_18 : memref<1x128xi32, #tpu.memory_space<vmem>> -> memref<128xi32, #tpu.memory_space<vmem>>
    %dma_start3A_20 = arith.constant 0 : i32
    %dma_start3A_21 = arith.constant 0 : i32
    %dma_start3A_22 = tpu.memref_slice %arg6[%dma_start3A_20, %dma_start3A_21] : memref<10000x128xf32, #tpu.memory_space<hbm>> -> memref<10000x128xf32, #tpu.memory_space<hbm>>
    tpu.enqueue_indirect_dma source(%dma_start3A_22 : memref<10000x128xf32, #tpu.memory_space<hbm>>) target(%arg15 : memref<128x128xf32, #tpu.memory_space<vmem>>) offsets(%dma_start3A_19 : memref<128xi32, #tpu.memory_space<vmem>>) semaphore(%arg19 : memref<!tpu.dma_semaphore, #tpu.memory_space<semaphore_mem>>)
    %dma_start3A_23 = arith.constant 1 : i32
    %dma_start3A_24 = arith.constant 0 : i32
    %dma_start3A_25 = tpu.memref_slice %arg10[%dma_start3A_23, %dma_start3A_24] : memref<30x128xi32, #tpu.memory_space<vmem>> -> memref<1x128xi32, #tpu.memory_space<vmem>>
    %dma_start3A_26 = tpu.memref_squeeze %dma_start3A_25 : memref<1x128xi32, #tpu.memory_space<vmem>> -> memref<128xi32, #tpu.memory_space<vmem>>
    %dma_start3A_27 = arith.constant 0 : i32
    %dma_start3A_28 = arith.constant 0 : i32
    %dma_start3A_29 = tpu.memref_slice %arg7[%dma_start3A_27, %dma_start3A_28] : memref<10000x128xf32, #tpu.memory_space<hbm>> -> memref<10000x128xf32, #tpu.memory_space<hbm>>
    tpu.enqueue_indirect_dma source(%dma_start3A_29 : memref<10000x128xf32, #tpu.memory_space<hbm>>) target(%arg16 : memref<128x128xf32, #tpu.memory_space<vmem>>) offsets(%dma_start3A_26 : memref<128xi32, #tpu.memory_space<vmem>>) semaphore(%arg20 : memref<!tpu.dma_semaphore, #tpu.memory_space<semaphore_mem>>)
    %scan3A = arith.constant 0 : i32
    %scan3A_30 = arith.constant 0 : i32
    %scan3A_31 = arith.constant 14 : i32
    %scan3A_32 = arith.addi %scan3A_30, %scan3A_31 : i32
    %scan3A_33 = arith.constant 1 : i32
    scf.for %scan3A_78 = %scan3A_30 to %scan3A_32 step %scan3A_33  : i32 {
      %mul3A_79 = arith.constant 2 : i32
      %mul3A_80 = arith.muli %mul3A_79, %scan3A_78 : i32
      %mul3A_81 = arith.constant 2 : i32
      %mul3A_82 = arith.muli %mul3A_81, %scan3A_78 : i32
      %add3A_83 = arith.constant 1 : i32
      %add3A_84 = arith.addi %mul3A_82, %add3A_83 : i32
      %dma_wait3A_85 = arith.constant 0 : i32
      %dma_wait3A_86 = tpu.memref_slice %arg9[%mul3A_80, %dma_wait3A_85] : memref<30x128xi32, #tpu.memory_space<vmem>> -> memref<1x128xi32, #tpu.memory_space<vmem>>
      %dma_wait3A_87 = tpu.memref_squeeze %dma_wait3A_86 : memref<1x128xi32, #tpu.memory_space<vmem>> -> memref<128xi32, #tpu.memory_space<vmem>>
      %dma_wait3A_88 = arith.constant 0 : i32
      %dma_wait3A_89 = arith.constant 0 : i32
      %dma_wait3A_90 = tpu.memref_slice %arg6[%dma_wait3A_88, %dma_wait3A_89] : memref<10000x128xf32, #tpu.memory_space<hbm>> -> memref<10000x128xf32, #tpu.memory_space<hbm>>
      tpu.wait_indirect_dma semaphore(%arg17 : memref<!tpu.dma_semaphore, #tpu.memory_space<semaphore_mem>>) src(%dma_wait3A_90 : memref<10000x128xf32, #tpu.memory_space<hbm>>) dst(%arg13 : memref<128x128xf32, #tpu.memory_space<vmem>>)
      %dma_wait3A_91 = arith.constant 0 : i32
      %dma_wait3A_92 = tpu.memref_slice %arg10[%mul3A_80, %dma_wait3A_91] : memref<30x128xi32, #tpu.memory_space<vmem>> -> memref<1x128xi32, #tpu.memory_space<vmem>>
      %dma_wait3A_93 = tpu.memref_squeeze %dma_wait3A_92 : memref<1x128xi32, #tpu.memory_space<vmem>> -> memref<128xi32, #tpu.memory_space<vmem>>
      %dma_wait3A_94 = arith.constant 0 : i32
      %dma_wait3A_95 = arith.constant 0 : i32
      %dma_wait3A_96 = tpu.memref_slice %arg7[%dma_wait3A_94, %dma_wait3A_95] : memref<10000x128xf32, #tpu.memory_space<hbm>> -> memref<10000x128xf32, #tpu.memory_space<hbm>>
      tpu.wait_indirect_dma semaphore(%arg18 : memref<!tpu.dma_semaphore, #tpu.memory_space<semaphore_mem>>) src(%dma_wait3A_96 : memref<10000x128xf32, #tpu.memory_space<hbm>>) dst(%arg14 : memref<128x128xf32, #tpu.memory_space<vmem>>)
      %scan3A_97 = arith.constant 0 : i32
      %scan3A_98 = arith.constant 0 : i32
      %scan3A_99 = arith.constant 128 : i32
      %scan3A_100 = arith.addi %scan3A_98, %scan3A_99 : i32
      %scan3A_101 = arith.constant 1 : i32
      scf.for %scan3A_177 = %scan3A_98 to %scan3A_100 step %scan3A_101  : i32 {
        %get3A = arith.index_cast %scan3A_177 : i32 to index
        %get3A_178 = arith.constant 0 : index
        %get3A_179 = tpu.vector_load %arg14[%get3A, %get3A_178] {strides = array<i32>} : memref<128x128xf32, #tpu.memory_space<vmem>>, vector<1x16xf32>,
        %get3A_180 = vector.shape_cast %get3A_179 : vector<1x16xf32> to vector<16xf32>
        %swap3A = arith.index_cast %scan3A_177 : i32 to index
        %swap3A_181 = arith.constant 0 : index
        %swap3A_182 = tpu.vector_load %arg13[%swap3A, %swap3A_181] {strides = array<i32>} : memref<128x128xf32, #tpu.memory_space<vmem>>, vector<1x16xf32>,
        %swap3A_183 = vector.shape_cast %swap3A_182 : vector<1x16xf32> to vector<16xf32>
        %swap3A_184 = vector.shape_cast %get3A_180 : vector<16xf32> to vector<1x16xf32>
        tpu.vector_store %arg13[%swap3A, %swap3A_181], %swap3A_184 {add = true, strides = array<i32>} : memref<128x128xf32, #tpu.memory_space<vmem>>, vector<1x16xf32>,
        %get3A_185 = arith.index_cast %scan3A_177 : i32 to index
        %get3A_186 = arith.constant 16 : index
        %get3A_187 = tpu.vector_load %arg14[%get3A_185, %get3A_186] {strides = array<i32>} : memref<128x128xf32, #tpu.memory_space<vmem>>, vector<1x16xf32>,
        %get3A_188 = vector.shape_cast %get3A_187 : vector<1x16xf32> to vector<16xf32>
        %swap3A_189 = arith.index_cast %scan3A_177 : i32 to index
        %swap3A_190 = arith.constant 16 : index
        %swap3A_191 = tpu.vector_load %arg13[%swap3A_189, %swap3A_190] {strides = array<i32>} : memref<128x128xf32, #tpu.memory_space<vmem>>, vector<1x16xf32>,
        %swap3A_192 = vector.shape_cast %swap3A_191 : vector<1x16xf32> to vector<16xf32>
        %swap3A_193 = vector.shape_cast %get3A_188 : vector<16xf32> to vector<1x16xf32>
        tpu.vector_store %arg13[%swap3A_189, %swap3A_190], %swap3A_193 {add = true, strides = array<i32>} : memref<128x128xf32, #tpu.memory_space<vmem>>, vector<1x16xf32>,
        %get3A_194 = arith.index_cast %scan3A_177 : i32 to index
        %get3A_195 = arith.constant 32 : index
        %get3A_196 = tpu.vector_load %arg14[%get3A_194, %get3A_195] {strides = array<i32>} : memref<128x128xf32, #tpu.memory_space<vmem>>, vector<1x16xf32>,
        %get3A_197 = vector.shape_cast %get3A_196 : vector<1x16xf32> to vector<16xf32>
        %swap3A_198 = arith.index_cast %scan3A_177 : i32 to index
        %swap3A_199 = arith.constant 32 : index
        %swap3A_200 = tpu.vector_load %arg13[%swap3A_198, %swap3A_199] {strides = array<i32>} : memref<128x128xf32, #tpu.memory_space<vmem>>, vector<1x16xf32>,
        %swap3A_201 = vector.shape_cast %swap3A_200 : vector<1x16xf32> to vector<16xf32>
        %swap3A_202 = vector.shape_cast %get3A_197 : vector<16xf32> to vector<1x16xf32>
        tpu.vector_store %arg13[%swap3A_198, %swap3A_199], %swap3A_202 {add = true, strides = array<i32>} : memref<128x128xf32, #tpu.memory_space<vmem>>, vector<1x16xf32>,
        %get3A_203 = arith.index_cast %scan3A_177 : i32 to index
        %get3A_204 = arith.constant 48 : index
        %get3A_205 = tpu.vector_load %arg14[%get3A_203, %get3A_204] {strides = array<i32>} : memref<128x128xf32, #tpu.memory_space<vmem>>, vector<1x16xf32>,
        %get3A_206 = vector.shape_cast %get3A_205 : vector<1x16xf32> to vector<16xf32>
        %swap3A_207 = arith.index_cast %scan3A_177 : i32 to index
        %swap3A_208 = arith.constant 48 : index
        %swap3A_209 = tpu.vector_load %arg13[%swap3A_207, %swap3A_208] {strides = array<i32>} : memref<128x128xf32, #tpu.memory_space<vmem>>, vector<1x16xf32>,
        %swap3A_210 = vector.shape_cast %swap3A_209 : vector<1x16xf32> to vector<16xf32>
        %swap3A_211 = vector.shape_cast %get3A_206 : vector<16xf32> to vector<1x16xf32>
        tpu.vector_store %arg13[%swap3A_207, %swap3A_208], %swap3A_211 {add = true, strides = array<i32>} : memref<128x128xf32, #tpu.memory_space<vmem>>, vector<1x16xf32>,
        %get3A_212 = arith.index_cast %scan3A_177 : i32 to index
        %get3A_213 = arith.constant 64 : index
        %get3A_214 = tpu.vector_load %arg14[%get3A_212, %get3A_213] {strides = array<i32>} : memref<128x128xf32, #tpu.memory_space<vmem>>, vector<1x16xf32>,
        %get3A_215 = vector.shape_cast %get3A_214 : vector<1x16xf32> to vector<16xf32>
        %swap3A_216 = arith.index_cast %scan3A_177 : i32 to index
        %swap3A_217 = arith.constant 64 : index
        %swap3A_218 = tpu.vector_load %arg13[%swap3A_216, %swap3A_217] {strides = array<i32>} : memref<128x128xf32, #tpu.memory_space<vmem>>, vector<1x16xf32>,
        %swap3A_219 = vector.shape_cast %swap3A_218 : vector<1x16xf32> to vector<16xf32>
        %swap3A_220 = vector.shape_cast %get3A_215 : vector<16xf32> to vector<1x16xf32>
        tpu.vector_store %arg13[%swap3A_216, %swap3A_217], %swap3A_220 {add = true, strides = array<i32>} : memref<128x128xf32, #tpu.memory_space<vmem>>, vector<1x16xf32>,
        %get3A_221 = arith.index_cast %scan3A_177 : i32 to index
        %get3A_222 = arith.constant 80 : index
        %get3A_223 = tpu.vector_load %arg14[%get3A_221, %get3A_222] {strides = array<i32>} : memref<128x128xf32, #tpu.memory_space<vmem>>, vector<1x16xf32>,
        %get3A_224 = vector.shape_cast %get3A_223 : vector<1x16xf32> to vector<16xf32>
        %swap3A_225 = arith.index_cast %scan3A_177 : i32 to index
        %swap3A_226 = arith.constant 80 : index
        %swap3A_227 = tpu.vector_load %arg13[%swap3A_225, %swap3A_226] {strides = array<i32>} : memref<128x128xf32, #tpu.memory_space<vmem>>, vector<1x16xf32>,
        %swap3A_228 = vector.shape_cast %swap3A_227 : vector<1x16xf32> to vector<16xf32>
        %swap3A_229 = vector.shape_cast %get3A_224 : vector<16xf32> to vector<1x16xf32>
        tpu.vector_store %arg13[%swap3A_225, %swap3A_226], %swap3A_229 {add = true, strides = array<i32>} : memref<128x128xf32, #tpu.memory_space<vmem>>, vector<1x16xf32>,
        %get3A_230 = arith.index_cast %scan3A_177 : i32 to index
        %get3A_231 = arith.constant 96 : index
        %get3A_232 = tpu.vector_load %arg14[%get3A_230, %get3A_231] {strides = array<i32>} : memref<128x128xf32, #tpu.memory_space<vmem>>, vector<1x16xf32>,
        %get3A_233 = vector.shape_cast %get3A_232 : vector<1x16xf32> to vector<16xf32>
        %swap3A_234 = arith.index_cast %scan3A_177 : i32 to index
        %swap3A_235 = arith.constant 96 : index
        %swap3A_236 = tpu.vector_load %arg13[%swap3A_234, %swap3A_235] {strides = array<i32>} : memref<128x128xf32, #tpu.memory_space<vmem>>, vector<1x16xf32>,
        %swap3A_237 = vector.shape_cast %swap3A_236 : vector<1x16xf32> to vector<16xf32>
        %swap3A_238 = vector.shape_cast %get3A_233 : vector<16xf32> to vector<1x16xf32>
        tpu.vector_store %arg13[%swap3A_234, %swap3A_235], %swap3A_238 {add = true, strides = array<i32>} : memref<128x128xf32, #tpu.memory_space<vmem>>, vector<1x16xf32>,
        %get3A_239 = arith.index_cast %scan3A_177 : i32 to index
        %get3A_240 = arith.constant 112 : index
        %get3A_241 = tpu.vector_load %arg14[%get3A_239, %get3A_240] {strides = array<i32>} : memref<128x128xf32, #tpu.memory_space<vmem>>, vector<1x16xf32>,
        %get3A_242 = vector.shape_cast %get3A_241 : vector<1x16xf32> to vector<16xf32>
        %swap3A_243 = arith.index_cast %scan3A_177 : i32 to index
        %swap3A_244 = arith.constant 112 : index
        %swap3A_245 = tpu.vector_load %arg13[%swap3A_243, %swap3A_244] {strides = array<i32>} : memref<128x128xf32, #tpu.memory_space<vmem>>, vector<1x16xf32>,
        %swap3A_246 = vector.shape_cast %swap3A_245 : vector<1x16xf32> to vector<16xf32>
        %swap3A_247 = vector.shape_cast %get3A_242 : vector<16xf32> to vector<1x16xf32>
        tpu.vector_store %arg13[%swap3A_243, %swap3A_244], %swap3A_247 {add = true, strides = array<i32>} : memref<128x128xf32, #tpu.memory_space<vmem>>, vector<1x16xf32>,
      }
      %scan3A_102 = arith.constant 128 : i32
      %mul3A_103 = arith.constant 128 : i32
      %mul3A_104 = arith.muli %mul3A_80, %mul3A_103 : i32
      %add3A_105 = arith.addi %mul3A_2, %mul3A_104 : i32
      %dma_start3A_106 = arith.constant 0 : i32
      %dma_start3A_107 = tpu.memref_slice %arg8[%add3A_105, %dma_start3A_106] : memref<122880x128xf32, #tpu.memory_space<hbm>> -> memref<128x128xf32, #tpu.memory_space<hbm>>
      %dma_start3A_108 = arith.constant 0 : i32
      %dma_start3A_109 = tpu.memref_slice %arg8[%add3A_105, %dma_start3A_108] : memref<122880x128xf32, #tpu.memory_space<hbm>> -> memref<128x128xf32, #tpu.memory_space<hbm>>
      tpu.enqueue_dma source(%arg13 : memref<128x128xf32, #tpu.memory_space<vmem>>) target(%dma_start3A_109 : memref<128x128xf32, #tpu.memory_space<hbm>>) target_semaphore(%arg21 : memref<!tpu.dma_semaphore, #tpu.memory_space<semaphore_mem>>)
      %dma_wait3A_110 = arith.constant 0 : i32
      %dma_wait3A_111 = tpu.memref_slice %arg9[%add3A_84, %dma_wait3A_110] : memref<30x128xi32, #tpu.memory_space<vmem>> -> memref<1x128xi32, #tpu.memory_space<vmem>>
      %dma_wait3A_112 = tpu.memref_squeeze %dma_wait3A_111 : memref<1x128xi32, #tpu.memory_space<vmem>> -> memref<128xi32, #tpu.memory_space<vmem>>
      %dma_wait3A_113 = arith.constant 0 : i32
      %dma_wait3A_114 = arith.constant 0 : i32
      %dma_wait3A_115 = tpu.memref_slice %arg6[%dma_wait3A_113, %dma_wait3A_114] : memref<10000x128xf32, #tpu.memory_space<hbm>> -> memref<10000x128xf32, #tpu.memory_space<hbm>>
      tpu.wait_indirect_dma semaphore(%arg19 : memref<!tpu.dma_semaphore, #tpu.memory_space<semaphore_mem>>) src(%dma_wait3A_115 : memref<10000x128xf32, #tpu.memory_space<hbm>>) dst(%arg15 : memref<128x128xf32, #tpu.memory_space<vmem>>)
      %dma_wait3A_116 = arith.constant 0 : i32
      %dma_wait3A_117 = tpu.memref_slice %arg10[%add3A_84, %dma_wait3A_116] : memref<30x128xi32, #tpu.memory_space<vmem>> -> memref<1x128xi32, #tpu.memory_space<vmem>>
      %dma_wait3A_118 = tpu.memref_squeeze %dma_wait3A_117 : memref<1x128xi32, #tpu.memory_space<vmem>> -> memref<128xi32, #tpu.memory_space<vmem>>
      %dma_wait3A_119 = arith.constant 0 : i32
      %dma_wait3A_120 = arith.constant 0 : i32
      %dma_wait3A_121 = tpu.memref_slice %arg7[%dma_wait3A_119, %dma_wait3A_120] : memref<10000x128xf32, #tpu.memory_space<hbm>> -> memref<10000x128xf32, #tpu.memory_space<hbm>>
      tpu.wait_indirect_dma semaphore(%arg20 : memref<!tpu.dma_semaphore, #tpu.memory_space<semaphore_mem>>) src(%dma_wait3A_121 : memref<10000x128xf32, #tpu.memory_space<hbm>>) dst(%arg16 : memref<128x128xf32, #tpu.memory_space<vmem>>)
      %scan3A_122 = arith.constant 0 : i32
      %scan3A_123 = arith.constant 0 : i32
      %scan3A_124 = arith.constant 128 : i32
      %scan3A_125 = arith.addi %scan3A_123, %scan3A_124 : i32
      %scan3A_126 = arith.constant 1 : i32
      scf.for %scan3A_177 = %scan3A_123 to %scan3A_125 step %scan3A_126  : i32 {
        %get3A = arith.index_cast %scan3A_177 : i32 to index
        %get3A_178 = arith.constant 0 : index
        %get3A_179 = tpu.vector_load %arg16[%get3A, %get3A_178] {strides = array<i32>} : memref<128x128xf32, #tpu.memory_space<vmem>>, vector<1x16xf32>,
        %get3A_180 = vector.shape_cast %get3A_179 : vector<1x16xf32> to vector<16xf32>
        %swap3A = arith.index_cast %scan3A_177 : i32 to index
        %swap3A_181 = arith.constant 0 : index
        %swap3A_182 = tpu.vector_load %arg15[%swap3A, %swap3A_181] {strides = array<i32>} : memref<128x128xf32, #tpu.memory_space<vmem>>, vector<1x16xf32>,
        %swap3A_183 = vector.shape_cast %swap3A_182 : vector<1x16xf32> to vector<16xf32>
        %swap3A_184 = vector.shape_cast %get3A_180 : vector<16xf32> to vector<1x16xf32>
        tpu.vector_store %arg15[%swap3A, %swap3A_181], %swap3A_184 {add = true, strides = array<i32>} : memref<128x128xf32, #tpu.memory_space<vmem>>, vector<1x16xf32>,
        %get3A_185 = arith.index_cast %scan3A_177 : i32 to index
        %get3A_186 = arith.constant 16 : index
        %get3A_187 = tpu.vector_load %arg16[%get3A_185, %get3A_186] {strides = array<i32>} : memref<128x128xf32, #tpu.memory_space<vmem>>, vector<1x16xf32>,
        %get3A_188 = vector.shape_cast %get3A_187 : vector<1x16xf32> to vector<16xf32>
        %swap3A_189 = arith.index_cast %scan3A_177 : i32 to index
        %swap3A_190 = arith.constant 16 : index
        %swap3A_191 = tpu.vector_load %arg15[%swap3A_189, %swap3A_190] {strides = array<i32>} : memref<128x128xf32, #tpu.memory_space<vmem>>, vector<1x16xf32>,
        %swap3A_192 = vector.shape_cast %swap3A_191 : vector<1x16xf32> to vector<16xf32>
        %swap3A_193 = vector.shape_cast %get3A_188 : vector<16xf32> to vector<1x16xf32>
        tpu.vector_store %arg15[%swap3A_189, %swap3A_190], %swap3A_193 {add = true, strides = array<i32>} : memref<128x128xf32, #tpu.memory_space<vmem>>, vector<1x16xf32>,
        %get3A_194 = arith.index_cast %scan3A_177 : i32 to index
        %get3A_195 = arith.constant 32 : index
        %get3A_196 = tpu.vector_load %arg16[%get3A_194, %get3A_195] {strides = array<i32>} : memref<128x128xf32, #tpu.memory_space<vmem>>, vector<1x16xf32>,
        %get3A_197 = vector.shape_cast %get3A_196 : vector<1x16xf32> to vector<16xf32>
        %swap3A_198 = arith.index_cast %scan3A_177 : i32 to index
        %swap3A_199 = arith.constant 32 : index
        %swap3A_200 = tpu.vector_load %arg15[%swap3A_198, %swap3A_199] {strides = array<i32>} : memref<128x128xf32, #tpu.memory_space<vmem>>, vector<1x16xf32>,
        %swap3A_201 = vector.shape_cast %swap3A_200 : vector<1x16xf32> to vector<16xf32>
        %swap3A_202 = vector.shape_cast %get3A_197 : vector<16xf32> to vector<1x16xf32>
        tpu.vector_store %arg15[%swap3A_198, %swap3A_199], %swap3A_202 {add = true, strides = array<i32>} : memref<128x128xf32, #tpu.memory_space<vmem>>, vector<1x16xf32>,
        %get3A_203 = arith.index_cast %scan3A_177 : i32 to index
        %get3A_204 = arith.constant 48 : index
        %get3A_205 = tpu.vector_load %arg16[%get3A_203, %get3A_204] {strides = array<i32>} : memref<128x128xf32, #tpu.memory_space<vmem>>, vector<1x16xf32>,
        %get3A_206 = vector.shape_cast %get3A_205 : vector<1x16xf32> to vector<16xf32>
        %swap3A_207 = arith.index_cast %scan3A_177 : i32 to index
        %swap3A_208 = arith.constant 48 : index
        %swap3A_209 = tpu.vector_load %arg15[%swap3A_207, %swap3A_208] {strides = array<i32>} : memref<128x128xf32, #tpu.memory_space<vmem>>, vector<1x16xf32>,
        %swap3A_210 = vector.shape_cast %swap3A_209 : vector<1x16xf32> to vector<16xf32>
        %swap3A_211 = vector.shape_cast %get3A_206 : vector<16xf32> to vector<1x16xf32>
        tpu.vector_store %arg15[%swap3A_207, %swap3A_208], %swap3A_211 {add = true, strides = array<i32>} : memref<128x128xf32, #tpu.memory_space<vmem>>, vector<1x16xf32>,
        %get3A_212 = arith.index_cast %scan3A_177 : i32 to index
        %get3A_213 = arith.constant 64 : index
        %get3A_214 = tpu.vector_load %arg16[%get3A_212, %get3A_213] {strides = array<i32>} : memref<128x128xf32, #tpu.memory_space<vmem>>, vector<1x16xf32>,
        %get3A_215 = vector.shape_cast %get3A_214 : vector<1x16xf32> to vector<16xf32>
        %swap3A_216 = arith.index_cast %scan3A_177 : i32 to index
        %swap3A_217 = arith.constant 64 : index
        %swap3A_218 = tpu.vector_load %arg15[%swap3A_216, %swap3A_217] {strides = array<i32>} : memref<128x128xf32, #tpu.memory_space<vmem>>, vector<1x16xf32>,
        %swap3A_219 = vector.shape_cast %swap3A_218 : vector<1x16xf32> to vector<16xf32>
        %swap3A_220 = vector.shape_cast %get3A_215 : vector<16xf32> to vector<1x16xf32>
        tpu.vector_store %arg15[%swap3A_216, %swap3A_217], %swap3A_220 {add = true, strides = array<i32>} : memref<128x128xf32, #tpu.memory_space<vmem>>, vector<1x16xf32>,
        %get3A_221 = arith.index_cast %scan3A_177 : i32 to index
        %get3A_222 = arith.constant 80 : index
        %get3A_223 = tpu.vector_load %arg16[%get3A_221, %get3A_222] {strides = array<i32>} : memref<128x128xf32, #tpu.memory_space<vmem>>, vector<1x16xf32>,
        %get3A_224 = vector.shape_cast %get3A_223 : vector<1x16xf32> to vector<16xf32>
        %swap3A_225 = arith.index_cast %scan3A_177 : i32 to index
        %swap3A_226 = arith.constant 80 : index
        %swap3A_227 = tpu.vector_load %arg15[%swap3A_225, %swap3A_226] {strides = array<i32>} : memref<128x128xf32, #tpu.memory_space<vmem>>, vector<1x16xf32>,
        %swap3A_228 = vector.shape_cast %swap3A_227 : vector<1x16xf32> to vector<16xf32>
        %swap3A_229 = vector.shape_cast %get3A_224 : vector<16xf32> to vector<1x16xf32>
        tpu.vector_store %arg15[%swap3A_225, %swap3A_226], %swap3A_229 {add = true, strides = array<i32>} : memref<128x128xf32, #tpu.memory_space<vmem>>, vector<1x16xf32>,
        %get3A_230 = arith.index_cast %scan3A_177 : i32 to index
        %get3A_231 = arith.constant 96 : index
        %get3A_232 = tpu.vector_load %arg16[%get3A_230, %get3A_231] {strides = array<i32>} : memref<128x128xf32, #tpu.memory_space<vmem>>, vector<1x16xf32>,
        %get3A_233 = vector.shape_cast %get3A_232 : vector<1x16xf32> to vector<16xf32>
        %swap3A_234 = arith.index_cast %scan3A_177 : i32 to index
        %swap3A_235 = arith.constant 96 : index
        %swap3A_236 = tpu.vector_load %arg15[%swap3A_234, %swap3A_235] {strides = array<i32>} : memref<128x128xf32, #tpu.memory_space<vmem>>, vector<1x16xf32>,
        %swap3A_237 = vector.shape_cast %swap3A_236 : vector<1x16xf32> to vector<16xf32>
        %swap3A_238 = vector.shape_cast %get3A_233 : vector<16xf32> to vector<1x16xf32>
        tpu.vector_store %arg15[%swap3A_234, %swap3A_235], %swap3A_238 {add = true, strides = array<i32>} : memref<128x128xf32, #tpu.memory_space<vmem>>, vector<1x16xf32>,
        %get3A_239 = arith.index_cast %scan3A_177 : i32 to index
        %get3A_240 = arith.constant 112 : index
        %get3A_241 = tpu.vector_load %arg16[%get3A_239, %get3A_240] {strides = array<i32>} : memref<128x128xf32, #tpu.memory_space<vmem>>, vector<1x16xf32>,
        %get3A_242 = vector.shape_cast %get3A_241 : vector<1x16xf32> to vector<16xf32>
        %swap3A_243 = arith.index_cast %scan3A_177 : i32 to index
        %swap3A_244 = arith.constant 112 : index
        %swap3A_245 = tpu.vector_load %arg15[%swap3A_243, %swap3A_244] {strides = array<i32>} : memref<128x128xf32, #tpu.memory_space<vmem>>, vector<1x16xf32>,
        %swap3A_246 = vector.shape_cast %swap3A_245 : vector<1x16xf32> to vector<16xf32>
        %swap3A_247 = vector.shape_cast %get3A_242 : vector<16xf32> to vector<1x16xf32>
        tpu.vector_store %arg15[%swap3A_243, %swap3A_244], %swap3A_247 {add = true, strides = array<i32>} : memref<128x128xf32, #tpu.memory_space<vmem>>, vector<1x16xf32>,
      }
      %scan3A_127 = arith.constant 128 : i32
      %mul3A_128 = arith.constant 128 : i32
      %mul3A_129 = arith.muli %add3A_84, %mul3A_128 : i32
      %add3A_130 = arith.addi %mul3A_2, %mul3A_129 : i32
      %dma_start3A_131 = arith.constant 0 : i32
      %dma_start3A_132 = tpu.memref_slice %arg8[%add3A_130, %dma_start3A_131] : memref<122880x128xf32, #tpu.memory_space<hbm>> -> memref<128x128xf32, #tpu.memory_space<hbm>>
      %dma_start3A_133 = arith.constant 0 : i32
      %dma_start3A_134 = tpu.memref_slice %arg8[%add3A_130, %dma_start3A_133] : memref<122880x128xf32, #tpu.memory_space<hbm>> -> memref<128x128xf32, #tpu.memory_space<hbm>>
      tpu.enqueue_dma source(%arg15 : memref<128x128xf32, #tpu.memory_space<vmem>>) target(%dma_start3A_134 : memref<128x128xf32, #tpu.memory_space<hbm>>) target_semaphore(%arg22 : memref<!tpu.dma_semaphore, #tpu.memory_space<semaphore_mem>>)
      %mul3A_135 = arith.constant 128 : i32
      %mul3A_136 = arith.muli %mul3A_80, %mul3A_135 : i32
      %add3A_137 = arith.addi %mul3A_2, %mul3A_136 : i32
      %dma_wait3A_138 = arith.constant 0 : i32
      %dma_wait3A_139 = tpu.memref_slice %arg8[%add3A_137, %dma_wait3A_138] : memref<122880x128xf32, #tpu.memory_space<hbm>> -> memref<128x128xf32, #tpu.memory_space<hbm>>
      %dma_wait3A_140 = arith.constant 0 : i32
      %dma_wait3A_141 = tpu.memref_slice %arg8[%add3A_137, %dma_wait3A_140] : memref<122880x128xf32, #tpu.memory_space<hbm>> -> memref<128x128xf32, #tpu.memory_space<hbm>>
      tpu.wait_dma2 semaphore(%arg21 : memref<!tpu.dma_semaphore, #tpu.memory_space<semaphore_mem>>) src(%arg13 : memref<128x128xf32, #tpu.memory_space<vmem>>) dst(%dma_wait3A_141 : memref<128x128xf32, #tpu.memory_space<hbm>>)
      %add3A_142 = arith.constant 2 : i32
      %add3A_143 = arith.addi %mul3A_80, %add3A_142 : i32
      %dma_start3A_144 = arith.constant 0 : i32
      %dma_start3A_145 = tpu.memref_slice %arg9[%add3A_143, %dma_start3A_144] : memref<30x128xi32, #tpu.memory_space<vmem>> -> memref<1x128xi32, #tpu.memory_space<vmem>>
      %dma_start3A_146 = tpu.memref_squeeze %dma_start3A_145 : memref<1x128xi32, #tpu.memory_space<vmem>> -> memref<128xi32, #tpu.memory_space<vmem>>
      %dma_start3A_147 = arith.constant 0 : i32
      %dma_start3A_148 = arith.constant 0 : i32
      %dma_start3A_149 = tpu.memref_slice %arg6[%dma_start3A_147, %dma_start3A_148] : memref<10000x128xf32, #tpu.memory_space<hbm>> -> memref<10000x128xf32, #tpu.memory_space<hbm>>
      tpu.enqueue_indirect_dma source(%dma_start3A_149 : memref<10000x128xf32, #tpu.memory_space<hbm>>) target(%arg13 : memref<128x128xf32, #tpu.memory_space<vmem>>) offsets(%dma_start3A_146 : memref<128xi32, #tpu.memory_space<vmem>>) semaphore(%arg17 : memref<!tpu.dma_semaphore, #tpu.memory_space<semaphore_mem>>)
      %dma_start3A_150 = arith.constant 0 : i32
      %dma_start3A_151 = tpu.memref_slice %arg10[%add3A_143, %dma_start3A_150] : memref<30x128xi32, #tpu.memory_space<vmem>> -> memref<1x128xi32, #tpu.memory_space<vmem>>
      %dma_start3A_152 = tpu.memref_squeeze %dma_start3A_151 : memref<1x128xi32, #tpu.memory_space<vmem>> -> memref<128xi32, #tpu.memory_space<vmem>>
      %dma_start3A_153 = arith.constant 0 : i32
      %dma_start3A_154 = arith.constant 0 : i32
      %dma_start3A_155 = tpu.memref_slice %arg7[%dma_start3A_153, %dma_start3A_154] : memref<10000x128xf32, #tpu.memory_space<hbm>> -> memref<10000x128xf32, #tpu.memory_space<hbm>>
      tpu.enqueue_indirect_dma source(%dma_start3A_155 : memref<10000x128xf32, #tpu.memory_space<hbm>>) target(%arg14 : memref<128x128xf32, #tpu.memory_space<vmem>>) offsets(%dma_start3A_152 : memref<128xi32, #tpu.memory_space<vmem>>) semaphore(%arg18 : memref<!tpu.dma_semaphore, #tpu.memory_space<semaphore_mem>>)
      %mul3A_156 = arith.constant 128 : i32
      %mul3A_157 = arith.muli %add3A_84, %mul3A_156 : i32
      %add3A_158 = arith.addi %mul3A_2, %mul3A_157 : i32
      %dma_wait3A_159 = arith.constant 0 : i32
      %dma_wait3A_160 = tpu.memref_slice %arg8[%add3A_158, %dma_wait3A_159] : memref<122880x128xf32, #tpu.memory_space<hbm>> -> memref<128x128xf32, #tpu.memory_space<hbm>>
      %dma_wait3A_161 = arith.constant 0 : i32
      %dma_wait3A_162 = tpu.memref_slice %arg8[%add3A_158, %dma_wait3A_161] : memref<122880x128xf32, #tpu.memory_space<hbm>> -> memref<128x128xf32, #tpu.memory_space<hbm>>
      tpu.wait_dma2 semaphore(%arg22 : memref<!tpu.dma_semaphore, #tpu.memory_space<semaphore_mem>>) src(%arg15 : memref<128x128xf32, #tpu.memory_space<vmem>>) dst(%dma_wait3A_162 : memref<128x128xf32, #tpu.memory_space<hbm>>)
      %add3A_163 = arith.constant 2 : i32
      %add3A_164 = arith.addi %add3A_84, %add3A_163 : i32
      %dma_start3A_165 = arith.constant 0 : i32
      %dma_start3A_166 = tpu.memref_slice %arg9[%add3A_164, %dma_start3A_165] : memref<30x128xi32, #tpu.memory_space<vmem>> -> memref<1x128xi32, #tpu.memory_space<vmem>>
      %dma_start3A_167 = tpu.memref_squeeze %dma_start3A_166 : memref<1x128xi32, #tpu.memory_space<vmem>> -> memref<128xi32, #tpu.memory_space<vmem>>
      %dma_start3A_168 = arith.constant 0 : i32
      %dma_start3A_169 = arith.constant 0 : i32
      %dma_start3A_170 = tpu.memref_slice %arg6[%dma_start3A_168, %dma_start3A_169] : memref<10000x128xf32, #tpu.memory_space<hbm>> -> memref<10000x128xf32, #tpu.memory_space<hbm>>
      tpu.enqueue_indirect_dma source(%dma_start3A_170 : memref<10000x128xf32, #tpu.memory_space<hbm>>) target(%arg15 : memref<128x128xf32, #tpu.memory_space<vmem>>) offsets(%dma_start3A_167 : memref<128xi32, #tpu.memory_space<vmem>>) semaphore(%arg19 : memref<!tpu.dma_semaphore, #tpu.memory_space<semaphore_mem>>)
      %dma_start3A_171 = arith.constant 0 : i32
      %dma_start3A_172 = tpu.memref_slice %arg10[%add3A_164, %dma_start3A_171] : memref<30x128xi32, #tpu.memory_space<vmem>> -> memref<1x128xi32, #tpu.memory_space<vmem>>
      %dma_start3A_173 = tpu.memref_squeeze %dma_start3A_172 : memref<1x128xi32, #tpu.memory_space<vmem>> -> memref<128xi32, #tpu.memory_space<vmem>>
      %dma_start3A_174 = arith.constant 0 : i32
      %dma_start3A_175 = arith.constant 0 : i32
      %dma_start3A_176 = tpu.memref_slice %arg7[%dma_start3A_174, %dma_start3A_175] : memref<10000x128xf32, #tpu.memory_space<hbm>> -> memref<10000x128xf32, #tpu.memory_space<hbm>>
      tpu.enqueue_indirect_dma source(%dma_start3A_176 : memref<10000x128xf32, #tpu.memory_space<hbm>>) target(%arg16 : memref<128x128xf32, #tpu.memory_space<vmem>>) offsets(%dma_start3A_173 : memref<128xi32, #tpu.memory_space<vmem>>) semaphore(%arg20 : memref<!tpu.dma_semaphore, #tpu.memory_space<semaphore_mem>>)
    }
    %scan3A_34 = arith.constant 14 : i32
    %dma_wait3A = arith.constant 28 : i32
    %dma_wait3A_35 = arith.constant 0 : i32
    %dma_wait3A_36 = tpu.memref_slice %arg9[%dma_wait3A, %dma_wait3A_35] : memref<30x128xi32, #tpu.memory_space<vmem>> -> memref<1x128xi32, #tpu.memory_space<vmem>>
    %dma_wait3A_37 = tpu.memref_squeeze %dma_wait3A_36 : memref<1x128xi32, #tpu.memory_space<vmem>> -> memref<128xi32, #tpu.memory_space<vmem>>
    %dma_wait3A_38 = arith.constant 0 : i32
    %dma_wait3A_39 = arith.constant 0 : i32
    %dma_wait3A_40 = tpu.memref_slice %arg6[%dma_wait3A_38, %dma_wait3A_39] : memref<10000x128xf32, #tpu.memory_space<hbm>> -> memref<10000x128xf32, #tpu.memory_space<hbm>>
    tpu.wait_indirect_dma semaphore(%arg17 : memref<!tpu.dma_semaphore, #tpu.memory_space<semaphore_mem>>) src(%dma_wait3A_40 : memref<10000x128xf32, #tpu.memory_space<hbm>>) dst(%arg13 : memref<128x128xf32, #tpu.memory_space<vmem>>)
    %dma_wait3A_41 = arith.constant 28 : i32
    %dma_wait3A_42 = arith.constant 0 : i32
    %dma_wait3A_43 = tpu.memref_slice %arg10[%dma_wait3A_41, %dma_wait3A_42] : memref<30x128xi32, #tpu.memory_space<vmem>> -> memref<1x128xi32, #tpu.memory_space<vmem>>
    %dma_wait3A_44 = tpu.memref_squeeze %dma_wait3A_43 : memref<1x128xi32, #tpu.memory_space<vmem>> -> memref<128xi32, #tpu.memory_space<vmem>>
    %dma_wait3A_45 = arith.constant 0 : i32
    %dma_wait3A_46 = arith.constant 0 : i32
    %dma_wait3A_47 = tpu.memref_slice %arg7[%dma_wait3A_45, %dma_wait3A_46] : memref<10000x128xf32, #tpu.memory_space<hbm>> -> memref<10000x128xf32, #tpu.memory_space<hbm>>
    tpu.wait_indirect_dma semaphore(%arg18 : memref<!tpu.dma_semaphore, #tpu.memory_space<semaphore_mem>>) src(%dma_wait3A_47 : memref<10000x128xf32, #tpu.memory_space<hbm>>) dst(%arg14 : memref<128x128xf32, #tpu.memory_space<vmem>>)
    %scan3A_48 = arith.constant 0 : i32
    %scan3A_49 = arith.constant 0 : i32
    %scan3A_50 = arith.constant 128 : i32
    %scan3A_51 = arith.addi %scan3A_49, %scan3A_50 : i32
    %scan3A_52 = arith.constant 1 : i32
    scf.for %scan3A_78 = %scan3A_49 to %scan3A_51 step %scan3A_52  : i32 {
      %get3A = arith.index_cast %scan3A_78 : i32 to index
      %get3A_79 = arith.constant 0 : index
      %get3A_80 = tpu.vector_load %arg14[%get3A, %get3A_79] {strides = array<i32>} : memref<128x128xf32, #tpu.memory_space<vmem>>, vector<1x16xf32>,
      %get3A_81 = vector.shape_cast %get3A_80 : vector<1x16xf32> to vector<16xf32>
      %swap3A = arith.index_cast %scan3A_78 : i32 to index
      %swap3A_82 = arith.constant 0 : index
      %swap3A_83 = tpu.vector_load %arg13[%swap3A, %swap3A_82] {strides = array<i32>} : memref<128x128xf32, #tpu.memory_space<vmem>>, vector<1x16xf32>,
      %swap3A_84 = vector.shape_cast %swap3A_83 : vector<1x16xf32> to vector<16xf32>
      %swap3A_85 = vector.shape_cast %get3A_81 : vector<16xf32> to vector<1x16xf32>
      tpu.vector_store %arg13[%swap3A, %swap3A_82], %swap3A_85 {add = true, strides = array<i32>} : memref<128x128xf32, #tpu.memory_space<vmem>>, vector<1x16xf32>,
      %get3A_86 = arith.index_cast %scan3A_78 : i32 to index
      %get3A_87 = arith.constant 16 : index
      %get3A_88 = tpu.vector_load %arg14[%get3A_86, %get3A_87] {strides = array<i32>} : memref<128x128xf32, #tpu.memory_space<vmem>>, vector<1x16xf32>,
      %get3A_89 = vector.shape_cast %get3A_88 : vector<1x16xf32> to vector<16xf32>
      %swap3A_90 = arith.index_cast %scan3A_78 : i32 to index
      %swap3A_91 = arith.constant 16 : index
      %swap3A_92 = tpu.vector_load %arg13[%swap3A_90, %swap3A_91] {strides = array<i32>} : memref<128x128xf32, #tpu.memory_space<vmem>>, vector<1x16xf32>,
      %swap3A_93 = vector.shape_cast %swap3A_92 : vector<1x16xf32> to vector<16xf32>
      %swap3A_94 = vector.shape_cast %get3A_89 : vector<16xf32> to vector<1x16xf32>
      tpu.vector_store %arg13[%swap3A_90, %swap3A_91], %swap3A_94 {add = true, strides = array<i32>} : memref<128x128xf32, #tpu.memory_space<vmem>>, vector<1x16xf32>,
      %get3A_95 = arith.index_cast %scan3A_78 : i32 to index
      %get3A_96 = arith.constant 32 : index
      %get3A_97 = tpu.vector_load %arg14[%get3A_95, %get3A_96] {strides = array<i32>} : memref<128x128xf32, #tpu.memory_space<vmem>>, vector<1x16xf32>,
      %get3A_98 = vector.shape_cast %get3A_97 : vector<1x16xf32> to vector<16xf32>
      %swap3A_99 = arith.index_cast %scan3A_78 : i32 to index
      %swap3A_100 = arith.constant 32 : index
      %swap3A_101 = tpu.vector_load %arg13[%swap3A_99, %swap3A_100] {strides = array<i32>} : memref<128x128xf32, #tpu.memory_space<vmem>>, vector<1x16xf32>,
      %swap3A_102 = vector.shape_cast %swap3A_101 : vector<1x16xf32> to vector<16xf32>
      %swap3A_103 = vector.shape_cast %get3A_98 : vector<16xf32> to vector<1x16xf32>
      tpu.vector_store %arg13[%swap3A_99, %swap3A_100], %swap3A_103 {add = true, strides = array<i32>} : memref<128x128xf32, #tpu.memory_space<vmem>>, vector<1x16xf32>,
      %get3A_104 = arith.index_cast %scan3A_78 : i32 to index
      %get3A_105 = arith.constant 48 : index
      %get3A_106 = tpu.vector_load %arg14[%get3A_104, %get3A_105] {strides = array<i32>} : memref<128x128xf32, #tpu.memory_space<vmem>>, vector<1x16xf32>,
      %get3A_107 = vector.shape_cast %get3A_106 : vector<1x16xf32> to vector<16xf32>
      %swap3A_108 = arith.index_cast %scan3A_78 : i32 to index
      %swap3A_109 = arith.constant 48 : index
      %swap3A_110 = tpu.vector_load %arg13[%swap3A_108, %swap3A_109] {strides = array<i32>} : memref<128x128xf32, #tpu.memory_space<vmem>>, vector<1x16xf32>,
      %swap3A_111 = vector.shape_cast %swap3A_110 : vector<1x16xf32> to vector<16xf32>
      %swap3A_112 = vector.shape_cast %get3A_107 : vector<16xf32> to vector<1x16xf32>
      tpu.vector_store %arg13[%swap3A_108, %swap3A_109], %swap3A_112 {add = true, strides = array<i32>} : memref<128x128xf32, #tpu.memory_space<vmem>>, vector<1x16xf32>,
      %get3A_113 = arith.index_cast %scan3A_78 : i32 to index
      %get3A_114 = arith.constant 64 : index
      %get3A_115 = tpu.vector_load %arg14[%get3A_113, %get3A_114] {strides = array<i32>} : memref<128x128xf32, #tpu.memory_space<vmem>>, vector<1x16xf32>,
      %get3A_116 = vector.shape_cast %get3A_115 : vector<1x16xf32> to vector<16xf32>
      %swap3A_117 = arith.index_cast %scan3A_78 : i32 to index
      %swap3A_118 = arith.constant 64 : index
      %swap3A_119 = tpu.vector_load %arg13[%swap3A_117, %swap3A_118] {strides = array<i32>} : memref<128x128xf32, #tpu.memory_space<vmem>>, vector<1x16xf32>,
      %swap3A_120 = vector.shape_cast %swap3A_119 : vector<1x16xf32> to vector<16xf32>
      %swap3A_121 = vector.shape_cast %get3A_116 : vector<16xf32> to vector<1x16xf32>
      tpu.vector_store %arg13[%swap3A_117, %swap3A_118], %swap3A_121 {add = true, strides = array<i32>} : memref<128x128xf32, #tpu.memory_space<vmem>>, vector<1x16xf32>,
      %get3A_122 = arith.index_cast %scan3A_78 : i32 to index
      %get3A_123 = arith.constant 80 : index
      %get3A_124 = tpu.vector_load %arg14[%get3A_122, %get3A_123] {strides = array<i32>} : memref<128x128xf32, #tpu.memory_space<vmem>>, vector<1x16xf32>,
      %get3A_125 = vector.shape_cast %get3A_124 : vector<1x16xf32> to vector<16xf32>
      %swap3A_126 = arith.index_cast %scan3A_78 : i32 to index
      %swap3A_127 = arith.constant 80 : index
      %swap3A_128 = tpu.vector_load %arg13[%swap3A_126, %swap3A_127] {strides = array<i32>} : memref<128x128xf32, #tpu.memory_space<vmem>>, vector<1x16xf32>,
      %swap3A_129 = vector.shape_cast %swap3A_128 : vector<1x16xf32> to vector<16xf32>
      %swap3A_130 = vector.shape_cast %get3A_125 : vector<16xf32> to vector<1x16xf32>
      tpu.vector_store %arg13[%swap3A_126, %swap3A_127], %swap3A_130 {add = true, strides = array<i32>} : memref<128x128xf32, #tpu.memory_space<vmem>>, vector<1x16xf32>,
      %get3A_131 = arith.index_cast %scan3A_78 : i32 to index
      %get3A_132 = arith.constant 96 : index
      %get3A_133 = tpu.vector_load %arg14[%get3A_131, %get3A_132] {strides = array<i32>} : memref<128x128xf32, #tpu.memory_space<vmem>>, vector<1x16xf32>,
      %get3A_134 = vector.shape_cast %get3A_133 : vector<1x16xf32> to vector<16xf32>
      %swap3A_135 = arith.index_cast %scan3A_78 : i32 to index
      %swap3A_136 = arith.constant 96 : index
      %swap3A_137 = tpu.vector_load %arg13[%swap3A_135, %swap3A_136] {strides = array<i32>} : memref<128x128xf32, #tpu.memory_space<vmem>>, vector<1x16xf32>,
      %swap3A_138 = vector.shape_cast %swap3A_137 : vector<1x16xf32> to vector<16xf32>
      %swap3A_139 = vector.shape_cast %get3A_134 : vector<16xf32> to vector<1x16xf32>
      tpu.vector_store %arg13[%swap3A_135, %swap3A_136], %swap3A_139 {add = true, strides = array<i32>} : memref<128x128xf32, #tpu.memory_space<vmem>>, vector<1x16xf32>,
      %get3A_140 = arith.index_cast %scan3A_78 : i32 to index
      %get3A_141 = arith.constant 112 : index
      %get3A_142 = tpu.vector_load %arg14[%get3A_140, %get3A_141] {strides = array<i32>} : memref<128x128xf32, #tpu.memory_space<vmem>>, vector<1x16xf32>,
      %get3A_143 = vector.shape_cast %get3A_142 : vector<1x16xf32> to vector<16xf32>
      %swap3A_144 = arith.index_cast %scan3A_78 : i32 to index
      %swap3A_145 = arith.constant 112 : index
      %swap3A_146 = tpu.vector_load %arg13[%swap3A_144, %swap3A_145] {strides = array<i32>} : memref<128x128xf32, #tpu.memory_space<vmem>>, vector<1x16xf32>,
      %swap3A_147 = vector.shape_cast %swap3A_146 : vector<1x16xf32> to vector<16xf32>
      %swap3A_148 = vector.shape_cast %get3A_143 : vector<16xf32> to vector<1x16xf32>
      tpu.vector_store %arg13[%swap3A_144, %swap3A_145], %swap3A_148 {add = true, strides = array<i32>} : memref<128x128xf32, #tpu.memory_space<vmem>>, vector<1x16xf32>,
    }
    %scan3A_53 = arith.constant 128 : i32
    %add3A_54 = arith.constant 3584 : i32
    %add3A_55 = arith.addi %mul3A_2, %add3A_54 : i32
    "tpu.region"() ({
      %run_scoped3A = tpu.sem_alloc : memref<!tpu.dma_semaphore, #tpu.memory_space<semaphore_mem>>
      %dma_start3A_78 = arith.constant 0 : i32
      %dma_start3A_79 = tpu.memref_slice %arg8[%add3A_55, %dma_start3A_78] : memref<122880x128xf32, #tpu.memory_space<hbm>> -> memref<128x128xf32, #tpu.memory_space<hbm>>
      %dma_start3A_80 = arith.constant 0 : i32
      %dma_start3A_81 = tpu.memref_slice %arg8[%add3A_55, %dma_start3A_80] : memref<122880x128xf32, #tpu.memory_space<hbm>> -> memref<128x128xf32, #tpu.memory_space<hbm>>
      tpu.enqueue_dma source(%arg13 : memref<128x128xf32, #tpu.memory_space<vmem>>) target(%dma_start3A_81 : memref<128x128xf32, #tpu.memory_space<hbm>>) target_semaphore(%run_scoped3A : memref<!tpu.dma_semaphore, #tpu.memory_space<semaphore_mem>>)
      %dma_wait3A_82 = arith.constant 0 : i32
      %dma_wait3A_83 = tpu.memref_slice %arg8[%add3A_55, %dma_wait3A_82] : memref<122880x128xf32, #tpu.memory_space<hbm>> -> memref<128x128xf32, #tpu.memory_space<hbm>>
      %dma_wait3A_84 = arith.constant 0 : i32
      %dma_wait3A_85 = tpu.memref_slice %arg8[%add3A_55, %dma_wait3A_84] : memref<122880x128xf32, #tpu.memory_space<hbm>> -> memref<128x128xf32, #tpu.memory_space<hbm>>
      tpu.wait_dma2 semaphore(%run_scoped3A : memref<!tpu.dma_semaphore, #tpu.memory_space<semaphore_mem>>) src(%arg13 : memref<128x128xf32, #tpu.memory_space<vmem>>) dst(%dma_wait3A_85 : memref<128x128xf32, #tpu.memory_space<hbm>>)
      tpu.yield
    }) : () -> ()
    %dma_wait3A_56 = arith.constant 29 : i32
    %dma_wait3A_57 = arith.constant 0 : i32
    %dma_wait3A_58 = tpu.memref_slice %arg9[%dma_wait3A_56, %dma_wait3A_57] : memref<30x128xi32, #tpu.memory_space<vmem>> -> memref<1x128xi32, #tpu.memory_space<vmem>>
    %dma_wait3A_59 = tpu.memref_squeeze %dma_wait3A_58 : memref<1x128xi32, #tpu.memory_space<vmem>> -> memref<128xi32, #tpu.memory_space<vmem>>
    %dma_wait3A_60 = arith.constant 0 : i32
    %dma_wait3A_61 = arith.constant 0 : i32
    %dma_wait3A_62 = tpu.memref_slice %arg6[%dma_wait3A_60, %dma_wait3A_61] : memref<10000x128xf32, #tpu.memory_space<hbm>> -> memref<10000x128xf32, #tpu.memory_space<hbm>>
    tpu.wait_indirect_dma semaphore(%arg19 : memref<!tpu.dma_semaphore, #tpu.memory_space<semaphore_mem>>) src(%dma_wait3A_62 : memref<10000x128xf32, #tpu.memory_space<hbm>>) dst(%arg15 : memref<128x128xf32, #tpu.memory_space<vmem>>)
    %dma_wait3A_63 = arith.constant 29 : i32
    %dma_wait3A_64 = arith.constant 0 : i32
    %dma_wait3A_65 = tpu.memref_slice %arg10[%dma_wait3A_63, %dma_wait3A_64] : memref<30x128xi32, #tpu.memory_space<vmem>> -> memref<1x128xi32, #tpu.memory_space<vmem>>
    %dma_wait3A_66 = tpu.memref_squeeze %dma_wait3A_65 : memref<1x128xi32, #tpu.memory_space<vmem>> -> memref<128xi32, #tpu.memory_space<vmem>>
    %dma_wait3A_67 = arith.constant 0 : i32
    %dma_wait3A_68 = arith.constant 0 : i32
    %dma_wait3A_69 = tpu.memref_slice %arg7[%dma_wait3A_67, %dma_wait3A_68] : memref<10000x128xf32, #tpu.memory_space<hbm>> -> memref<10000x128xf32, #tpu.memory_space<hbm>>
    tpu.wait_indirect_dma semaphore(%arg20 : memref<!tpu.dma_semaphore, #tpu.memory_space<semaphore_mem>>) src(%dma_wait3A_69 : memref<10000x128xf32, #tpu.memory_space<hbm>>) dst(%arg16 : memref<128x128xf32, #tpu.memory_space<vmem>>)
    %scan3A_70 = arith.constant 0 : i32
    %scan3A_71 = arith.constant 0 : i32
    %scan3A_72 = arith.constant 128 : i32
    %scan3A_73 = arith.addi %scan3A_71, %scan3A_72 : i32
    %scan3A_74 = arith.constant 1 : i32
    scf.for %scan3A_78 = %scan3A_71 to %scan3A_73 step %scan3A_74  : i32 {
      %get3A = arith.index_cast %scan3A_78 : i32 to index
      %get3A_79 = arith.constant 0 : index
      %get3A_80 = tpu.vector_load %arg16[%get3A, %get3A_79] {strides = array<i32>} : memref<128x128xf32, #tpu.memory_space<vmem>>, vector<1x16xf32>,
      %get3A_81 = vector.shape_cast %get3A_80 : vector<1x16xf32> to vector<16xf32>
      %swap3A = arith.index_cast %scan3A_78 : i32 to index
      %swap3A_82 = arith.constant 0 : index
      %swap3A_83 = tpu.vector_load %arg15[%swap3A, %swap3A_82] {strides = array<i32>} : memref<128x128xf32, #tpu.memory_space<vmem>>, vector<1x16xf32>,
      %swap3A_84 = vector.shape_cast %swap3A_83 : vector<1x16xf32> to vector<16xf32>
      %swap3A_85 = vector.shape_cast %get3A_81 : vector<16xf32> to vector<1x16xf32>
      tpu.vector_store %arg15[%swap3A, %swap3A_82], %swap3A_85 {add = true, strides = array<i32>} : memref<128x128xf32, #tpu.memory_space<vmem>>, vector<1x16xf32>,
      %get3A_86 = arith.index_cast %scan3A_78 : i32 to index
      %get3A_87 = arith.constant 16 : index
      %get3A_88 = tpu.vector_load %arg16[%get3A_86, %get3A_87] {strides = array<i32>} : memref<128x128xf32, #tpu.memory_space<vmem>>, vector<1x16xf32>,
      %get3A_89 = vector.shape_cast %get3A_88 : vector<1x16xf32> to vector<16xf32>
      %swap3A_90 = arith.index_cast %scan3A_78 : i32 to index
      %swap3A_91 = arith.constant 16 : index
      %swap3A_92 = tpu.vector_load %arg15[%swap3A_90, %swap3A_91] {strides = array<i32>} : memref<128x128xf32, #tpu.memory_space<vmem>>, vector<1x16xf32>,
      %swap3A_93 = vector.shape_cast %swap3A_92 : vector<1x16xf32> to vector<16xf32>
      %swap3A_94 = vector.shape_cast %get3A_89 : vector<16xf32> to vector<1x16xf32>
      tpu.vector_store %arg15[%swap3A_90, %swap3A_91], %swap3A_94 {add = true, strides = array<i32>} : memref<128x128xf32, #tpu.memory_space<vmem>>, vector<1x16xf32>,
      %get3A_95 = arith.index_cast %scan3A_78 : i32 to index
      %get3A_96 = arith.constant 32 : index
      %get3A_97 = tpu.vector_load %arg16[%get3A_95, %get3A_96] {strides = array<i32>} : memref<128x128xf32, #tpu.memory_space<vmem>>, vector<1x16xf32>,
      %get3A_98 = vector.shape_cast %get3A_97 : vector<1x16xf32> to vector<16xf32>
      %swap3A_99 = arith.index_cast %scan3A_78 : i32 to index
      %swap3A_100 = arith.constant 32 : index
      %swap3A_101 = tpu.vector_load %arg15[%swap3A_99, %swap3A_100] {strides = array<i32>} : memref<128x128xf32, #tpu.memory_space<vmem>>, vector<1x16xf32>,
      %swap3A_102 = vector.shape_cast %swap3A_101 : vector<1x16xf32> to vector<16xf32>
      %swap3A_103 = vector.shape_cast %get3A_98 : vector<16xf32> to vector<1x16xf32>
      tpu.vector_store %arg15[%swap3A_99, %swap3A_100], %swap3A_103 {add = true, strides = array<i32>} : memref<128x128xf32, #tpu.memory_space<vmem>>, vector<1x16xf32>,
      %get3A_104 = arith.index_cast %scan3A_78 : i32 to index
      %get3A_105 = arith.constant 48 : index
      %get3A_106 = tpu.vector_load %arg16[%get3A_104, %get3A_105] {strides = array<i32>} : memref<128x128xf32, #tpu.memory_space<vmem>>, vector<1x16xf32>,
      %get3A_107 = vector.shape_cast %get3A_106 : vector<1x16xf32> to vector<16xf32>
      %swap3A_108 = arith.index_cast %scan3A_78 : i32 to index
      %swap3A_109 = arith.constant 48 : index
      %swap3A_110 = tpu.vector_load %arg15[%swap3A_108, %swap3A_109] {strides = array<i32>} : memref<128x128xf32, #tpu.memory_space<vmem>>, vector<1x16xf32>,
      %swap3A_111 = vector.shape_cast %swap3A_110 : vector<1x16xf32> to vector<16xf32>
      %swap3A_112 = vector.shape_cast %get3A_107 : vector<16xf32> to vector<1x16xf32>
      tpu.vector_store %arg15[%swap3A_108, %swap3A_109], %swap3A_112 {add = true, strides = array<i32>} : memref<128x128xf32, #tpu.memory_space<vmem>>, vector<1x16xf32>,
      %get3A_113 = arith.index_cast %scan3A_78 : i32 to index
      %get3A_114 = arith.constant 64 : index
      %get3A_115 = tpu.vector_load %arg16[%get3A_113, %get3A_114] {strides = array<i32>} : memref<128x128xf32, #tpu.memory_space<vmem>>, vector<1x16xf32>,
      %get3A_116 = vector.shape_cast %get3A_115 : vector<1x16xf32> to vector<16xf32>
      %swap3A_117 = arith.index_cast %scan3A_78 : i32 to index
      %swap3A_118 = arith.constant 64 : index
      %swap3A_119 = tpu.vector_load %arg15[%swap3A_117, %swap3A_118] {strides = array<i32>} : memref<128x128xf32, #tpu.memory_space<vmem>>, vector<1x16xf32>,
      %swap3A_120 = vector.shape_cast %swap3A_119 : vector<1x16xf32> to vector<16xf32>
      %swap3A_121 = vector.shape_cast %get3A_116 : vector<16xf32> to vector<1x16xf32>
      tpu.vector_store %arg15[%swap3A_117, %swap3A_118], %swap3A_121 {add = true, strides = array<i32>} : memref<128x128xf32, #tpu.memory_space<vmem>>, vector<1x16xf32>,
      %get3A_122 = arith.index_cast %scan3A_78 : i32 to index
      %get3A_123 = arith.constant 80 : index
      %get3A_124 = tpu.vector_load %arg16[%get3A_122, %get3A_123] {strides = array<i32>} : memref<128x128xf32, #tpu.memory_space<vmem>>, vector<1x16xf32>,
      %get3A_125 = vector.shape_cast %get3A_124 : vector<1x16xf32> to vector<16xf32>
      %swap3A_126 = arith.index_cast %scan3A_78 : i32 to index
      %swap3A_127 = arith.constant 80 : index
      %swap3A_128 = tpu.vector_load %arg15[%swap3A_126, %swap3A_127] {strides = array<i32>} : memref<128x128xf32, #tpu.memory_space<vmem>>, vector<1x16xf32>,
      %swap3A_129 = vector.shape_cast %swap3A_128 : vector<1x16xf32> to vector<16xf32>
      %swap3A_130 = vector.shape_cast %get3A_125 : vector<16xf32> to vector<1x16xf32>
      tpu.vector_store %arg15[%swap3A_126, %swap3A_127], %swap3A_130 {add = true, strides = array<i32>} : memref<128x128xf32, #tpu.memory_space<vmem>>, vector<1x16xf32>,
      %get3A_131 = arith.index_cast %scan3A_78 : i32 to index
      %get3A_132 = arith.constant 96 : index
      %get3A_133 = tpu.vector_load %arg16[%get3A_131, %get3A_132] {strides = array<i32>} : memref<128x128xf32, #tpu.memory_space<vmem>>, vector<1x16xf32>,
      %get3A_134 = vector.shape_cast %get3A_133 : vector<1x16xf32> to vector<16xf32>
      %swap3A_135 = arith.index_cast %scan3A_78 : i32 to index
      %swap3A_136 = arith.constant 96 : index
      %swap3A_137 = tpu.vector_load %arg15[%swap3A_135, %swap3A_136] {strides = array<i32>} : memref<128x128xf32, #tpu.memory_space<vmem>>, vector<1x16xf32>,
      %swap3A_138 = vector.shape_cast %swap3A_137 : vector<1x16xf32> to vector<16xf32>
      %swap3A_139 = vector.shape_cast %get3A_134 : vector<16xf32> to vector<1x16xf32>
      tpu.vector_store %arg15[%swap3A_135, %swap3A_136], %swap3A_139 {add = true, strides = array<i32>} : memref<128x128xf32, #tpu.memory_space<vmem>>, vector<1x16xf32>,
      %get3A_140 = arith.index_cast %scan3A_78 : i32 to index
      %get3A_141 = arith.constant 112 : index
      %get3A_142 = tpu.vector_load %arg16[%get3A_140, %get3A_141] {strides = array<i32>} : memref<128x128xf32, #tpu.memory_space<vmem>>, vector<1x16xf32>,
      %get3A_143 = vector.shape_cast %get3A_142 : vector<1x16xf32> to vector<16xf32>
      %swap3A_144 = arith.index_cast %scan3A_78 : i32 to index
      %swap3A_145 = arith.constant 112 : index
      %swap3A_146 = tpu.vector_load %arg15[%swap3A_144, %swap3A_145] {strides = array<i32>} : memref<128x128xf32, #tpu.memory_space<vmem>>, vector<1x16xf32>,
      %swap3A_147 = vector.shape_cast %swap3A_146 : vector<1x16xf32> to vector<16xf32>
      %swap3A_148 = vector.shape_cast %get3A_143 : vector<16xf32> to vector<1x16xf32>
      tpu.vector_store %arg15[%swap3A_144, %swap3A_145], %swap3A_148 {add = true, strides = array<i32>} : memref<128x128xf32, #tpu.memory_space<vmem>>, vector<1x16xf32>,
    }
    %scan3A_75 = arith.constant 128 : i32
    %add3A_76 = arith.constant 3712 : i32
    %add3A_77 = arith.addi %mul3A_2, %add3A_76 : i32
    "tpu.region"() ({
      %run_scoped3A = tpu.sem_alloc : memref<!tpu.dma_semaphore, #tpu.memory_space<semaphore_mem>>
      %dma_start3A_78 = arith.constant 0 : i32
      %dma_start3A_79 = tpu.memref_slice %arg8[%add3A_77, %dma_start3A_78] : memref<122880x128xf32, #tpu.memory_space<hbm>> -> memref<128x128xf32, #tpu.memory_space<hbm>>
      %dma_start3A_80 = arith.constant 0 : i32
      %dma_start3A_81 = tpu.memref_slice %arg8[%add3A_77, %dma_start3A_80] : memref<122880x128xf32, #tpu.memory_space<hbm>> -> memref<128x128xf32, #tpu.memory_space<hbm>>
      tpu.enqueue_dma source(%arg15 : memref<128x128xf32, #tpu.memory_space<vmem>>) target(%dma_start3A_81 : memref<128x128xf32, #tpu.memory_space<hbm>>) target_semaphore(%run_scoped3A : memref<!tpu.dma_semaphore, #tpu.memory_space<semaphore_mem>>)
      %dma_wait3A_82 = arith.constant 0 : i32
      %dma_wait3A_83 = tpu.memref_slice %arg8[%add3A_77, %dma_wait3A_82] : memref<122880x128xf32, #tpu.memory_space<hbm>> -> memref<128x128xf32, #tpu.memory_space<hbm>>
      %dma_wait3A_84 = arith.constant 0 : i32
      %dma_wait3A_85 = tpu.memref_slice %arg8[%add3A_77, %dma_wait3A_84] : memref<122880x128xf32, #tpu.memory_space<hbm>> -> memref<128x128xf32, #tpu.memory_space<hbm>>
      tpu.wait_dma2 semaphore(%run_scoped3A : memref<!tpu.dma_semaphore, #tpu.memory_space<semaphore_mem>>) src(%arg15 : memref<128x128xf32, #tpu.memory_space<vmem>>) dst(%dma_wait3A_85 : memref<128x128xf32, #tpu.memory_space<hbm>>)
      tpu.yield
    }) : () -> ()
    return
  }
}

#map = affine_map<(d0, d1) -> (0, 0, 0)>
#map1 = affine_map<(d0, d1) -> (0, 0)>
module attributes {stable_mosaic.version = 14 : i64} {
  func.func @_body(%arg0: i32, %arg1: i32, %arg2: memref<32x20x128xi32, #tpu.memory_space<hbm>>, %arg3: memref<32x20x128xi32, #tpu.memory_space<hbm>>, %arg4: memref<32x8xi32, #tpu.memory_space<hbm>>, %arg5: memref<32x8xi32, #tpu.memory_space<hbm>>, %arg6: memref<10000x128xf32, #tpu.memory_space<hbm>>, %arg7: memref<10000x128xf32, #tpu.memory_space<hbm>>, %arg8: memref<81920x128xf32, #tpu.memory_space<hbm>>, %arg9: memref<20x128xi32, #tpu.memory_space<vmem>>, %arg10: memref<20x128xi32, #tpu.memory_space<vmem>>, %arg11: memref<8xi32, #tpu.memory_space<vmem>>, %arg12: memref<8xi32, #tpu.memory_space<vmem>>, %arg13: memref<128x128xf32, #tpu.memory_space<vmem>>, %arg14: memref<128x128xf32, #tpu.memory_space<vmem>>, %arg15: memref<128x128xf32, #tpu.memory_space<vmem>>, %arg16: memref<128x128xf32, #tpu.memory_space<vmem>>, %arg17: memref<!tpu.dma_semaphore, #tpu.memory_space<semaphore_mem>>, %arg18: memref<!tpu.dma_semaphore, #tpu.memory_space<semaphore_mem>>, %arg19: memref<!tpu.dma_semaphore, #tpu.memory_space<semaphore_mem>>, %arg20: memref<!tpu.dma_semaphore, #tpu.memory_space<semaphore_mem>>, %arg21: memref<!tpu.dma_semaphore, #tpu.memory_space<semaphore_mem>>, %arg22: memref<!tpu.dma_semaphore, #tpu.memory_space<semaphore_mem>>) attributes {dimension_semantics = [#tpu.dimension_semantics<core_parallel>, #tpu.dimension_semantics<subcore_parallel>], iteration_bounds = array<i64: 2, 16>, scalar_prefetch = 0 : i64, scratch_operands = 14 : i64, tpu.core_type = #tpu.core_type<sc_vector_subcore>, window_params = [{transform_indices = #map}, {transform_indices = #map}, {transform_indices = #map1}, {transform_indices = #map1}, {transform_indices = #map1}, {transform_indices = #map1}, {transform_indices = #map1}]} {
    %mul3A = arith.constant 2 : i32
    %mul3A_0 = arith.muli %arg1, %mul3A : i32
    %add3A = arith.addi %mul3A_0, %arg0 : i32
    %mul3A_1 = arith.constant 2560 : i32
    %mul3A_2 = arith.muli %add3A, %mul3A_1 : i32
    "tpu.region"() ({
      %run_scoped3A = tpu.sem_alloc : memref<!tpu.dma_semaphore, #tpu.memory_space<semaphore_mem>>
      %dma_start3A_78 = arith.constant 0 : i32
      %dma_start3A_79 = arith.constant 0 : i32
      %dma_start3A_80 = tpu.memref_slice %arg2[%add3A, %dma_start3A_78, %dma_start3A_79] : memref<32x20x128xi32, #tpu.memory_space<hbm>> -> memref<1x20x128xi32, #tpu.memory_space<hbm>>
      %dma_start3A_81 = tpu.memref_squeeze %dma_start3A_80 : memref<1x20x128xi32, #tpu.memory_space<hbm>> -> memref<20x128xi32, #tpu.memory_space<hbm>>
      %dma_start3A_82 = arith.constant 0 : i32
      %dma_start3A_83 = arith.constant 0 : i32
      %dma_start3A_84 = tpu.memref_slice %arg2[%add3A, %dma_start3A_82, %dma_start3A_83] : memref<32x20x128xi32, #tpu.memory_space<hbm>> -> memref<1x20x128xi32, #tpu.memory_space<hbm>>
      %dma_start3A_85 = tpu.memref_squeeze %dma_start3A_84 : memref<1x20x128xi32, #tpu.memory_space<hbm>> -> memref<20x128xi32, #tpu.memory_space<hbm>>
      tpu.enqueue_dma source(%dma_start3A_85 : memref<20x128xi32, #tpu.memory_space<hbm>>) target(%arg9 : memref<20x128xi32, #tpu.memory_space<vmem>>) target_semaphore(%run_scoped3A : memref<!tpu.dma_semaphore, #tpu.memory_space<semaphore_mem>>)
      %dma_wait3A_86 = arith.constant 0 : i32
      %dma_wait3A_87 = arith.constant 0 : i32
      %dma_wait3A_88 = tpu.memref_slice %arg2[%add3A, %dma_wait3A_86, %dma_wait3A_87] : memref<32x20x128xi32, #tpu.memory_space<hbm>> -> memref<1x20x128xi32, #tpu.memory_space<hbm>>
      %dma_wait3A_89 = tpu.memref_squeeze %dma_wait3A_88 : memref<1x20x128xi32, #tpu.memory_space<hbm>> -> memref<20x128xi32, #tpu.memory_space<hbm>>
      %dma_wait3A_90 = arith.constant 0 : i32
      %dma_wait3A_91 = arith.constant 0 : i32
      %dma_wait3A_92 = tpu.memref_slice %arg2[%add3A, %dma_wait3A_90, %dma_wait3A_91] : memref<32x20x128xi32, #tpu.memory_space<hbm>> -> memref<1x20x128xi32, #tpu.memory_space<hbm>>
      %dma_wait3A_93 = tpu.memref_squeeze %dma_wait3A_92 : memref<1x20x128xi32, #tpu.memory_space<hbm>> -> memref<20x128xi32, #tpu.memory_space<hbm>>
      tpu.wait_dma2 semaphore(%run_scoped3A : memref<!tpu.dma_semaphore, #tpu.memory_space<semaphore_mem>>) src(%dma_wait3A_93 : memref<20x128xi32, #tpu.memory_space<hbm>>) dst(%arg9 : memref<20x128xi32, #tpu.memory_space<vmem>>)
      tpu.yield
    }) : () -> ()
    "tpu.region"() ({
      %run_scoped3A = tpu.sem_alloc : memref<!tpu.dma_semaphore, #tpu.memory_space<semaphore_mem>>
      %dma_start3A_78 = arith.constant 0 : i32
      %dma_start3A_79 = arith.constant 0 : i32
      %dma_start3A_80 = tpu.memref_slice %arg3[%add3A, %dma_start3A_78, %dma_start3A_79] : memref<32x20x128xi32, #tpu.memory_space<hbm>> -> memref<1x20x128xi32, #tpu.memory_space<hbm>>
      %dma_start3A_81 = tpu.memref_squeeze %dma_start3A_80 : memref<1x20x128xi32, #tpu.memory_space<hbm>> -> memref<20x128xi32, #tpu.memory_space<hbm>>
      %dma_start3A_82 = arith.constant 0 : i32
      %dma_start3A_83 = arith.constant 0 : i32
      %dma_start3A_84 = tpu.memref_slice %arg3[%add3A, %dma_start3A_82, %dma_start3A_83] : memref<32x20x128xi32, #tpu.memory_space<hbm>> -> memref<1x20x128xi32, #tpu.memory_space<hbm>>
      %dma_start3A_85 = tpu.memref_squeeze %dma_start3A_84 : memref<1x20x128xi32, #tpu.memory_space<hbm>> -> memref<20x128xi32, #tpu.memory_space<hbm>>
      tpu.enqueue_dma source(%dma_start3A_85 : memref<20x128xi32, #tpu.memory_space<hbm>>) target(%arg10 : memref<20x128xi32, #tpu.memory_space<vmem>>) target_semaphore(%run_scoped3A : memref<!tpu.dma_semaphore, #tpu.memory_space<semaphore_mem>>)
      %dma_wait3A_86 = arith.constant 0 : i32
      %dma_wait3A_87 = arith.constant 0 : i32
      %dma_wait3A_88 = tpu.memref_slice %arg3[%add3A, %dma_wait3A_86, %dma_wait3A_87] : memref<32x20x128xi32, #tpu.memory_space<hbm>> -> memref<1x20x128xi32, #tpu.memory_space<hbm>>
      %dma_wait3A_89 = tpu.memref_squeeze %dma_wait3A_88 : memref<1x20x128xi32, #tpu.memory_space<hbm>> -> memref<20x128xi32, #tpu.memory_space<hbm>>
      %dma_wait3A_90 = arith.constant 0 : i32
      %dma_wait3A_91 = arith.constant 0 : i32
      %dma_wait3A_92 = tpu.memref_slice %arg3[%add3A, %dma_wait3A_90, %dma_wait3A_91] : memref<32x20x128xi32, #tpu.memory_space<hbm>> -> memref<1x20x128xi32, #tpu.memory_space<hbm>>
      %dma_wait3A_93 = tpu.memref_squeeze %dma_wait3A_92 : memref<1x20x128xi32, #tpu.memory_space<hbm>> -> memref<20x128xi32, #tpu.memory_space<hbm>>
      tpu.wait_dma2 semaphore(%run_scoped3A : memref<!tpu.dma_semaphore, #tpu.memory_space<semaphore_mem>>) src(%dma_wait3A_93 : memref<20x128xi32, #tpu.memory_space<hbm>>) dst(%arg10 : memref<20x128xi32, #tpu.memory_space<vmem>>)
      tpu.yield
    }) : () -> ()
    %dma_start3A = arith.constant 0 : i32
    %dma_start3A_3 = arith.constant 0 : i32
    %dma_start3A_4 = tpu.memref_slice %arg9[%dma_start3A, %dma_start3A_3] : memref<20x128xi32, #tpu.memory_space<vmem>> -> memref<1x128xi32, #tpu.memory_space<vmem>>
    %dma_start3A_5 = tpu.memref_squeeze %dma_start3A_4 : memref<1x128xi32, #tpu.memory_space<vmem>> -> memref<128xi32, #tpu.memory_space<vmem>>
    %dma_start3A_6 = arith.constant 0 : i32
    %dma_start3A_7 = arith.constant 0 : i32
    %dma_start3A_8 = tpu.memref_slice %arg6[%dma_start3A_6, %dma_start3A_7] : memref<10000x128xf32, #tpu.memory_space<hbm>> -> memref<10000x128xf32, #tpu.memory_space<hbm>>
    tpu.enqueue_indirect_dma source(%dma_start3A_8 : memref<10000x128xf32, #tpu.memory_space<hbm>>) target(%arg13 : memref<128x128xf32, #tpu.memory_space<vmem>>) offsets(%dma_start3A_5 : memref<128xi32, #tpu.memory_space<vmem>>) semaphore(%arg17 : memref<!tpu.dma_semaphore, #tpu.memory_space<semaphore_mem>>)
    %dma_start3A_9 = arith.constant 0 : i32
    %dma_start3A_10 = arith.constant 0 : i32
    %dma_start3A_11 = tpu.memref_slice %arg10[%dma_start3A_9, %dma_start3A_10] : memref<20x128xi32, #tpu.memory_space<vmem>> -> memref<1x128xi32, #tpu.memory_space<vmem>>
    %dma_start3A_12 = tpu.memref_squeeze %dma_start3A_11 : memref<1x128xi32, #tpu.memory_space<vmem>> -> memref<128xi32, #tpu.memory_space<vmem>>
    %dma_start3A_13 = arith.constant 0 : i32
    %dma_start3A_14 = arith.constant 0 : i32
    %dma_start3A_15 = tpu.memref_slice %arg7[%dma_start3A_13, %dma_start3A_14] : memref<10000x128xf32, #tpu.memory_space<hbm>> -> memref<10000x128xf32, #tpu.memory_space<hbm>>
    tpu.enqueue_indirect_dma source(%dma_start3A_15 : memref<10000x128xf32, #tpu.memory_space<hbm>>) target(%arg14 : memref<128x128xf32, #tpu.memory_space<vmem>>) offsets(%dma_start3A_12 : memref<128xi32, #tpu.memory_space<vmem>>) semaphore(%arg18 : memref<!tpu.dma_semaphore, #tpu.memory_space<semaphore_mem>>)
    %dma_start3A_16 = arith.constant 1 : i32
    %dma_start3A_17 = arith.constant 0 : i32
    %dma_start3A_18 = tpu.memref_slice %arg9[%dma_start3A_16, %dma_start3A_17] : memref<20x128xi32, #tpu.memory_space<vmem>> -> memref<1x128xi32, #tpu.memory_space<vmem>>
    %dma_start3A_19 = tpu.memref_squeeze %dma_start3A_18 : memref<1x128xi32, #tpu.memory_space<vmem>> -> memref<128xi32, #tpu.memory_space<vmem>>
    %dma_start3A_20 = arith.constant 0 : i32
    %dma_start3A_21 = arith.constant 0 : i32
    %dma_start3A_22 = tpu.memref_slice %arg6[%dma_start3A_20, %dma_start3A_21] : memref<10000x128xf32, #tpu.memory_space<hbm>> -> memref<10000x128xf32, #tpu.memory_space<hbm>>
    tpu.enqueue_indirect_dma source(%dma_start3A_22 : memref<10000x128xf32, #tpu.memory_space<hbm>>) target(%arg15 : memref<128x128xf32, #tpu.memory_space<vmem>>) offsets(%dma_start3A_19 : memref<128xi32, #tpu.memory_space<vmem>>) semaphore(%arg19 : memref<!tpu.dma_semaphore, #tpu.memory_space<semaphore_mem>>)
    %dma_start3A_23 = arith.constant 1 : i32
    %dma_start3A_24 = arith.constant 0 : i32
    %dma_start3A_25 = tpu.memref_slice %arg10[%dma_start3A_23, %dma_start3A_24] : memref<20x128xi32, #tpu.memory_space<vmem>> -> memref<1x128xi32, #tpu.memory_space<vmem>>
    %dma_start3A_26 = tpu.memref_squeeze %dma_start3A_25 : memref<1x128xi32, #tpu.memory_space<vmem>> -> memref<128xi32, #tpu.memory_space<vmem>>
    %dma_start3A_27 = arith.constant 0 : i32
    %dma_start3A_28 = arith.constant 0 : i32
    %dma_start3A_29 = tpu.memref_slice %arg7[%dma_start3A_27, %dma_start3A_28] : memref<10000x128xf32, #tpu.memory_space<hbm>> -> memref<10000x128xf32, #tpu.memory_space<hbm>>
    tpu.enqueue_indirect_dma source(%dma_start3A_29 : memref<10000x128xf32, #tpu.memory_space<hbm>>) target(%arg16 : memref<128x128xf32, #tpu.memory_space<vmem>>) offsets(%dma_start3A_26 : memref<128xi32, #tpu.memory_space<vmem>>) semaphore(%arg20 : memref<!tpu.dma_semaphore, #tpu.memory_space<semaphore_mem>>)
    %scan3A = arith.constant 0 : i32
    %scan3A_30 = arith.constant 0 : i32
    %scan3A_31 = arith.constant 9 : i32
    %scan3A_32 = arith.addi %scan3A_30, %scan3A_31 : i32
    %scan3A_33 = arith.constant 1 : i32
    scf.for %scan3A_78 = %scan3A_30 to %scan3A_32 step %scan3A_33  : i32 {
      %mul3A_79 = arith.constant 2 : i32
      %mul3A_80 = arith.muli %mul3A_79, %scan3A_78 : i32
      %mul3A_81 = arith.constant 2 : i32
      %mul3A_82 = arith.muli %mul3A_81, %scan3A_78 : i32
      %add3A_83 = arith.constant 1 : i32
      %add3A_84 = arith.addi %mul3A_82, %add3A_83 : i32
      %dma_wait3A_85 = arith.constant 0 : i32
      %dma_wait3A_86 = tpu.memref_slice %arg9[%mul3A_80, %dma_wait3A_85] : memref<20x128xi32, #tpu.memory_space<vmem>> -> memref<1x128xi32, #tpu.memory_space<vmem>>
      %dma_wait3A_87 = tpu.memref_squeeze %dma_wait3A_86 : memref<1x128xi32, #tpu.memory_space<vmem>> -> memref<128xi32, #tpu.memory_space<vmem>>
      %dma_wait3A_88 = arith.constant 0 : i32
      %dma_wait3A_89 = arith.constant 0 : i32
      %dma_wait3A_90 = tpu.memref_slice %arg6[%dma_wait3A_88, %dma_wait3A_89] : memref<10000x128xf32, #tpu.memory_space<hbm>> -> memref<10000x128xf32, #tpu.memory_space<hbm>>
      tpu.wait_indirect_dma semaphore(%arg17 : memref<!tpu.dma_semaphore, #tpu.memory_space<semaphore_mem>>) src(%dma_wait3A_90 : memref<10000x128xf32, #tpu.memory_space<hbm>>) dst(%arg13 : memref<128x128xf32, #tpu.memory_space<vmem>>)
      %dma_wait3A_91 = arith.constant 0 : i32
      %dma_wait3A_92 = tpu.memref_slice %arg10[%mul3A_80, %dma_wait3A_91] : memref<20x128xi32, #tpu.memory_space<vmem>> -> memref<1x128xi32, #tpu.memory_space<vmem>>
      %dma_wait3A_93 = tpu.memref_squeeze %dma_wait3A_92 : memref<1x128xi32, #tpu.memory_space<vmem>> -> memref<128xi32, #tpu.memory_space<vmem>>
      %dma_wait3A_94 = arith.constant 0 : i32
      %dma_wait3A_95 = arith.constant 0 : i32
      %dma_wait3A_96 = tpu.memref_slice %arg7[%dma_wait3A_94, %dma_wait3A_95] : memref<10000x128xf32, #tpu.memory_space<hbm>> -> memref<10000x128xf32, #tpu.memory_space<hbm>>
      tpu.wait_indirect_dma semaphore(%arg18 : memref<!tpu.dma_semaphore, #tpu.memory_space<semaphore_mem>>) src(%dma_wait3A_96 : memref<10000x128xf32, #tpu.memory_space<hbm>>) dst(%arg14 : memref<128x128xf32, #tpu.memory_space<vmem>>)
      %scan3A_97 = arith.constant 0 : i32
      %scan3A_98 = arith.constant 0 : i32
      %scan3A_99 = arith.constant 128 : i32
      %scan3A_100 = arith.addi %scan3A_98, %scan3A_99 : i32
      %scan3A_101 = arith.constant 1 : i32
      scf.for %scan3A_177 = %scan3A_98 to %scan3A_100 step %scan3A_101  : i32 {
        %get3A = arith.index_cast %scan3A_177 : i32 to index
        %get3A_178 = arith.constant 0 : index
        %get3A_179 = tpu.vector_load %arg14[%get3A, %get3A_178] {strides = array<i32>} : memref<128x128xf32, #tpu.memory_space<vmem>>, vector<1x16xf32>,
        %get3A_180 = vector.shape_cast %get3A_179 : vector<1x16xf32> to vector<16xf32>
        %swap3A = arith.index_cast %scan3A_177 : i32 to index
        %swap3A_181 = arith.constant 0 : index
        %swap3A_182 = tpu.vector_load %arg13[%swap3A, %swap3A_181] {strides = array<i32>} : memref<128x128xf32, #tpu.memory_space<vmem>>, vector<1x16xf32>,
        %swap3A_183 = vector.shape_cast %swap3A_182 : vector<1x16xf32> to vector<16xf32>
        %swap3A_184 = vector.shape_cast %get3A_180 : vector<16xf32> to vector<1x16xf32>
        tpu.vector_store %arg13[%swap3A, %swap3A_181], %swap3A_184 {add = true, strides = array<i32>} : memref<128x128xf32, #tpu.memory_space<vmem>>, vector<1x16xf32>,
        %get3A_185 = arith.index_cast %scan3A_177 : i32 to index
        %get3A_186 = arith.constant 16 : index
        %get3A_187 = tpu.vector_load %arg14[%get3A_185, %get3A_186] {strides = array<i32>} : memref<128x128xf32, #tpu.memory_space<vmem>>, vector<1x16xf32>,
        %get3A_188 = vector.shape_cast %get3A_187 : vector<1x16xf32> to vector<16xf32>
        %swap3A_189 = arith.index_cast %scan3A_177 : i32 to index
        %swap3A_190 = arith.constant 16 : index
        %swap3A_191 = tpu.vector_load %arg13[%swap3A_189, %swap3A_190] {strides = array<i32>} : memref<128x128xf32, #tpu.memory_space<vmem>>, vector<1x16xf32>,
        %swap3A_192 = vector.shape_cast %swap3A_191 : vector<1x16xf32> to vector<16xf32>
        %swap3A_193 = vector.shape_cast %get3A_188 : vector<16xf32> to vector<1x16xf32>
        tpu.vector_store %arg13[%swap3A_189, %swap3A_190], %swap3A_193 {add = true, strides = array<i32>} : memref<128x128xf32, #tpu.memory_space<vmem>>, vector<1x16xf32>,
        %get3A_194 = arith.index_cast %scan3A_177 : i32 to index
        %get3A_195 = arith.constant 32 : index
        %get3A_196 = tpu.vector_load %arg14[%get3A_194, %get3A_195] {strides = array<i32>} : memref<128x128xf32, #tpu.memory_space<vmem>>, vector<1x16xf32>,
        %get3A_197 = vector.shape_cast %get3A_196 : vector<1x16xf32> to vector<16xf32>
        %swap3A_198 = arith.index_cast %scan3A_177 : i32 to index
        %swap3A_199 = arith.constant 32 : index
        %swap3A_200 = tpu.vector_load %arg13[%swap3A_198, %swap3A_199] {strides = array<i32>} : memref<128x128xf32, #tpu.memory_space<vmem>>, vector<1x16xf32>,
        %swap3A_201 = vector.shape_cast %swap3A_200 : vector<1x16xf32> to vector<16xf32>
        %swap3A_202 = vector.shape_cast %get3A_197 : vector<16xf32> to vector<1x16xf32>
        tpu.vector_store %arg13[%swap3A_198, %swap3A_199], %swap3A_202 {add = true, strides = array<i32>} : memref<128x128xf32, #tpu.memory_space<vmem>>, vector<1x16xf32>,
        %get3A_203 = arith.index_cast %scan3A_177 : i32 to index
        %get3A_204 = arith.constant 48 : index
        %get3A_205 = tpu.vector_load %arg14[%get3A_203, %get3A_204] {strides = array<i32>} : memref<128x128xf32, #tpu.memory_space<vmem>>, vector<1x16xf32>,
        %get3A_206 = vector.shape_cast %get3A_205 : vector<1x16xf32> to vector<16xf32>
        %swap3A_207 = arith.index_cast %scan3A_177 : i32 to index
        %swap3A_208 = arith.constant 48 : index
        %swap3A_209 = tpu.vector_load %arg13[%swap3A_207, %swap3A_208] {strides = array<i32>} : memref<128x128xf32, #tpu.memory_space<vmem>>, vector<1x16xf32>,
        %swap3A_210 = vector.shape_cast %swap3A_209 : vector<1x16xf32> to vector<16xf32>
        %swap3A_211 = vector.shape_cast %get3A_206 : vector<16xf32> to vector<1x16xf32>
        tpu.vector_store %arg13[%swap3A_207, %swap3A_208], %swap3A_211 {add = true, strides = array<i32>} : memref<128x128xf32, #tpu.memory_space<vmem>>, vector<1x16xf32>,
        %get3A_212 = arith.index_cast %scan3A_177 : i32 to index
        %get3A_213 = arith.constant 64 : index
        %get3A_214 = tpu.vector_load %arg14[%get3A_212, %get3A_213] {strides = array<i32>} : memref<128x128xf32, #tpu.memory_space<vmem>>, vector<1x16xf32>,
        %get3A_215 = vector.shape_cast %get3A_214 : vector<1x16xf32> to vector<16xf32>
        %swap3A_216 = arith.index_cast %scan3A_177 : i32 to index
        %swap3A_217 = arith.constant 64 : index
        %swap3A_218 = tpu.vector_load %arg13[%swap3A_216, %swap3A_217] {strides = array<i32>} : memref<128x128xf32, #tpu.memory_space<vmem>>, vector<1x16xf32>,
        %swap3A_219 = vector.shape_cast %swap3A_218 : vector<1x16xf32> to vector<16xf32>
        %swap3A_220 = vector.shape_cast %get3A_215 : vector<16xf32> to vector<1x16xf32>
        tpu.vector_store %arg13[%swap3A_216, %swap3A_217], %swap3A_220 {add = true, strides = array<i32>} : memref<128x128xf32, #tpu.memory_space<vmem>>, vector<1x16xf32>,
        %get3A_221 = arith.index_cast %scan3A_177 : i32 to index
        %get3A_222 = arith.constant 80 : index
        %get3A_223 = tpu.vector_load %arg14[%get3A_221, %get3A_222] {strides = array<i32>} : memref<128x128xf32, #tpu.memory_space<vmem>>, vector<1x16xf32>,
        %get3A_224 = vector.shape_cast %get3A_223 : vector<1x16xf32> to vector<16xf32>
        %swap3A_225 = arith.index_cast %scan3A_177 : i32 to index
        %swap3A_226 = arith.constant 80 : index
        %swap3A_227 = tpu.vector_load %arg13[%swap3A_225, %swap3A_226] {strides = array<i32>} : memref<128x128xf32, #tpu.memory_space<vmem>>, vector<1x16xf32>,
        %swap3A_228 = vector.shape_cast %swap3A_227 : vector<1x16xf32> to vector<16xf32>
        %swap3A_229 = vector.shape_cast %get3A_224 : vector<16xf32> to vector<1x16xf32>
        tpu.vector_store %arg13[%swap3A_225, %swap3A_226], %swap3A_229 {add = true, strides = array<i32>} : memref<128x128xf32, #tpu.memory_space<vmem>>, vector<1x16xf32>,
        %get3A_230 = arith.index_cast %scan3A_177 : i32 to index
        %get3A_231 = arith.constant 96 : index
        %get3A_232 = tpu.vector_load %arg14[%get3A_230, %get3A_231] {strides = array<i32>} : memref<128x128xf32, #tpu.memory_space<vmem>>, vector<1x16xf32>,
        %get3A_233 = vector.shape_cast %get3A_232 : vector<1x16xf32> to vector<16xf32>
        %swap3A_234 = arith.index_cast %scan3A_177 : i32 to index
        %swap3A_235 = arith.constant 96 : index
        %swap3A_236 = tpu.vector_load %arg13[%swap3A_234, %swap3A_235] {strides = array<i32>} : memref<128x128xf32, #tpu.memory_space<vmem>>, vector<1x16xf32>,
        %swap3A_237 = vector.shape_cast %swap3A_236 : vector<1x16xf32> to vector<16xf32>
        %swap3A_238 = vector.shape_cast %get3A_233 : vector<16xf32> to vector<1x16xf32>
        tpu.vector_store %arg13[%swap3A_234, %swap3A_235], %swap3A_238 {add = true, strides = array<i32>} : memref<128x128xf32, #tpu.memory_space<vmem>>, vector<1x16xf32>,
        %get3A_239 = arith.index_cast %scan3A_177 : i32 to index
        %get3A_240 = arith.constant 112 : index
        %get3A_241 = tpu.vector_load %arg14[%get3A_239, %get3A_240] {strides = array<i32>} : memref<128x128xf32, #tpu.memory_space<vmem>>, vector<1x16xf32>,
        %get3A_242 = vector.shape_cast %get3A_241 : vector<1x16xf32> to vector<16xf32>
        %swap3A_243 = arith.index_cast %scan3A_177 : i32 to index
        %swap3A_244 = arith.constant 112 : index
        %swap3A_245 = tpu.vector_load %arg13[%swap3A_243, %swap3A_244] {strides = array<i32>} : memref<128x128xf32, #tpu.memory_space<vmem>>, vector<1x16xf32>,
        %swap3A_246 = vector.shape_cast %swap3A_245 : vector<1x16xf32> to vector<16xf32>
        %swap3A_247 = vector.shape_cast %get3A_242 : vector<16xf32> to vector<1x16xf32>
        tpu.vector_store %arg13[%swap3A_243, %swap3A_244], %swap3A_247 {add = true, strides = array<i32>} : memref<128x128xf32, #tpu.memory_space<vmem>>, vector<1x16xf32>,
      }
      %scan3A_102 = arith.constant 128 : i32
      %mul3A_103 = arith.constant 128 : i32
      %mul3A_104 = arith.muli %mul3A_80, %mul3A_103 : i32
      %add3A_105 = arith.addi %mul3A_2, %mul3A_104 : i32
      %dma_start3A_106 = arith.constant 0 : i32
      %dma_start3A_107 = tpu.memref_slice %arg8[%add3A_105, %dma_start3A_106] : memref<81920x128xf32, #tpu.memory_space<hbm>> -> memref<128x128xf32, #tpu.memory_space<hbm>>
      %dma_start3A_108 = arith.constant 0 : i32
      %dma_start3A_109 = tpu.memref_slice %arg8[%add3A_105, %dma_start3A_108] : memref<81920x128xf32, #tpu.memory_space<hbm>> -> memref<128x128xf32, #tpu.memory_space<hbm>>
      tpu.enqueue_dma source(%arg13 : memref<128x128xf32, #tpu.memory_space<vmem>>) target(%dma_start3A_109 : memref<128x128xf32, #tpu.memory_space<hbm>>) target_semaphore(%arg21 : memref<!tpu.dma_semaphore, #tpu.memory_space<semaphore_mem>>)
      %dma_wait3A_110 = arith.constant 0 : i32
      %dma_wait3A_111 = tpu.memref_slice %arg9[%add3A_84, %dma_wait3A_110] : memref<20x128xi32, #tpu.memory_space<vmem>> -> memref<1x128xi32, #tpu.memory_space<vmem>>
      %dma_wait3A_112 = tpu.memref_squeeze %dma_wait3A_111 : memref<1x128xi32, #tpu.memory_space<vmem>> -> memref<128xi32, #tpu.memory_space<vmem>>
      %dma_wait3A_113 = arith.constant 0 : i32
      %dma_wait3A_114 = arith.constant 0 : i32
      %dma_wait3A_115 = tpu.memref_slice %arg6[%dma_wait3A_113, %dma_wait3A_114] : memref<10000x128xf32, #tpu.memory_space<hbm>> -> memref<10000x128xf32, #tpu.memory_space<hbm>>
      tpu.wait_indirect_dma semaphore(%arg19 : memref<!tpu.dma_semaphore, #tpu.memory_space<semaphore_mem>>) src(%dma_wait3A_115 : memref<10000x128xf32, #tpu.memory_space<hbm>>) dst(%arg15 : memref<128x128xf32, #tpu.memory_space<vmem>>)
      %dma_wait3A_116 = arith.constant 0 : i32
      %dma_wait3A_117 = tpu.memref_slice %arg10[%add3A_84, %dma_wait3A_116] : memref<20x128xi32, #tpu.memory_space<vmem>> -> memref<1x128xi32, #tpu.memory_space<vmem>>
      %dma_wait3A_118 = tpu.memref_squeeze %dma_wait3A_117 : memref<1x128xi32, #tpu.memory_space<vmem>> -> memref<128xi32, #tpu.memory_space<vmem>>
      %dma_wait3A_119 = arith.constant 0 : i32
      %dma_wait3A_120 = arith.constant 0 : i32
      %dma_wait3A_121 = tpu.memref_slice %arg7[%dma_wait3A_119, %dma_wait3A_120] : memref<10000x128xf32, #tpu.memory_space<hbm>> -> memref<10000x128xf32, #tpu.memory_space<hbm>>
      tpu.wait_indirect_dma semaphore(%arg20 : memref<!tpu.dma_semaphore, #tpu.memory_space<semaphore_mem>>) src(%dma_wait3A_121 : memref<10000x128xf32, #tpu.memory_space<hbm>>) dst(%arg16 : memref<128x128xf32, #tpu.memory_space<vmem>>)
      %scan3A_122 = arith.constant 0 : i32
      %scan3A_123 = arith.constant 0 : i32
      %scan3A_124 = arith.constant 128 : i32
      %scan3A_125 = arith.addi %scan3A_123, %scan3A_124 : i32
      %scan3A_126 = arith.constant 1 : i32
      scf.for %scan3A_177 = %scan3A_123 to %scan3A_125 step %scan3A_126  : i32 {
        %get3A = arith.index_cast %scan3A_177 : i32 to index
        %get3A_178 = arith.constant 0 : index
        %get3A_179 = tpu.vector_load %arg16[%get3A, %get3A_178] {strides = array<i32>} : memref<128x128xf32, #tpu.memory_space<vmem>>, vector<1x16xf32>,
        %get3A_180 = vector.shape_cast %get3A_179 : vector<1x16xf32> to vector<16xf32>
        %swap3A = arith.index_cast %scan3A_177 : i32 to index
        %swap3A_181 = arith.constant 0 : index
        %swap3A_182 = tpu.vector_load %arg15[%swap3A, %swap3A_181] {strides = array<i32>} : memref<128x128xf32, #tpu.memory_space<vmem>>, vector<1x16xf32>,
        %swap3A_183 = vector.shape_cast %swap3A_182 : vector<1x16xf32> to vector<16xf32>
        %swap3A_184 = vector.shape_cast %get3A_180 : vector<16xf32> to vector<1x16xf32>
        tpu.vector_store %arg15[%swap3A, %swap3A_181], %swap3A_184 {add = true, strides = array<i32>} : memref<128x128xf32, #tpu.memory_space<vmem>>, vector<1x16xf32>,
        %get3A_185 = arith.index_cast %scan3A_177 : i32 to index
        %get3A_186 = arith.constant 16 : index
        %get3A_187 = tpu.vector_load %arg16[%get3A_185, %get3A_186] {strides = array<i32>} : memref<128x128xf32, #tpu.memory_space<vmem>>, vector<1x16xf32>,
        %get3A_188 = vector.shape_cast %get3A_187 : vector<1x16xf32> to vector<16xf32>
        %swap3A_189 = arith.index_cast %scan3A_177 : i32 to index
        %swap3A_190 = arith.constant 16 : index
        %swap3A_191 = tpu.vector_load %arg15[%swap3A_189, %swap3A_190] {strides = array<i32>} : memref<128x128xf32, #tpu.memory_space<vmem>>, vector<1x16xf32>,
        %swap3A_192 = vector.shape_cast %swap3A_191 : vector<1x16xf32> to vector<16xf32>
        %swap3A_193 = vector.shape_cast %get3A_188 : vector<16xf32> to vector<1x16xf32>
        tpu.vector_store %arg15[%swap3A_189, %swap3A_190], %swap3A_193 {add = true, strides = array<i32>} : memref<128x128xf32, #tpu.memory_space<vmem>>, vector<1x16xf32>,
        %get3A_194 = arith.index_cast %scan3A_177 : i32 to index
        %get3A_195 = arith.constant 32 : index
        %get3A_196 = tpu.vector_load %arg16[%get3A_194, %get3A_195] {strides = array<i32>} : memref<128x128xf32, #tpu.memory_space<vmem>>, vector<1x16xf32>,
        %get3A_197 = vector.shape_cast %get3A_196 : vector<1x16xf32> to vector<16xf32>
        %swap3A_198 = arith.index_cast %scan3A_177 : i32 to index
        %swap3A_199 = arith.constant 32 : index
        %swap3A_200 = tpu.vector_load %arg15[%swap3A_198, %swap3A_199] {strides = array<i32>} : memref<128x128xf32, #tpu.memory_space<vmem>>, vector<1x16xf32>,
        %swap3A_201 = vector.shape_cast %swap3A_200 : vector<1x16xf32> to vector<16xf32>
        %swap3A_202 = vector.shape_cast %get3A_197 : vector<16xf32> to vector<1x16xf32>
        tpu.vector_store %arg15[%swap3A_198, %swap3A_199], %swap3A_202 {add = true, strides = array<i32>} : memref<128x128xf32, #tpu.memory_space<vmem>>, vector<1x16xf32>,
        %get3A_203 = arith.index_cast %scan3A_177 : i32 to index
        %get3A_204 = arith.constant 48 : index
        %get3A_205 = tpu.vector_load %arg16[%get3A_203, %get3A_204] {strides = array<i32>} : memref<128x128xf32, #tpu.memory_space<vmem>>, vector<1x16xf32>,
        %get3A_206 = vector.shape_cast %get3A_205 : vector<1x16xf32> to vector<16xf32>
        %swap3A_207 = arith.index_cast %scan3A_177 : i32 to index
        %swap3A_208 = arith.constant 48 : index
        %swap3A_209 = tpu.vector_load %arg15[%swap3A_207, %swap3A_208] {strides = array<i32>} : memref<128x128xf32, #tpu.memory_space<vmem>>, vector<1x16xf32>,
        %swap3A_210 = vector.shape_cast %swap3A_209 : vector<1x16xf32> to vector<16xf32>
        %swap3A_211 = vector.shape_cast %get3A_206 : vector<16xf32> to vector<1x16xf32>
        tpu.vector_store %arg15[%swap3A_207, %swap3A_208], %swap3A_211 {add = true, strides = array<i32>} : memref<128x128xf32, #tpu.memory_space<vmem>>, vector<1x16xf32>,
        %get3A_212 = arith.index_cast %scan3A_177 : i32 to index
        %get3A_213 = arith.constant 64 : index
        %get3A_214 = tpu.vector_load %arg16[%get3A_212, %get3A_213] {strides = array<i32>} : memref<128x128xf32, #tpu.memory_space<vmem>>, vector<1x16xf32>,
        %get3A_215 = vector.shape_cast %get3A_214 : vector<1x16xf32> to vector<16xf32>
        %swap3A_216 = arith.index_cast %scan3A_177 : i32 to index
        %swap3A_217 = arith.constant 64 : index
        %swap3A_218 = tpu.vector_load %arg15[%swap3A_216, %swap3A_217] {strides = array<i32>} : memref<128x128xf32, #tpu.memory_space<vmem>>, vector<1x16xf32>,
        %swap3A_219 = vector.shape_cast %swap3A_218 : vector<1x16xf32> to vector<16xf32>
        %swap3A_220 = vector.shape_cast %get3A_215 : vector<16xf32> to vector<1x16xf32>
        tpu.vector_store %arg15[%swap3A_216, %swap3A_217], %swap3A_220 {add = true, strides = array<i32>} : memref<128x128xf32, #tpu.memory_space<vmem>>, vector<1x16xf32>,
        %get3A_221 = arith.index_cast %scan3A_177 : i32 to index
        %get3A_222 = arith.constant 80 : index
        %get3A_223 = tpu.vector_load %arg16[%get3A_221, %get3A_222] {strides = array<i32>} : memref<128x128xf32, #tpu.memory_space<vmem>>, vector<1x16xf32>,
        %get3A_224 = vector.shape_cast %get3A_223 : vector<1x16xf32> to vector<16xf32>
        %swap3A_225 = arith.index_cast %scan3A_177 : i32 to index
        %swap3A_226 = arith.constant 80 : index
        %swap3A_227 = tpu.vector_load %arg15[%swap3A_225, %swap3A_226] {strides = array<i32>} : memref<128x128xf32, #tpu.memory_space<vmem>>, vector<1x16xf32>,
        %swap3A_228 = vector.shape_cast %swap3A_227 : vector<1x16xf32> to vector<16xf32>
        %swap3A_229 = vector.shape_cast %get3A_224 : vector<16xf32> to vector<1x16xf32>
        tpu.vector_store %arg15[%swap3A_225, %swap3A_226], %swap3A_229 {add = true, strides = array<i32>} : memref<128x128xf32, #tpu.memory_space<vmem>>, vector<1x16xf32>,
        %get3A_230 = arith.index_cast %scan3A_177 : i32 to index
        %get3A_231 = arith.constant 96 : index
        %get3A_232 = tpu.vector_load %arg16[%get3A_230, %get3A_231] {strides = array<i32>} : memref<128x128xf32, #tpu.memory_space<vmem>>, vector<1x16xf32>,
        %get3A_233 = vector.shape_cast %get3A_232 : vector<1x16xf32> to vector<16xf32>
        %swap3A_234 = arith.index_cast %scan3A_177 : i32 to index
        %swap3A_235 = arith.constant 96 : index
        %swap3A_236 = tpu.vector_load %arg15[%swap3A_234, %swap3A_235] {strides = array<i32>} : memref<128x128xf32, #tpu.memory_space<vmem>>, vector<1x16xf32>,
        %swap3A_237 = vector.shape_cast %swap3A_236 : vector<1x16xf32> to vector<16xf32>
        %swap3A_238 = vector.shape_cast %get3A_233 : vector<16xf32> to vector<1x16xf32>
        tpu.vector_store %arg15[%swap3A_234, %swap3A_235], %swap3A_238 {add = true, strides = array<i32>} : memref<128x128xf32, #tpu.memory_space<vmem>>, vector<1x16xf32>,
        %get3A_239 = arith.index_cast %scan3A_177 : i32 to index
        %get3A_240 = arith.constant 112 : index
        %get3A_241 = tpu.vector_load %arg16[%get3A_239, %get3A_240] {strides = array<i32>} : memref<128x128xf32, #tpu.memory_space<vmem>>, vector<1x16xf32>,
        %get3A_242 = vector.shape_cast %get3A_241 : vector<1x16xf32> to vector<16xf32>
        %swap3A_243 = arith.index_cast %scan3A_177 : i32 to index
        %swap3A_244 = arith.constant 112 : index
        %swap3A_245 = tpu.vector_load %arg15[%swap3A_243, %swap3A_244] {strides = array<i32>} : memref<128x128xf32, #tpu.memory_space<vmem>>, vector<1x16xf32>,
        %swap3A_246 = vector.shape_cast %swap3A_245 : vector<1x16xf32> to vector<16xf32>
        %swap3A_247 = vector.shape_cast %get3A_242 : vector<16xf32> to vector<1x16xf32>
        tpu.vector_store %arg15[%swap3A_243, %swap3A_244], %swap3A_247 {add = true, strides = array<i32>} : memref<128x128xf32, #tpu.memory_space<vmem>>, vector<1x16xf32>,
      }
      %scan3A_127 = arith.constant 128 : i32
      %mul3A_128 = arith.constant 128 : i32
      %mul3A_129 = arith.muli %add3A_84, %mul3A_128 : i32
      %add3A_130 = arith.addi %mul3A_2, %mul3A_129 : i32
      %dma_start3A_131 = arith.constant 0 : i32
      %dma_start3A_132 = tpu.memref_slice %arg8[%add3A_130, %dma_start3A_131] : memref<81920x128xf32, #tpu.memory_space<hbm>> -> memref<128x128xf32, #tpu.memory_space<hbm>>
      %dma_start3A_133 = arith.constant 0 : i32
      %dma_start3A_134 = tpu.memref_slice %arg8[%add3A_130, %dma_start3A_133] : memref<81920x128xf32, #tpu.memory_space<hbm>> -> memref<128x128xf32, #tpu.memory_space<hbm>>
      tpu.enqueue_dma source(%arg15 : memref<128x128xf32, #tpu.memory_space<vmem>>) target(%dma_start3A_134 : memref<128x128xf32, #tpu.memory_space<hbm>>) target_semaphore(%arg22 : memref<!tpu.dma_semaphore, #tpu.memory_space<semaphore_mem>>)
      %mul3A_135 = arith.constant 128 : i32
      %mul3A_136 = arith.muli %mul3A_80, %mul3A_135 : i32
      %add3A_137 = arith.addi %mul3A_2, %mul3A_136 : i32
      %dma_wait3A_138 = arith.constant 0 : i32
      %dma_wait3A_139 = tpu.memref_slice %arg8[%add3A_137, %dma_wait3A_138] : memref<81920x128xf32, #tpu.memory_space<hbm>> -> memref<128x128xf32, #tpu.memory_space<hbm>>
      %dma_wait3A_140 = arith.constant 0 : i32
      %dma_wait3A_141 = tpu.memref_slice %arg8[%add3A_137, %dma_wait3A_140] : memref<81920x128xf32, #tpu.memory_space<hbm>> -> memref<128x128xf32, #tpu.memory_space<hbm>>
      tpu.wait_dma2 semaphore(%arg21 : memref<!tpu.dma_semaphore, #tpu.memory_space<semaphore_mem>>) src(%arg13 : memref<128x128xf32, #tpu.memory_space<vmem>>) dst(%dma_wait3A_141 : memref<128x128xf32, #tpu.memory_space<hbm>>)
      %add3A_142 = arith.constant 2 : i32
      %add3A_143 = arith.addi %mul3A_80, %add3A_142 : i32
      %dma_start3A_144 = arith.constant 0 : i32
      %dma_start3A_145 = tpu.memref_slice %arg9[%add3A_143, %dma_start3A_144] : memref<20x128xi32, #tpu.memory_space<vmem>> -> memref<1x128xi32, #tpu.memory_space<vmem>>
      %dma_start3A_146 = tpu.memref_squeeze %dma_start3A_145 : memref<1x128xi32, #tpu.memory_space<vmem>> -> memref<128xi32, #tpu.memory_space<vmem>>
      %dma_start3A_147 = arith.constant 0 : i32
      %dma_start3A_148 = arith.constant 0 : i32
      %dma_start3A_149 = tpu.memref_slice %arg6[%dma_start3A_147, %dma_start3A_148] : memref<10000x128xf32, #tpu.memory_space<hbm>> -> memref<10000x128xf32, #tpu.memory_space<hbm>>
      tpu.enqueue_indirect_dma source(%dma_start3A_149 : memref<10000x128xf32, #tpu.memory_space<hbm>>) target(%arg13 : memref<128x128xf32, #tpu.memory_space<vmem>>) offsets(%dma_start3A_146 : memref<128xi32, #tpu.memory_space<vmem>>) semaphore(%arg17 : memref<!tpu.dma_semaphore, #tpu.memory_space<semaphore_mem>>)
      %dma_start3A_150 = arith.constant 0 : i32
      %dma_start3A_151 = tpu.memref_slice %arg10[%add3A_143, %dma_start3A_150] : memref<20x128xi32, #tpu.memory_space<vmem>> -> memref<1x128xi32, #tpu.memory_space<vmem>>
      %dma_start3A_152 = tpu.memref_squeeze %dma_start3A_151 : memref<1x128xi32, #tpu.memory_space<vmem>> -> memref<128xi32, #tpu.memory_space<vmem>>
      %dma_start3A_153 = arith.constant 0 : i32
      %dma_start3A_154 = arith.constant 0 : i32
      %dma_start3A_155 = tpu.memref_slice %arg7[%dma_start3A_153, %dma_start3A_154] : memref<10000x128xf32, #tpu.memory_space<hbm>> -> memref<10000x128xf32, #tpu.memory_space<hbm>>
      tpu.enqueue_indirect_dma source(%dma_start3A_155 : memref<10000x128xf32, #tpu.memory_space<hbm>>) target(%arg14 : memref<128x128xf32, #tpu.memory_space<vmem>>) offsets(%dma_start3A_152 : memref<128xi32, #tpu.memory_space<vmem>>) semaphore(%arg18 : memref<!tpu.dma_semaphore, #tpu.memory_space<semaphore_mem>>)
      %mul3A_156 = arith.constant 128 : i32
      %mul3A_157 = arith.muli %add3A_84, %mul3A_156 : i32
      %add3A_158 = arith.addi %mul3A_2, %mul3A_157 : i32
      %dma_wait3A_159 = arith.constant 0 : i32
      %dma_wait3A_160 = tpu.memref_slice %arg8[%add3A_158, %dma_wait3A_159] : memref<81920x128xf32, #tpu.memory_space<hbm>> -> memref<128x128xf32, #tpu.memory_space<hbm>>
      %dma_wait3A_161 = arith.constant 0 : i32
      %dma_wait3A_162 = tpu.memref_slice %arg8[%add3A_158, %dma_wait3A_161] : memref<81920x128xf32, #tpu.memory_space<hbm>> -> memref<128x128xf32, #tpu.memory_space<hbm>>
      tpu.wait_dma2 semaphore(%arg22 : memref<!tpu.dma_semaphore, #tpu.memory_space<semaphore_mem>>) src(%arg15 : memref<128x128xf32, #tpu.memory_space<vmem>>) dst(%dma_wait3A_162 : memref<128x128xf32, #tpu.memory_space<hbm>>)
      %add3A_163 = arith.constant 2 : i32
      %add3A_164 = arith.addi %add3A_84, %add3A_163 : i32
      %dma_start3A_165 = arith.constant 0 : i32
      %dma_start3A_166 = tpu.memref_slice %arg9[%add3A_164, %dma_start3A_165] : memref<20x128xi32, #tpu.memory_space<vmem>> -> memref<1x128xi32, #tpu.memory_space<vmem>>
      %dma_start3A_167 = tpu.memref_squeeze %dma_start3A_166 : memref<1x128xi32, #tpu.memory_space<vmem>> -> memref<128xi32, #tpu.memory_space<vmem>>
      %dma_start3A_168 = arith.constant 0 : i32
      %dma_start3A_169 = arith.constant 0 : i32
      %dma_start3A_170 = tpu.memref_slice %arg6[%dma_start3A_168, %dma_start3A_169] : memref<10000x128xf32, #tpu.memory_space<hbm>> -> memref<10000x128xf32, #tpu.memory_space<hbm>>
      tpu.enqueue_indirect_dma source(%dma_start3A_170 : memref<10000x128xf32, #tpu.memory_space<hbm>>) target(%arg15 : memref<128x128xf32, #tpu.memory_space<vmem>>) offsets(%dma_start3A_167 : memref<128xi32, #tpu.memory_space<vmem>>) semaphore(%arg19 : memref<!tpu.dma_semaphore, #tpu.memory_space<semaphore_mem>>)
      %dma_start3A_171 = arith.constant 0 : i32
      %dma_start3A_172 = tpu.memref_slice %arg10[%add3A_164, %dma_start3A_171] : memref<20x128xi32, #tpu.memory_space<vmem>> -> memref<1x128xi32, #tpu.memory_space<vmem>>
      %dma_start3A_173 = tpu.memref_squeeze %dma_start3A_172 : memref<1x128xi32, #tpu.memory_space<vmem>> -> memref<128xi32, #tpu.memory_space<vmem>>
      %dma_start3A_174 = arith.constant 0 : i32
      %dma_start3A_175 = arith.constant 0 : i32
      %dma_start3A_176 = tpu.memref_slice %arg7[%dma_start3A_174, %dma_start3A_175] : memref<10000x128xf32, #tpu.memory_space<hbm>> -> memref<10000x128xf32, #tpu.memory_space<hbm>>
      tpu.enqueue_indirect_dma source(%dma_start3A_176 : memref<10000x128xf32, #tpu.memory_space<hbm>>) target(%arg16 : memref<128x128xf32, #tpu.memory_space<vmem>>) offsets(%dma_start3A_173 : memref<128xi32, #tpu.memory_space<vmem>>) semaphore(%arg20 : memref<!tpu.dma_semaphore, #tpu.memory_space<semaphore_mem>>)
    }
    %scan3A_34 = arith.constant 9 : i32
    %dma_wait3A = arith.constant 18 : i32
    %dma_wait3A_35 = arith.constant 0 : i32
    %dma_wait3A_36 = tpu.memref_slice %arg9[%dma_wait3A, %dma_wait3A_35] : memref<20x128xi32, #tpu.memory_space<vmem>> -> memref<1x128xi32, #tpu.memory_space<vmem>>
    %dma_wait3A_37 = tpu.memref_squeeze %dma_wait3A_36 : memref<1x128xi32, #tpu.memory_space<vmem>> -> memref<128xi32, #tpu.memory_space<vmem>>
    %dma_wait3A_38 = arith.constant 0 : i32
    %dma_wait3A_39 = arith.constant 0 : i32
    %dma_wait3A_40 = tpu.memref_slice %arg6[%dma_wait3A_38, %dma_wait3A_39] : memref<10000x128xf32, #tpu.memory_space<hbm>> -> memref<10000x128xf32, #tpu.memory_space<hbm>>
    tpu.wait_indirect_dma semaphore(%arg17 : memref<!tpu.dma_semaphore, #tpu.memory_space<semaphore_mem>>) src(%dma_wait3A_40 : memref<10000x128xf32, #tpu.memory_space<hbm>>) dst(%arg13 : memref<128x128xf32, #tpu.memory_space<vmem>>)
    %dma_wait3A_41 = arith.constant 18 : i32
    %dma_wait3A_42 = arith.constant 0 : i32
    %dma_wait3A_43 = tpu.memref_slice %arg10[%dma_wait3A_41, %dma_wait3A_42] : memref<20x128xi32, #tpu.memory_space<vmem>> -> memref<1x128xi32, #tpu.memory_space<vmem>>
    %dma_wait3A_44 = tpu.memref_squeeze %dma_wait3A_43 : memref<1x128xi32, #tpu.memory_space<vmem>> -> memref<128xi32, #tpu.memory_space<vmem>>
    %dma_wait3A_45 = arith.constant 0 : i32
    %dma_wait3A_46 = arith.constant 0 : i32
    %dma_wait3A_47 = tpu.memref_slice %arg7[%dma_wait3A_45, %dma_wait3A_46] : memref<10000x128xf32, #tpu.memory_space<hbm>> -> memref<10000x128xf32, #tpu.memory_space<hbm>>
    tpu.wait_indirect_dma semaphore(%arg18 : memref<!tpu.dma_semaphore, #tpu.memory_space<semaphore_mem>>) src(%dma_wait3A_47 : memref<10000x128xf32, #tpu.memory_space<hbm>>) dst(%arg14 : memref<128x128xf32, #tpu.memory_space<vmem>>)
    %scan3A_48 = arith.constant 0 : i32
    %scan3A_49 = arith.constant 0 : i32
    %scan3A_50 = arith.constant 128 : i32
    %scan3A_51 = arith.addi %scan3A_49, %scan3A_50 : i32
    %scan3A_52 = arith.constant 1 : i32
    scf.for %scan3A_78 = %scan3A_49 to %scan3A_51 step %scan3A_52  : i32 {
      %get3A = arith.index_cast %scan3A_78 : i32 to index
      %get3A_79 = arith.constant 0 : index
      %get3A_80 = tpu.vector_load %arg14[%get3A, %get3A_79] {strides = array<i32>} : memref<128x128xf32, #tpu.memory_space<vmem>>, vector<1x16xf32>,
      %get3A_81 = vector.shape_cast %get3A_80 : vector<1x16xf32> to vector<16xf32>
      %swap3A = arith.index_cast %scan3A_78 : i32 to index
      %swap3A_82 = arith.constant 0 : index
      %swap3A_83 = tpu.vector_load %arg13[%swap3A, %swap3A_82] {strides = array<i32>} : memref<128x128xf32, #tpu.memory_space<vmem>>, vector<1x16xf32>,
      %swap3A_84 = vector.shape_cast %swap3A_83 : vector<1x16xf32> to vector<16xf32>
      %swap3A_85 = vector.shape_cast %get3A_81 : vector<16xf32> to vector<1x16xf32>
      tpu.vector_store %arg13[%swap3A, %swap3A_82], %swap3A_85 {add = true, strides = array<i32>} : memref<128x128xf32, #tpu.memory_space<vmem>>, vector<1x16xf32>,
      %get3A_86 = arith.index_cast %scan3A_78 : i32 to index
      %get3A_87 = arith.constant 16 : index
      %get3A_88 = tpu.vector_load %arg14[%get3A_86, %get3A_87] {strides = array<i32>} : memref<128x128xf32, #tpu.memory_space<vmem>>, vector<1x16xf32>,
      %get3A_89 = vector.shape_cast %get3A_88 : vector<1x16xf32> to vector<16xf32>
      %swap3A_90 = arith.index_cast %scan3A_78 : i32 to index
      %swap3A_91 = arith.constant 16 : index
      %swap3A_92 = tpu.vector_load %arg13[%swap3A_90, %swap3A_91] {strides = array<i32>} : memref<128x128xf32, #tpu.memory_space<vmem>>, vector<1x16xf32>,
      %swap3A_93 = vector.shape_cast %swap3A_92 : vector<1x16xf32> to vector<16xf32>
      %swap3A_94 = vector.shape_cast %get3A_89 : vector<16xf32> to vector<1x16xf32>
      tpu.vector_store %arg13[%swap3A_90, %swap3A_91], %swap3A_94 {add = true, strides = array<i32>} : memref<128x128xf32, #tpu.memory_space<vmem>>, vector<1x16xf32>,
      %get3A_95 = arith.index_cast %scan3A_78 : i32 to index
      %get3A_96 = arith.constant 32 : index
      %get3A_97 = tpu.vector_load %arg14[%get3A_95, %get3A_96] {strides = array<i32>} : memref<128x128xf32, #tpu.memory_space<vmem>>, vector<1x16xf32>,
      %get3A_98 = vector.shape_cast %get3A_97 : vector<1x16xf32> to vector<16xf32>
      %swap3A_99 = arith.index_cast %scan3A_78 : i32 to index
      %swap3A_100 = arith.constant 32 : index
      %swap3A_101 = tpu.vector_load %arg13[%swap3A_99, %swap3A_100] {strides = array<i32>} : memref<128x128xf32, #tpu.memory_space<vmem>>, vector<1x16xf32>,
      %swap3A_102 = vector.shape_cast %swap3A_101 : vector<1x16xf32> to vector<16xf32>
      %swap3A_103 = vector.shape_cast %get3A_98 : vector<16xf32> to vector<1x16xf32>
      tpu.vector_store %arg13[%swap3A_99, %swap3A_100], %swap3A_103 {add = true, strides = array<i32>} : memref<128x128xf32, #tpu.memory_space<vmem>>, vector<1x16xf32>,
      %get3A_104 = arith.index_cast %scan3A_78 : i32 to index
      %get3A_105 = arith.constant 48 : index
      %get3A_106 = tpu.vector_load %arg14[%get3A_104, %get3A_105] {strides = array<i32>} : memref<128x128xf32, #tpu.memory_space<vmem>>, vector<1x16xf32>,
      %get3A_107 = vector.shape_cast %get3A_106 : vector<1x16xf32> to vector<16xf32>
      %swap3A_108 = arith.index_cast %scan3A_78 : i32 to index
      %swap3A_109 = arith.constant 48 : index
      %swap3A_110 = tpu.vector_load %arg13[%swap3A_108, %swap3A_109] {strides = array<i32>} : memref<128x128xf32, #tpu.memory_space<vmem>>, vector<1x16xf32>,
      %swap3A_111 = vector.shape_cast %swap3A_110 : vector<1x16xf32> to vector<16xf32>
      %swap3A_112 = vector.shape_cast %get3A_107 : vector<16xf32> to vector<1x16xf32>
      tpu.vector_store %arg13[%swap3A_108, %swap3A_109], %swap3A_112 {add = true, strides = array<i32>} : memref<128x128xf32, #tpu.memory_space<vmem>>, vector<1x16xf32>,
      %get3A_113 = arith.index_cast %scan3A_78 : i32 to index
      %get3A_114 = arith.constant 64 : index
      %get3A_115 = tpu.vector_load %arg14[%get3A_113, %get3A_114] {strides = array<i32>} : memref<128x128xf32, #tpu.memory_space<vmem>>, vector<1x16xf32>,
      %get3A_116 = vector.shape_cast %get3A_115 : vector<1x16xf32> to vector<16xf32>
      %swap3A_117 = arith.index_cast %scan3A_78 : i32 to index
      %swap3A_118 = arith.constant 64 : index
      %swap3A_119 = tpu.vector_load %arg13[%swap3A_117, %swap3A_118] {strides = array<i32>} : memref<128x128xf32, #tpu.memory_space<vmem>>, vector<1x16xf32>,
      %swap3A_120 = vector.shape_cast %swap3A_119 : vector<1x16xf32> to vector<16xf32>
      %swap3A_121 = vector.shape_cast %get3A_116 : vector<16xf32> to vector<1x16xf32>
      tpu.vector_store %arg13[%swap3A_117, %swap3A_118], %swap3A_121 {add = true, strides = array<i32>} : memref<128x128xf32, #tpu.memory_space<vmem>>, vector<1x16xf32>,
      %get3A_122 = arith.index_cast %scan3A_78 : i32 to index
      %get3A_123 = arith.constant 80 : index
      %get3A_124 = tpu.vector_load %arg14[%get3A_122, %get3A_123] {strides = array<i32>} : memref<128x128xf32, #tpu.memory_space<vmem>>, vector<1x16xf32>,
      %get3A_125 = vector.shape_cast %get3A_124 : vector<1x16xf32> to vector<16xf32>
      %swap3A_126 = arith.index_cast %scan3A_78 : i32 to index
      %swap3A_127 = arith.constant 80 : index
      %swap3A_128 = tpu.vector_load %arg13[%swap3A_126, %swap3A_127] {strides = array<i32>} : memref<128x128xf32, #tpu.memory_space<vmem>>, vector<1x16xf32>,
      %swap3A_129 = vector.shape_cast %swap3A_128 : vector<1x16xf32> to vector<16xf32>
      %swap3A_130 = vector.shape_cast %get3A_125 : vector<16xf32> to vector<1x16xf32>
      tpu.vector_store %arg13[%swap3A_126, %swap3A_127], %swap3A_130 {add = true, strides = array<i32>} : memref<128x128xf32, #tpu.memory_space<vmem>>, vector<1x16xf32>,
      %get3A_131 = arith.index_cast %scan3A_78 : i32 to index
      %get3A_132 = arith.constant 96 : index
      %get3A_133 = tpu.vector_load %arg14[%get3A_131, %get3A_132] {strides = array<i32>} : memref<128x128xf32, #tpu.memory_space<vmem>>, vector<1x16xf32>,
      %get3A_134 = vector.shape_cast %get3A_133 : vector<1x16xf32> to vector<16xf32>
      %swap3A_135 = arith.index_cast %scan3A_78 : i32 to index
      %swap3A_136 = arith.constant 96 : index
      %swap3A_137 = tpu.vector_load %arg13[%swap3A_135, %swap3A_136] {strides = array<i32>} : memref<128x128xf32, #tpu.memory_space<vmem>>, vector<1x16xf32>,
      %swap3A_138 = vector.shape_cast %swap3A_137 : vector<1x16xf32> to vector<16xf32>
      %swap3A_139 = vector.shape_cast %get3A_134 : vector<16xf32> to vector<1x16xf32>
      tpu.vector_store %arg13[%swap3A_135, %swap3A_136], %swap3A_139 {add = true, strides = array<i32>} : memref<128x128xf32, #tpu.memory_space<vmem>>, vector<1x16xf32>,
      %get3A_140 = arith.index_cast %scan3A_78 : i32 to index
      %get3A_141 = arith.constant 112 : index
      %get3A_142 = tpu.vector_load %arg14[%get3A_140, %get3A_141] {strides = array<i32>} : memref<128x128xf32, #tpu.memory_space<vmem>>, vector<1x16xf32>,
      %get3A_143 = vector.shape_cast %get3A_142 : vector<1x16xf32> to vector<16xf32>
      %swap3A_144 = arith.index_cast %scan3A_78 : i32 to index
      %swap3A_145 = arith.constant 112 : index
      %swap3A_146 = tpu.vector_load %arg13[%swap3A_144, %swap3A_145] {strides = array<i32>} : memref<128x128xf32, #tpu.memory_space<vmem>>, vector<1x16xf32>,
      %swap3A_147 = vector.shape_cast %swap3A_146 : vector<1x16xf32> to vector<16xf32>
      %swap3A_148 = vector.shape_cast %get3A_143 : vector<16xf32> to vector<1x16xf32>
      tpu.vector_store %arg13[%swap3A_144, %swap3A_145], %swap3A_148 {add = true, strides = array<i32>} : memref<128x128xf32, #tpu.memory_space<vmem>>, vector<1x16xf32>,
    }
    %scan3A_53 = arith.constant 128 : i32
    %add3A_54 = arith.constant 2304 : i32
    %add3A_55 = arith.addi %mul3A_2, %add3A_54 : i32
    "tpu.region"() ({
      %run_scoped3A = tpu.sem_alloc : memref<!tpu.dma_semaphore, #tpu.memory_space<semaphore_mem>>
      %dma_start3A_78 = arith.constant 0 : i32
      %dma_start3A_79 = tpu.memref_slice %arg8[%add3A_55, %dma_start3A_78] : memref<81920x128xf32, #tpu.memory_space<hbm>> -> memref<128x128xf32, #tpu.memory_space<hbm>>
      %dma_start3A_80 = arith.constant 0 : i32
      %dma_start3A_81 = tpu.memref_slice %arg8[%add3A_55, %dma_start3A_80] : memref<81920x128xf32, #tpu.memory_space<hbm>> -> memref<128x128xf32, #tpu.memory_space<hbm>>
      tpu.enqueue_dma source(%arg13 : memref<128x128xf32, #tpu.memory_space<vmem>>) target(%dma_start3A_81 : memref<128x128xf32, #tpu.memory_space<hbm>>) target_semaphore(%run_scoped3A : memref<!tpu.dma_semaphore, #tpu.memory_space<semaphore_mem>>)
      %dma_wait3A_82 = arith.constant 0 : i32
      %dma_wait3A_83 = tpu.memref_slice %arg8[%add3A_55, %dma_wait3A_82] : memref<81920x128xf32, #tpu.memory_space<hbm>> -> memref<128x128xf32, #tpu.memory_space<hbm>>
      %dma_wait3A_84 = arith.constant 0 : i32
      %dma_wait3A_85 = tpu.memref_slice %arg8[%add3A_55, %dma_wait3A_84] : memref<81920x128xf32, #tpu.memory_space<hbm>> -> memref<128x128xf32, #tpu.memory_space<hbm>>
      tpu.wait_dma2 semaphore(%run_scoped3A : memref<!tpu.dma_semaphore, #tpu.memory_space<semaphore_mem>>) src(%arg13 : memref<128x128xf32, #tpu.memory_space<vmem>>) dst(%dma_wait3A_85 : memref<128x128xf32, #tpu.memory_space<hbm>>)
      tpu.yield
    }) : () -> ()
    %dma_wait3A_56 = arith.constant 19 : i32
    %dma_wait3A_57 = arith.constant 0 : i32
    %dma_wait3A_58 = tpu.memref_slice %arg9[%dma_wait3A_56, %dma_wait3A_57] : memref<20x128xi32, #tpu.memory_space<vmem>> -> memref<1x128xi32, #tpu.memory_space<vmem>>
    %dma_wait3A_59 = tpu.memref_squeeze %dma_wait3A_58 : memref<1x128xi32, #tpu.memory_space<vmem>> -> memref<128xi32, #tpu.memory_space<vmem>>
    %dma_wait3A_60 = arith.constant 0 : i32
    %dma_wait3A_61 = arith.constant 0 : i32
    %dma_wait3A_62 = tpu.memref_slice %arg6[%dma_wait3A_60, %dma_wait3A_61] : memref<10000x128xf32, #tpu.memory_space<hbm>> -> memref<10000x128xf32, #tpu.memory_space<hbm>>
    tpu.wait_indirect_dma semaphore(%arg19 : memref<!tpu.dma_semaphore, #tpu.memory_space<semaphore_mem>>) src(%dma_wait3A_62 : memref<10000x128xf32, #tpu.memory_space<hbm>>) dst(%arg15 : memref<128x128xf32, #tpu.memory_space<vmem>>)
    %dma_wait3A_63 = arith.constant 19 : i32
    %dma_wait3A_64 = arith.constant 0 : i32
    %dma_wait3A_65 = tpu.memref_slice %arg10[%dma_wait3A_63, %dma_wait3A_64] : memref<20x128xi32, #tpu.memory_space<vmem>> -> memref<1x128xi32, #tpu.memory_space<vmem>>
    %dma_wait3A_66 = tpu.memref_squeeze %dma_wait3A_65 : memref<1x128xi32, #tpu.memory_space<vmem>> -> memref<128xi32, #tpu.memory_space<vmem>>
    %dma_wait3A_67 = arith.constant 0 : i32
    %dma_wait3A_68 = arith.constant 0 : i32
    %dma_wait3A_69 = tpu.memref_slice %arg7[%dma_wait3A_67, %dma_wait3A_68] : memref<10000x128xf32, #tpu.memory_space<hbm>> -> memref<10000x128xf32, #tpu.memory_space<hbm>>
    tpu.wait_indirect_dma semaphore(%arg20 : memref<!tpu.dma_semaphore, #tpu.memory_space<semaphore_mem>>) src(%dma_wait3A_69 : memref<10000x128xf32, #tpu.memory_space<hbm>>) dst(%arg16 : memref<128x128xf32, #tpu.memory_space<vmem>>)
    %scan3A_70 = arith.constant 0 : i32
    %scan3A_71 = arith.constant 0 : i32
    %scan3A_72 = arith.constant 128 : i32
    %scan3A_73 = arith.addi %scan3A_71, %scan3A_72 : i32
    %scan3A_74 = arith.constant 1 : i32
    scf.for %scan3A_78 = %scan3A_71 to %scan3A_73 step %scan3A_74  : i32 {
      %get3A = arith.index_cast %scan3A_78 : i32 to index
      %get3A_79 = arith.constant 0 : index
      %get3A_80 = tpu.vector_load %arg16[%get3A, %get3A_79] {strides = array<i32>} : memref<128x128xf32, #tpu.memory_space<vmem>>, vector<1x16xf32>,
      %get3A_81 = vector.shape_cast %get3A_80 : vector<1x16xf32> to vector<16xf32>
      %swap3A = arith.index_cast %scan3A_78 : i32 to index
      %swap3A_82 = arith.constant 0 : index
      %swap3A_83 = tpu.vector_load %arg15[%swap3A, %swap3A_82] {strides = array<i32>} : memref<128x128xf32, #tpu.memory_space<vmem>>, vector<1x16xf32>,
      %swap3A_84 = vector.shape_cast %swap3A_83 : vector<1x16xf32> to vector<16xf32>
      %swap3A_85 = vector.shape_cast %get3A_81 : vector<16xf32> to vector<1x16xf32>
      tpu.vector_store %arg15[%swap3A, %swap3A_82], %swap3A_85 {add = true, strides = array<i32>} : memref<128x128xf32, #tpu.memory_space<vmem>>, vector<1x16xf32>,
      %get3A_86 = arith.index_cast %scan3A_78 : i32 to index
      %get3A_87 = arith.constant 16 : index
      %get3A_88 = tpu.vector_load %arg16[%get3A_86, %get3A_87] {strides = array<i32>} : memref<128x128xf32, #tpu.memory_space<vmem>>, vector<1x16xf32>,
      %get3A_89 = vector.shape_cast %get3A_88 : vector<1x16xf32> to vector<16xf32>
      %swap3A_90 = arith.index_cast %scan3A_78 : i32 to index
      %swap3A_91 = arith.constant 16 : index
      %swap3A_92 = tpu.vector_load %arg15[%swap3A_90, %swap3A_91] {strides = array<i32>} : memref<128x128xf32, #tpu.memory_space<vmem>>, vector<1x16xf32>,
      %swap3A_93 = vector.shape_cast %swap3A_92 : vector<1x16xf32> to vector<16xf32>
      %swap3A_94 = vector.shape_cast %get3A_89 : vector<16xf32> to vector<1x16xf32>
      tpu.vector_store %arg15[%swap3A_90, %swap3A_91], %swap3A_94 {add = true, strides = array<i32>} : memref<128x128xf32, #tpu.memory_space<vmem>>, vector<1x16xf32>,
      %get3A_95 = arith.index_cast %scan3A_78 : i32 to index
      %get3A_96 = arith.constant 32 : index
      %get3A_97 = tpu.vector_load %arg16[%get3A_95, %get3A_96] {strides = array<i32>} : memref<128x128xf32, #tpu.memory_space<vmem>>, vector<1x16xf32>,
      %get3A_98 = vector.shape_cast %get3A_97 : vector<1x16xf32> to vector<16xf32>
      %swap3A_99 = arith.index_cast %scan3A_78 : i32 to index
      %swap3A_100 = arith.constant 32 : index
      %swap3A_101 = tpu.vector_load %arg15[%swap3A_99, %swap3A_100] {strides = array<i32>} : memref<128x128xf32, #tpu.memory_space<vmem>>, vector<1x16xf32>,
      %swap3A_102 = vector.shape_cast %swap3A_101 : vector<1x16xf32> to vector<16xf32>
      %swap3A_103 = vector.shape_cast %get3A_98 : vector<16xf32> to vector<1x16xf32>
      tpu.vector_store %arg15[%swap3A_99, %swap3A_100], %swap3A_103 {add = true, strides = array<i32>} : memref<128x128xf32, #tpu.memory_space<vmem>>, vector<1x16xf32>,
      %get3A_104 = arith.index_cast %scan3A_78 : i32 to index
      %get3A_105 = arith.constant 48 : index
      %get3A_106 = tpu.vector_load %arg16[%get3A_104, %get3A_105] {strides = array<i32>} : memref<128x128xf32, #tpu.memory_space<vmem>>, vector<1x16xf32>,
      %get3A_107 = vector.shape_cast %get3A_106 : vector<1x16xf32> to vector<16xf32>
      %swap3A_108 = arith.index_cast %scan3A_78 : i32 to index
      %swap3A_109 = arith.constant 48 : index
      %swap3A_110 = tpu.vector_load %arg15[%swap3A_108, %swap3A_109] {strides = array<i32>} : memref<128x128xf32, #tpu.memory_space<vmem>>, vector<1x16xf32>,
      %swap3A_111 = vector.shape_cast %swap3A_110 : vector<1x16xf32> to vector<16xf32>
      %swap3A_112 = vector.shape_cast %get3A_107 : vector<16xf32> to vector<1x16xf32>
      tpu.vector_store %arg15[%swap3A_108, %swap3A_109], %swap3A_112 {add = true, strides = array<i32>} : memref<128x128xf32, #tpu.memory_space<vmem>>, vector<1x16xf32>,
      %get3A_113 = arith.index_cast %scan3A_78 : i32 to index
      %get3A_114 = arith.constant 64 : index
      %get3A_115 = tpu.vector_load %arg16[%get3A_113, %get3A_114] {strides = array<i32>} : memref<128x128xf32, #tpu.memory_space<vmem>>, vector<1x16xf32>,
      %get3A_116 = vector.shape_cast %get3A_115 : vector<1x16xf32> to vector<16xf32>
      %swap3A_117 = arith.index_cast %scan3A_78 : i32 to index
      %swap3A_118 = arith.constant 64 : index
      %swap3A_119 = tpu.vector_load %arg15[%swap3A_117, %swap3A_118] {strides = array<i32>} : memref<128x128xf32, #tpu.memory_space<vmem>>, vector<1x16xf32>,
      %swap3A_120 = vector.shape_cast %swap3A_119 : vector<1x16xf32> to vector<16xf32>
      %swap3A_121 = vector.shape_cast %get3A_116 : vector<16xf32> to vector<1x16xf32>
      tpu.vector_store %arg15[%swap3A_117, %swap3A_118], %swap3A_121 {add = true, strides = array<i32>} : memref<128x128xf32, #tpu.memory_space<vmem>>, vector<1x16xf32>,
      %get3A_122 = arith.index_cast %scan3A_78 : i32 to index
      %get3A_123 = arith.constant 80 : index
      %get3A_124 = tpu.vector_load %arg16[%get3A_122, %get3A_123] {strides = array<i32>} : memref<128x128xf32, #tpu.memory_space<vmem>>, vector<1x16xf32>,
      %get3A_125 = vector.shape_cast %get3A_124 : vector<1x16xf32> to vector<16xf32>
      %swap3A_126 = arith.index_cast %scan3A_78 : i32 to index
      %swap3A_127 = arith.constant 80 : index
      %swap3A_128 = tpu.vector_load %arg15[%swap3A_126, %swap3A_127] {strides = array<i32>} : memref<128x128xf32, #tpu.memory_space<vmem>>, vector<1x16xf32>,
      %swap3A_129 = vector.shape_cast %swap3A_128 : vector<1x16xf32> to vector<16xf32>
      %swap3A_130 = vector.shape_cast %get3A_125 : vector<16xf32> to vector<1x16xf32>
      tpu.vector_store %arg15[%swap3A_126, %swap3A_127], %swap3A_130 {add = true, strides = array<i32>} : memref<128x128xf32, #tpu.memory_space<vmem>>, vector<1x16xf32>,
      %get3A_131 = arith.index_cast %scan3A_78 : i32 to index
      %get3A_132 = arith.constant 96 : index
      %get3A_133 = tpu.vector_load %arg16[%get3A_131, %get3A_132] {strides = array<i32>} : memref<128x128xf32, #tpu.memory_space<vmem>>, vector<1x16xf32>,
      %get3A_134 = vector.shape_cast %get3A_133 : vector<1x16xf32> to vector<16xf32>
      %swap3A_135 = arith.index_cast %scan3A_78 : i32 to index
      %swap3A_136 = arith.constant 96 : index
      %swap3A_137 = tpu.vector_load %arg15[%swap3A_135, %swap3A_136] {strides = array<i32>} : memref<128x128xf32, #tpu.memory_space<vmem>>, vector<1x16xf32>,
      %swap3A_138 = vector.shape_cast %swap3A_137 : vector<1x16xf32> to vector<16xf32>
      %swap3A_139 = vector.shape_cast %get3A_134 : vector<16xf32> to vector<1x16xf32>
      tpu.vector_store %arg15[%swap3A_135, %swap3A_136], %swap3A_139 {add = true, strides = array<i32>} : memref<128x128xf32, #tpu.memory_space<vmem>>, vector<1x16xf32>,
      %get3A_140 = arith.index_cast %scan3A_78 : i32 to index
      %get3A_141 = arith.constant 112 : index
      %get3A_142 = tpu.vector_load %arg16[%get3A_140, %get3A_141] {strides = array<i32>} : memref<128x128xf32, #tpu.memory_space<vmem>>, vector<1x16xf32>,
      %get3A_143 = vector.shape_cast %get3A_142 : vector<1x16xf32> to vector<16xf32>
      %swap3A_144 = arith.index_cast %scan3A_78 : i32 to index
      %swap3A_145 = arith.constant 112 : index
      %swap3A_146 = tpu.vector_load %arg15[%swap3A_144, %swap3A_145] {strides = array<i32>} : memref<128x128xf32, #tpu.memory_space<vmem>>, vector<1x16xf32>,
      %swap3A_147 = vector.shape_cast %swap3A_146 : vector<1x16xf32> to vector<16xf32>
      %swap3A_148 = vector.shape_cast %get3A_143 : vector<16xf32> to vector<1x16xf32>
      tpu.vector_store %arg15[%swap3A_144, %swap3A_145], %swap3A_148 {add = true, strides = array<i32>} : memref<128x128xf32, #tpu.memory_space<vmem>>, vector<1x16xf32>,
    }
    %scan3A_75 = arith.constant 128 : i32
    %add3A_76 = arith.constant 2432 : i32
    %add3A_77 = arith.addi %mul3A_2, %add3A_76 : i32
    "tpu.region"() ({
      %run_scoped3A = tpu.sem_alloc : memref<!tpu.dma_semaphore, #tpu.memory_space<semaphore_mem>>
      %dma_start3A_78 = arith.constant 0 : i32
      %dma_start3A_79 = tpu.memref_slice %arg8[%add3A_77, %dma_start3A_78] : memref<81920x128xf32, #tpu.memory_space<hbm>> -> memref<128x128xf32, #tpu.memory_space<hbm>>
      %dma_start3A_80 = arith.constant 0 : i32
      %dma_start3A_81 = tpu.memref_slice %arg8[%add3A_77, %dma_start3A_80] : memref<81920x128xf32, #tpu.memory_space<hbm>> -> memref<128x128xf32, #tpu.memory_space<hbm>>
      tpu.enqueue_dma source(%arg15 : memref<128x128xf32, #tpu.memory_space<vmem>>) target(%dma_start3A_81 : memref<128x128xf32, #tpu.memory_space<hbm>>) target_semaphore(%run_scoped3A : memref<!tpu.dma_semaphore, #tpu.memory_space<semaphore_mem>>)
      %dma_wait3A_82 = arith.constant 0 : i32
      %dma_wait3A_83 = tpu.memref_slice %arg8[%add3A_77, %dma_wait3A_82] : memref<81920x128xf32, #tpu.memory_space<hbm>> -> memref<128x128xf32, #tpu.memory_space<hbm>>
      %dma_wait3A_84 = arith.constant 0 : i32
      %dma_wait3A_85 = tpu.memref_slice %arg8[%add3A_77, %dma_wait3A_84] : memref<81920x128xf32, #tpu.memory_space<hbm>> -> memref<128x128xf32, #tpu.memory_space<hbm>>
      tpu.wait_dma2 semaphore(%run_scoped3A : memref<!tpu.dma_semaphore, #tpu.memory_space<semaphore_mem>>) src(%arg15 : memref<128x128xf32, #tpu.memory_space<vmem>>) dst(%dma_wait3A_85 : memref<128x128xf32, #tpu.memory_space<hbm>>)
      tpu.yield
    }) : () -> ()
    return
  }
}

#map = affine_map<(d0, d1) -> (0, 0, 0)>
#map1 = affine_map<(d0, d1) -> (0, 0)>
module attributes {stable_mosaic.version = 14 : i64} {
  func.func @_body(%arg0: i32, %arg1: i32, %arg2: memref<32x78x128xi32, #tpu.memory_space<hbm>>, %arg3: memref<32x16xi32, #tpu.memory_space<hbm>>, %arg4: memref<320000x128xf32, #tpu.memory_space<hbm>>, %arg5: memref<2x10240x128xf32, #tpu.memory_space<hbm>>, %arg6: memref<78x128xi32, #tpu.memory_space<vmem>>, %arg7: memref<16xi32, #tpu.memory_space<vmem>>, %arg8: memref<128x128xf32, #tpu.memory_space<vmem>>, %arg9: memref<128x128xf32, #tpu.memory_space<vmem>>, %arg10: memref<16x128xf32, #tpu.memory_space<vmem>>, %arg11: memref<10240x128xf32, #tpu.memory_space<vmem_shared>>, %arg12: memref<!tpu.dma_semaphore, #tpu.memory_space<semaphore_mem>>, %arg13: memref<!tpu.dma_semaphore, #tpu.memory_space<semaphore_mem>>) attributes {dimension_semantics = [#tpu.dimension_semantics<core_parallel>, #tpu.dimension_semantics<subcore_parallel>], iteration_bounds = array<i64: 2, 16>, scalar_prefetch = 0 : i64, scratch_operands = 8 : i64, tpu.core_type = #tpu.core_type<sc_vector_subcore>, window_params = [{transform_indices = #map}, {transform_indices = #map1}, {transform_indices = #map1}, {transform_indices = #map}]} {
    %mul3A = arith.constant 2 : i32
    %mul3A_0 = arith.muli %arg1, %mul3A : i32
    %add3A = arith.addi %mul3A_0, %arg0 : i32
    %mul3A_1 = arith.constant 10000 : i32
    %mul3A_2 = arith.muli %add3A, %mul3A_1 : i32
    %add3A_3 = arith.constant 0 : i32
    %add3A_4 = arith.addi %add3A_3, %mul3A_2 : i32
    "tpu.region"() ({
      %run_scoped3A_52 = tpu.sem_alloc : memref<!tpu.dma_semaphore, #tpu.memory_space<semaphore_mem>>
      %dma_start3A_53 = arith.constant 0 : i32
      %dma_start3A_54 = arith.constant 0 : i32
      %dma_start3A_55 = tpu.memref_slice %arg2[%add3A, %dma_start3A_53, %dma_start3A_54] : memref<32x78x128xi32, #tpu.memory_space<hbm>> -> memref<1x78x128xi32, #tpu.memory_space<hbm>>
      %dma_start3A_56 = tpu.memref_squeeze %dma_start3A_55 : memref<1x78x128xi32, #tpu.memory_space<hbm>> -> memref<78x128xi32, #tpu.memory_space<hbm>>
      %dma_start3A_57 = arith.constant 0 : i32
      %dma_start3A_58 = arith.constant 0 : i32
      %dma_start3A_59 = tpu.memref_slice %arg2[%add3A, %dma_start3A_57, %dma_start3A_58] : memref<32x78x128xi32, #tpu.memory_space<hbm>> -> memref<1x78x128xi32, #tpu.memory_space<hbm>>
      %dma_start3A_60 = tpu.memref_squeeze %dma_start3A_59 : memref<1x78x128xi32, #tpu.memory_space<hbm>> -> memref<78x128xi32, #tpu.memory_space<hbm>>
      tpu.enqueue_dma source(%dma_start3A_60 : memref<78x128xi32, #tpu.memory_space<hbm>>) target(%arg6 : memref<78x128xi32, #tpu.memory_space<vmem>>) target_semaphore(%run_scoped3A_52 : memref<!tpu.dma_semaphore, #tpu.memory_space<semaphore_mem>>)
      %dma_wait3A_61 = arith.constant 0 : i32
      %dma_wait3A_62 = arith.constant 0 : i32
      %dma_wait3A_63 = tpu.memref_slice %arg2[%add3A, %dma_wait3A_61, %dma_wait3A_62] : memref<32x78x128xi32, #tpu.memory_space<hbm>> -> memref<1x78x128xi32, #tpu.memory_space<hbm>>
      %dma_wait3A_64 = tpu.memref_squeeze %dma_wait3A_63 : memref<1x78x128xi32, #tpu.memory_space<hbm>> -> memref<78x128xi32, #tpu.memory_space<hbm>>
      %dma_wait3A_65 = arith.constant 0 : i32
      %dma_wait3A_66 = arith.constant 0 : i32
      %dma_wait3A_67 = tpu.memref_slice %arg2[%add3A, %dma_wait3A_65, %dma_wait3A_66] : memref<32x78x128xi32, #tpu.memory_space<hbm>> -> memref<1x78x128xi32, #tpu.memory_space<hbm>>
      %dma_wait3A_68 = tpu.memref_squeeze %dma_wait3A_67 : memref<1x78x128xi32, #tpu.memory_space<hbm>> -> memref<78x128xi32, #tpu.memory_space<hbm>>
      tpu.wait_dma2 semaphore(%run_scoped3A_52 : memref<!tpu.dma_semaphore, #tpu.memory_space<semaphore_mem>>) src(%dma_wait3A_68 : memref<78x128xi32, #tpu.memory_space<hbm>>) dst(%arg6 : memref<78x128xi32, #tpu.memory_space<vmem>>)
      tpu.yield
    }) : () -> ()
    "tpu.region"() ({
      %run_scoped3A_52 = tpu.sem_alloc : memref<!tpu.dma_semaphore, #tpu.memory_space<semaphore_mem>>
      %dma_start3A_53 = arith.constant 0 : i32
      %dma_start3A_54 = tpu.memref_slice %arg3[%add3A, %dma_start3A_53] : memref<32x16xi32, #tpu.memory_space<hbm>> -> memref<1x16xi32, #tpu.memory_space<hbm>>
      %dma_start3A_55 = tpu.memref_squeeze %dma_start3A_54 : memref<1x16xi32, #tpu.memory_space<hbm>> -> memref<16xi32, #tpu.memory_space<hbm>>
      %dma_start3A_56 = arith.constant 0 : i32
      %dma_start3A_57 = tpu.memref_slice %arg3[%add3A, %dma_start3A_56] : memref<32x16xi32, #tpu.memory_space<hbm>> -> memref<1x16xi32, #tpu.memory_space<hbm>>
      %dma_start3A_58 = tpu.memref_squeeze %dma_start3A_57 : memref<1x16xi32, #tpu.memory_space<hbm>> -> memref<16xi32, #tpu.memory_space<hbm>>
      tpu.enqueue_dma source(%dma_start3A_58 : memref<16xi32, #tpu.memory_space<hbm>>) target(%arg7 : memref<16xi32, #tpu.memory_space<vmem>>) target_semaphore(%run_scoped3A_52 : memref<!tpu.dma_semaphore, #tpu.memory_space<semaphore_mem>>)
      %dma_wait3A_59 = arith.constant 0 : i32
      %dma_wait3A_60 = tpu.memref_slice %arg3[%add3A, %dma_wait3A_59] : memref<32x16xi32, #tpu.memory_space<hbm>> -> memref<1x16xi32, #tpu.memory_space<hbm>>
      %dma_wait3A_61 = tpu.memref_squeeze %dma_wait3A_60 : memref<1x16xi32, #tpu.memory_space<hbm>> -> memref<16xi32, #tpu.memory_space<hbm>>
      %dma_wait3A_62 = arith.constant 0 : i32
      %dma_wait3A_63 = tpu.memref_slice %arg3[%add3A, %dma_wait3A_62] : memref<32x16xi32, #tpu.memory_space<hbm>> -> memref<1x16xi32, #tpu.memory_space<hbm>>
      %dma_wait3A_64 = tpu.memref_squeeze %dma_wait3A_63 : memref<1x16xi32, #tpu.memory_space<hbm>> -> memref<16xi32, #tpu.memory_space<hbm>>
      tpu.wait_dma2 semaphore(%run_scoped3A_52 : memref<!tpu.dma_semaphore, #tpu.memory_space<semaphore_mem>>) src(%dma_wait3A_64 : memref<16xi32, #tpu.memory_space<hbm>>) dst(%arg7 : memref<16xi32, #tpu.memory_space<vmem>>)
      tpu.yield
    }) : () -> ()
    %scan3A = arith.constant 0 : i32
    %scan3A_5 = arith.constant 0 : i32
    %scan3A_6 = arith.constant 128 : i32
    %scan3A_7 = arith.addi %scan3A_5, %scan3A_6 : i32
    %scan3A_8 = arith.constant 1 : i32
    scf.for %scan3A_52 = %scan3A_5 to %scan3A_7 step %scan3A_8  : i32 {
      %broadcast_in_dim3A = arith.constant 0.000000e+00 : f32
      %broadcast_in_dim3A_53 = vector.broadcast %broadcast_in_dim3A : f32 to vector<16xf32>
      %swap3A = arith.index_cast %scan3A_52 : i32 to index
      %swap3A_54 = arith.constant 0 : index
      %swap3A_55 = tpu.vector_load %arg8[%swap3A, %swap3A_54] {strides = array<i32>} : memref<128x128xf32, #tpu.memory_space<vmem>>, vector<1x16xf32>,
      %swap3A_56 = vector.shape_cast %swap3A_55 : vector<1x16xf32> to vector<16xf32>
      %swap3A_57 = vector.shape_cast %broadcast_in_dim3A_53 : vector<16xf32> to vector<1x16xf32>
      tpu.vector_store %arg8[%swap3A, %swap3A_54], %swap3A_57 {strides = array<i32>} : memref<128x128xf32, #tpu.memory_space<vmem>>, vector<1x16xf32>,
      %broadcast_in_dim3A_58 = arith.constant 0.000000e+00 : f32
      %broadcast_in_dim3A_59 = vector.broadcast %broadcast_in_dim3A_58 : f32 to vector<16xf32>
      %swap3A_60 = arith.index_cast %scan3A_52 : i32 to index
      %swap3A_61 = arith.constant 16 : index
      %swap3A_62 = tpu.vector_load %arg8[%swap3A_60, %swap3A_61] {strides = array<i32>} : memref<128x128xf32, #tpu.memory_space<vmem>>, vector<1x16xf32>,
      %swap3A_63 = vector.shape_cast %swap3A_62 : vector<1x16xf32> to vector<16xf32>
      %swap3A_64 = vector.shape_cast %broadcast_in_dim3A_59 : vector<16xf32> to vector<1x16xf32>
      tpu.vector_store %arg8[%swap3A_60, %swap3A_61], %swap3A_64 {strides = array<i32>} : memref<128x128xf32, #tpu.memory_space<vmem>>, vector<1x16xf32>,
      %broadcast_in_dim3A_65 = arith.constant 0.000000e+00 : f32
      %broadcast_in_dim3A_66 = vector.broadcast %broadcast_in_dim3A_65 : f32 to vector<16xf32>
      %swap3A_67 = arith.index_cast %scan3A_52 : i32 to index
      %swap3A_68 = arith.constant 32 : index
      %swap3A_69 = tpu.vector_load %arg8[%swap3A_67, %swap3A_68] {strides = array<i32>} : memref<128x128xf32, #tpu.memory_space<vmem>>, vector<1x16xf32>,
      %swap3A_70 = vector.shape_cast %swap3A_69 : vector<1x16xf32> to vector<16xf32>
      %swap3A_71 = vector.shape_cast %broadcast_in_dim3A_66 : vector<16xf32> to vector<1x16xf32>
      tpu.vector_store %arg8[%swap3A_67, %swap3A_68], %swap3A_71 {strides = array<i32>} : memref<128x128xf32, #tpu.memory_space<vmem>>, vector<1x16xf32>,
      %broadcast_in_dim3A_72 = arith.constant 0.000000e+00 : f32
      %broadcast_in_dim3A_73 = vector.broadcast %broadcast_in_dim3A_72 : f32 to vector<16xf32>
      %swap3A_74 = arith.index_cast %scan3A_52 : i32 to index
      %swap3A_75 = arith.constant 48 : index
      %swap3A_76 = tpu.vector_load %arg8[%swap3A_74, %swap3A_75] {strides = array<i32>} : memref<128x128xf32, #tpu.memory_space<vmem>>, vector<1x16xf32>,
      %swap3A_77 = vector.shape_cast %swap3A_76 : vector<1x16xf32> to vector<16xf32>
      %swap3A_78 = vector.shape_cast %broadcast_in_dim3A_73 : vector<16xf32> to vector<1x16xf32>
      tpu.vector_store %arg8[%swap3A_74, %swap3A_75], %swap3A_78 {strides = array<i32>} : memref<128x128xf32, #tpu.memory_space<vmem>>, vector<1x16xf32>,
      %broadcast_in_dim3A_79 = arith.constant 0.000000e+00 : f32
      %broadcast_in_dim3A_80 = vector.broadcast %broadcast_in_dim3A_79 : f32 to vector<16xf32>
      %swap3A_81 = arith.index_cast %scan3A_52 : i32 to index
      %swap3A_82 = arith.constant 64 : index
      %swap3A_83 = tpu.vector_load %arg8[%swap3A_81, %swap3A_82] {strides = array<i32>} : memref<128x128xf32, #tpu.memory_space<vmem>>, vector<1x16xf32>,
      %swap3A_84 = vector.shape_cast %swap3A_83 : vector<1x16xf32> to vector<16xf32>
      %swap3A_85 = vector.shape_cast %broadcast_in_dim3A_80 : vector<16xf32> to vector<1x16xf32>
      tpu.vector_store %arg8[%swap3A_81, %swap3A_82], %swap3A_85 {strides = array<i32>} : memref<128x128xf32, #tpu.memory_space<vmem>>, vector<1x16xf32>,
      %broadcast_in_dim3A_86 = arith.constant 0.000000e+00 : f32
      %broadcast_in_dim3A_87 = vector.broadcast %broadcast_in_dim3A_86 : f32 to vector<16xf32>
      %swap3A_88 = arith.index_cast %scan3A_52 : i32 to index
      %swap3A_89 = arith.constant 80 : index
      %swap3A_90 = tpu.vector_load %arg8[%swap3A_88, %swap3A_89] {strides = array<i32>} : memref<128x128xf32, #tpu.memory_space<vmem>>, vector<1x16xf32>,
      %swap3A_91 = vector.shape_cast %swap3A_90 : vector<1x16xf32> to vector<16xf32>
      %swap3A_92 = vector.shape_cast %broadcast_in_dim3A_87 : vector<16xf32> to vector<1x16xf32>
      tpu.vector_store %arg8[%swap3A_88, %swap3A_89], %swap3A_92 {strides = array<i32>} : memref<128x128xf32, #tpu.memory_space<vmem>>, vector<1x16xf32>,
      %broadcast_in_dim3A_93 = arith.constant 0.000000e+00 : f32
      %broadcast_in_dim3A_94 = vector.broadcast %broadcast_in_dim3A_93 : f32 to vector<16xf32>
      %swap3A_95 = arith.index_cast %scan3A_52 : i32 to index
      %swap3A_96 = arith.constant 96 : index
      %swap3A_97 = tpu.vector_load %arg8[%swap3A_95, %swap3A_96] {strides = array<i32>} : memref<128x128xf32, #tpu.memory_space<vmem>>, vector<1x16xf32>,
      %swap3A_98 = vector.shape_cast %swap3A_97 : vector<1x16xf32> to vector<16xf32>
      %swap3A_99 = vector.shape_cast %broadcast_in_dim3A_94 : vector<16xf32> to vector<1x16xf32>
      tpu.vector_store %arg8[%swap3A_95, %swap3A_96], %swap3A_99 {strides = array<i32>} : memref<128x128xf32, #tpu.memory_space<vmem>>, vector<1x16xf32>,
      %broadcast_in_dim3A_100 = arith.constant 0.000000e+00 : f32
      %broadcast_in_dim3A_101 = vector.broadcast %broadcast_in_dim3A_100 : f32 to vector<16xf32>
      %swap3A_102 = arith.index_cast %scan3A_52 : i32 to index
      %swap3A_103 = arith.constant 112 : index
      %swap3A_104 = tpu.vector_load %arg8[%swap3A_102, %swap3A_103] {strides = array<i32>} : memref<128x128xf32, #tpu.memory_space<vmem>>, vector<1x16xf32>,
      %swap3A_105 = vector.shape_cast %swap3A_104 : vector<1x16xf32> to vector<16xf32>
      %swap3A_106 = vector.shape_cast %broadcast_in_dim3A_101 : vector<16xf32> to vector<1x16xf32>
      tpu.vector_store %arg8[%swap3A_102, %swap3A_103], %swap3A_106 {strides = array<i32>} : memref<128x128xf32, #tpu.memory_space<vmem>>, vector<1x16xf32>,
    }
    %scan3A_9 = arith.constant 128 : i32
    %mul3A_10 = arith.constant 640 : i32
    %mul3A_11 = arith.muli %arg1, %mul3A_10 : i32
    %add3A_12 = arith.constant 0 : i32
    %add3A_13 = arith.addi %mul3A_11, %add3A_12 : i32
    "tpu.region"() ({
      %run_scoped3A_52 = tpu.sem_alloc : memref<!tpu.dma_semaphore, #tpu.memory_space<semaphore_mem>>
      %dma_start3A_53 = arith.constant 0 : i32
      %dma_start3A_54 = tpu.memref_slice %arg11[%add3A_13, %dma_start3A_53] : memref<10240x128xf32, #tpu.memory_space<vmem_shared>> -> memref<128x128xf32, #tpu.memory_space<vmem_shared>>
      %dma_start3A_55 = arith.constant 0 : i32
      %dma_start3A_56 = tpu.memref_slice %arg11[%add3A_13, %dma_start3A_55] : memref<10240x128xf32, #tpu.memory_space<vmem_shared>> -> memref<128x128xf32, #tpu.memory_space<vmem_shared>>
      tpu.enqueue_dma source(%arg8 : memref<128x128xf32, #tpu.memory_space<vmem>>) target(%dma_start3A_56 : memref<128x128xf32, #tpu.memory_space<vmem_shared>>) target_semaphore(%run_scoped3A_52 : memref<!tpu.dma_semaphore, #tpu.memory_space<semaphore_mem>>)
      %dma_wait3A_57 = arith.constant 0 : i32
      %dma_wait3A_58 = tpu.memref_slice %arg11[%add3A_13, %dma_wait3A_57] : memref<10240x128xf32, #tpu.memory_space<vmem_shared>> -> memref<128x128xf32, #tpu.memory_space<vmem_shared>>
      %dma_wait3A_59 = arith.constant 0 : i32
      %dma_wait3A_60 = tpu.memref_slice %arg11[%add3A_13, %dma_wait3A_59] : memref<10240x128xf32, #tpu.memory_space<vmem_shared>> -> memref<128x128xf32, #tpu.memory_space<vmem_shared>>
      tpu.wait_dma2 semaphore(%run_scoped3A_52 : memref<!tpu.dma_semaphore, #tpu.memory_space<semaphore_mem>>) src(%arg8 : memref<128x128xf32, #tpu.memory_space<vmem>>) dst(%dma_wait3A_60 : memref<128x128xf32, #tpu.memory_space<vmem_shared>>)
      tpu.yield
    }) : () -> ()
    %add3A_14 = arith.constant 128 : i32
    %add3A_15 = arith.addi %mul3A_11, %add3A_14 : i32
    "tpu.region"() ({
      %run_scoped3A_52 = tpu.sem_alloc : memref<!tpu.dma_semaphore, #tpu.memory_space<semaphore_mem>>
      %dma_start3A_53 = arith.constant 0 : i32
      %dma_start3A_54 = tpu.memref_slice %arg11[%add3A_15, %dma_start3A_53] : memref<10240x128xf32, #tpu.memory_space<vmem_shared>> -> memref<128x128xf32, #tpu.memory_space<vmem_shared>>
      %dma_start3A_55 = arith.constant 0 : i32
      %dma_start3A_56 = tpu.memref_slice %arg11[%add3A_15, %dma_start3A_55] : memref<10240x128xf32, #tpu.memory_space<vmem_shared>> -> memref<128x128xf32, #tpu.memory_space<vmem_shared>>
      tpu.enqueue_dma source(%arg8 : memref<128x128xf32, #tpu.memory_space<vmem>>) target(%dma_start3A_56 : memref<128x128xf32, #tpu.memory_space<vmem_shared>>) target_semaphore(%run_scoped3A_52 : memref<!tpu.dma_semaphore, #tpu.memory_space<semaphore_mem>>)
      %dma_wait3A_57 = arith.constant 0 : i32
      %dma_wait3A_58 = tpu.memref_slice %arg11[%add3A_15, %dma_wait3A_57] : memref<10240x128xf32, #tpu.memory_space<vmem_shared>> -> memref<128x128xf32, #tpu.memory_space<vmem_shared>>
      %dma_wait3A_59 = arith.constant 0 : i32
      %dma_wait3A_60 = tpu.memref_slice %arg11[%add3A_15, %dma_wait3A_59] : memref<10240x128xf32, #tpu.memory_space<vmem_shared>> -> memref<128x128xf32, #tpu.memory_space<vmem_shared>>
      tpu.wait_dma2 semaphore(%run_scoped3A_52 : memref<!tpu.dma_semaphore, #tpu.memory_space<semaphore_mem>>) src(%arg8 : memref<128x128xf32, #tpu.memory_space<vmem>>) dst(%dma_wait3A_60 : memref<128x128xf32, #tpu.memory_space<vmem_shared>>)
      tpu.yield
    }) : () -> ()
    %add3A_16 = arith.constant 256 : i32
    %add3A_17 = arith.addi %mul3A_11, %add3A_16 : i32
    "tpu.region"() ({
      %run_scoped3A_52 = tpu.sem_alloc : memref<!tpu.dma_semaphore, #tpu.memory_space<semaphore_mem>>
      %dma_start3A_53 = arith.constant 0 : i32
      %dma_start3A_54 = tpu.memref_slice %arg11[%add3A_17, %dma_start3A_53] : memref<10240x128xf32, #tpu.memory_space<vmem_shared>> -> memref<128x128xf32, #tpu.memory_space<vmem_shared>>
      %dma_start3A_55 = arith.constant 0 : i32
      %dma_start3A_56 = tpu.memref_slice %arg11[%add3A_17, %dma_start3A_55] : memref<10240x128xf32, #tpu.memory_space<vmem_shared>> -> memref<128x128xf32, #tpu.memory_space<vmem_shared>>
      tpu.enqueue_dma source(%arg8 : memref<128x128xf32, #tpu.memory_space<vmem>>) target(%dma_start3A_56 : memref<128x128xf32, #tpu.memory_space<vmem_shared>>) target_semaphore(%run_scoped3A_52 : memref<!tpu.dma_semaphore, #tpu.memory_space<semaphore_mem>>)
      %dma_wait3A_57 = arith.constant 0 : i32
      %dma_wait3A_58 = tpu.memref_slice %arg11[%add3A_17, %dma_wait3A_57] : memref<10240x128xf32, #tpu.memory_space<vmem_shared>> -> memref<128x128xf32, #tpu.memory_space<vmem_shared>>
      %dma_wait3A_59 = arith.constant 0 : i32
      %dma_wait3A_60 = tpu.memref_slice %arg11[%add3A_17, %dma_wait3A_59] : memref<10240x128xf32, #tpu.memory_space<vmem_shared>> -> memref<128x128xf32, #tpu.memory_space<vmem_shared>>
      tpu.wait_dma2 semaphore(%run_scoped3A_52 : memref<!tpu.dma_semaphore, #tpu.memory_space<semaphore_mem>>) src(%arg8 : memref<128x128xf32, #tpu.memory_space<vmem>>) dst(%dma_wait3A_60 : memref<128x128xf32, #tpu.memory_space<vmem_shared>>)
      tpu.yield
    }) : () -> ()
    %add3A_18 = arith.constant 384 : i32
    %add3A_19 = arith.addi %mul3A_11, %add3A_18 : i32
    "tpu.region"() ({
      %run_scoped3A_52 = tpu.sem_alloc : memref<!tpu.dma_semaphore, #tpu.memory_space<semaphore_mem>>
      %dma_start3A_53 = arith.constant 0 : i32
      %dma_start3A_54 = tpu.memref_slice %arg11[%add3A_19, %dma_start3A_53] : memref<10240x128xf32, #tpu.memory_space<vmem_shared>> -> memref<128x128xf32, #tpu.memory_space<vmem_shared>>
      %dma_start3A_55 = arith.constant 0 : i32
      %dma_start3A_56 = tpu.memref_slice %arg11[%add3A_19, %dma_start3A_55] : memref<10240x128xf32, #tpu.memory_space<vmem_shared>> -> memref<128x128xf32, #tpu.memory_space<vmem_shared>>
      tpu.enqueue_dma source(%arg8 : memref<128x128xf32, #tpu.memory_space<vmem>>) target(%dma_start3A_56 : memref<128x128xf32, #tpu.memory_space<vmem_shared>>) target_semaphore(%run_scoped3A_52 : memref<!tpu.dma_semaphore, #tpu.memory_space<semaphore_mem>>)
      %dma_wait3A_57 = arith.constant 0 : i32
      %dma_wait3A_58 = tpu.memref_slice %arg11[%add3A_19, %dma_wait3A_57] : memref<10240x128xf32, #tpu.memory_space<vmem_shared>> -> memref<128x128xf32, #tpu.memory_space<vmem_shared>>
      %dma_wait3A_59 = arith.constant 0 : i32
      %dma_wait3A_60 = tpu.memref_slice %arg11[%add3A_19, %dma_wait3A_59] : memref<10240x128xf32, #tpu.memory_space<vmem_shared>> -> memref<128x128xf32, #tpu.memory_space<vmem_shared>>
      tpu.wait_dma2 semaphore(%run_scoped3A_52 : memref<!tpu.dma_semaphore, #tpu.memory_space<semaphore_mem>>) src(%arg8 : memref<128x128xf32, #tpu.memory_space<vmem>>) dst(%dma_wait3A_60 : memref<128x128xf32, #tpu.memory_space<vmem_shared>>)
      tpu.yield
    }) : () -> ()
    %add3A_20 = arith.constant 512 : i32
    %add3A_21 = arith.addi %mul3A_11, %add3A_20 : i32
    "tpu.region"() ({
      %run_scoped3A_52 = tpu.sem_alloc : memref<!tpu.dma_semaphore, #tpu.memory_space<semaphore_mem>>
      %dma_start3A_53 = arith.constant 0 : i32
      %dma_start3A_54 = tpu.memref_slice %arg11[%add3A_21, %dma_start3A_53] : memref<10240x128xf32, #tpu.memory_space<vmem_shared>> -> memref<128x128xf32, #tpu.memory_space<vmem_shared>>
      %dma_start3A_55 = arith.constant 0 : i32
      %dma_start3A_56 = tpu.memref_slice %arg11[%add3A_21, %dma_start3A_55] : memref<10240x128xf32, #tpu.memory_space<vmem_shared>> -> memref<128x128xf32, #tpu.memory_space<vmem_shared>>
      tpu.enqueue_dma source(%arg8 : memref<128x128xf32, #tpu.memory_space<vmem>>) target(%dma_start3A_56 : memref<128x128xf32, #tpu.memory_space<vmem_shared>>) target_semaphore(%run_scoped3A_52 : memref<!tpu.dma_semaphore, #tpu.memory_space<semaphore_mem>>)
      %dma_wait3A_57 = arith.constant 0 : i32
      %dma_wait3A_58 = tpu.memref_slice %arg11[%add3A_21, %dma_wait3A_57] : memref<10240x128xf32, #tpu.memory_space<vmem_shared>> -> memref<128x128xf32, #tpu.memory_space<vmem_shared>>
      %dma_wait3A_59 = arith.constant 0 : i32
      %dma_wait3A_60 = tpu.memref_slice %arg11[%add3A_21, %dma_wait3A_59] : memref<10240x128xf32, #tpu.memory_space<vmem_shared>> -> memref<128x128xf32, #tpu.memory_space<vmem_shared>>
      tpu.wait_dma2 semaphore(%run_scoped3A_52 : memref<!tpu.dma_semaphore, #tpu.memory_space<semaphore_mem>>) src(%arg8 : memref<128x128xf32, #tpu.memory_space<vmem>>) dst(%dma_wait3A_60 : memref<128x128xf32, #tpu.memory_space<vmem_shared>>)
      tpu.yield
    }) : () -> ()
    %barrier3A = arith.constant 0 : index
    tpu.barrier barrier_id(%barrier3A)
    %dma_start3A = arith.constant 0 : i32
    %dma_start3A_22 = tpu.memref_slice %arg4[%add3A_4, %dma_start3A] : memref<320000x128xf32, #tpu.memory_space<hbm>> -> memref<128x128xf32, #tpu.memory_space<hbm>>
    %dma_start3A_23 = arith.constant 0 : i32
    %dma_start3A_24 = tpu.memref_slice %arg4[%add3A_4, %dma_start3A_23] : memref<320000x128xf32, #tpu.memory_space<hbm>> -> memref<128x128xf32, #tpu.memory_space<hbm>>
    tpu.enqueue_dma source(%dma_start3A_24 : memref<128x128xf32, #tpu.memory_space<hbm>>) target(%arg8 : memref<128x128xf32, #tpu.memory_space<vmem>>) target_semaphore(%arg12 : memref<!tpu.dma_semaphore, #tpu.memory_space<semaphore_mem>>)
    %add3A_25 = arith.constant 128 : i32
    %add3A_26 = arith.addi %add3A_4, %add3A_25 : i32
    %dma_start3A_27 = arith.constant 0 : i32
    %dma_start3A_28 = tpu.memref_slice %arg4[%add3A_26, %dma_start3A_27] : memref<320000x128xf32, #tpu.memory_space<hbm>> -> memref<128x128xf32, #tpu.memory_space<hbm>>
    %dma_start3A_29 = arith.constant 0 : i32
    %dma_start3A_30 = tpu.memref_slice %arg4[%add3A_26, %dma_start3A_29] : memref<320000x128xf32, #tpu.memory_space<hbm>> -> memref<128x128xf32, #tpu.memory_space<hbm>>
    tpu.enqueue_dma source(%dma_start3A_30 : memref<128x128xf32, #tpu.memory_space<hbm>>) target(%arg9 : memref<128x128xf32, #tpu.memory_space<vmem>>) target_semaphore(%arg13 : memref<!tpu.dma_semaphore, #tpu.memory_space<semaphore_mem>>)
    %scan3A_31 = arith.constant 0 : i32
    %scan3A_32 = arith.constant 0 : i32
    %scan3A_33 = arith.constant 38 : i32
    %scan3A_34 = arith.addi %scan3A_32, %scan3A_33 : i32
    %scan3A_35 = arith.constant 1 : i32
    scf.for %scan3A_52 = %scan3A_32 to %scan3A_34 step %scan3A_35  : i32 {
      %mul3A_53 = arith.constant 2 : i32
      %mul3A_54 = arith.muli %mul3A_53, %scan3A_52 : i32
      %mul3A_55 = arith.constant 2 : i32
      %mul3A_56 = arith.muli %mul3A_55, %scan3A_52 : i32
      %add3A_57 = arith.constant 1 : i32
      %add3A_58 = arith.addi %mul3A_56, %add3A_57 : i32
      %mul3A_59 = arith.constant 128 : i32
      %mul3A_60 = arith.muli %mul3A_54, %mul3A_59 : i32
      %add3A_61 = arith.addi %add3A_4, %mul3A_60 : i32
      %dma_wait3A_62 = arith.constant 0 : i32
      %dma_wait3A_63 = tpu.memref_slice %arg4[%add3A_61, %dma_wait3A_62] : memref<320000x128xf32, #tpu.memory_space<hbm>> -> memref<128x128xf32, #tpu.memory_space<hbm>>
      %dma_wait3A_64 = arith.constant 0 : i32
      %dma_wait3A_65 = tpu.memref_slice %arg4[%add3A_61, %dma_wait3A_64] : memref<320000x128xf32, #tpu.memory_space<hbm>> -> memref<128x128xf32, #tpu.memory_space<hbm>>
      tpu.wait_dma2 semaphore(%arg12 : memref<!tpu.dma_semaphore, #tpu.memory_space<semaphore_mem>>) src(%dma_wait3A_65 : memref<128x128xf32, #tpu.memory_space<hbm>>) dst(%arg8 : memref<128x128xf32, #tpu.memory_space<vmem>>)
      "tpu.region"() ({
        %run_scoped3A_91 = tpu.sem_alloc : memref<!tpu.dma_semaphore, #tpu.memory_space<semaphore_mem>>
        %dma_start3A_92 = arith.constant 0 : i32
        %dma_start3A_93 = tpu.memref_slice %arg6[%mul3A_54, %dma_start3A_92] : memref<78x128xi32, #tpu.memory_space<vmem>> -> memref<1x128xi32, #tpu.memory_space<vmem>>
        %dma_start3A_94 = tpu.memref_squeeze %dma_start3A_93 : memref<1x128xi32, #tpu.memory_space<vmem>> -> memref<128xi32, #tpu.memory_space<vmem>>
        %dma_start3A_95 = arith.constant 0 : i32
        %dma_start3A_96 = arith.constant 0 : i32
        %dma_start3A_97 = tpu.memref_slice %arg11[%dma_start3A_95, %dma_start3A_96] : memref<10240x128xf32, #tpu.memory_space<vmem_shared>> -> memref<10240x128xf32, #tpu.memory_space<vmem_shared>>
        tpu.enqueue_indirect_dma source(%arg8 : memref<128x128xf32, #tpu.memory_space<vmem>>) target(%dma_start3A_97 : memref<10240x128xf32, #tpu.memory_space<vmem_shared>>) offsets(%dma_start3A_94 : memref<128xi32, #tpu.memory_space<vmem>>) semaphore(%run_scoped3A_91 : memref<!tpu.dma_semaphore, #tpu.memory_space<semaphore_mem>>) {add = true}
        %dma_wait3A_98 = arith.constant 0 : i32
        %dma_wait3A_99 = tpu.memref_slice %arg6[%mul3A_54, %dma_wait3A_98] : memref<78x128xi32, #tpu.memory_space<vmem>> -> memref<1x128xi32, #tpu.memory_space<vmem>>
        %dma_wait3A_100 = tpu.memref_squeeze %dma_wait3A_99 : memref<1x128xi32, #tpu.memory_space<vmem>> -> memref<128xi32, #tpu.memory_space<vmem>>
        %dma_wait3A_101 = arith.constant 0 : i32
        %dma_wait3A_102 = arith.constant 0 : i32
        %dma_wait3A_103 = tpu.memref_slice %arg11[%dma_wait3A_101, %dma_wait3A_102] : memref<10240x128xf32, #tpu.memory_space<vmem_shared>> -> memref<10240x128xf32, #tpu.memory_space<vmem_shared>>
        tpu.wait_indirect_dma semaphore(%run_scoped3A_91 : memref<!tpu.dma_semaphore, #tpu.memory_space<semaphore_mem>>) src(%arg8 : memref<128x128xf32, #tpu.memory_space<vmem>>) dst(%dma_wait3A_103 : memref<10240x128xf32, #tpu.memory_space<vmem_shared>>)
        tpu.yield
      }) : () -> ()
      %add3A_66 = arith.constant 2 : i32
      %add3A_67 = arith.addi %mul3A_54, %add3A_66 : i32
      %mul3A_68 = arith.constant 128 : i32
      %mul3A_69 = arith.muli %add3A_67, %mul3A_68 : i32
      %add3A_70 = arith.addi %add3A_4, %mul3A_69 : i32
      %dma_start3A_71 = arith.constant 0 : i32
      %dma_start3A_72 = tpu.memref_slice %arg4[%add3A_70, %dma_start3A_71] : memref<320000x128xf32, #tpu.memory_space<hbm>> -> memref<128x128xf32, #tpu.memory_space<hbm>>
      %dma_start3A_73 = arith.constant 0 : i32
      %dma_start3A_74 = tpu.memref_slice %arg4[%add3A_70, %dma_start3A_73] : memref<320000x128xf32, #tpu.memory_space<hbm>> -> memref<128x128xf32, #tpu.memory_space<hbm>>
      tpu.enqueue_dma source(%dma_start3A_74 : memref<128x128xf32, #tpu.memory_space<hbm>>) target(%arg8 : memref<128x128xf32, #tpu.memory_space<vmem>>) target_semaphore(%arg12 : memref<!tpu.dma_semaphore, #tpu.memory_space<semaphore_mem>>)
      %mul3A_75 = arith.constant 128 : i32
      %mul3A_76 = arith.muli %add3A_58, %mul3A_75 : i32
      %add3A_77 = arith.addi %add3A_4, %mul3A_76 : i32
      %dma_wait3A_78 = arith.constant 0 : i32
      %dma_wait3A_79 = tpu.memref_slice %arg4[%add3A_77, %dma_wait3A_78] : memref<320000x128xf32, #tpu.memory_space<hbm>> -> memref<128x128xf32, #tpu.memory_space<hbm>>
      %dma_wait3A_80 = arith.constant 0 : i32
      %dma_wait3A_81 = tpu.memref_slice %arg4[%add3A_77, %dma_wait3A_80] : memref<320000x128xf32, #tpu.memory_space<hbm>> -> memref<128x128xf32, #tpu.memory_space<hbm>>
      tpu.wait_dma2 semaphore(%arg13 : memref<!tpu.dma_semaphore, #tpu.memory_space<semaphore_mem>>) src(%dma_wait3A_81 : memref<128x128xf32, #tpu.memory_space<hbm>>) dst(%arg9 : memref<128x128xf32, #tpu.memory_space<vmem>>)
      "tpu.region"() ({
        %run_scoped3A_91 = tpu.sem_alloc : memref<!tpu.dma_semaphore, #tpu.memory_space<semaphore_mem>>
        %dma_start3A_92 = arith.constant 0 : i32
        %dma_start3A_93 = tpu.memref_slice %arg6[%add3A_58, %dma_start3A_92] : memref<78x128xi32, #tpu.memory_space<vmem>> -> memref<1x128xi32, #tpu.memory_space<vmem>>
        %dma_start3A_94 = tpu.memref_squeeze %dma_start3A_93 : memref<1x128xi32, #tpu.memory_space<vmem>> -> memref<128xi32, #tpu.memory_space<vmem>>
        %dma_start3A_95 = arith.constant 0 : i32
        %dma_start3A_96 = arith.constant 0 : i32
        %dma_start3A_97 = tpu.memref_slice %arg11[%dma_start3A_95, %dma_start3A_96] : memref<10240x128xf32, #tpu.memory_space<vmem_shared>> -> memref<10240x128xf32, #tpu.memory_space<vmem_shared>>
        tpu.enqueue_indirect_dma source(%arg9 : memref<128x128xf32, #tpu.memory_space<vmem>>) target(%dma_start3A_97 : memref<10240x128xf32, #tpu.memory_space<vmem_shared>>) offsets(%dma_start3A_94 : memref<128xi32, #tpu.memory_space<vmem>>) semaphore(%run_scoped3A_91 : memref<!tpu.dma_semaphore, #tpu.memory_space<semaphore_mem>>) {add = true}
        %dma_wait3A_98 = arith.constant 0 : i32
        %dma_wait3A_99 = tpu.memref_slice %arg6[%add3A_58, %dma_wait3A_98] : memref<78x128xi32, #tpu.memory_space<vmem>> -> memref<1x128xi32, #tpu.memory_space<vmem>>
        %dma_wait3A_100 = tpu.memref_squeeze %dma_wait3A_99 : memref<1x128xi32, #tpu.memory_space<vmem>> -> memref<128xi32, #tpu.memory_space<vmem>>
        %dma_wait3A_101 = arith.constant 0 : i32
        %dma_wait3A_102 = arith.constant 0 : i32
        %dma_wait3A_103 = tpu.memref_slice %arg11[%dma_wait3A_101, %dma_wait3A_102] : memref<10240x128xf32, #tpu.memory_space<vmem_shared>> -> memref<10240x128xf32, #tpu.memory_space<vmem_shared>>
        tpu.wait_indirect_dma semaphore(%run_scoped3A_91 : memref<!tpu.dma_semaphore, #tpu.memory_space<semaphore_mem>>) src(%arg9 : memref<128x128xf32, #tpu.memory_space<vmem>>) dst(%dma_wait3A_103 : memref<10240x128xf32, #tpu.memory_space<vmem_shared>>)
        tpu.yield
      }) : () -> ()
      %add3A_82 = arith.constant 2 : i32
      %add3A_83 = arith.addi %add3A_58, %add3A_82 : i32
      %mul3A_84 = arith.constant 128 : i32
      %mul3A_85 = arith.muli %add3A_83, %mul3A_84 : i32
      %add3A_86 = arith.addi %add3A_4, %mul3A_85 : i32
      %dma_start3A_87 = arith.constant 0 : i32
      %dma_start3A_88 = tpu.memref_slice %arg4[%add3A_86, %dma_start3A_87] : memref<320000x128xf32, #tpu.memory_space<hbm>> -> memref<128x128xf32, #tpu.memory_space<hbm>>
      %dma_start3A_89 = arith.constant 0 : i32
      %dma_start3A_90 = tpu.memref_slice %arg4[%add3A_86, %dma_start3A_89] : memref<320000x128xf32, #tpu.memory_space<hbm>> -> memref<128x128xf32, #tpu.memory_space<hbm>>
      tpu.enqueue_dma source(%dma_start3A_90 : memref<128x128xf32, #tpu.memory_space<hbm>>) target(%arg9 : memref<128x128xf32, #tpu.memory_space<vmem>>) target_semaphore(%arg13 : memref<!tpu.dma_semaphore, #tpu.memory_space<semaphore_mem>>)
    }
    %scan3A_36 = arith.constant 38 : i32
    %add3A_37 = arith.constant 9728 : i32
    %add3A_38 = arith.addi %add3A_4, %add3A_37 : i32
    %dma_wait3A = arith.constant 0 : i32
    %dma_wait3A_39 = tpu.memref_slice %arg4[%add3A_38, %dma_wait3A] : memref<320000x128xf32, #tpu.memory_space<hbm>> -> memref<128x128xf32, #tpu.memory_space<hbm>>
    %dma_wait3A_40 = arith.constant 0 : i32
    %dma_wait3A_41 = tpu.memref_slice %arg4[%add3A_38, %dma_wait3A_40] : memref<320000x128xf32, #tpu.memory_space<hbm>> -> memref<128x128xf32, #tpu.memory_space<hbm>>
    tpu.wait_dma2 semaphore(%arg12 : memref<!tpu.dma_semaphore, #tpu.memory_space<semaphore_mem>>) src(%dma_wait3A_41 : memref<128x128xf32, #tpu.memory_space<hbm>>) dst(%arg8 : memref<128x128xf32, #tpu.memory_space<vmem>>)
    %run_scoped3A = arith.constant 76 : i32
    "tpu.region"() ({
      %run_scoped3A_52 = tpu.sem_alloc : memref<!tpu.dma_semaphore, #tpu.memory_space<semaphore_mem>>
      %dma_start3A_53 = arith.constant 0 : i32
      %dma_start3A_54 = tpu.memref_slice %arg6[%run_scoped3A, %dma_start3A_53] : memref<78x128xi32, #tpu.memory_space<vmem>> -> memref<1x128xi32, #tpu.memory_space<vmem>>
      %dma_start3A_55 = tpu.memref_squeeze %dma_start3A_54 : memref<1x128xi32, #tpu.memory_space<vmem>> -> memref<128xi32, #tpu.memory_space<vmem>>
      %dma_start3A_56 = arith.constant 0 : i32
      %dma_start3A_57 = arith.constant 0 : i32
      %dma_start3A_58 = tpu.memref_slice %arg11[%dma_start3A_56, %dma_start3A_57] : memref<10240x128xf32, #tpu.memory_space<vmem_shared>> -> memref<10240x128xf32, #tpu.memory_space<vmem_shared>>
      tpu.enqueue_indirect_dma source(%arg8 : memref<128x128xf32, #tpu.memory_space<vmem>>) target(%dma_start3A_58 : memref<10240x128xf32, #tpu.memory_space<vmem_shared>>) offsets(%dma_start3A_55 : memref<128xi32, #tpu.memory_space<vmem>>) semaphore(%run_scoped3A_52 : memref<!tpu.dma_semaphore, #tpu.memory_space<semaphore_mem>>) {add = true}
      %dma_wait3A_59 = arith.constant 0 : i32
      %dma_wait3A_60 = tpu.memref_slice %arg6[%run_scoped3A, %dma_wait3A_59] : memref<78x128xi32, #tpu.memory_space<vmem>> -> memref<1x128xi32, #tpu.memory_space<vmem>>
      %dma_wait3A_61 = tpu.memref_squeeze %dma_wait3A_60 : memref<1x128xi32, #tpu.memory_space<vmem>> -> memref<128xi32, #tpu.memory_space<vmem>>
      %dma_wait3A_62 = arith.constant 0 : i32
      %dma_wait3A_63 = arith.constant 0 : i32
      %dma_wait3A_64 = tpu.memref_slice %arg11[%dma_wait3A_62, %dma_wait3A_63] : memref<10240x128xf32, #tpu.memory_space<vmem_shared>> -> memref<10240x128xf32, #tpu.memory_space<vmem_shared>>
      tpu.wait_indirect_dma semaphore(%run_scoped3A_52 : memref<!tpu.dma_semaphore, #tpu.memory_space<semaphore_mem>>) src(%arg8 : memref<128x128xf32, #tpu.memory_space<vmem>>) dst(%dma_wait3A_64 : memref<10240x128xf32, #tpu.memory_space<vmem_shared>>)
      tpu.yield
    }) : () -> ()
    %add3A_42 = arith.constant 9856 : i32
    %add3A_43 = arith.addi %add3A_4, %add3A_42 : i32
    %dma_wait3A_44 = arith.constant 0 : i32
    %dma_wait3A_45 = tpu.memref_slice %arg4[%add3A_43, %dma_wait3A_44] : memref<320000x128xf32, #tpu.memory_space<hbm>> -> memref<128x128xf32, #tpu.memory_space<hbm>>
    %dma_wait3A_46 = arith.constant 0 : i32
    %dma_wait3A_47 = tpu.memref_slice %arg4[%add3A_43, %dma_wait3A_46] : memref<320000x128xf32, #tpu.memory_space<hbm>> -> memref<128x128xf32, #tpu.memory_space<hbm>>
    tpu.wait_dma2 semaphore(%arg13 : memref<!tpu.dma_semaphore, #tpu.memory_space<semaphore_mem>>) src(%dma_wait3A_47 : memref<128x128xf32, #tpu.memory_space<hbm>>) dst(%arg9 : memref<128x128xf32, #tpu.memory_space<vmem>>)
    %run_scoped3A_48 = arith.constant 77 : i32
    "tpu.region"() ({
      %run_scoped3A_52 = tpu.sem_alloc : memref<!tpu.dma_semaphore, #tpu.memory_space<semaphore_mem>>
      %dma_start3A_53 = arith.constant 0 : i32
      %dma_start3A_54 = tpu.memref_slice %arg6[%run_scoped3A_48, %dma_start3A_53] : memref<78x128xi32, #tpu.memory_space<vmem>> -> memref<1x128xi32, #tpu.memory_space<vmem>>
      %dma_start3A_55 = tpu.memref_squeeze %dma_start3A_54 : memref<1x128xi32, #tpu.memory_space<vmem>> -> memref<128xi32, #tpu.memory_space<vmem>>
      %dma_start3A_56 = arith.constant 0 : i32
      %dma_start3A_57 = arith.constant 0 : i32
      %dma_start3A_58 = tpu.memref_slice %arg11[%dma_start3A_56, %dma_start3A_57] : memref<10240x128xf32, #tpu.memory_space<vmem_shared>> -> memref<10240x128xf32, #tpu.memory_space<vmem_shared>>
      tpu.enqueue_indirect_dma source(%arg9 : memref<128x128xf32, #tpu.memory_space<vmem>>) target(%dma_start3A_58 : memref<10240x128xf32, #tpu.memory_space<vmem_shared>>) offsets(%dma_start3A_55 : memref<128xi32, #tpu.memory_space<vmem>>) semaphore(%run_scoped3A_52 : memref<!tpu.dma_semaphore, #tpu.memory_space<semaphore_mem>>) {add = true}
      %dma_wait3A_59 = arith.constant 0 : i32
      %dma_wait3A_60 = tpu.memref_slice %arg6[%run_scoped3A_48, %dma_wait3A_59] : memref<78x128xi32, #tpu.memory_space<vmem>> -> memref<1x128xi32, #tpu.memory_space<vmem>>
      %dma_wait3A_61 = tpu.memref_squeeze %dma_wait3A_60 : memref<1x128xi32, #tpu.memory_space<vmem>> -> memref<128xi32, #tpu.memory_space<vmem>>
      %dma_wait3A_62 = arith.constant 0 : i32
      %dma_wait3A_63 = arith.constant 0 : i32
      %dma_wait3A_64 = tpu.memref_slice %arg11[%dma_wait3A_62, %dma_wait3A_63] : memref<10240x128xf32, #tpu.memory_space<vmem_shared>> -> memref<10240x128xf32, #tpu.memory_space<vmem_shared>>
      tpu.wait_indirect_dma semaphore(%run_scoped3A_52 : memref<!tpu.dma_semaphore, #tpu.memory_space<semaphore_mem>>) src(%arg9 : memref<128x128xf32, #tpu.memory_space<vmem>>) dst(%dma_wait3A_64 : memref<10240x128xf32, #tpu.memory_space<vmem_shared>>)
      tpu.yield
    }) : () -> ()
    %add3A_49 = arith.constant 9984 : i32
    %add3A_50 = arith.addi %add3A_4, %add3A_49 : i32
    "tpu.region"() ({
      %run_scoped3A_52 = tpu.sem_alloc : memref<!tpu.dma_semaphore, #tpu.memory_space<semaphore_mem>>
      %dma_start3A_53 = arith.constant 0 : i32
      %dma_start3A_54 = tpu.memref_slice %arg4[%add3A_50, %dma_start3A_53] : memref<320000x128xf32, #tpu.memory_space<hbm>> -> memref<16x128xf32, #tpu.memory_space<hbm>>
      %dma_start3A_55 = arith.constant 0 : i32
      %dma_start3A_56 = tpu.memref_slice %arg4[%add3A_50, %dma_start3A_55] : memref<320000x128xf32, #tpu.memory_space<hbm>> -> memref<16x128xf32, #tpu.memory_space<hbm>>
      tpu.enqueue_dma source(%dma_start3A_56 : memref<16x128xf32, #tpu.memory_space<hbm>>) target(%arg10 : memref<16x128xf32, #tpu.memory_space<vmem>>) target_semaphore(%run_scoped3A_52 : memref<!tpu.dma_semaphore, #tpu.memory_space<semaphore_mem>>)
      %dma_wait3A_57 = arith.constant 0 : i32
      %dma_wait3A_58 = tpu.memref_slice %arg4[%add3A_50, %dma_wait3A_57] : memref<320000x128xf32, #tpu.memory_space<hbm>> -> memref<16x128xf32, #tpu.memory_space<hbm>>
      %dma_wait3A_59 = arith.constant 0 : i32
      %dma_wait3A_60 = tpu.memref_slice %arg4[%add3A_50, %dma_wait3A_59] : memref<320000x128xf32, #tpu.memory_space<hbm>> -> memref<16x128xf32, #tpu.memory_space<hbm>>
      tpu.wait_dma2 semaphore(%run_scoped3A_52 : memref<!tpu.dma_semaphore, #tpu.memory_space<semaphore_mem>>) src(%dma_wait3A_60 : memref<16x128xf32, #tpu.memory_space<hbm>>) dst(%arg10 : memref<16x128xf32, #tpu.memory_space<vmem>>)
      tpu.yield
    }) : () -> ()
    "tpu.region"() ({
      %run_scoped3A_52 = tpu.sem_alloc : memref<!tpu.dma_semaphore, #tpu.memory_space<semaphore_mem>>
      %dma_start3A_53 = arith.constant 0 : i32
      %dma_start3A_54 = arith.constant 0 : i32
      %dma_start3A_55 = tpu.memref_slice %arg11[%dma_start3A_53, %dma_start3A_54] : memref<10240x128xf32, #tpu.memory_space<vmem_shared>> -> memref<10240x128xf32, #tpu.memory_space<vmem_shared>>
      tpu.enqueue_indirect_dma source(%arg10 : memref<16x128xf32, #tpu.memory_space<vmem>>) target(%dma_start3A_55 : memref<10240x128xf32, #tpu.memory_space<vmem_shared>>) offsets(%arg7 : memref<16xi32, #tpu.memory_space<vmem>>) semaphore(%run_scoped3A_52 : memref<!tpu.dma_semaphore, #tpu.memory_space<semaphore_mem>>) {add = true}
      %dma_wait3A_56 = arith.constant 0 : i32
      %dma_wait3A_57 = arith.constant 0 : i32
      %dma_wait3A_58 = tpu.memref_slice %arg11[%dma_wait3A_56, %dma_wait3A_57] : memref<10240x128xf32, #tpu.memory_space<vmem_shared>> -> memref<10240x128xf32, #tpu.memory_space<vmem_shared>>
      tpu.wait_indirect_dma semaphore(%run_scoped3A_52 : memref<!tpu.dma_semaphore, #tpu.memory_space<semaphore_mem>>) src(%arg10 : memref<16x128xf32, #tpu.memory_space<vmem>>) dst(%dma_wait3A_58 : memref<10240x128xf32, #tpu.memory_space<vmem_shared>>)
      tpu.yield
    }) : () -> ()
    %barrier3A_51 = arith.constant 0 : index
    tpu.barrier barrier_id(%barrier3A_51)
    "tpu.region"() ({
      %run_scoped3A_52 = tpu.sem_alloc : memref<!tpu.dma_semaphore, #tpu.memory_space<semaphore_mem>>
      %dma_start3A_53 = arith.constant 0 : i32
      %dma_start3A_54 = tpu.memref_slice %arg5[%arg0, %mul3A_11, %dma_start3A_53] : memref<2x10240x128xf32, #tpu.memory_space<hbm>> -> memref<1x640x128xf32, #tpu.memory_space<hbm>>
      %dma_start3A_55 = tpu.memref_squeeze %dma_start3A_54 : memref<1x640x128xf32, #tpu.memory_space<hbm>> -> memref<640x128xf32, #tpu.memory_space<hbm>>
      %dma_start3A_56 = arith.constant 0 : i32
      %dma_start3A_57 = tpu.memref_slice %arg11[%mul3A_11, %dma_start3A_56] : memref<10240x128xf32, #tpu.memory_space<vmem_shared>> -> memref<640x128xf32, #tpu.memory_space<vmem_shared>>
      tpu.enqueue_dma source(%dma_start3A_57 : memref<640x128xf32, #tpu.memory_space<vmem_shared>>) target(%dma_start3A_55 : memref<640x128xf32, #tpu.memory_space<hbm>>) target_semaphore(%run_scoped3A_52 : memref<!tpu.dma_semaphore, #tpu.memory_space<semaphore_mem>>)
      %dma_wait3A_58 = arith.constant 0 : i32
      %dma_wait3A_59 = tpu.memref_slice %arg5[%arg0, %mul3A_11, %dma_wait3A_58] : memref<2x10240x128xf32, #tpu.memory_space<hbm>> -> memref<1x640x128xf32, #tpu.memory_space<hbm>>
      %dma_wait3A_60 = tpu.memref_squeeze %dma_wait3A_59 : memref<1x640x128xf32, #tpu.memory_space<hbm>> -> memref<640x128xf32, #tpu.memory_space<hbm>>
      %dma_wait3A_61 = arith.constant 0 : i32
      %dma_wait3A_62 = tpu.memref_slice %arg11[%mul3A_11, %dma_wait3A_61] : memref<10240x128xf32, #tpu.memory_space<vmem_shared>> -> memref<640x128xf32, #tpu.memory_space<vmem_shared>>
      tpu.wait_dma2 semaphore(%run_scoped3A_52 : memref<!tpu.dma_semaphore, #tpu.memory_space<semaphore_mem>>) src(%dma_wait3A_62 : memref<640x128xf32, #tpu.memory_space<vmem_shared>>) dst(%dma_wait3A_60 : memref<640x128xf32, #tpu.memory_space<hbm>>)
      tpu.yield
    }) : () -> ()
    return
  }
}

#map = affine_map<(d0, d1) -> (0, 0, 0)>
#map1 = affine_map<(d0, d1) -> (0, 0)>
module attributes {stable_mosaic.version = 14 : i64} {
  func.func @_body(%arg0: i32, %arg1: i32, %arg2: memref<32x28x128xi32, #tpu.memory_space<hbm>>, %arg3: memref<32x28x128xi32, #tpu.memory_space<hbm>>, %arg4: memref<32x16xi32, #tpu.memory_space<hbm>>, %arg5: memref<32x16xi32, #tpu.memory_space<hbm>>, %arg6: memref<10000x128xf32, #tpu.memory_space<hbm>>, %arg7: memref<10000x128xf32, #tpu.memory_space<hbm>>, %arg8: memref<115200x128xf32, #tpu.memory_space<hbm>>, %arg9: memref<28x128xi32, #tpu.memory_space<vmem>>, %arg10: memref<28x128xi32, #tpu.memory_space<vmem>>, %arg11: memref<16xi32, #tpu.memory_space<vmem>>, %arg12: memref<16xi32, #tpu.memory_space<vmem>>, %arg13: memref<128x128xf32, #tpu.memory_space<vmem>>, %arg14: memref<128x128xf32, #tpu.memory_space<vmem>>, %arg15: memref<128x128xf32, #tpu.memory_space<vmem>>, %arg16: memref<128x128xf32, #tpu.memory_space<vmem>>, %arg17: memref<!tpu.dma_semaphore, #tpu.memory_space<semaphore_mem>>, %arg18: memref<!tpu.dma_semaphore, #tpu.memory_space<semaphore_mem>>, %arg19: memref<!tpu.dma_semaphore, #tpu.memory_space<semaphore_mem>>, %arg20: memref<!tpu.dma_semaphore, #tpu.memory_space<semaphore_mem>>, %arg21: memref<!tpu.dma_semaphore, #tpu.memory_space<semaphore_mem>>, %arg22: memref<!tpu.dma_semaphore, #tpu.memory_space<semaphore_mem>>) attributes {dimension_semantics = [#tpu.dimension_semantics<core_parallel>, #tpu.dimension_semantics<subcore_parallel>], iteration_bounds = array<i64: 2, 16>, scalar_prefetch = 0 : i64, scratch_operands = 14 : i64, tpu.core_type = #tpu.core_type<sc_vector_subcore>, window_params = [{transform_indices = #map}, {transform_indices = #map}, {transform_indices = #map1}, {transform_indices = #map1}, {transform_indices = #map1}, {transform_indices = #map1}, {transform_indices = #map1}]} {
    %mul3A = arith.constant 2 : i32
    %mul3A_0 = arith.muli %arg1, %mul3A : i32
    %add3A = arith.addi %mul3A_0, %arg0 : i32
    %mul3A_1 = arith.constant 3600 : i32
    %mul3A_2 = arith.muli %add3A, %mul3A_1 : i32
    "tpu.region"() ({
      %run_scoped3A = tpu.sem_alloc : memref<!tpu.dma_semaphore, #tpu.memory_space<semaphore_mem>>
      %dma_start3A_110 = arith.constant 0 : i32
      %dma_start3A_111 = arith.constant 0 : i32
      %dma_start3A_112 = tpu.memref_slice %arg2[%add3A, %dma_start3A_110, %dma_start3A_111] : memref<32x28x128xi32, #tpu.memory_space<hbm>> -> memref<1x28x128xi32, #tpu.memory_space<hbm>>
      %dma_start3A_113 = tpu.memref_squeeze %dma_start3A_112 : memref<1x28x128xi32, #tpu.memory_space<hbm>> -> memref<28x128xi32, #tpu.memory_space<hbm>>
      %dma_start3A_114 = arith.constant 0 : i32
      %dma_start3A_115 = arith.constant 0 : i32
      %dma_start3A_116 = tpu.memref_slice %arg2[%add3A, %dma_start3A_114, %dma_start3A_115] : memref<32x28x128xi32, #tpu.memory_space<hbm>> -> memref<1x28x128xi32, #tpu.memory_space<hbm>>
      %dma_start3A_117 = tpu.memref_squeeze %dma_start3A_116 : memref<1x28x128xi32, #tpu.memory_space<hbm>> -> memref<28x128xi32, #tpu.memory_space<hbm>>
      tpu.enqueue_dma source(%dma_start3A_117 : memref<28x128xi32, #tpu.memory_space<hbm>>) target(%arg9 : memref<28x128xi32, #tpu.memory_space<vmem>>) target_semaphore(%run_scoped3A : memref<!tpu.dma_semaphore, #tpu.memory_space<semaphore_mem>>)
      %dma_wait3A_118 = arith.constant 0 : i32
      %dma_wait3A_119 = arith.constant 0 : i32
      %dma_wait3A_120 = tpu.memref_slice %arg2[%add3A, %dma_wait3A_118, %dma_wait3A_119] : memref<32x28x128xi32, #tpu.memory_space<hbm>> -> memref<1x28x128xi32, #tpu.memory_space<hbm>>
      %dma_wait3A_121 = tpu.memref_squeeze %dma_wait3A_120 : memref<1x28x128xi32, #tpu.memory_space<hbm>> -> memref<28x128xi32, #tpu.memory_space<hbm>>
      %dma_wait3A_122 = arith.constant 0 : i32
      %dma_wait3A_123 = arith.constant 0 : i32
      %dma_wait3A_124 = tpu.memref_slice %arg2[%add3A, %dma_wait3A_122, %dma_wait3A_123] : memref<32x28x128xi32, #tpu.memory_space<hbm>> -> memref<1x28x128xi32, #tpu.memory_space<hbm>>
      %dma_wait3A_125 = tpu.memref_squeeze %dma_wait3A_124 : memref<1x28x128xi32, #tpu.memory_space<hbm>> -> memref<28x128xi32, #tpu.memory_space<hbm>>
      tpu.wait_dma2 semaphore(%run_scoped3A : memref<!tpu.dma_semaphore, #tpu.memory_space<semaphore_mem>>) src(%dma_wait3A_125 : memref<28x128xi32, #tpu.memory_space<hbm>>) dst(%arg9 : memref<28x128xi32, #tpu.memory_space<vmem>>)
      tpu.yield
    }) : () -> ()
    "tpu.region"() ({
      %run_scoped3A = tpu.sem_alloc : memref<!tpu.dma_semaphore, #tpu.memory_space<semaphore_mem>>
      %dma_start3A_110 = arith.constant 0 : i32
      %dma_start3A_111 = arith.constant 0 : i32
      %dma_start3A_112 = tpu.memref_slice %arg3[%add3A, %dma_start3A_110, %dma_start3A_111] : memref<32x28x128xi32, #tpu.memory_space<hbm>> -> memref<1x28x128xi32, #tpu.memory_space<hbm>>
      %dma_start3A_113 = tpu.memref_squeeze %dma_start3A_112 : memref<1x28x128xi32, #tpu.memory_space<hbm>> -> memref<28x128xi32, #tpu.memory_space<hbm>>
      %dma_start3A_114 = arith.constant 0 : i32
      %dma_start3A_115 = arith.constant 0 : i32
      %dma_start3A_116 = tpu.memref_slice %arg3[%add3A, %dma_start3A_114, %dma_start3A_115] : memref<32x28x128xi32, #tpu.memory_space<hbm>> -> memref<1x28x128xi32, #tpu.memory_space<hbm>>
      %dma_start3A_117 = tpu.memref_squeeze %dma_start3A_116 : memref<1x28x128xi32, #tpu.memory_space<hbm>> -> memref<28x128xi32, #tpu.memory_space<hbm>>
      tpu.enqueue_dma source(%dma_start3A_117 : memref<28x128xi32, #tpu.memory_space<hbm>>) target(%arg10 : memref<28x128xi32, #tpu.memory_space<vmem>>) target_semaphore(%run_scoped3A : memref<!tpu.dma_semaphore, #tpu.memory_space<semaphore_mem>>)
      %dma_wait3A_118 = arith.constant 0 : i32
      %dma_wait3A_119 = arith.constant 0 : i32
      %dma_wait3A_120 = tpu.memref_slice %arg3[%add3A, %dma_wait3A_118, %dma_wait3A_119] : memref<32x28x128xi32, #tpu.memory_space<hbm>> -> memref<1x28x128xi32, #tpu.memory_space<hbm>>
      %dma_wait3A_121 = tpu.memref_squeeze %dma_wait3A_120 : memref<1x28x128xi32, #tpu.memory_space<hbm>> -> memref<28x128xi32, #tpu.memory_space<hbm>>
      %dma_wait3A_122 = arith.constant 0 : i32
      %dma_wait3A_123 = arith.constant 0 : i32
      %dma_wait3A_124 = tpu.memref_slice %arg3[%add3A, %dma_wait3A_122, %dma_wait3A_123] : memref<32x28x128xi32, #tpu.memory_space<hbm>> -> memref<1x28x128xi32, #tpu.memory_space<hbm>>
      %dma_wait3A_125 = tpu.memref_squeeze %dma_wait3A_124 : memref<1x28x128xi32, #tpu.memory_space<hbm>> -> memref<28x128xi32, #tpu.memory_space<hbm>>
      tpu.wait_dma2 semaphore(%run_scoped3A : memref<!tpu.dma_semaphore, #tpu.memory_space<semaphore_mem>>) src(%dma_wait3A_125 : memref<28x128xi32, #tpu.memory_space<hbm>>) dst(%arg10 : memref<28x128xi32, #tpu.memory_space<vmem>>)
      tpu.yield
    }) : () -> ()
    "tpu.region"() ({
      %run_scoped3A = tpu.sem_alloc : memref<!tpu.dma_semaphore, #tpu.memory_space<semaphore_mem>>
      %dma_start3A_110 = arith.constant 0 : i32
      %dma_start3A_111 = tpu.memref_slice %arg4[%add3A, %dma_start3A_110] : memref<32x16xi32, #tpu.memory_space<hbm>> -> memref<1x16xi32, #tpu.memory_space<hbm>>
      %dma_start3A_112 = tpu.memref_squeeze %dma_start3A_111 : memref<1x16xi32, #tpu.memory_space<hbm>> -> memref<16xi32, #tpu.memory_space<hbm>>
      %dma_start3A_113 = arith.constant 0 : i32
      %dma_start3A_114 = tpu.memref_slice %arg4[%add3A, %dma_start3A_113] : memref<32x16xi32, #tpu.memory_space<hbm>> -> memref<1x16xi32, #tpu.memory_space<hbm>>
      %dma_start3A_115 = tpu.memref_squeeze %dma_start3A_114 : memref<1x16xi32, #tpu.memory_space<hbm>> -> memref<16xi32, #tpu.memory_space<hbm>>
      tpu.enqueue_dma source(%dma_start3A_115 : memref<16xi32, #tpu.memory_space<hbm>>) target(%arg11 : memref<16xi32, #tpu.memory_space<vmem>>) target_semaphore(%run_scoped3A : memref<!tpu.dma_semaphore, #tpu.memory_space<semaphore_mem>>)
      %dma_wait3A_116 = arith.constant 0 : i32
      %dma_wait3A_117 = tpu.memref_slice %arg4[%add3A, %dma_wait3A_116] : memref<32x16xi32, #tpu.memory_space<hbm>> -> memref<1x16xi32, #tpu.memory_space<hbm>>
      %dma_wait3A_118 = tpu.memref_squeeze %dma_wait3A_117 : memref<1x16xi32, #tpu.memory_space<hbm>> -> memref<16xi32, #tpu.memory_space<hbm>>
      %dma_wait3A_119 = arith.constant 0 : i32
      %dma_wait3A_120 = tpu.memref_slice %arg4[%add3A, %dma_wait3A_119] : memref<32x16xi32, #tpu.memory_space<hbm>> -> memref<1x16xi32, #tpu.memory_space<hbm>>
      %dma_wait3A_121 = tpu.memref_squeeze %dma_wait3A_120 : memref<1x16xi32, #tpu.memory_space<hbm>> -> memref<16xi32, #tpu.memory_space<hbm>>
      tpu.wait_dma2 semaphore(%run_scoped3A : memref<!tpu.dma_semaphore, #tpu.memory_space<semaphore_mem>>) src(%dma_wait3A_121 : memref<16xi32, #tpu.memory_space<hbm>>) dst(%arg11 : memref<16xi32, #tpu.memory_space<vmem>>)
      tpu.yield
    }) : () -> ()
    "tpu.region"() ({
      %run_scoped3A = tpu.sem_alloc : memref<!tpu.dma_semaphore, #tpu.memory_space<semaphore_mem>>
      %dma_start3A_110 = arith.constant 0 : i32
      %dma_start3A_111 = tpu.memref_slice %arg5[%add3A, %dma_start3A_110] : memref<32x16xi32, #tpu.memory_space<hbm>> -> memref<1x16xi32, #tpu.memory_space<hbm>>
      %dma_start3A_112 = tpu.memref_squeeze %dma_start3A_111 : memref<1x16xi32, #tpu.memory_space<hbm>> -> memref<16xi32, #tpu.memory_space<hbm>>
      %dma_start3A_113 = arith.constant 0 : i32
      %dma_start3A_114 = tpu.memref_slice %arg5[%add3A, %dma_start3A_113] : memref<32x16xi32, #tpu.memory_space<hbm>> -> memref<1x16xi32, #tpu.memory_space<hbm>>
      %dma_start3A_115 = tpu.memref_squeeze %dma_start3A_114 : memref<1x16xi32, #tpu.memory_space<hbm>> -> memref<16xi32, #tpu.memory_space<hbm>>
      tpu.enqueue_dma source(%dma_start3A_115 : memref<16xi32, #tpu.memory_space<hbm>>) target(%arg12 : memref<16xi32, #tpu.memory_space<vmem>>) target_semaphore(%run_scoped3A : memref<!tpu.dma_semaphore, #tpu.memory_space<semaphore_mem>>)
      %dma_wait3A_116 = arith.constant 0 : i32
      %dma_wait3A_117 = tpu.memref_slice %arg5[%add3A, %dma_wait3A_116] : memref<32x16xi32, #tpu.memory_space<hbm>> -> memref<1x16xi32, #tpu.memory_space<hbm>>
      %dma_wait3A_118 = tpu.memref_squeeze %dma_wait3A_117 : memref<1x16xi32, #tpu.memory_space<hbm>> -> memref<16xi32, #tpu.memory_space<hbm>>
      %dma_wait3A_119 = arith.constant 0 : i32
      %dma_wait3A_120 = tpu.memref_slice %arg5[%add3A, %dma_wait3A_119] : memref<32x16xi32, #tpu.memory_space<hbm>> -> memref<1x16xi32, #tpu.memory_space<hbm>>
      %dma_wait3A_121 = tpu.memref_squeeze %dma_wait3A_120 : memref<1x16xi32, #tpu.memory_space<hbm>> -> memref<16xi32, #tpu.memory_space<hbm>>
      tpu.wait_dma2 semaphore(%run_scoped3A : memref<!tpu.dma_semaphore, #tpu.memory_space<semaphore_mem>>) src(%dma_wait3A_121 : memref<16xi32, #tpu.memory_space<hbm>>) dst(%arg12 : memref<16xi32, #tpu.memory_space<vmem>>)
      tpu.yield
    }) : () -> ()
    %dma_start3A = arith.constant 0 : i32
    %dma_start3A_3 = arith.constant 0 : i32
    %dma_start3A_4 = tpu.memref_slice %arg9[%dma_start3A, %dma_start3A_3] : memref<28x128xi32, #tpu.memory_space<vmem>> -> memref<1x128xi32, #tpu.memory_space<vmem>>
    %dma_start3A_5 = tpu.memref_squeeze %dma_start3A_4 : memref<1x128xi32, #tpu.memory_space<vmem>> -> memref<128xi32, #tpu.memory_space<vmem>>
    %dma_start3A_6 = arith.constant 0 : i32
    %dma_start3A_7 = arith.constant 0 : i32
    %dma_start3A_8 = tpu.memref_slice %arg6[%dma_start3A_6, %dma_start3A_7] : memref<10000x128xf32, #tpu.memory_space<hbm>> -> memref<10000x128xf32, #tpu.memory_space<hbm>>
    tpu.enqueue_indirect_dma source(%dma_start3A_8 : memref<10000x128xf32, #tpu.memory_space<hbm>>) target(%arg13 : memref<128x128xf32, #tpu.memory_space<vmem>>) offsets(%dma_start3A_5 : memref<128xi32, #tpu.memory_space<vmem>>) semaphore(%arg17 : memref<!tpu.dma_semaphore, #tpu.memory_space<semaphore_mem>>)
    %dma_start3A_9 = arith.constant 0 : i32
    %dma_start3A_10 = arith.constant 0 : i32
    %dma_start3A_11 = tpu.memref_slice %arg10[%dma_start3A_9, %dma_start3A_10] : memref<28x128xi32, #tpu.memory_space<vmem>> -> memref<1x128xi32, #tpu.memory_space<vmem>>
    %dma_start3A_12 = tpu.memref_squeeze %dma_start3A_11 : memref<1x128xi32, #tpu.memory_space<vmem>> -> memref<128xi32, #tpu.memory_space<vmem>>
    %dma_start3A_13 = arith.constant 0 : i32
    %dma_start3A_14 = arith.constant 0 : i32
    %dma_start3A_15 = tpu.memref_slice %arg7[%dma_start3A_13, %dma_start3A_14] : memref<10000x128xf32, #tpu.memory_space<hbm>> -> memref<10000x128xf32, #tpu.memory_space<hbm>>
    tpu.enqueue_indirect_dma source(%dma_start3A_15 : memref<10000x128xf32, #tpu.memory_space<hbm>>) target(%arg14 : memref<128x128xf32, #tpu.memory_space<vmem>>) offsets(%dma_start3A_12 : memref<128xi32, #tpu.memory_space<vmem>>) semaphore(%arg18 : memref<!tpu.dma_semaphore, #tpu.memory_space<semaphore_mem>>)
    %dma_start3A_16 = arith.constant 1 : i32
    %dma_start3A_17 = arith.constant 0 : i32
    %dma_start3A_18 = tpu.memref_slice %arg9[%dma_start3A_16, %dma_start3A_17] : memref<28x128xi32, #tpu.memory_space<vmem>> -> memref<1x128xi32, #tpu.memory_space<vmem>>
    %dma_start3A_19 = tpu.memref_squeeze %dma_start3A_18 : memref<1x128xi32, #tpu.memory_space<vmem>> -> memref<128xi32, #tpu.memory_space<vmem>>
    %dma_start3A_20 = arith.constant 0 : i32
    %dma_start3A_21 = arith.constant 0 : i32
    %dma_start3A_22 = tpu.memref_slice %arg6[%dma_start3A_20, %dma_start3A_21] : memref<10000x128xf32, #tpu.memory_space<hbm>> -> memref<10000x128xf32, #tpu.memory_space<hbm>>
    tpu.enqueue_indirect_dma source(%dma_start3A_22 : memref<10000x128xf32, #tpu.memory_space<hbm>>) target(%arg15 : memref<128x128xf32, #tpu.memory_space<vmem>>) offsets(%dma_start3A_19 : memref<128xi32, #tpu.memory_space<vmem>>) semaphore(%arg19 : memref<!tpu.dma_semaphore, #tpu.memory_space<semaphore_mem>>)
    %dma_start3A_23 = arith.constant 1 : i32
    %dma_start3A_24 = arith.constant 0 : i32
    %dma_start3A_25 = tpu.memref_slice %arg10[%dma_start3A_23, %dma_start3A_24] : memref<28x128xi32, #tpu.memory_space<vmem>> -> memref<1x128xi32, #tpu.memory_space<vmem>>
    %dma_start3A_26 = tpu.memref_squeeze %dma_start3A_25 : memref<1x128xi32, #tpu.memory_space<vmem>> -> memref<128xi32, #tpu.memory_space<vmem>>
    %dma_start3A_27 = arith.constant 0 : i32
    %dma_start3A_28 = arith.constant 0 : i32
    %dma_start3A_29 = tpu.memref_slice %arg7[%dma_start3A_27, %dma_start3A_28] : memref<10000x128xf32, #tpu.memory_space<hbm>> -> memref<10000x128xf32, #tpu.memory_space<hbm>>
    tpu.enqueue_indirect_dma source(%dma_start3A_29 : memref<10000x128xf32, #tpu.memory_space<hbm>>) target(%arg16 : memref<128x128xf32, #tpu.memory_space<vmem>>) offsets(%dma_start3A_26 : memref<128xi32, #tpu.memory_space<vmem>>) semaphore(%arg20 : memref<!tpu.dma_semaphore, #tpu.memory_space<semaphore_mem>>)
    %scan3A = arith.constant 0 : i32
    %scan3A_30 = arith.constant 0 : i32
    %scan3A_31 = arith.constant 13 : i32
    %scan3A_32 = arith.addi %scan3A_30, %scan3A_31 : i32
    %scan3A_33 = arith.constant 1 : i32
    scf.for %scan3A_110 = %scan3A_30 to %scan3A_32 step %scan3A_33  : i32 {
      %mul3A_111 = arith.constant 2 : i32
      %mul3A_112 = arith.muli %mul3A_111, %scan3A_110 : i32
      %mul3A_113 = arith.constant 2 : i32
      %mul3A_114 = arith.muli %mul3A_113, %scan3A_110 : i32
      %add3A_115 = arith.constant 1 : i32
      %add3A_116 = arith.addi %mul3A_114, %add3A_115 : i32
      %dma_wait3A_117 = arith.constant 0 : i32
      %dma_wait3A_118 = tpu.memref_slice %arg9[%mul3A_112, %dma_wait3A_117] : memref<28x128xi32, #tpu.memory_space<vmem>> -> memref<1x128xi32, #tpu.memory_space<vmem>>
      %dma_wait3A_119 = tpu.memref_squeeze %dma_wait3A_118 : memref<1x128xi32, #tpu.memory_space<vmem>> -> memref<128xi32, #tpu.memory_space<vmem>>
      %dma_wait3A_120 = arith.constant 0 : i32
      %dma_wait3A_121 = arith.constant 0 : i32
      %dma_wait3A_122 = tpu.memref_slice %arg6[%dma_wait3A_120, %dma_wait3A_121] : memref<10000x128xf32, #tpu.memory_space<hbm>> -> memref<10000x128xf32, #tpu.memory_space<hbm>>
      tpu.wait_indirect_dma semaphore(%arg17 : memref<!tpu.dma_semaphore, #tpu.memory_space<semaphore_mem>>) src(%dma_wait3A_122 : memref<10000x128xf32, #tpu.memory_space<hbm>>) dst(%arg13 : memref<128x128xf32, #tpu.memory_space<vmem>>)
      %dma_wait3A_123 = arith.constant 0 : i32
      %dma_wait3A_124 = tpu.memref_slice %arg10[%mul3A_112, %dma_wait3A_123] : memref<28x128xi32, #tpu.memory_space<vmem>> -> memref<1x128xi32, #tpu.memory_space<vmem>>
      %dma_wait3A_125 = tpu.memref_squeeze %dma_wait3A_124 : memref<1x128xi32, #tpu.memory_space<vmem>> -> memref<128xi32, #tpu.memory_space<vmem>>
      %dma_wait3A_126 = arith.constant 0 : i32
      %dma_wait3A_127 = arith.constant 0 : i32
      %dma_wait3A_128 = tpu.memref_slice %arg7[%dma_wait3A_126, %dma_wait3A_127] : memref<10000x128xf32, #tpu.memory_space<hbm>> -> memref<10000x128xf32, #tpu.memory_space<hbm>>
      tpu.wait_indirect_dma semaphore(%arg18 : memref<!tpu.dma_semaphore, #tpu.memory_space<semaphore_mem>>) src(%dma_wait3A_128 : memref<10000x128xf32, #tpu.memory_space<hbm>>) dst(%arg14 : memref<128x128xf32, #tpu.memory_space<vmem>>)
      %scan3A_129 = arith.constant 0 : i32
      %scan3A_130 = arith.constant 0 : i32
      %scan3A_131 = arith.constant 128 : i32
      %scan3A_132 = arith.addi %scan3A_130, %scan3A_131 : i32
      %scan3A_133 = arith.constant 1 : i32
      scf.for %scan3A_209 = %scan3A_130 to %scan3A_132 step %scan3A_133  : i32 {
        %get3A = arith.index_cast %scan3A_209 : i32 to index
        %get3A_210 = arith.constant 0 : index
        %get3A_211 = tpu.vector_load %arg14[%get3A, %get3A_210] {strides = array<i32>} : memref<128x128xf32, #tpu.memory_space<vmem>>, vector<1x16xf32>,
        %get3A_212 = vector.shape_cast %get3A_211 : vector<1x16xf32> to vector<16xf32>
        %swap3A = arith.index_cast %scan3A_209 : i32 to index
        %swap3A_213 = arith.constant 0 : index
        %swap3A_214 = tpu.vector_load %arg13[%swap3A, %swap3A_213] {strides = array<i32>} : memref<128x128xf32, #tpu.memory_space<vmem>>, vector<1x16xf32>,
        %swap3A_215 = vector.shape_cast %swap3A_214 : vector<1x16xf32> to vector<16xf32>
        %swap3A_216 = vector.shape_cast %get3A_212 : vector<16xf32> to vector<1x16xf32>
        tpu.vector_store %arg13[%swap3A, %swap3A_213], %swap3A_216 {add = true, strides = array<i32>} : memref<128x128xf32, #tpu.memory_space<vmem>>, vector<1x16xf32>,
        %get3A_217 = arith.index_cast %scan3A_209 : i32 to index
        %get3A_218 = arith.constant 16 : index
        %get3A_219 = tpu.vector_load %arg14[%get3A_217, %get3A_218] {strides = array<i32>} : memref<128x128xf32, #tpu.memory_space<vmem>>, vector<1x16xf32>,
        %get3A_220 = vector.shape_cast %get3A_219 : vector<1x16xf32> to vector<16xf32>
        %swap3A_221 = arith.index_cast %scan3A_209 : i32 to index
        %swap3A_222 = arith.constant 16 : index
        %swap3A_223 = tpu.vector_load %arg13[%swap3A_221, %swap3A_222] {strides = array<i32>} : memref<128x128xf32, #tpu.memory_space<vmem>>, vector<1x16xf32>,
        %swap3A_224 = vector.shape_cast %swap3A_223 : vector<1x16xf32> to vector<16xf32>
        %swap3A_225 = vector.shape_cast %get3A_220 : vector<16xf32> to vector<1x16xf32>
        tpu.vector_store %arg13[%swap3A_221, %swap3A_222], %swap3A_225 {add = true, strides = array<i32>} : memref<128x128xf32, #tpu.memory_space<vmem>>, vector<1x16xf32>,
        %get3A_226 = arith.index_cast %scan3A_209 : i32 to index
        %get3A_227 = arith.constant 32 : index
        %get3A_228 = tpu.vector_load %arg14[%get3A_226, %get3A_227] {strides = array<i32>} : memref<128x128xf32, #tpu.memory_space<vmem>>, vector<1x16xf32>,
        %get3A_229 = vector.shape_cast %get3A_228 : vector<1x16xf32> to vector<16xf32>
        %swap3A_230 = arith.index_cast %scan3A_209 : i32 to index
        %swap3A_231 = arith.constant 32 : index
        %swap3A_232 = tpu.vector_load %arg13[%swap3A_230, %swap3A_231] {strides = array<i32>} : memref<128x128xf32, #tpu.memory_space<vmem>>, vector<1x16xf32>,
        %swap3A_233 = vector.shape_cast %swap3A_232 : vector<1x16xf32> to vector<16xf32>
        %swap3A_234 = vector.shape_cast %get3A_229 : vector<16xf32> to vector<1x16xf32>
        tpu.vector_store %arg13[%swap3A_230, %swap3A_231], %swap3A_234 {add = true, strides = array<i32>} : memref<128x128xf32, #tpu.memory_space<vmem>>, vector<1x16xf32>,
        %get3A_235 = arith.index_cast %scan3A_209 : i32 to index
        %get3A_236 = arith.constant 48 : index
        %get3A_237 = tpu.vector_load %arg14[%get3A_235, %get3A_236] {strides = array<i32>} : memref<128x128xf32, #tpu.memory_space<vmem>>, vector<1x16xf32>,
        %get3A_238 = vector.shape_cast %get3A_237 : vector<1x16xf32> to vector<16xf32>
        %swap3A_239 = arith.index_cast %scan3A_209 : i32 to index
        %swap3A_240 = arith.constant 48 : index
        %swap3A_241 = tpu.vector_load %arg13[%swap3A_239, %swap3A_240] {strides = array<i32>} : memref<128x128xf32, #tpu.memory_space<vmem>>, vector<1x16xf32>,
        %swap3A_242 = vector.shape_cast %swap3A_241 : vector<1x16xf32> to vector<16xf32>
        %swap3A_243 = vector.shape_cast %get3A_238 : vector<16xf32> to vector<1x16xf32>
        tpu.vector_store %arg13[%swap3A_239, %swap3A_240], %swap3A_243 {add = true, strides = array<i32>} : memref<128x128xf32, #tpu.memory_space<vmem>>, vector<1x16xf32>,
        %get3A_244 = arith.index_cast %scan3A_209 : i32 to index
        %get3A_245 = arith.constant 64 : index
        %get3A_246 = tpu.vector_load %arg14[%get3A_244, %get3A_245] {strides = array<i32>} : memref<128x128xf32, #tpu.memory_space<vmem>>, vector<1x16xf32>,
        %get3A_247 = vector.shape_cast %get3A_246 : vector<1x16xf32> to vector<16xf32>
        %swap3A_248 = arith.index_cast %scan3A_209 : i32 to index
        %swap3A_249 = arith.constant 64 : index
        %swap3A_250 = tpu.vector_load %arg13[%swap3A_248, %swap3A_249] {strides = array<i32>} : memref<128x128xf32, #tpu.memory_space<vmem>>, vector<1x16xf32>,
        %swap3A_251 = vector.shape_cast %swap3A_250 : vector<1x16xf32> to vector<16xf32>
        %swap3A_252 = vector.shape_cast %get3A_247 : vector<16xf32> to vector<1x16xf32>
        tpu.vector_store %arg13[%swap3A_248, %swap3A_249], %swap3A_252 {add = true, strides = array<i32>} : memref<128x128xf32, #tpu.memory_space<vmem>>, vector<1x16xf32>,
        %get3A_253 = arith.index_cast %scan3A_209 : i32 to index
        %get3A_254 = arith.constant 80 : index
        %get3A_255 = tpu.vector_load %arg14[%get3A_253, %get3A_254] {strides = array<i32>} : memref<128x128xf32, #tpu.memory_space<vmem>>, vector<1x16xf32>,
        %get3A_256 = vector.shape_cast %get3A_255 : vector<1x16xf32> to vector<16xf32>
        %swap3A_257 = arith.index_cast %scan3A_209 : i32 to index
        %swap3A_258 = arith.constant 80 : index
        %swap3A_259 = tpu.vector_load %arg13[%swap3A_257, %swap3A_258] {strides = array<i32>} : memref<128x128xf32, #tpu.memory_space<vmem>>, vector<1x16xf32>,
        %swap3A_260 = vector.shape_cast %swap3A_259 : vector<1x16xf32> to vector<16xf32>
        %swap3A_261 = vector.shape_cast %get3A_256 : vector<16xf32> to vector<1x16xf32>
        tpu.vector_store %arg13[%swap3A_257, %swap3A_258], %swap3A_261 {add = true, strides = array<i32>} : memref<128x128xf32, #tpu.memory_space<vmem>>, vector<1x16xf32>,
        %get3A_262 = arith.index_cast %scan3A_209 : i32 to index
        %get3A_263 = arith.constant 96 : index
        %get3A_264 = tpu.vector_load %arg14[%get3A_262, %get3A_263] {strides = array<i32>} : memref<128x128xf32, #tpu.memory_space<vmem>>, vector<1x16xf32>,
        %get3A_265 = vector.shape_cast %get3A_264 : vector<1x16xf32> to vector<16xf32>
        %swap3A_266 = arith.index_cast %scan3A_209 : i32 to index
        %swap3A_267 = arith.constant 96 : index
        %swap3A_268 = tpu.vector_load %arg13[%swap3A_266, %swap3A_267] {strides = array<i32>} : memref<128x128xf32, #tpu.memory_space<vmem>>, vector<1x16xf32>,
        %swap3A_269 = vector.shape_cast %swap3A_268 : vector<1x16xf32> to vector<16xf32>
        %swap3A_270 = vector.shape_cast %get3A_265 : vector<16xf32> to vector<1x16xf32>
        tpu.vector_store %arg13[%swap3A_266, %swap3A_267], %swap3A_270 {add = true, strides = array<i32>} : memref<128x128xf32, #tpu.memory_space<vmem>>, vector<1x16xf32>,
        %get3A_271 = arith.index_cast %scan3A_209 : i32 to index
        %get3A_272 = arith.constant 112 : index
        %get3A_273 = tpu.vector_load %arg14[%get3A_271, %get3A_272] {strides = array<i32>} : memref<128x128xf32, #tpu.memory_space<vmem>>, vector<1x16xf32>,
        %get3A_274 = vector.shape_cast %get3A_273 : vector<1x16xf32> to vector<16xf32>
        %swap3A_275 = arith.index_cast %scan3A_209 : i32 to index
        %swap3A_276 = arith.constant 112 : index
        %swap3A_277 = tpu.vector_load %arg13[%swap3A_275, %swap3A_276] {strides = array<i32>} : memref<128x128xf32, #tpu.memory_space<vmem>>, vector<1x16xf32>,
        %swap3A_278 = vector.shape_cast %swap3A_277 : vector<1x16xf32> to vector<16xf32>
        %swap3A_279 = vector.shape_cast %get3A_274 : vector<16xf32> to vector<1x16xf32>
        tpu.vector_store %arg13[%swap3A_275, %swap3A_276], %swap3A_279 {add = true, strides = array<i32>} : memref<128x128xf32, #tpu.memory_space<vmem>>, vector<1x16xf32>,
      }
      %scan3A_134 = arith.constant 128 : i32
      %mul3A_135 = arith.constant 128 : i32
      %mul3A_136 = arith.muli %mul3A_112, %mul3A_135 : i32
      %add3A_137 = arith.addi %mul3A_2, %mul3A_136 : i32
      %dma_start3A_138 = arith.constant 0 : i32
      %dma_start3A_139 = tpu.memref_slice %arg8[%add3A_137, %dma_start3A_138] : memref<115200x128xf32, #tpu.memory_space<hbm>> -> memref<128x128xf32, #tpu.memory_space<hbm>>
      %dma_start3A_140 = arith.constant 0 : i32
      %dma_start3A_141 = tpu.memref_slice %arg8[%add3A_137, %dma_start3A_140] : memref<115200x128xf32, #tpu.memory_space<hbm>> -> memref<128x128xf32, #tpu.memory_space<hbm>>
      tpu.enqueue_dma source(%arg13 : memref<128x128xf32, #tpu.memory_space<vmem>>) target(%dma_start3A_141 : memref<128x128xf32, #tpu.memory_space<hbm>>) target_semaphore(%arg21 : memref<!tpu.dma_semaphore, #tpu.memory_space<semaphore_mem>>)
      %dma_wait3A_142 = arith.constant 0 : i32
      %dma_wait3A_143 = tpu.memref_slice %arg9[%add3A_116, %dma_wait3A_142] : memref<28x128xi32, #tpu.memory_space<vmem>> -> memref<1x128xi32, #tpu.memory_space<vmem>>
      %dma_wait3A_144 = tpu.memref_squeeze %dma_wait3A_143 : memref<1x128xi32, #tpu.memory_space<vmem>> -> memref<128xi32, #tpu.memory_space<vmem>>
      %dma_wait3A_145 = arith.constant 0 : i32
      %dma_wait3A_146 = arith.constant 0 : i32
      %dma_wait3A_147 = tpu.memref_slice %arg6[%dma_wait3A_145, %dma_wait3A_146] : memref<10000x128xf32, #tpu.memory_space<hbm>> -> memref<10000x128xf32, #tpu.memory_space<hbm>>
      tpu.wait_indirect_dma semaphore(%arg19 : memref<!tpu.dma_semaphore, #tpu.memory_space<semaphore_mem>>) src(%dma_wait3A_147 : memref<10000x128xf32, #tpu.memory_space<hbm>>) dst(%arg15 : memref<128x128xf32, #tpu.memory_space<vmem>>)
      %dma_wait3A_148 = arith.constant 0 : i32
      %dma_wait3A_149 = tpu.memref_slice %arg10[%add3A_116, %dma_wait3A_148] : memref<28x128xi32, #tpu.memory_space<vmem>> -> memref<1x128xi32, #tpu.memory_space<vmem>>
      %dma_wait3A_150 = tpu.memref_squeeze %dma_wait3A_149 : memref<1x128xi32, #tpu.memory_space<vmem>> -> memref<128xi32, #tpu.memory_space<vmem>>
      %dma_wait3A_151 = arith.constant 0 : i32
      %dma_wait3A_152 = arith.constant 0 : i32
      %dma_wait3A_153 = tpu.memref_slice %arg7[%dma_wait3A_151, %dma_wait3A_152] : memref<10000x128xf32, #tpu.memory_space<hbm>> -> memref<10000x128xf32, #tpu.memory_space<hbm>>
      tpu.wait_indirect_dma semaphore(%arg20 : memref<!tpu.dma_semaphore, #tpu.memory_space<semaphore_mem>>) src(%dma_wait3A_153 : memref<10000x128xf32, #tpu.memory_space<hbm>>) dst(%arg16 : memref<128x128xf32, #tpu.memory_space<vmem>>)
      %scan3A_154 = arith.constant 0 : i32
      %scan3A_155 = arith.constant 0 : i32
      %scan3A_156 = arith.constant 128 : i32
      %scan3A_157 = arith.addi %scan3A_155, %scan3A_156 : i32
      %scan3A_158 = arith.constant 1 : i32
      scf.for %scan3A_209 = %scan3A_155 to %scan3A_157 step %scan3A_158  : i32 {
        %get3A = arith.index_cast %scan3A_209 : i32 to index
        %get3A_210 = arith.constant 0 : index
        %get3A_211 = tpu.vector_load %arg16[%get3A, %get3A_210] {strides = array<i32>} : memref<128x128xf32, #tpu.memory_space<vmem>>, vector<1x16xf32>,
        %get3A_212 = vector.shape_cast %get3A_211 : vector<1x16xf32> to vector<16xf32>
        %swap3A = arith.index_cast %scan3A_209 : i32 to index
        %swap3A_213 = arith.constant 0 : index
        %swap3A_214 = tpu.vector_load %arg15[%swap3A, %swap3A_213] {strides = array<i32>} : memref<128x128xf32, #tpu.memory_space<vmem>>, vector<1x16xf32>,
        %swap3A_215 = vector.shape_cast %swap3A_214 : vector<1x16xf32> to vector<16xf32>
        %swap3A_216 = vector.shape_cast %get3A_212 : vector<16xf32> to vector<1x16xf32>
        tpu.vector_store %arg15[%swap3A, %swap3A_213], %swap3A_216 {add = true, strides = array<i32>} : memref<128x128xf32, #tpu.memory_space<vmem>>, vector<1x16xf32>,
        %get3A_217 = arith.index_cast %scan3A_209 : i32 to index
        %get3A_218 = arith.constant 16 : index
        %get3A_219 = tpu.vector_load %arg16[%get3A_217, %get3A_218] {strides = array<i32>} : memref<128x128xf32, #tpu.memory_space<vmem>>, vector<1x16xf32>,
        %get3A_220 = vector.shape_cast %get3A_219 : vector<1x16xf32> to vector<16xf32>
        %swap3A_221 = arith.index_cast %scan3A_209 : i32 to index
        %swap3A_222 = arith.constant 16 : index
        %swap3A_223 = tpu.vector_load %arg15[%swap3A_221, %swap3A_222] {strides = array<i32>} : memref<128x128xf32, #tpu.memory_space<vmem>>, vector<1x16xf32>,
        %swap3A_224 = vector.shape_cast %swap3A_223 : vector<1x16xf32> to vector<16xf32>
        %swap3A_225 = vector.shape_cast %get3A_220 : vector<16xf32> to vector<1x16xf32>
        tpu.vector_store %arg15[%swap3A_221, %swap3A_222], %swap3A_225 {add = true, strides = array<i32>} : memref<128x128xf32, #tpu.memory_space<vmem>>, vector<1x16xf32>,
        %get3A_226 = arith.index_cast %scan3A_209 : i32 to index
        %get3A_227 = arith.constant 32 : index
        %get3A_228 = tpu.vector_load %arg16[%get3A_226, %get3A_227] {strides = array<i32>} : memref<128x128xf32, #tpu.memory_space<vmem>>, vector<1x16xf32>,
        %get3A_229 = vector.shape_cast %get3A_228 : vector<1x16xf32> to vector<16xf32>
        %swap3A_230 = arith.index_cast %scan3A_209 : i32 to index
        %swap3A_231 = arith.constant 32 : index
        %swap3A_232 = tpu.vector_load %arg15[%swap3A_230, %swap3A_231] {strides = array<i32>} : memref<128x128xf32, #tpu.memory_space<vmem>>, vector<1x16xf32>,
        %swap3A_233 = vector.shape_cast %swap3A_232 : vector<1x16xf32> to vector<16xf32>
        %swap3A_234 = vector.shape_cast %get3A_229 : vector<16xf32> to vector<1x16xf32>
        tpu.vector_store %arg15[%swap3A_230, %swap3A_231], %swap3A_234 {add = true, strides = array<i32>} : memref<128x128xf32, #tpu.memory_space<vmem>>, vector<1x16xf32>,
        %get3A_235 = arith.index_cast %scan3A_209 : i32 to index
        %get3A_236 = arith.constant 48 : index
        %get3A_237 = tpu.vector_load %arg16[%get3A_235, %get3A_236] {strides = array<i32>} : memref<128x128xf32, #tpu.memory_space<vmem>>, vector<1x16xf32>,
        %get3A_238 = vector.shape_cast %get3A_237 : vector<1x16xf32> to vector<16xf32>
        %swap3A_239 = arith.index_cast %scan3A_209 : i32 to index
        %swap3A_240 = arith.constant 48 : index
        %swap3A_241 = tpu.vector_load %arg15[%swap3A_239, %swap3A_240] {strides = array<i32>} : memref<128x128xf32, #tpu.memory_space<vmem>>, vector<1x16xf32>,
        %swap3A_242 = vector.shape_cast %swap3A_241 : vector<1x16xf32> to vector<16xf32>
        %swap3A_243 = vector.shape_cast %get3A_238 : vector<16xf32> to vector<1x16xf32>
        tpu.vector_store %arg15[%swap3A_239, %swap3A_240], %swap3A_243 {add = true, strides = array<i32>} : memref<128x128xf32, #tpu.memory_space<vmem>>, vector<1x16xf32>,
        %get3A_244 = arith.index_cast %scan3A_209 : i32 to index
        %get3A_245 = arith.constant 64 : index
        %get3A_246 = tpu.vector_load %arg16[%get3A_244, %get3A_245] {strides = array<i32>} : memref<128x128xf32, #tpu.memory_space<vmem>>, vector<1x16xf32>,
        %get3A_247 = vector.shape_cast %get3A_246 : vector<1x16xf32> to vector<16xf32>
        %swap3A_248 = arith.index_cast %scan3A_209 : i32 to index
        %swap3A_249 = arith.constant 64 : index
        %swap3A_250 = tpu.vector_load %arg15[%swap3A_248, %swap3A_249] {strides = array<i32>} : memref<128x128xf32, #tpu.memory_space<vmem>>, vector<1x16xf32>,
        %swap3A_251 = vector.shape_cast %swap3A_250 : vector<1x16xf32> to vector<16xf32>
        %swap3A_252 = vector.shape_cast %get3A_247 : vector<16xf32> to vector<1x16xf32>
        tpu.vector_store %arg15[%swap3A_248, %swap3A_249], %swap3A_252 {add = true, strides = array<i32>} : memref<128x128xf32, #tpu.memory_space<vmem>>, vector<1x16xf32>,
        %get3A_253 = arith.index_cast %scan3A_209 : i32 to index
        %get3A_254 = arith.constant 80 : index
        %get3A_255 = tpu.vector_load %arg16[%get3A_253, %get3A_254] {strides = array<i32>} : memref<128x128xf32, #tpu.memory_space<vmem>>, vector<1x16xf32>,
        %get3A_256 = vector.shape_cast %get3A_255 : vector<1x16xf32> to vector<16xf32>
        %swap3A_257 = arith.index_cast %scan3A_209 : i32 to index
        %swap3A_258 = arith.constant 80 : index
        %swap3A_259 = tpu.vector_load %arg15[%swap3A_257, %swap3A_258] {strides = array<i32>} : memref<128x128xf32, #tpu.memory_space<vmem>>, vector<1x16xf32>,
        %swap3A_260 = vector.shape_cast %swap3A_259 : vector<1x16xf32> to vector<16xf32>
        %swap3A_261 = vector.shape_cast %get3A_256 : vector<16xf32> to vector<1x16xf32>
        tpu.vector_store %arg15[%swap3A_257, %swap3A_258], %swap3A_261 {add = true, strides = array<i32>} : memref<128x128xf32, #tpu.memory_space<vmem>>, vector<1x16xf32>,
        %get3A_262 = arith.index_cast %scan3A_209 : i32 to index
        %get3A_263 = arith.constant 96 : index
        %get3A_264 = tpu.vector_load %arg16[%get3A_262, %get3A_263] {strides = array<i32>} : memref<128x128xf32, #tpu.memory_space<vmem>>, vector<1x16xf32>,
        %get3A_265 = vector.shape_cast %get3A_264 : vector<1x16xf32> to vector<16xf32>
        %swap3A_266 = arith.index_cast %scan3A_209 : i32 to index
        %swap3A_267 = arith.constant 96 : index
        %swap3A_268 = tpu.vector_load %arg15[%swap3A_266, %swap3A_267] {strides = array<i32>} : memref<128x128xf32, #tpu.memory_space<vmem>>, vector<1x16xf32>,
        %swap3A_269 = vector.shape_cast %swap3A_268 : vector<1x16xf32> to vector<16xf32>
        %swap3A_270 = vector.shape_cast %get3A_265 : vector<16xf32> to vector<1x16xf32>
        tpu.vector_store %arg15[%swap3A_266, %swap3A_267], %swap3A_270 {add = true, strides = array<i32>} : memref<128x128xf32, #tpu.memory_space<vmem>>, vector<1x16xf32>,
        %get3A_271 = arith.index_cast %scan3A_209 : i32 to index
        %get3A_272 = arith.constant 112 : index
        %get3A_273 = tpu.vector_load %arg16[%get3A_271, %get3A_272] {strides = array<i32>} : memref<128x128xf32, #tpu.memory_space<vmem>>, vector<1x16xf32>,
        %get3A_274 = vector.shape_cast %get3A_273 : vector<1x16xf32> to vector<16xf32>
        %swap3A_275 = arith.index_cast %scan3A_209 : i32 to index
        %swap3A_276 = arith.constant 112 : index
        %swap3A_277 = tpu.vector_load %arg15[%swap3A_275, %swap3A_276] {strides = array<i32>} : memref<128x128xf32, #tpu.memory_space<vmem>>, vector<1x16xf32>,
        %swap3A_278 = vector.shape_cast %swap3A_277 : vector<1x16xf32> to vector<16xf32>
        %swap3A_279 = vector.shape_cast %get3A_274 : vector<16xf32> to vector<1x16xf32>
        tpu.vector_store %arg15[%swap3A_275, %swap3A_276], %swap3A_279 {add = true, strides = array<i32>} : memref<128x128xf32, #tpu.memory_space<vmem>>, vector<1x16xf32>,
      }
      %scan3A_159 = arith.constant 128 : i32
      %mul3A_160 = arith.constant 128 : i32
      %mul3A_161 = arith.muli %add3A_116, %mul3A_160 : i32
      %add3A_162 = arith.addi %mul3A_2, %mul3A_161 : i32
      %dma_start3A_163 = arith.constant 0 : i32
      %dma_start3A_164 = tpu.memref_slice %arg8[%add3A_162, %dma_start3A_163] : memref<115200x128xf32, #tpu.memory_space<hbm>> -> memref<128x128xf32, #tpu.memory_space<hbm>>
      %dma_start3A_165 = arith.constant 0 : i32
      %dma_start3A_166 = tpu.memref_slice %arg8[%add3A_162, %dma_start3A_165] : memref<115200x128xf32, #tpu.memory_space<hbm>> -> memref<128x128xf32, #tpu.memory_space<hbm>>
      tpu.enqueue_dma source(%arg15 : memref<128x128xf32, #tpu.memory_space<vmem>>) target(%dma_start3A_166 : memref<128x128xf32, #tpu.memory_space<hbm>>) target_semaphore(%arg22 : memref<!tpu.dma_semaphore, #tpu.memory_space<semaphore_mem>>)
      %mul3A_167 = arith.constant 128 : i32
      %mul3A_168 = arith.muli %mul3A_112, %mul3A_167 : i32
      %add3A_169 = arith.addi %mul3A_2, %mul3A_168 : i32
      %dma_wait3A_170 = arith.constant 0 : i32
      %dma_wait3A_171 = tpu.memref_slice %arg8[%add3A_169, %dma_wait3A_170] : memref<115200x128xf32, #tpu.memory_space<hbm>> -> memref<128x128xf32, #tpu.memory_space<hbm>>
      %dma_wait3A_172 = arith.constant 0 : i32
      %dma_wait3A_173 = tpu.memref_slice %arg8[%add3A_169, %dma_wait3A_172] : memref<115200x128xf32, #tpu.memory_space<hbm>> -> memref<128x128xf32, #tpu.memory_space<hbm>>
      tpu.wait_dma2 semaphore(%arg21 : memref<!tpu.dma_semaphore, #tpu.memory_space<semaphore_mem>>) src(%arg13 : memref<128x128xf32, #tpu.memory_space<vmem>>) dst(%dma_wait3A_173 : memref<128x128xf32, #tpu.memory_space<hbm>>)
      %add3A_174 = arith.constant 2 : i32
      %add3A_175 = arith.addi %mul3A_112, %add3A_174 : i32
      %dma_start3A_176 = arith.constant 0 : i32
      %dma_start3A_177 = tpu.memref_slice %arg9[%add3A_175, %dma_start3A_176] : memref<28x128xi32, #tpu.memory_space<vmem>> -> memref<1x128xi32, #tpu.memory_space<vmem>>
      %dma_start3A_178 = tpu.memref_squeeze %dma_start3A_177 : memref<1x128xi32, #tpu.memory_space<vmem>> -> memref<128xi32, #tpu.memory_space<vmem>>
      %dma_start3A_179 = arith.constant 0 : i32
      %dma_start3A_180 = arith.constant 0 : i32
      %dma_start3A_181 = tpu.memref_slice %arg6[%dma_start3A_179, %dma_start3A_180] : memref<10000x128xf32, #tpu.memory_space<hbm>> -> memref<10000x128xf32, #tpu.memory_space<hbm>>
      tpu.enqueue_indirect_dma source(%dma_start3A_181 : memref<10000x128xf32, #tpu.memory_space<hbm>>) target(%arg13 : memref<128x128xf32, #tpu.memory_space<vmem>>) offsets(%dma_start3A_178 : memref<128xi32, #tpu.memory_space<vmem>>) semaphore(%arg17 : memref<!tpu.dma_semaphore, #tpu.memory_space<semaphore_mem>>)
      %dma_start3A_182 = arith.constant 0 : i32
      %dma_start3A_183 = tpu.memref_slice %arg10[%add3A_175, %dma_start3A_182] : memref<28x128xi32, #tpu.memory_space<vmem>> -> memref<1x128xi32, #tpu.memory_space<vmem>>
      %dma_start3A_184 = tpu.memref_squeeze %dma_start3A_183 : memref<1x128xi32, #tpu.memory_space<vmem>> -> memref<128xi32, #tpu.memory_space<vmem>>
      %dma_start3A_185 = arith.constant 0 : i32
      %dma_start3A_186 = arith.constant 0 : i32
      %dma_start3A_187 = tpu.memref_slice %arg7[%dma_start3A_185, %dma_start3A_186] : memref<10000x128xf32, #tpu.memory_space<hbm>> -> memref<10000x128xf32, #tpu.memory_space<hbm>>
      tpu.enqueue_indirect_dma source(%dma_start3A_187 : memref<10000x128xf32, #tpu.memory_space<hbm>>) target(%arg14 : memref<128x128xf32, #tpu.memory_space<vmem>>) offsets(%dma_start3A_184 : memref<128xi32, #tpu.memory_space<vmem>>) semaphore(%arg18 : memref<!tpu.dma_semaphore, #tpu.memory_space<semaphore_mem>>)
      %mul3A_188 = arith.constant 128 : i32
      %mul3A_189 = arith.muli %add3A_116, %mul3A_188 : i32
      %add3A_190 = arith.addi %mul3A_2, %mul3A_189 : i32
      %dma_wait3A_191 = arith.constant 0 : i32
      %dma_wait3A_192 = tpu.memref_slice %arg8[%add3A_190, %dma_wait3A_191] : memref<115200x128xf32, #tpu.memory_space<hbm>> -> memref<128x128xf32, #tpu.memory_space<hbm>>
      %dma_wait3A_193 = arith.constant 0 : i32
      %dma_wait3A_194 = tpu.memref_slice %arg8[%add3A_190, %dma_wait3A_193] : memref<115200x128xf32, #tpu.memory_space<hbm>> -> memref<128x128xf32, #tpu.memory_space<hbm>>
      tpu.wait_dma2 semaphore(%arg22 : memref<!tpu.dma_semaphore, #tpu.memory_space<semaphore_mem>>) src(%arg15 : memref<128x128xf32, #tpu.memory_space<vmem>>) dst(%dma_wait3A_194 : memref<128x128xf32, #tpu.memory_space<hbm>>)
      %add3A_195 = arith.constant 2 : i32
      %add3A_196 = arith.addi %add3A_116, %add3A_195 : i32
      %dma_start3A_197 = arith.constant 0 : i32
      %dma_start3A_198 = tpu.memref_slice %arg9[%add3A_196, %dma_start3A_197] : memref<28x128xi32, #tpu.memory_space<vmem>> -> memref<1x128xi32, #tpu.memory_space<vmem>>
      %dma_start3A_199 = tpu.memref_squeeze %dma_start3A_198 : memref<1x128xi32, #tpu.memory_space<vmem>> -> memref<128xi32, #tpu.memory_space<vmem>>
      %dma_start3A_200 = arith.constant 0 : i32
      %dma_start3A_201 = arith.constant 0 : i32
      %dma_start3A_202 = tpu.memref_slice %arg6[%dma_start3A_200, %dma_start3A_201] : memref<10000x128xf32, #tpu.memory_space<hbm>> -> memref<10000x128xf32, #tpu.memory_space<hbm>>
      tpu.enqueue_indirect_dma source(%dma_start3A_202 : memref<10000x128xf32, #tpu.memory_space<hbm>>) target(%arg15 : memref<128x128xf32, #tpu.memory_space<vmem>>) offsets(%dma_start3A_199 : memref<128xi32, #tpu.memory_space<vmem>>) semaphore(%arg19 : memref<!tpu.dma_semaphore, #tpu.memory_space<semaphore_mem>>)
      %dma_start3A_203 = arith.constant 0 : i32
      %dma_start3A_204 = tpu.memref_slice %arg10[%add3A_196, %dma_start3A_203] : memref<28x128xi32, #tpu.memory_space<vmem>> -> memref<1x128xi32, #tpu.memory_space<vmem>>
      %dma_start3A_205 = tpu.memref_squeeze %dma_start3A_204 : memref<1x128xi32, #tpu.memory_space<vmem>> -> memref<128xi32, #tpu.memory_space<vmem>>
      %dma_start3A_206 = arith.constant 0 : i32
      %dma_start3A_207 = arith.constant 0 : i32
      %dma_start3A_208 = tpu.memref_slice %arg7[%dma_start3A_206, %dma_start3A_207] : memref<10000x128xf32, #tpu.memory_space<hbm>> -> memref<10000x128xf32, #tpu.memory_space<hbm>>
      tpu.enqueue_indirect_dma source(%dma_start3A_208 : memref<10000x128xf32, #tpu.memory_space<hbm>>) target(%arg16 : memref<128x128xf32, #tpu.memory_space<vmem>>) offsets(%dma_start3A_205 : memref<128xi32, #tpu.memory_space<vmem>>) semaphore(%arg20 : memref<!tpu.dma_semaphore, #tpu.memory_space<semaphore_mem>>)
    }
    %scan3A_34 = arith.constant 13 : i32
    %dma_wait3A = arith.constant 26 : i32
    %dma_wait3A_35 = arith.constant 0 : i32
    %dma_wait3A_36 = tpu.memref_slice %arg9[%dma_wait3A, %dma_wait3A_35] : memref<28x128xi32, #tpu.memory_space<vmem>> -> memref<1x128xi32, #tpu.memory_space<vmem>>
    %dma_wait3A_37 = tpu.memref_squeeze %dma_wait3A_36 : memref<1x128xi32, #tpu.memory_space<vmem>> -> memref<128xi32, #tpu.memory_space<vmem>>
    %dma_wait3A_38 = arith.constant 0 : i32
    %dma_wait3A_39 = arith.constant 0 : i32
    %dma_wait3A_40 = tpu.memref_slice %arg6[%dma_wait3A_38, %dma_wait3A_39] : memref<10000x128xf32, #tpu.memory_space<hbm>> -> memref<10000x128xf32, #tpu.memory_space<hbm>>
    tpu.wait_indirect_dma semaphore(%arg17 : memref<!tpu.dma_semaphore, #tpu.memory_space<semaphore_mem>>) src(%dma_wait3A_40 : memref<10000x128xf32, #tpu.memory_space<hbm>>) dst(%arg13 : memref<128x128xf32, #tpu.memory_space<vmem>>)
    %dma_wait3A_41 = arith.constant 26 : i32
    %dma_wait3A_42 = arith.constant 0 : i32
    %dma_wait3A_43 = tpu.memref_slice %arg10[%dma_wait3A_41, %dma_wait3A_42] : memref<28x128xi32, #tpu.memory_space<vmem>> -> memref<1x128xi32, #tpu.memory_space<vmem>>
    %dma_wait3A_44 = tpu.memref_squeeze %dma_wait3A_43 : memref<1x128xi32, #tpu.memory_space<vmem>> -> memref<128xi32, #tpu.memory_space<vmem>>
    %dma_wait3A_45 = arith.constant 0 : i32
    %dma_wait3A_46 = arith.constant 0 : i32
    %dma_wait3A_47 = tpu.memref_slice %arg7[%dma_wait3A_45, %dma_wait3A_46] : memref<10000x128xf32, #tpu.memory_space<hbm>> -> memref<10000x128xf32, #tpu.memory_space<hbm>>
    tpu.wait_indirect_dma semaphore(%arg18 : memref<!tpu.dma_semaphore, #tpu.memory_space<semaphore_mem>>) src(%dma_wait3A_47 : memref<10000x128xf32, #tpu.memory_space<hbm>>) dst(%arg14 : memref<128x128xf32, #tpu.memory_space<vmem>>)
    %scan3A_48 = arith.constant 0 : i32
    %scan3A_49 = arith.constant 0 : i32
    %scan3A_50 = arith.constant 128 : i32
    %scan3A_51 = arith.addi %scan3A_49, %scan3A_50 : i32
    %scan3A_52 = arith.constant 1 : i32
    scf.for %scan3A_110 = %scan3A_49 to %scan3A_51 step %scan3A_52  : i32 {
      %get3A = arith.index_cast %scan3A_110 : i32 to index
      %get3A_111 = arith.constant 0 : index
      %get3A_112 = tpu.vector_load %arg14[%get3A, %get3A_111] {strides = array<i32>} : memref<128x128xf32, #tpu.memory_space<vmem>>, vector<1x16xf32>,
      %get3A_113 = vector.shape_cast %get3A_112 : vector<1x16xf32> to vector<16xf32>
      %swap3A = arith.index_cast %scan3A_110 : i32 to index
      %swap3A_114 = arith.constant 0 : index
      %swap3A_115 = tpu.vector_load %arg13[%swap3A, %swap3A_114] {strides = array<i32>} : memref<128x128xf32, #tpu.memory_space<vmem>>, vector<1x16xf32>,
      %swap3A_116 = vector.shape_cast %swap3A_115 : vector<1x16xf32> to vector<16xf32>
      %swap3A_117 = vector.shape_cast %get3A_113 : vector<16xf32> to vector<1x16xf32>
      tpu.vector_store %arg13[%swap3A, %swap3A_114], %swap3A_117 {add = true, strides = array<i32>} : memref<128x128xf32, #tpu.memory_space<vmem>>, vector<1x16xf32>,
      %get3A_118 = arith.index_cast %scan3A_110 : i32 to index
      %get3A_119 = arith.constant 16 : index
      %get3A_120 = tpu.vector_load %arg14[%get3A_118, %get3A_119] {strides = array<i32>} : memref<128x128xf32, #tpu.memory_space<vmem>>, vector<1x16xf32>,
      %get3A_121 = vector.shape_cast %get3A_120 : vector<1x16xf32> to vector<16xf32>
      %swap3A_122 = arith.index_cast %scan3A_110 : i32 to index
      %swap3A_123 = arith.constant 16 : index
      %swap3A_124 = tpu.vector_load %arg13[%swap3A_122, %swap3A_123] {strides = array<i32>} : memref<128x128xf32, #tpu.memory_space<vmem>>, vector<1x16xf32>,
      %swap3A_125 = vector.shape_cast %swap3A_124 : vector<1x16xf32> to vector<16xf32>
      %swap3A_126 = vector.shape_cast %get3A_121 : vector<16xf32> to vector<1x16xf32>
      tpu.vector_store %arg13[%swap3A_122, %swap3A_123], %swap3A_126 {add = true, strides = array<i32>} : memref<128x128xf32, #tpu.memory_space<vmem>>, vector<1x16xf32>,
      %get3A_127 = arith.index_cast %scan3A_110 : i32 to index
      %get3A_128 = arith.constant 32 : index
      %get3A_129 = tpu.vector_load %arg14[%get3A_127, %get3A_128] {strides = array<i32>} : memref<128x128xf32, #tpu.memory_space<vmem>>, vector<1x16xf32>,
      %get3A_130 = vector.shape_cast %get3A_129 : vector<1x16xf32> to vector<16xf32>
      %swap3A_131 = arith.index_cast %scan3A_110 : i32 to index
      %swap3A_132 = arith.constant 32 : index
      %swap3A_133 = tpu.vector_load %arg13[%swap3A_131, %swap3A_132] {strides = array<i32>} : memref<128x128xf32, #tpu.memory_space<vmem>>, vector<1x16xf32>,
      %swap3A_134 = vector.shape_cast %swap3A_133 : vector<1x16xf32> to vector<16xf32>
      %swap3A_135 = vector.shape_cast %get3A_130 : vector<16xf32> to vector<1x16xf32>
      tpu.vector_store %arg13[%swap3A_131, %swap3A_132], %swap3A_135 {add = true, strides = array<i32>} : memref<128x128xf32, #tpu.memory_space<vmem>>, vector<1x16xf32>,
      %get3A_136 = arith.index_cast %scan3A_110 : i32 to index
      %get3A_137 = arith.constant 48 : index
      %get3A_138 = tpu.vector_load %arg14[%get3A_136, %get3A_137] {strides = array<i32>} : memref<128x128xf32, #tpu.memory_space<vmem>>, vector<1x16xf32>,
      %get3A_139 = vector.shape_cast %get3A_138 : vector<1x16xf32> to vector<16xf32>
      %swap3A_140 = arith.index_cast %scan3A_110 : i32 to index
      %swap3A_141 = arith.constant 48 : index
      %swap3A_142 = tpu.vector_load %arg13[%swap3A_140, %swap3A_141] {strides = array<i32>} : memref<128x128xf32, #tpu.memory_space<vmem>>, vector<1x16xf32>,
      %swap3A_143 = vector.shape_cast %swap3A_142 : vector<1x16xf32> to vector<16xf32>
      %swap3A_144 = vector.shape_cast %get3A_139 : vector<16xf32> to vector<1x16xf32>
      tpu.vector_store %arg13[%swap3A_140, %swap3A_141], %swap3A_144 {add = true, strides = array<i32>} : memref<128x128xf32, #tpu.memory_space<vmem>>, vector<1x16xf32>,
      %get3A_145 = arith.index_cast %scan3A_110 : i32 to index
      %get3A_146 = arith.constant 64 : index
      %get3A_147 = tpu.vector_load %arg14[%get3A_145, %get3A_146] {strides = array<i32>} : memref<128x128xf32, #tpu.memory_space<vmem>>, vector<1x16xf32>,
      %get3A_148 = vector.shape_cast %get3A_147 : vector<1x16xf32> to vector<16xf32>
      %swap3A_149 = arith.index_cast %scan3A_110 : i32 to index
      %swap3A_150 = arith.constant 64 : index
      %swap3A_151 = tpu.vector_load %arg13[%swap3A_149, %swap3A_150] {strides = array<i32>} : memref<128x128xf32, #tpu.memory_space<vmem>>, vector<1x16xf32>,
      %swap3A_152 = vector.shape_cast %swap3A_151 : vector<1x16xf32> to vector<16xf32>
      %swap3A_153 = vector.shape_cast %get3A_148 : vector<16xf32> to vector<1x16xf32>
      tpu.vector_store %arg13[%swap3A_149, %swap3A_150], %swap3A_153 {add = true, strides = array<i32>} : memref<128x128xf32, #tpu.memory_space<vmem>>, vector<1x16xf32>,
      %get3A_154 = arith.index_cast %scan3A_110 : i32 to index
      %get3A_155 = arith.constant 80 : index
      %get3A_156 = tpu.vector_load %arg14[%get3A_154, %get3A_155] {strides = array<i32>} : memref<128x128xf32, #tpu.memory_space<vmem>>, vector<1x16xf32>,
      %get3A_157 = vector.shape_cast %get3A_156 : vector<1x16xf32> to vector<16xf32>
      %swap3A_158 = arith.index_cast %scan3A_110 : i32 to index
      %swap3A_159 = arith.constant 80 : index
      %swap3A_160 = tpu.vector_load %arg13[%swap3A_158, %swap3A_159] {strides = array<i32>} : memref<128x128xf32, #tpu.memory_space<vmem>>, vector<1x16xf32>,
      %swap3A_161 = vector.shape_cast %swap3A_160 : vector<1x16xf32> to vector<16xf32>
      %swap3A_162 = vector.shape_cast %get3A_157 : vector<16xf32> to vector<1x16xf32>
      tpu.vector_store %arg13[%swap3A_158, %swap3A_159], %swap3A_162 {add = true, strides = array<i32>} : memref<128x128xf32, #tpu.memory_space<vmem>>, vector<1x16xf32>,
      %get3A_163 = arith.index_cast %scan3A_110 : i32 to index
      %get3A_164 = arith.constant 96 : index
      %get3A_165 = tpu.vector_load %arg14[%get3A_163, %get3A_164] {strides = array<i32>} : memref<128x128xf32, #tpu.memory_space<vmem>>, vector<1x16xf32>,
      %get3A_166 = vector.shape_cast %get3A_165 : vector<1x16xf32> to vector<16xf32>
      %swap3A_167 = arith.index_cast %scan3A_110 : i32 to index
      %swap3A_168 = arith.constant 96 : index
      %swap3A_169 = tpu.vector_load %arg13[%swap3A_167, %swap3A_168] {strides = array<i32>} : memref<128x128xf32, #tpu.memory_space<vmem>>, vector<1x16xf32>,
      %swap3A_170 = vector.shape_cast %swap3A_169 : vector<1x16xf32> to vector<16xf32>
      %swap3A_171 = vector.shape_cast %get3A_166 : vector<16xf32> to vector<1x16xf32>
      tpu.vector_store %arg13[%swap3A_167, %swap3A_168], %swap3A_171 {add = true, strides = array<i32>} : memref<128x128xf32, #tpu.memory_space<vmem>>, vector<1x16xf32>,
      %get3A_172 = arith.index_cast %scan3A_110 : i32 to index
      %get3A_173 = arith.constant 112 : index
      %get3A_174 = tpu.vector_load %arg14[%get3A_172, %get3A_173] {strides = array<i32>} : memref<128x128xf32, #tpu.memory_space<vmem>>, vector<1x16xf32>,
      %get3A_175 = vector.shape_cast %get3A_174 : vector<1x16xf32> to vector<16xf32>
      %swap3A_176 = arith.index_cast %scan3A_110 : i32 to index
      %swap3A_177 = arith.constant 112 : index
      %swap3A_178 = tpu.vector_load %arg13[%swap3A_176, %swap3A_177] {strides = array<i32>} : memref<128x128xf32, #tpu.memory_space<vmem>>, vector<1x16xf32>,
      %swap3A_179 = vector.shape_cast %swap3A_178 : vector<1x16xf32> to vector<16xf32>
      %swap3A_180 = vector.shape_cast %get3A_175 : vector<16xf32> to vector<1x16xf32>
      tpu.vector_store %arg13[%swap3A_176, %swap3A_177], %swap3A_180 {add = true, strides = array<i32>} : memref<128x128xf32, #tpu.memory_space<vmem>>, vector<1x16xf32>,
    }
    %scan3A_53 = arith.constant 128 : i32
    %add3A_54 = arith.constant 3328 : i32
    %add3A_55 = arith.addi %mul3A_2, %add3A_54 : i32
    "tpu.region"() ({
      %run_scoped3A = tpu.sem_alloc : memref<!tpu.dma_semaphore, #tpu.memory_space<semaphore_mem>>
      %dma_start3A_110 = arith.constant 0 : i32
      %dma_start3A_111 = tpu.memref_slice %arg8[%add3A_55, %dma_start3A_110] : memref<115200x128xf32, #tpu.memory_space<hbm>> -> memref<128x128xf32, #tpu.memory_space<hbm>>
      %dma_start3A_112 = arith.constant 0 : i32
      %dma_start3A_113 = tpu.memref_slice %arg8[%add3A_55, %dma_start3A_112] : memref<115200x128xf32, #tpu.memory_space<hbm>> -> memref<128x128xf32, #tpu.memory_space<hbm>>
      tpu.enqueue_dma source(%arg13 : memref<128x128xf32, #tpu.memory_space<vmem>>) target(%dma_start3A_113 : memref<128x128xf32, #tpu.memory_space<hbm>>) target_semaphore(%run_scoped3A : memref<!tpu.dma_semaphore, #tpu.memory_space<semaphore_mem>>)
      %dma_wait3A_114 = arith.constant 0 : i32
      %dma_wait3A_115 = tpu.memref_slice %arg8[%add3A_55, %dma_wait3A_114] : memref<115200x128xf32, #tpu.memory_space<hbm>> -> memref<128x128xf32, #tpu.memory_space<hbm>>
      %dma_wait3A_116 = arith.constant 0 : i32
      %dma_wait3A_117 = tpu.memref_slice %arg8[%add3A_55, %dma_wait3A_116] : memref<115200x128xf32, #tpu.memory_space<hbm>> -> memref<128x128xf32, #tpu.memory_space<hbm>>
      tpu.wait_dma2 semaphore(%run_scoped3A : memref<!tpu.dma_semaphore, #tpu.memory_space<semaphore_mem>>) src(%arg13 : memref<128x128xf32, #tpu.memory_space<vmem>>) dst(%dma_wait3A_117 : memref<128x128xf32, #tpu.memory_space<hbm>>)
      tpu.yield
    }) : () -> ()
    %dma_wait3A_56 = arith.constant 27 : i32
    %dma_wait3A_57 = arith.constant 0 : i32
    %dma_wait3A_58 = tpu.memref_slice %arg9[%dma_wait3A_56, %dma_wait3A_57] : memref<28x128xi32, #tpu.memory_space<vmem>> -> memref<1x128xi32, #tpu.memory_space<vmem>>
    %dma_wait3A_59 = tpu.memref_squeeze %dma_wait3A_58 : memref<1x128xi32, #tpu.memory_space<vmem>> -> memref<128xi32, #tpu.memory_space<vmem>>
    %dma_wait3A_60 = arith.constant 0 : i32
    %dma_wait3A_61 = arith.constant 0 : i32
    %dma_wait3A_62 = tpu.memref_slice %arg6[%dma_wait3A_60, %dma_wait3A_61] : memref<10000x128xf32, #tpu.memory_space<hbm>> -> memref<10000x128xf32, #tpu.memory_space<hbm>>
    tpu.wait_indirect_dma semaphore(%arg19 : memref<!tpu.dma_semaphore, #tpu.memory_space<semaphore_mem>>) src(%dma_wait3A_62 : memref<10000x128xf32, #tpu.memory_space<hbm>>) dst(%arg15 : memref<128x128xf32, #tpu.memory_space<vmem>>)
    %dma_wait3A_63 = arith.constant 27 : i32
    %dma_wait3A_64 = arith.constant 0 : i32
    %dma_wait3A_65 = tpu.memref_slice %arg10[%dma_wait3A_63, %dma_wait3A_64] : memref<28x128xi32, #tpu.memory_space<vmem>> -> memref<1x128xi32, #tpu.memory_space<vmem>>
    %dma_wait3A_66 = tpu.memref_squeeze %dma_wait3A_65 : memref<1x128xi32, #tpu.memory_space<vmem>> -> memref<128xi32, #tpu.memory_space<vmem>>
    %dma_wait3A_67 = arith.constant 0 : i32
    %dma_wait3A_68 = arith.constant 0 : i32
    %dma_wait3A_69 = tpu.memref_slice %arg7[%dma_wait3A_67, %dma_wait3A_68] : memref<10000x128xf32, #tpu.memory_space<hbm>> -> memref<10000x128xf32, #tpu.memory_space<hbm>>
    tpu.wait_indirect_dma semaphore(%arg20 : memref<!tpu.dma_semaphore, #tpu.memory_space<semaphore_mem>>) src(%dma_wait3A_69 : memref<10000x128xf32, #tpu.memory_space<hbm>>) dst(%arg16 : memref<128x128xf32, #tpu.memory_space<vmem>>)
    %scan3A_70 = arith.constant 0 : i32
    %scan3A_71 = arith.constant 0 : i32
    %scan3A_72 = arith.constant 128 : i32
    %scan3A_73 = arith.addi %scan3A_71, %scan3A_72 : i32
    %scan3A_74 = arith.constant 1 : i32
    scf.for %scan3A_110 = %scan3A_71 to %scan3A_73 step %scan3A_74  : i32 {
      %get3A = arith.index_cast %scan3A_110 : i32 to index
      %get3A_111 = arith.constant 0 : index
      %get3A_112 = tpu.vector_load %arg16[%get3A, %get3A_111] {strides = array<i32>} : memref<128x128xf32, #tpu.memory_space<vmem>>, vector<1x16xf32>,
      %get3A_113 = vector.shape_cast %get3A_112 : vector<1x16xf32> to vector<16xf32>
      %swap3A = arith.index_cast %scan3A_110 : i32 to index
      %swap3A_114 = arith.constant 0 : index
      %swap3A_115 = tpu.vector_load %arg15[%swap3A, %swap3A_114] {strides = array<i32>} : memref<128x128xf32, #tpu.memory_space<vmem>>, vector<1x16xf32>,
      %swap3A_116 = vector.shape_cast %swap3A_115 : vector<1x16xf32> to vector<16xf32>
      %swap3A_117 = vector.shape_cast %get3A_113 : vector<16xf32> to vector<1x16xf32>
      tpu.vector_store %arg15[%swap3A, %swap3A_114], %swap3A_117 {add = true, strides = array<i32>} : memref<128x128xf32, #tpu.memory_space<vmem>>, vector<1x16xf32>,
      %get3A_118 = arith.index_cast %scan3A_110 : i32 to index
      %get3A_119 = arith.constant 16 : index
      %get3A_120 = tpu.vector_load %arg16[%get3A_118, %get3A_119] {strides = array<i32>} : memref<128x128xf32, #tpu.memory_space<vmem>>, vector<1x16xf32>,
      %get3A_121 = vector.shape_cast %get3A_120 : vector<1x16xf32> to vector<16xf32>
      %swap3A_122 = arith.index_cast %scan3A_110 : i32 to index
      %swap3A_123 = arith.constant 16 : index
      %swap3A_124 = tpu.vector_load %arg15[%swap3A_122, %swap3A_123] {strides = array<i32>} : memref<128x128xf32, #tpu.memory_space<vmem>>, vector<1x16xf32>,
      %swap3A_125 = vector.shape_cast %swap3A_124 : vector<1x16xf32> to vector<16xf32>
      %swap3A_126 = vector.shape_cast %get3A_121 : vector<16xf32> to vector<1x16xf32>
      tpu.vector_store %arg15[%swap3A_122, %swap3A_123], %swap3A_126 {add = true, strides = array<i32>} : memref<128x128xf32, #tpu.memory_space<vmem>>, vector<1x16xf32>,
      %get3A_127 = arith.index_cast %scan3A_110 : i32 to index
      %get3A_128 = arith.constant 32 : index
      %get3A_129 = tpu.vector_load %arg16[%get3A_127, %get3A_128] {strides = array<i32>} : memref<128x128xf32, #tpu.memory_space<vmem>>, vector<1x16xf32>,
      %get3A_130 = vector.shape_cast %get3A_129 : vector<1x16xf32> to vector<16xf32>
      %swap3A_131 = arith.index_cast %scan3A_110 : i32 to index
      %swap3A_132 = arith.constant 32 : index
      %swap3A_133 = tpu.vector_load %arg15[%swap3A_131, %swap3A_132] {strides = array<i32>} : memref<128x128xf32, #tpu.memory_space<vmem>>, vector<1x16xf32>,
      %swap3A_134 = vector.shape_cast %swap3A_133 : vector<1x16xf32> to vector<16xf32>
      %swap3A_135 = vector.shape_cast %get3A_130 : vector<16xf32> to vector<1x16xf32>
      tpu.vector_store %arg15[%swap3A_131, %swap3A_132], %swap3A_135 {add = true, strides = array<i32>} : memref<128x128xf32, #tpu.memory_space<vmem>>, vector<1x16xf32>,
      %get3A_136 = arith.index_cast %scan3A_110 : i32 to index
      %get3A_137 = arith.constant 48 : index
      %get3A_138 = tpu.vector_load %arg16[%get3A_136, %get3A_137] {strides = array<i32>} : memref<128x128xf32, #tpu.memory_space<vmem>>, vector<1x16xf32>,
      %get3A_139 = vector.shape_cast %get3A_138 : vector<1x16xf32> to vector<16xf32>
      %swap3A_140 = arith.index_cast %scan3A_110 : i32 to index
      %swap3A_141 = arith.constant 48 : index
      %swap3A_142 = tpu.vector_load %arg15[%swap3A_140, %swap3A_141] {strides = array<i32>} : memref<128x128xf32, #tpu.memory_space<vmem>>, vector<1x16xf32>,
      %swap3A_143 = vector.shape_cast %swap3A_142 : vector<1x16xf32> to vector<16xf32>
      %swap3A_144 = vector.shape_cast %get3A_139 : vector<16xf32> to vector<1x16xf32>
      tpu.vector_store %arg15[%swap3A_140, %swap3A_141], %swap3A_144 {add = true, strides = array<i32>} : memref<128x128xf32, #tpu.memory_space<vmem>>, vector<1x16xf32>,
      %get3A_145 = arith.index_cast %scan3A_110 : i32 to index
      %get3A_146 = arith.constant 64 : index
      %get3A_147 = tpu.vector_load %arg16[%get3A_145, %get3A_146] {strides = array<i32>} : memref<128x128xf32, #tpu.memory_space<vmem>>, vector<1x16xf32>,
      %get3A_148 = vector.shape_cast %get3A_147 : vector<1x16xf32> to vector<16xf32>
      %swap3A_149 = arith.index_cast %scan3A_110 : i32 to index
      %swap3A_150 = arith.constant 64 : index
      %swap3A_151 = tpu.vector_load %arg15[%swap3A_149, %swap3A_150] {strides = array<i32>} : memref<128x128xf32, #tpu.memory_space<vmem>>, vector<1x16xf32>,
      %swap3A_152 = vector.shape_cast %swap3A_151 : vector<1x16xf32> to vector<16xf32>
      %swap3A_153 = vector.shape_cast %get3A_148 : vector<16xf32> to vector<1x16xf32>
      tpu.vector_store %arg15[%swap3A_149, %swap3A_150], %swap3A_153 {add = true, strides = array<i32>} : memref<128x128xf32, #tpu.memory_space<vmem>>, vector<1x16xf32>,
      %get3A_154 = arith.index_cast %scan3A_110 : i32 to index
      %get3A_155 = arith.constant 80 : index
      %get3A_156 = tpu.vector_load %arg16[%get3A_154, %get3A_155] {strides = array<i32>} : memref<128x128xf32, #tpu.memory_space<vmem>>, vector<1x16xf32>,
      %get3A_157 = vector.shape_cast %get3A_156 : vector<1x16xf32> to vector<16xf32>
      %swap3A_158 = arith.index_cast %scan3A_110 : i32 to index
      %swap3A_159 = arith.constant 80 : index
      %swap3A_160 = tpu.vector_load %arg15[%swap3A_158, %swap3A_159] {strides = array<i32>} : memref<128x128xf32, #tpu.memory_space<vmem>>, vector<1x16xf32>,
      %swap3A_161 = vector.shape_cast %swap3A_160 : vector<1x16xf32> to vector<16xf32>
      %swap3A_162 = vector.shape_cast %get3A_157 : vector<16xf32> to vector<1x16xf32>
      tpu.vector_store %arg15[%swap3A_158, %swap3A_159], %swap3A_162 {add = true, strides = array<i32>} : memref<128x128xf32, #tpu.memory_space<vmem>>, vector<1x16xf32>,
      %get3A_163 = arith.index_cast %scan3A_110 : i32 to index
      %get3A_164 = arith.constant 96 : index
      %get3A_165 = tpu.vector_load %arg16[%get3A_163, %get3A_164] {strides = array<i32>} : memref<128x128xf32, #tpu.memory_space<vmem>>, vector<1x16xf32>,
      %get3A_166 = vector.shape_cast %get3A_165 : vector<1x16xf32> to vector<16xf32>
      %swap3A_167 = arith.index_cast %scan3A_110 : i32 to index
      %swap3A_168 = arith.constant 96 : index
      %swap3A_169 = tpu.vector_load %arg15[%swap3A_167, %swap3A_168] {strides = array<i32>} : memref<128x128xf32, #tpu.memory_space<vmem>>, vector<1x16xf32>,
      %swap3A_170 = vector.shape_cast %swap3A_169 : vector<1x16xf32> to vector<16xf32>
      %swap3A_171 = vector.shape_cast %get3A_166 : vector<16xf32> to vector<1x16xf32>
      tpu.vector_store %arg15[%swap3A_167, %swap3A_168], %swap3A_171 {add = true, strides = array<i32>} : memref<128x128xf32, #tpu.memory_space<vmem>>, vector<1x16xf32>,
      %get3A_172 = arith.index_cast %scan3A_110 : i32 to index
      %get3A_173 = arith.constant 112 : index
      %get3A_174 = tpu.vector_load %arg16[%get3A_172, %get3A_173] {strides = array<i32>} : memref<128x128xf32, #tpu.memory_space<vmem>>, vector<1x16xf32>,
      %get3A_175 = vector.shape_cast %get3A_174 : vector<1x16xf32> to vector<16xf32>
      %swap3A_176 = arith.index_cast %scan3A_110 : i32 to index
      %swap3A_177 = arith.constant 112 : index
      %swap3A_178 = tpu.vector_load %arg15[%swap3A_176, %swap3A_177] {strides = array<i32>} : memref<128x128xf32, #tpu.memory_space<vmem>>, vector<1x16xf32>,
      %swap3A_179 = vector.shape_cast %swap3A_178 : vector<1x16xf32> to vector<16xf32>
      %swap3A_180 = vector.shape_cast %get3A_175 : vector<16xf32> to vector<1x16xf32>
      tpu.vector_store %arg15[%swap3A_176, %swap3A_177], %swap3A_180 {add = true, strides = array<i32>} : memref<128x128xf32, #tpu.memory_space<vmem>>, vector<1x16xf32>,
    }
    %scan3A_75 = arith.constant 128 : i32
    %add3A_76 = arith.constant 3456 : i32
    %add3A_77 = arith.addi %mul3A_2, %add3A_76 : i32
    "tpu.region"() ({
      %run_scoped3A = tpu.sem_alloc : memref<!tpu.dma_semaphore, #tpu.memory_space<semaphore_mem>>
      %dma_start3A_110 = arith.constant 0 : i32
      %dma_start3A_111 = tpu.memref_slice %arg8[%add3A_77, %dma_start3A_110] : memref<115200x128xf32, #tpu.memory_space<hbm>> -> memref<128x128xf32, #tpu.memory_space<hbm>>
      %dma_start3A_112 = arith.constant 0 : i32
      %dma_start3A_113 = tpu.memref_slice %arg8[%add3A_77, %dma_start3A_112] : memref<115200x128xf32, #tpu.memory_space<hbm>> -> memref<128x128xf32, #tpu.memory_space<hbm>>
      tpu.enqueue_dma source(%arg15 : memref<128x128xf32, #tpu.memory_space<vmem>>) target(%dma_start3A_113 : memref<128x128xf32, #tpu.memory_space<hbm>>) target_semaphore(%run_scoped3A : memref<!tpu.dma_semaphore, #tpu.memory_space<semaphore_mem>>)
      %dma_wait3A_114 = arith.constant 0 : i32
      %dma_wait3A_115 = tpu.memref_slice %arg8[%add3A_77, %dma_wait3A_114] : memref<115200x128xf32, #tpu.memory_space<hbm>> -> memref<128x128xf32, #tpu.memory_space<hbm>>
      %dma_wait3A_116 = arith.constant 0 : i32
      %dma_wait3A_117 = tpu.memref_slice %arg8[%add3A_77, %dma_wait3A_116] : memref<115200x128xf32, #tpu.memory_space<hbm>> -> memref<128x128xf32, #tpu.memory_space<hbm>>
      tpu.wait_dma2 semaphore(%run_scoped3A : memref<!tpu.dma_semaphore, #tpu.memory_space<semaphore_mem>>) src(%arg15 : memref<128x128xf32, #tpu.memory_space<vmem>>) dst(%dma_wait3A_117 : memref<128x128xf32, #tpu.memory_space<hbm>>)
      tpu.yield
    }) : () -> ()
    %add3A_78 = arith.constant 3584 : i32
    %add3A_79 = arith.addi %mul3A_2, %add3A_78 : i32
    %dma_start3A_80 = arith.constant 0 : i32
    %dma_start3A_81 = arith.constant 0 : i32
    %dma_start3A_82 = tpu.memref_slice %arg13[%dma_start3A_80, %dma_start3A_81] : memref<128x128xf32, #tpu.memory_space<vmem>> -> memref<16x128xf32, #tpu.memory_space<vmem>>
    %dma_start3A_83 = arith.constant 0 : i32
    %dma_start3A_84 = arith.constant 0 : i32
    %dma_start3A_85 = tpu.memref_slice %arg6[%dma_start3A_83, %dma_start3A_84] : memref<10000x128xf32, #tpu.memory_space<hbm>> -> memref<10000x128xf32, #tpu.memory_space<hbm>>
    tpu.enqueue_indirect_dma source(%dma_start3A_85 : memref<10000x128xf32, #tpu.memory_space<hbm>>) target(%dma_start3A_82 : memref<16x128xf32, #tpu.memory_space<vmem>>) offsets(%arg11 : memref<16xi32, #tpu.memory_space<vmem>>) semaphore(%arg17 : memref<!tpu.dma_semaphore, #tpu.memory_space<semaphore_mem>>)
    %dma_start3A_86 = arith.constant 0 : i32
    %dma_start3A_87 = arith.constant 0 : i32
    %dma_start3A_88 = tpu.memref_slice %arg14[%dma_start3A_86, %dma_start3A_87] : memref<128x128xf32, #tpu.memory_space<vmem>> -> memref<16x128xf32, #tpu.memory_space<vmem>>
    %dma_start3A_89 = arith.constant 0 : i32
    %dma_start3A_90 = arith.constant 0 : i32
    %dma_start3A_91 = tpu.memref_slice %arg7[%dma_start3A_89, %dma_start3A_90] : memref<10000x128xf32, #tpu.memory_space<hbm>> -> memref<10000x128xf32, #tpu.memory_space<hbm>>
    tpu.enqueue_indirect_dma source(%dma_start3A_91 : memref<10000x128xf32, #tpu.memory_space<hbm>>) target(%dma_start3A_88 : memref<16x128xf32, #tpu.memory_space<vmem>>) offsets(%arg12 : memref<16xi32, #tpu.memory_space<vmem>>) semaphore(%arg18 : memref<!tpu.dma_semaphore, #tpu.memory_space<semaphore_mem>>)
    %dma_wait3A_92 = arith.constant 0 : i32
    %dma_wait3A_93 = arith.constant 0 : i32
    %dma_wait3A_94 = tpu.memref_slice %arg13[%dma_wait3A_92, %dma_wait3A_93] : memref<128x128xf32, #tpu.memory_space<vmem>> -> memref<16x128xf32, #tpu.memory_space<vmem>>
    %dma_wait3A_95 = arith.constant 0 : i32
    %dma_wait3A_96 = arith.constant 0 : i32
    %dma_wait3A_97 = tpu.memref_slice %arg6[%dma_wait3A_95, %dma_wait3A_96] : memref<10000x128xf32, #tpu.memory_space<hbm>> -> memref<10000x128xf32, #tpu.memory_space<hbm>>
    tpu.wait_indirect_dma semaphore(%arg17 : memref<!tpu.dma_semaphore, #tpu.memory_space<semaphore_mem>>) src(%dma_wait3A_97 : memref<10000x128xf32, #tpu.memory_space<hbm>>) dst(%dma_wait3A_94 : memref<16x128xf32, #tpu.memory_space<vmem>>)
    %dma_wait3A_98 = arith.constant 0 : i32
    %dma_wait3A_99 = arith.constant 0 : i32
    %dma_wait3A_100 = tpu.memref_slice %arg14[%dma_wait3A_98, %dma_wait3A_99] : memref<128x128xf32, #tpu.memory_space<vmem>> -> memref<16x128xf32, #tpu.memory_space<vmem>>
    %dma_wait3A_101 = arith.constant 0 : i32
    %dma_wait3A_102 = arith.constant 0 : i32
    %dma_wait3A_103 = tpu.memref_slice %arg7[%dma_wait3A_101, %dma_wait3A_102] : memref<10000x128xf32, #tpu.memory_space<hbm>> -> memref<10000x128xf32, #tpu.memory_space<hbm>>
    tpu.wait_indirect_dma semaphore(%arg18 : memref<!tpu.dma_semaphore, #tpu.memory_space<semaphore_mem>>) src(%dma_wait3A_103 : memref<10000x128xf32, #tpu.memory_space<hbm>>) dst(%dma_wait3A_100 : memref<16x128xf32, #tpu.memory_space<vmem>>)
    %scan3A_104 = arith.constant 0 : i32
    %scan3A_105 = arith.constant 0 : i32
    %scan3A_106 = arith.constant 16 : i32
    %scan3A_107 = arith.addi %scan3A_105, %scan3A_106 : i32
    %scan3A_108 = arith.constant 1 : i32
    scf.for %scan3A_110 = %scan3A_105 to %scan3A_107 step %scan3A_108  : i32 {
      %get3A = arith.index_cast %scan3A_110 : i32 to index
      %get3A_111 = arith.constant 0 : index
      %get3A_112 = tpu.vector_load %arg14[%get3A, %get3A_111] {strides = array<i32>} : memref<128x128xf32, #tpu.memory_space<vmem>>, vector<1x16xf32>,
      %get3A_113 = vector.shape_cast %get3A_112 : vector<1x16xf32> to vector<16xf32>
      %swap3A = arith.index_cast %scan3A_110 : i32 to index
      %swap3A_114 = arith.constant 0 : index
      %swap3A_115 = tpu.vector_load %arg13[%swap3A, %swap3A_114] {strides = array<i32>} : memref<128x128xf32, #tpu.memory_space<vmem>>, vector<1x16xf32>,
      %swap3A_116 = vector.shape_cast %swap3A_115 : vector<1x16xf32> to vector<16xf32>
      %swap3A_117 = vector.shape_cast %get3A_113 : vector<16xf32> to vector<1x16xf32>
      tpu.vector_store %arg13[%swap3A, %swap3A_114], %swap3A_117 {add = true, strides = array<i32>} : memref<128x128xf32, #tpu.memory_space<vmem>>, vector<1x16xf32>,
      %get3A_118 = arith.index_cast %scan3A_110 : i32 to index
      %get3A_119 = arith.constant 16 : index
      %get3A_120 = tpu.vector_load %arg14[%get3A_118, %get3A_119] {strides = array<i32>} : memref<128x128xf32, #tpu.memory_space<vmem>>, vector<1x16xf32>,
      %get3A_121 = vector.shape_cast %get3A_120 : vector<1x16xf32> to vector<16xf32>
      %swap3A_122 = arith.index_cast %scan3A_110 : i32 to index
      %swap3A_123 = arith.constant 16 : index
      %swap3A_124 = tpu.vector_load %arg13[%swap3A_122, %swap3A_123] {strides = array<i32>} : memref<128x128xf32, #tpu.memory_space<vmem>>, vector<1x16xf32>,
      %swap3A_125 = vector.shape_cast %swap3A_124 : vector<1x16xf32> to vector<16xf32>
      %swap3A_126 = vector.shape_cast %get3A_121 : vector<16xf32> to vector<1x16xf32>
      tpu.vector_store %arg13[%swap3A_122, %swap3A_123], %swap3A_126 {add = true, strides = array<i32>} : memref<128x128xf32, #tpu.memory_space<vmem>>, vector<1x16xf32>,
      %get3A_127 = arith.index_cast %scan3A_110 : i32 to index
      %get3A_128 = arith.constant 32 : index
      %get3A_129 = tpu.vector_load %arg14[%get3A_127, %get3A_128] {strides = array<i32>} : memref<128x128xf32, #tpu.memory_space<vmem>>, vector<1x16xf32>,
      %get3A_130 = vector.shape_cast %get3A_129 : vector<1x16xf32> to vector<16xf32>
      %swap3A_131 = arith.index_cast %scan3A_110 : i32 to index
      %swap3A_132 = arith.constant 32 : index
      %swap3A_133 = tpu.vector_load %arg13[%swap3A_131, %swap3A_132] {strides = array<i32>} : memref<128x128xf32, #tpu.memory_space<vmem>>, vector<1x16xf32>,
      %swap3A_134 = vector.shape_cast %swap3A_133 : vector<1x16xf32> to vector<16xf32>
      %swap3A_135 = vector.shape_cast %get3A_130 : vector<16xf32> to vector<1x16xf32>
      tpu.vector_store %arg13[%swap3A_131, %swap3A_132], %swap3A_135 {add = true, strides = array<i32>} : memref<128x128xf32, #tpu.memory_space<vmem>>, vector<1x16xf32>,
      %get3A_136 = arith.index_cast %scan3A_110 : i32 to index
      %get3A_137 = arith.constant 48 : index
      %get3A_138 = tpu.vector_load %arg14[%get3A_136, %get3A_137] {strides = array<i32>} : memref<128x128xf32, #tpu.memory_space<vmem>>, vector<1x16xf32>,
      %get3A_139 = vector.shape_cast %get3A_138 : vector<1x16xf32> to vector<16xf32>
      %swap3A_140 = arith.index_cast %scan3A_110 : i32 to index
      %swap3A_141 = arith.constant 48 : index
      %swap3A_142 = tpu.vector_load %arg13[%swap3A_140, %swap3A_141] {strides = array<i32>} : memref<128x128xf32, #tpu.memory_space<vmem>>, vector<1x16xf32>,
      %swap3A_143 = vector.shape_cast %swap3A_142 : vector<1x16xf32> to vector<16xf32>
      %swap3A_144 = vector.shape_cast %get3A_139 : vector<16xf32> to vector<1x16xf32>
      tpu.vector_store %arg13[%swap3A_140, %swap3A_141], %swap3A_144 {add = true, strides = array<i32>} : memref<128x128xf32, #tpu.memory_space<vmem>>, vector<1x16xf32>,
      %get3A_145 = arith.index_cast %scan3A_110 : i32 to index
      %get3A_146 = arith.constant 64 : index
      %get3A_147 = tpu.vector_load %arg14[%get3A_145, %get3A_146] {strides = array<i32>} : memref<128x128xf32, #tpu.memory_space<vmem>>, vector<1x16xf32>,
      %get3A_148 = vector.shape_cast %get3A_147 : vector<1x16xf32> to vector<16xf32>
      %swap3A_149 = arith.index_cast %scan3A_110 : i32 to index
      %swap3A_150 = arith.constant 64 : index
      %swap3A_151 = tpu.vector_load %arg13[%swap3A_149, %swap3A_150] {strides = array<i32>} : memref<128x128xf32, #tpu.memory_space<vmem>>, vector<1x16xf32>,
      %swap3A_152 = vector.shape_cast %swap3A_151 : vector<1x16xf32> to vector<16xf32>
      %swap3A_153 = vector.shape_cast %get3A_148 : vector<16xf32> to vector<1x16xf32>
      tpu.vector_store %arg13[%swap3A_149, %swap3A_150], %swap3A_153 {add = true, strides = array<i32>} : memref<128x128xf32, #tpu.memory_space<vmem>>, vector<1x16xf32>,
      %get3A_154 = arith.index_cast %scan3A_110 : i32 to index
      %get3A_155 = arith.constant 80 : index
      %get3A_156 = tpu.vector_load %arg14[%get3A_154, %get3A_155] {strides = array<i32>} : memref<128x128xf32, #tpu.memory_space<vmem>>, vector<1x16xf32>,
      %get3A_157 = vector.shape_cast %get3A_156 : vector<1x16xf32> to vector<16xf32>
      %swap3A_158 = arith.index_cast %scan3A_110 : i32 to index
      %swap3A_159 = arith.constant 80 : index
      %swap3A_160 = tpu.vector_load %arg13[%swap3A_158, %swap3A_159] {strides = array<i32>} : memref<128x128xf32, #tpu.memory_space<vmem>>, vector<1x16xf32>,
      %swap3A_161 = vector.shape_cast %swap3A_160 : vector<1x16xf32> to vector<16xf32>
      %swap3A_162 = vector.shape_cast %get3A_157 : vector<16xf32> to vector<1x16xf32>
      tpu.vector_store %arg13[%swap3A_158, %swap3A_159], %swap3A_162 {add = true, strides = array<i32>} : memref<128x128xf32, #tpu.memory_space<vmem>>, vector<1x16xf32>,
      %get3A_163 = arith.index_cast %scan3A_110 : i32 to index
      %get3A_164 = arith.constant 96 : index
      %get3A_165 = tpu.vector_load %arg14[%get3A_163, %get3A_164] {strides = array<i32>} : memref<128x128xf32, #tpu.memory_space<vmem>>, vector<1x16xf32>,
      %get3A_166 = vector.shape_cast %get3A_165 : vector<1x16xf32> to vector<16xf32>
      %swap3A_167 = arith.index_cast %scan3A_110 : i32 to index
      %swap3A_168 = arith.constant 96 : index
      %swap3A_169 = tpu.vector_load %arg13[%swap3A_167, %swap3A_168] {strides = array<i32>} : memref<128x128xf32, #tpu.memory_space<vmem>>, vector<1x16xf32>,
      %swap3A_170 = vector.shape_cast %swap3A_169 : vector<1x16xf32> to vector<16xf32>
      %swap3A_171 = vector.shape_cast %get3A_166 : vector<16xf32> to vector<1x16xf32>
      tpu.vector_store %arg13[%swap3A_167, %swap3A_168], %swap3A_171 {add = true, strides = array<i32>} : memref<128x128xf32, #tpu.memory_space<vmem>>, vector<1x16xf32>,
      %get3A_172 = arith.index_cast %scan3A_110 : i32 to index
      %get3A_173 = arith.constant 112 : index
      %get3A_174 = tpu.vector_load %arg14[%get3A_172, %get3A_173] {strides = array<i32>} : memref<128x128xf32, #tpu.memory_space<vmem>>, vector<1x16xf32>,
      %get3A_175 = vector.shape_cast %get3A_174 : vector<1x16xf32> to vector<16xf32>
      %swap3A_176 = arith.index_cast %scan3A_110 : i32 to index
      %swap3A_177 = arith.constant 112 : index
      %swap3A_178 = tpu.vector_load %arg13[%swap3A_176, %swap3A_177] {strides = array<i32>} : memref<128x128xf32, #tpu.memory_space<vmem>>, vector<1x16xf32>,
      %swap3A_179 = vector.shape_cast %swap3A_178 : vector<1x16xf32> to vector<16xf32>
      %swap3A_180 = vector.shape_cast %get3A_175 : vector<16xf32> to vector<1x16xf32>
      tpu.vector_store %arg13[%swap3A_176, %swap3A_177], %swap3A_180 {add = true, strides = array<i32>} : memref<128x128xf32, #tpu.memory_space<vmem>>, vector<1x16xf32>,
    }
    %scan3A_109 = arith.constant 16 : i32
    "tpu.region"() ({
      %run_scoped3A = tpu.sem_alloc : memref<!tpu.dma_semaphore, #tpu.memory_space<semaphore_mem>>
      %dma_start3A_110 = arith.constant 0 : i32
      %dma_start3A_111 = arith.constant 0 : i32
      %dma_start3A_112 = tpu.memref_slice %arg13[%dma_start3A_110, %dma_start3A_111] : memref<128x128xf32, #tpu.memory_space<vmem>> -> memref<16x128xf32, #tpu.memory_space<vmem>>
      %dma_start3A_113 = arith.constant 0 : i32
      %dma_start3A_114 = tpu.memref_slice %arg8[%add3A_79, %dma_start3A_113] : memref<115200x128xf32, #tpu.memory_space<hbm>> -> memref<16x128xf32, #tpu.memory_space<hbm>>
      %dma_start3A_115 = arith.constant 0 : i32
      %dma_start3A_116 = tpu.memref_slice %arg8[%add3A_79, %dma_start3A_115] : memref<115200x128xf32, #tpu.memory_space<hbm>> -> memref<16x128xf32, #tpu.memory_space<hbm>>
      %dma_start3A_117 = arith.constant 0 : i32
      %dma_start3A_118 = arith.constant 0 : i32
      %dma_start3A_119 = tpu.memref_slice %arg13[%dma_start3A_117, %dma_start3A_118] : memref<128x128xf32, #tpu.memory_space<vmem>> -> memref<16x128xf32, #tpu.memory_space<vmem>>
      tpu.enqueue_dma source(%dma_start3A_119 : memref<16x128xf32, #tpu.memory_space<vmem>>) target(%dma_start3A_116 : memref<16x128xf32, #tpu.memory_space<hbm>>) target_semaphore(%run_scoped3A : memref<!tpu.dma_semaphore, #tpu.memory_space<semaphore_mem>>)
      %dma_wait3A_120 = arith.constant 0 : i32
      %dma_wait3A_121 = arith.constant 0 : i32
      %dma_wait3A_122 = tpu.memref_slice %arg13[%dma_wait3A_120, %dma_wait3A_121] : memref<128x128xf32, #tpu.memory_space<vmem>> -> memref<16x128xf32, #tpu.memory_space<vmem>>
      %dma_wait3A_123 = arith.constant 0 : i32
      %dma_wait3A_124 = tpu.memref_slice %arg8[%add3A_79, %dma_wait3A_123] : memref<115200x128xf32, #tpu.memory_space<hbm>> -> memref<16x128xf32, #tpu.memory_space<hbm>>
      %dma_wait3A_125 = arith.constant 0 : i32
      %dma_wait3A_126 = tpu.memref_slice %arg8[%add3A_79, %dma_wait3A_125] : memref<115200x128xf32, #tpu.memory_space<hbm>> -> memref<16x128xf32, #tpu.memory_space<hbm>>
      %dma_wait3A_127 = arith.constant 0 : i32
      %dma_wait3A_128 = arith.constant 0 : i32
      %dma_wait3A_129 = tpu.memref_slice %arg13[%dma_wait3A_127, %dma_wait3A_128] : memref<128x128xf32, #tpu.memory_space<vmem>> -> memref<16x128xf32, #tpu.memory_space<vmem>>
      tpu.wait_dma2 semaphore(%run_scoped3A : memref<!tpu.dma_semaphore, #tpu.memory_space<semaphore_mem>>) src(%dma_wait3A_129 : memref<16x128xf32, #tpu.memory_space<vmem>>) dst(%dma_wait3A_126 : memref<16x128xf32, #tpu.memory_space<hbm>>)
      tpu.yield
    }) : () -> ()
    return
  }
}

module attributes {stable_mosaic.version = 14 : i64} {
  func.func @_proj_body(%arg0: i32, %arg1: memref<1000x128xf32, #tpu.memory_space<vmem>>, %arg2: memref<128x128xf32, #tpu.memory_space<vmem>>, %arg3: memref<128x128xf32, #tpu.memory_space<vmem>>, %arg4: memref<1000x128xf32, #tpu.memory_space<vmem>>, %arg5: memref<1000x128xf32, #tpu.memory_space<vmem>>) attributes {dimension_semantics = [#tpu.dimension_semantics<arbitrary>], iteration_bounds = array<i64: 10>, scalar_prefetch = 0 : i64, scratch_operands = 0 : i64, tpu.core_type = #tpu.core_type<tc>, window_params = [{transform_indices = @transform_0, window_bounds = array<i64: 1000, 128>}, {pipeline_mode = #tpu.pipeline_mode<synchronous>, transform_indices = @transform_1, window_bounds = array<i64: 128, 128>}, {pipeline_mode = #tpu.pipeline_mode<synchronous>, transform_indices = @transform_2, window_bounds = array<i64: 128, 128>}, {transform_indices = @transform_3, window_bounds = array<i64: 1000, 128>}, {transform_indices = @transform_4, window_bounds = array<i64: 1000, 128>}]} {
    %get3A = arith.constant 0 : index
    %get3A_0 = arith.constant 0 : index
    %get3A_1 = vector.load %arg1[%get3A, %get3A_0] : memref<1000x128xf32, #tpu.memory_space<vmem>>, vector<1000x128xf32>
    %get3A_2 = arith.constant 0 : index
    %get3A_3 = arith.constant 0 : index
    %get3A_4 = vector.load %arg2[%get3A_2, %get3A_3] : memref<128x128xf32, #tpu.memory_space<vmem>>, vector<128x128xf32>
    %dot_general3A = arith.constant dense<0.000000e+00> : vector<1000x128xf32>
    %dot_general3A_5 = tpu.matmul %get3A_1, %get3A_4, %dot_general3A {dimension_numbers = #tpu.dot_dimension_numbers<[1], [0], [0], [1], [0, 0, 1, 1], [], []>, transpose_lhs_hint = false} : vector<1000x128xf32>, vector<128x128xf32>, vector<1000x128xf32> -> vector<1000x128xf32>
    %swap3A = arith.constant 0 : index
    %swap3A_6 = arith.constant 0 : index
    %swap3A_7 = vector.load %arg4[%swap3A, %swap3A_6] : memref<1000x128xf32, #tpu.memory_space<vmem>>, vector<1000x128xf32>
    tpu.vector_store %arg4[%swap3A, %swap3A_6], %dot_general3A_5 {strides = array<i32>} : memref<1000x128xf32, #tpu.memory_space<vmem>>, vector<1000x128xf32>,
    %get3A_8 = arith.constant 0 : index
    %get3A_9 = arith.constant 0 : index
    %get3A_10 = vector.load %arg3[%get3A_8, %get3A_9] : memref<128x128xf32, #tpu.memory_space<vmem>>, vector<128x128xf32>
    %dot_general3A_11 = arith.constant dense<0.000000e+00> : vector<1000x128xf32>
    %dot_general3A_12 = tpu.matmul %get3A_1, %get3A_10, %dot_general3A_11 {dimension_numbers = #tpu.dot_dimension_numbers<[1], [0], [0], [1], [0, 0, 1, 1], [], []>, transpose_lhs_hint = false} : vector<1000x128xf32>, vector<128x128xf32>, vector<1000x128xf32> -> vector<1000x128xf32>
    %swap3A_13 = arith.constant 0 : index
    %swap3A_14 = arith.constant 0 : index
    %swap3A_15 = vector.load %arg5[%swap3A_13, %swap3A_14] : memref<1000x128xf32, #tpu.memory_space<vmem>>, vector<1000x128xf32>
    tpu.vector_store %arg5[%swap3A_13, %swap3A_14], %dot_general3A_12 {strides = array<i32>} : memref<1000x128xf32, #tpu.memory_space<vmem>>, vector<1000x128xf32>,
    return
  }
  func.func @transform_0(%arg0: i32) -> (i32, i32) {
    %c0_i32 = arith.constant 0 : i32
    %c0_i32_0 = arith.constant 0 : i32
    return %arg0, %c0_i32 : i32, i32
  }
  func.func @transform_1(%arg0: i32) -> (i32, i32) {
    %c0_i32 = arith.constant 0 : i32
    %c0_i32_0 = arith.constant 0 : i32
    %c0_i32_1 = arith.constant 0 : i32
    return %c0_i32, %c0_i32_0 : i32, i32
  }
  func.func @transform_2(%arg0: i32) -> (i32, i32) {
    %c0_i32 = arith.constant 0 : i32
    %c0_i32_0 = arith.constant 0 : i32
    %c0_i32_1 = arith.constant 0 : i32
    return %c0_i32, %c0_i32_0 : i32, i32
  }
  func.func @transform_3(%arg0: i32) -> (i32, i32) {
    %c0_i32 = arith.constant 0 : i32
    %c0_i32_0 = arith.constant 0 : i32
    return %arg0, %c0_i32 : i32, i32
  }
  func.func @transform_4(%arg0: i32) -> (i32, i32) {
    %c0_i32 = arith.constant 0 : i32
    %c0_i32_0 = arith.constant 0 : i32
    return %arg0, %c0_i32 : i32, i32
  }
}

module attributes {stable_mosaic.version = 14 : i64} {
  func.func @_edge_math(%arg0: i32, %arg1: memref<2560x128xf32, #tpu.memory_space<vmem>>, %arg2: memref<16x2560xf32, #tpu.memory_space<vmem>>, %arg3: memref<16x128xbf16, #tpu.memory_space<vmem>>, %arg4: memref<1x128xf32, #tpu.memory_space<vmem>>, %arg5: memref<128x128xbf16, #tpu.memory_space<vmem>>, %arg6: memref<1x128xf32, #tpu.memory_space<vmem>>, %arg7: memref<2560x128xf32, #tpu.memory_space<vmem>>) attributes {dimension_semantics = [#tpu.dimension_semantics<arbitrary>], iteration_bounds = array<i64: 32>, scalar_prefetch = 0 : i64, scratch_operands = 0 : i64, tpu.core_type = #tpu.core_type<tc>, window_params = [{transform_indices = @transform_0, window_bounds = array<i64: 2560, 128>}, {transform_indices = @transform_1, window_bounds = array<i64: 16, 2560>}, {pipeline_mode = #tpu.pipeline_mode<synchronous>, transform_indices = @transform_2, window_bounds = array<i64: 16, 128>}, {pipeline_mode = #tpu.pipeline_mode<synchronous>, transform_indices = @transform_3, window_bounds = array<i64: 1, 128>}, {pipeline_mode = #tpu.pipeline_mode<synchronous>, transform_indices = @transform_4, window_bounds = array<i64: 128, 128>}, {pipeline_mode = #tpu.pipeline_mode<synchronous>, transform_indices = @transform_5, window_bounds = array<i64: 1, 128>}, {transform_indices = @transform_6, window_bounds = array<i64: 2560, 128>}]} {
    %get3A = arith.constant 0 : index
    %get3A_0 = arith.constant 0 : index
    %get3A_1 = vector.load %arg2[%get3A, %get3A_0] : memref<16x2560xf32, #tpu.memory_space<vmem>>, vector<16x2560xf32>
    %convert_element_type3A = arith.truncf %get3A_1 : vector<16x2560xf32> to vector<16x2560xbf16>
    %get3A_2 = arith.constant 0 : index
    %get3A_3 = arith.constant 0 : index
    %get3A_4 = vector.load %arg3[%get3A_2, %get3A_3] : memref<16x128xbf16, #tpu.memory_space<vmem>>, vector<16x128xbf16>
    %dot_general3A = arith.constant dense<0.000000e+00> : vector<2560x128xf32>
    %dot_general3A_5 = tpu.matmul %convert_element_type3A, %get3A_4, %dot_general3A {dimension_numbers = #tpu.dot_dimension_numbers<[0], [0], [1], [1], [0, 1, 1, 1], [], []>, transpose_lhs_hint = false} : vector<16x2560xbf16>, vector<16x128xbf16>, vector<2560x128xf32> -> vector<2560x128xf32>
    %get3A_6 = arith.constant 0 : index
    %get3A_7 = arith.constant 0 : index
    %get3A_8 = vector.load %arg1[%get3A_6, %get3A_7] : memref<2560x128xf32, #tpu.memory_space<vmem>>, vector<2560x128xf32>
    %add3A = arith.addf %get3A_8, %dot_general3A_5 : vector<2560x128xf32>
    %get3A_9 = arith.constant 0 : index
    %get3A_10 = arith.constant 0 : index
    %get3A_11 = vector.load %arg4[%get3A_9, %get3A_10] : memref<1x128xf32, #tpu.memory_space<vmem>>, vector<1x128xf32>
    %add3A_12 = vector.broadcast %get3A_11 : vector<1x128xf32> to vector<2560x128xf32>
    %add3A_13 = arith.addf %add3A, %add3A_12 : vector<2560x128xf32>
    %max3A = arith.constant 0.000000e+00 : f32
    %max3A_14 = vector.broadcast %max3A : f32 to vector<2560x128xf32>
    %max3A_15 = arith.maximumf %add3A_13, %max3A_14 : vector<2560x128xf32>
    %abs3A = math.absf %add3A_13 : vector<2560x128xf32>
    %neg3A = arith.constant 0.000000e+00 : f32
    %neg3A_16 = vector.broadcast %neg3A : f32 to vector<2560x128xf32>
    %neg3A_17 = arith.subf %neg3A_16, %abs3A : vector<2560x128xf32>
    %exp3A = math.exp %neg3A_17 : vector<2560x128xf32>
    %log1p3A = math.log1p %exp3A : vector<2560x128xf32>
    %add3A_18 = arith.addf %max3A_15, %log1p3A : vector<2560x128xf32>
    %convert_element_type3A_19 = arith.truncf %add3A_18 : vector<2560x128xf32> to vector<2560x128xbf16>
    %get3A_20 = arith.constant 0 : index
    %get3A_21 = arith.constant 0 : index
    %get3A_22 = vector.load %arg5[%get3A_20, %get3A_21] : memref<128x128xbf16, #tpu.memory_space<vmem>>, vector<128x128xbf16>
    %dot_general3A_23 = arith.constant dense<0.000000e+00> : vector<2560x128xf32>
    %dot_general3A_24 = tpu.matmul %convert_element_type3A_19, %get3A_22, %dot_general3A_23 {dimension_numbers = #tpu.dot_dimension_numbers<[1], [0], [0], [1], [0, 0, 1, 1], [], []>, transpose_lhs_hint = false} : vector<2560x128xbf16>, vector<128x128xbf16>, vector<2560x128xf32> -> vector<2560x128xf32>
    %get3A_25 = arith.constant 0 : index
    %get3A_26 = arith.constant 0 : index
    %get3A_27 = vector.load %arg6[%get3A_25, %get3A_26] : memref<1x128xf32, #tpu.memory_space<vmem>>, vector<1x128xf32>
    %add3A_28 = vector.broadcast %get3A_27 : vector<1x128xf32> to vector<2560x128xf32>
    %add3A_29 = arith.addf %dot_general3A_24, %add3A_28 : vector<2560x128xf32>
    %swap3A = arith.constant 0 : index
    %swap3A_30 = arith.constant 0 : index
    %swap3A_31 = vector.load %arg7[%swap3A, %swap3A_30] : memref<2560x128xf32, #tpu.memory_space<vmem>>, vector<2560x128xf32>
    tpu.vector_store %arg7[%swap3A, %swap3A_30], %add3A_29 {strides = array<i32>} : memref<2560x128xf32, #tpu.memory_space<vmem>>, vector<2560x128xf32>,
    return
  }
  func.func @transform_0(%arg0: i32) -> (i32, i32) {
    %c0_i32 = arith.constant 0 : i32
    %c0_i32_0 = arith.constant 0 : i32
    return %arg0, %c0_i32 : i32, i32
  }
  func.func @transform_1(%arg0: i32) -> (i32, i32) {
    %add3A = arith.constant 0 : i32
    %add3A_0 = arith.addi %arg0, %add3A : i32
    %c0_i32 = arith.constant 0 : i32
    %c0_i32_1 = arith.constant 0 : i32
    return %c0_i32, %add3A_0 : i32, i32
  }
  func.func @transform_2(%arg0: i32) -> (i32, i32) {
    %c0_i32 = arith.constant 0 : i32
    %c0_i32_0 = arith.constant 0 : i32
    %c0_i32_1 = arith.constant 0 : i32
    return %c0_i32, %c0_i32_0 : i32, i32
  }
  func.func @transform_3(%arg0: i32) -> (i32, i32) {
    %c0_i32 = arith.constant 0 : i32
    %c0_i32_0 = arith.constant 0 : i32
    %c0_i32_1 = arith.constant 0 : i32
    return %c0_i32, %c0_i32_0 : i32, i32
  }
  func.func @transform_4(%arg0: i32) -> (i32, i32) {
    %c0_i32 = arith.constant 0 : i32
    %c0_i32_0 = arith.constant 0 : i32
    %c0_i32_1 = arith.constant 0 : i32
    return %c0_i32, %c0_i32_0 : i32, i32
  }
  func.func @transform_5(%arg0: i32) -> (i32, i32) {
    %c0_i32 = arith.constant 0 : i32
    %c0_i32_0 = arith.constant 0 : i32
    %c0_i32_1 = arith.constant 0 : i32
    return %c0_i32, %c0_i32_0 : i32, i32
  }
  func.func @transform_6(%arg0: i32) -> (i32, i32) {
    %add3A = arith.constant 0 : i32
    %add3A_0 = arith.addi %arg0, %add3A : i32
    %c0_i32 = arith.constant 0 : i32
    %c0_i32_1 = arith.constant 0 : i32
    return %add3A_0, %c0_i32 : i32, i32
  }
}

module attributes {stable_mosaic.version = 14 : i64} {
  func.func @_edge_body2(%arg0: i32, %arg1: memref<320000x128xf32, #tpu.memory_space<hbm>>, %arg2: memref<2560x128xf32, #tpu.memory_space<vmem>>, %arg3: memref<16x2560xf32, #tpu.memory_space<vmem>>, %arg4: memref<16x128xbf16, #tpu.memory_space<vmem>>, %arg5: memref<1x128xf32, #tpu.memory_space<vmem>>, %arg6: memref<128x128xbf16, #tpu.memory_space<vmem>>, %arg7: memref<1x128xf32, #tpu.memory_space<vmem>>, %arg8: memref<2560x128xf32, #tpu.memory_space<vmem>>) attributes {dimension_semantics = [#tpu.dimension_semantics<arbitrary>], iteration_bounds = array<i64: 45>, scalar_prefetch = 0 : i64, scratch_operands = 0 : i64, tpu.core_type = #tpu.core_type<tc>, window_params = [{}, {transform_indices = @transform_1, window_bounds = array<i64: 2560, 128>}, {transform_indices = @transform_2, window_bounds = array<i64: 16, 2560>}, {pipeline_mode = #tpu.pipeline_mode<synchronous>, transform_indices = @transform_3, window_bounds = array<i64: 16, 128>}, {pipeline_mode = #tpu.pipeline_mode<synchronous>, transform_indices = @transform_4, window_bounds = array<i64: 1, 128>}, {pipeline_mode = #tpu.pipeline_mode<synchronous>, transform_indices = @transform_5, window_bounds = array<i64: 128, 128>}, {pipeline_mode = #tpu.pipeline_mode<synchronous>, transform_indices = @transform_6, window_bounds = array<i64: 1, 128>}, {transform_indices = @transform_7, window_bounds = array<i64: 2560, 128>}]} {
    %get3A = arith.constant 0 : index
    %get3A_0 = arith.constant 0 : index
    %get3A_1 = vector.load %arg3[%get3A, %get3A_0] : memref<16x2560xf32, #tpu.memory_space<vmem>>, vector<16x2560xf32>
    %convert_element_type3A = arith.truncf %get3A_1 : vector<16x2560xf32> to vector<16x2560xbf16>
    %get3A_2 = arith.constant 0 : index
    %get3A_3 = arith.constant 0 : index
    %get3A_4 = vector.load %arg4[%get3A_2, %get3A_3] : memref<16x128xbf16, #tpu.memory_space<vmem>>, vector<16x128xbf16>
    %dot_general3A = arith.constant dense<0.000000e+00> : vector<2560x128xf32>
    %dot_general3A_5 = tpu.matmul %convert_element_type3A, %get3A_4, %dot_general3A {dimension_numbers = #tpu.dot_dimension_numbers<[0], [0], [1], [1], [0, 1, 1, 1], [], []>, transpose_lhs_hint = false} : vector<16x2560xbf16>, vector<16x128xbf16>, vector<2560x128xf32> -> vector<2560x128xf32>
    %get3A_6 = arith.constant 0 : index
    %get3A_7 = arith.constant 0 : index
    %get3A_8 = vector.load %arg2[%get3A_6, %get3A_7] : memref<2560x128xf32, #tpu.memory_space<vmem>>, vector<2560x128xf32>
    %add3A = arith.addf %get3A_8, %dot_general3A_5 : vector<2560x128xf32>
    %get3A_9 = arith.constant 0 : index
    %get3A_10 = arith.constant 0 : index
    %get3A_11 = vector.load %arg5[%get3A_9, %get3A_10] : memref<1x128xf32, #tpu.memory_space<vmem>>, vector<1x128xf32>
    %add3A_12 = vector.broadcast %get3A_11 : vector<1x128xf32> to vector<2560x128xf32>
    %add3A_13 = arith.addf %add3A, %add3A_12 : vector<2560x128xf32>
    %max3A = arith.constant 0.000000e+00 : f32
    %max3A_14 = vector.broadcast %max3A : f32 to vector<2560x128xf32>
    %max3A_15 = arith.maximumf %add3A_13, %max3A_14 : vector<2560x128xf32>
    %abs3A = math.absf %add3A_13 : vector<2560x128xf32>
    %neg3A = arith.constant 0.000000e+00 : f32
    %neg3A_16 = vector.broadcast %neg3A : f32 to vector<2560x128xf32>
    %neg3A_17 = arith.subf %neg3A_16, %abs3A : vector<2560x128xf32>
    %exp3A = math.exp %neg3A_17 : vector<2560x128xf32>
    %log1p3A = math.log1p %exp3A : vector<2560x128xf32>
    %add3A_18 = arith.addf %max3A_15, %log1p3A : vector<2560x128xf32>
    %convert_element_type3A_19 = arith.truncf %add3A_18 : vector<2560x128xf32> to vector<2560x128xbf16>
    %get3A_20 = arith.constant 0 : index
    %get3A_21 = arith.constant 0 : index
    %get3A_22 = vector.load %arg6[%get3A_20, %get3A_21] : memref<128x128xbf16, #tpu.memory_space<vmem>>, vector<128x128xbf16>
    %dot_general3A_23 = arith.constant dense<0.000000e+00> : vector<2560x128xf32>
    %dot_general3A_24 = tpu.matmul %convert_element_type3A_19, %get3A_22, %dot_general3A_23 {dimension_numbers = #tpu.dot_dimension_numbers<[1], [0], [0], [1], [0, 0, 1, 1], [], []>, transpose_lhs_hint = false} : vector<2560x128xbf16>, vector<128x128xbf16>, vector<2560x128xf32> -> vector<2560x128xf32>
    %get3A_25 = arith.constant 0 : index
    %get3A_26 = arith.constant 0 : index
    %get3A_27 = vector.load %arg7[%get3A_25, %get3A_26] : memref<1x128xf32, #tpu.memory_space<vmem>>, vector<1x128xf32>
    %add3A_28 = vector.broadcast %get3A_27 : vector<1x128xf32> to vector<2560x128xf32>
    %add3A_29 = arith.addf %dot_general3A_24, %add3A_28 : vector<2560x128xf32>
    %swap3A = arith.constant 0 : index
    %swap3A_30 = arith.constant 0 : index
    %swap3A_31 = vector.load %arg8[%swap3A, %swap3A_30] : memref<2560x128xf32, #tpu.memory_space<vmem>>, vector<2560x128xf32>
    tpu.vector_store %arg8[%swap3A, %swap3A_30], %add3A_29 {strides = array<i32>} : memref<2560x128xf32, #tpu.memory_space<vmem>>, vector<2560x128xf32>,
    return
  }
  func.func @transform_1(%arg0: i32) -> (i32, i32) {
    %c0_i32 = arith.constant 0 : i32
    %c0_i32_0 = arith.constant 0 : i32
    return %arg0, %c0_i32 : i32, i32
  }
  func.func @transform_2(%arg0: i32) -> (i32, i32) {
    %add3A = arith.constant 32 : i32
    %add3A_0 = arith.addi %arg0, %add3A : i32
    %c0_i32 = arith.constant 0 : i32
    %c0_i32_1 = arith.constant 0 : i32
    return %c0_i32, %add3A_0 : i32, i32
  }
  func.func @transform_3(%arg0: i32) -> (i32, i32) {
    %c0_i32 = arith.constant 0 : i32
    %c0_i32_0 = arith.constant 0 : i32
    %c0_i32_1 = arith.constant 0 : i32
    return %c0_i32, %c0_i32_0 : i32, i32
  }
  func.func @transform_4(%arg0: i32) -> (i32, i32) {
    %c0_i32 = arith.constant 0 : i32
    %c0_i32_0 = arith.constant 0 : i32
    %c0_i32_1 = arith.constant 0 : i32
    return %c0_i32, %c0_i32_0 : i32, i32
  }
  func.func @transform_5(%arg0: i32) -> (i32, i32) {
    %c0_i32 = arith.constant 0 : i32
    %c0_i32_0 = arith.constant 0 : i32
    %c0_i32_1 = arith.constant 0 : i32
    return %c0_i32, %c0_i32_0 : i32, i32
  }
  func.func @transform_6(%arg0: i32) -> (i32, i32) {
    %c0_i32 = arith.constant 0 : i32
    %c0_i32_0 = arith.constant 0 : i32
    %c0_i32_1 = arith.constant 0 : i32
    return %c0_i32, %c0_i32_0 : i32, i32
  }
  func.func @transform_7(%arg0: i32) -> (i32, i32) {
    %add3A = arith.constant 32 : i32
    %add3A_0 = arith.addi %arg0, %add3A : i32
    %c0_i32 = arith.constant 0 : i32
    %c0_i32_1 = arith.constant 0 : i32
    return %add3A_0, %c0_i32 : i32, i32
  }
}

module attributes {stable_mosaic.version = 14 : i64} {
  func.func @_edge_body2(%arg0: i32, %arg1: memref<320000x128xf32, #tpu.memory_space<hbm>>, %arg2: memref<2560x128xf32, #tpu.memory_space<vmem>>, %arg3: memref<16x2560xf32, #tpu.memory_space<vmem>>, %arg4: memref<16x128xbf16, #tpu.memory_space<vmem>>, %arg5: memref<1x128xf32, #tpu.memory_space<vmem>>, %arg6: memref<128x128xbf16, #tpu.memory_space<vmem>>, %arg7: memref<1x128xf32, #tpu.memory_space<vmem>>, %arg8: memref<2560x128xf32, #tpu.memory_space<vmem>>) attributes {dimension_semantics = [#tpu.dimension_semantics<arbitrary>], iteration_bounds = array<i64: 48>, scalar_prefetch = 0 : i64, scratch_operands = 0 : i64, tpu.core_type = #tpu.core_type<tc>, window_params = [{}, {transform_indices = @transform_1, window_bounds = array<i64: 2560, 128>}, {transform_indices = @transform_2, window_bounds = array<i64: 16, 2560>}, {pipeline_mode = #tpu.pipeline_mode<synchronous>, transform_indices = @transform_3, window_bounds = array<i64: 16, 128>}, {pipeline_mode = #tpu.pipeline_mode<synchronous>, transform_indices = @transform_4, window_bounds = array<i64: 1, 128>}, {pipeline_mode = #tpu.pipeline_mode<synchronous>, transform_indices = @transform_5, window_bounds = array<i64: 128, 128>}, {pipeline_mode = #tpu.pipeline_mode<synchronous>, transform_indices = @transform_6, window_bounds = array<i64: 1, 128>}, {transform_indices = @transform_7, window_bounds = array<i64: 2560, 128>}]} {
    %get3A = arith.constant 0 : index
    %get3A_0 = arith.constant 0 : index
    %get3A_1 = vector.load %arg3[%get3A, %get3A_0] : memref<16x2560xf32, #tpu.memory_space<vmem>>, vector<16x2560xf32>
    %convert_element_type3A = arith.truncf %get3A_1 : vector<16x2560xf32> to vector<16x2560xbf16>
    %get3A_2 = arith.constant 0 : index
    %get3A_3 = arith.constant 0 : index
    %get3A_4 = vector.load %arg4[%get3A_2, %get3A_3] : memref<16x128xbf16, #tpu.memory_space<vmem>>, vector<16x128xbf16>
    %dot_general3A = arith.constant dense<0.000000e+00> : vector<2560x128xf32>
    %dot_general3A_5 = tpu.matmul %convert_element_type3A, %get3A_4, %dot_general3A {dimension_numbers = #tpu.dot_dimension_numbers<[0], [0], [1], [1], [0, 1, 1, 1], [], []>, transpose_lhs_hint = false} : vector<16x2560xbf16>, vector<16x128xbf16>, vector<2560x128xf32> -> vector<2560x128xf32>
    %get3A_6 = arith.constant 0 : index
    %get3A_7 = arith.constant 0 : index
    %get3A_8 = vector.load %arg2[%get3A_6, %get3A_7] : memref<2560x128xf32, #tpu.memory_space<vmem>>, vector<2560x128xf32>
    %add3A = arith.addf %get3A_8, %dot_general3A_5 : vector<2560x128xf32>
    %get3A_9 = arith.constant 0 : index
    %get3A_10 = arith.constant 0 : index
    %get3A_11 = vector.load %arg5[%get3A_9, %get3A_10] : memref<1x128xf32, #tpu.memory_space<vmem>>, vector<1x128xf32>
    %add3A_12 = vector.broadcast %get3A_11 : vector<1x128xf32> to vector<2560x128xf32>
    %add3A_13 = arith.addf %add3A, %add3A_12 : vector<2560x128xf32>
    %max3A = arith.constant 0.000000e+00 : f32
    %max3A_14 = vector.broadcast %max3A : f32 to vector<2560x128xf32>
    %max3A_15 = arith.maximumf %add3A_13, %max3A_14 : vector<2560x128xf32>
    %abs3A = math.absf %add3A_13 : vector<2560x128xf32>
    %neg3A = arith.constant 0.000000e+00 : f32
    %neg3A_16 = vector.broadcast %neg3A : f32 to vector<2560x128xf32>
    %neg3A_17 = arith.subf %neg3A_16, %abs3A : vector<2560x128xf32>
    %exp3A = math.exp %neg3A_17 : vector<2560x128xf32>
    %log1p3A = math.log1p %exp3A : vector<2560x128xf32>
    %add3A_18 = arith.addf %max3A_15, %log1p3A : vector<2560x128xf32>
    %convert_element_type3A_19 = arith.truncf %add3A_18 : vector<2560x128xf32> to vector<2560x128xbf16>
    %get3A_20 = arith.constant 0 : index
    %get3A_21 = arith.constant 0 : index
    %get3A_22 = vector.load %arg6[%get3A_20, %get3A_21] : memref<128x128xbf16, #tpu.memory_space<vmem>>, vector<128x128xbf16>
    %dot_general3A_23 = arith.constant dense<0.000000e+00> : vector<2560x128xf32>
    %dot_general3A_24 = tpu.matmul %convert_element_type3A_19, %get3A_22, %dot_general3A_23 {dimension_numbers = #tpu.dot_dimension_numbers<[1], [0], [0], [1], [0, 0, 1, 1], [], []>, transpose_lhs_hint = false} : vector<2560x128xbf16>, vector<128x128xbf16>, vector<2560x128xf32> -> vector<2560x128xf32>
    %get3A_25 = arith.constant 0 : index
    %get3A_26 = arith.constant 0 : index
    %get3A_27 = vector.load %arg7[%get3A_25, %get3A_26] : memref<1x128xf32, #tpu.memory_space<vmem>>, vector<1x128xf32>
    %add3A_28 = vector.broadcast %get3A_27 : vector<1x128xf32> to vector<2560x128xf32>
    %add3A_29 = arith.addf %dot_general3A_24, %add3A_28 : vector<2560x128xf32>
    %swap3A = arith.constant 0 : index
    %swap3A_30 = arith.constant 0 : index
    %swap3A_31 = vector.load %arg8[%swap3A, %swap3A_30] : memref<2560x128xf32, #tpu.memory_space<vmem>>, vector<2560x128xf32>
    tpu.vector_store %arg8[%swap3A, %swap3A_30], %add3A_29 {strides = array<i32>} : memref<2560x128xf32, #tpu.memory_space<vmem>>, vector<2560x128xf32>,
    return
  }
  func.func @transform_1(%arg0: i32) -> (i32, i32) {
    %c0_i32 = arith.constant 0 : i32
    %c0_i32_0 = arith.constant 0 : i32
    return %arg0, %c0_i32 : i32, i32
  }
  func.func @transform_2(%arg0: i32) -> (i32, i32) {
    %add3A = arith.constant 77 : i32
    %add3A_0 = arith.addi %arg0, %add3A : i32
    %c0_i32 = arith.constant 0 : i32
    %c0_i32_1 = arith.constant 0 : i32
    return %c0_i32, %add3A_0 : i32, i32
  }
  func.func @transform_3(%arg0: i32) -> (i32, i32) {
    %c0_i32 = arith.constant 0 : i32
    %c0_i32_0 = arith.constant 0 : i32
    %c0_i32_1 = arith.constant 0 : i32
    return %c0_i32, %c0_i32_0 : i32, i32
  }
  func.func @transform_4(%arg0: i32) -> (i32, i32) {
    %c0_i32 = arith.constant 0 : i32
    %c0_i32_0 = arith.constant 0 : i32
    %c0_i32_1 = arith.constant 0 : i32
    return %c0_i32, %c0_i32_0 : i32, i32
  }
  func.func @transform_5(%arg0: i32) -> (i32, i32) {
    %c0_i32 = arith.constant 0 : i32
    %c0_i32_0 = arith.constant 0 : i32
    %c0_i32_1 = arith.constant 0 : i32
    return %c0_i32, %c0_i32_0 : i32, i32
  }
  func.func @transform_6(%arg0: i32) -> (i32, i32) {
    %c0_i32 = arith.constant 0 : i32
    %c0_i32_0 = arith.constant 0 : i32
    %c0_i32_1 = arith.constant 0 : i32
    return %c0_i32, %c0_i32_0 : i32, i32
  }
  func.func @transform_7(%arg0: i32) -> (i32, i32) {
    %add3A = arith.constant 77 : i32
    %add3A_0 = arith.addi %arg0, %add3A : i32
    %c0_i32 = arith.constant 0 : i32
    %c0_i32_1 = arith.constant 0 : i32
    return %add3A_0, %c0_i32 : i32, i32
  }
}

module attributes {stable_mosaic.version = 14 : i64} {
  func.func @_node_body(%arg0: i32, %arg1: memref<1000x128xf32, #tpu.memory_space<vmem>>, %arg2: memref<2x1000x128xf32, #tpu.memory_space<vmem>>, %arg3: memref<1x128xf32, #tpu.memory_space<vmem>>, %arg4: memref<128x128xf32, #tpu.memory_space<vmem>>, %arg5: memref<128x128xf32, #tpu.memory_space<vmem>>, %arg6: memref<1x128xf32, #tpu.memory_space<vmem>>, %arg7: memref<128x128xf32, #tpu.memory_space<vmem>>, %arg8: memref<1x128xf32, #tpu.memory_space<vmem>>, %arg9: memref<128x128xf32, #tpu.memory_space<vmem>>, %arg10: memref<128x128xf32, #tpu.memory_space<vmem>>, %arg11: memref<128x128xf32, #tpu.memory_space<vmem>>, %arg12: memref<1x128xf32, #tpu.memory_space<vmem>>, %arg13: memref<128x128xf32, #tpu.memory_space<vmem>>, %arg14: memref<1x128xf32, #tpu.memory_space<vmem>>, %arg15: memref<1000x128xf32, #tpu.memory_space<vmem>>, %arg16: memref<1x128xf32, #tpu.memory_space<vmem>>, %arg17: memref<1x128xf32, #tpu.memory_space<vmem>>, %arg18: memref<1x128xf32, #tpu.memory_space<vmem>>) attributes {dimension_semantics = [#tpu.dimension_semantics<arbitrary>], iteration_bounds = array<i64: 10>, scalar_prefetch = 0 : i64, scratch_operands = 2 : i64, tpu.core_type = #tpu.core_type<tc>, window_params = [{transform_indices = @transform_0, window_bounds = array<i64: 1000, 128>}, {transform_indices = @transform_1, window_bounds = array<i64: 2, 1000, 128>}, {pipeline_mode = #tpu.pipeline_mode<synchronous>, transform_indices = @transform_2, window_bounds = array<i64: 1, 128>}, {pipeline_mode = #tpu.pipeline_mode<synchronous>, transform_indices = @transform_3, window_bounds = array<i64: 128, 128>}, {pipeline_mode = #tpu.pipeline_mode<synchronous>, transform_indices = @transform_4, window_bounds = array<i64: 128, 128>}, {pipeline_mode = #tpu.pipeline_mode<synchronous>, transform_indices = @transform_5, window_bounds = array<i64: 1, 128>}, {pipeline_mode = #tpu.pipeline_mode<synchronous>, transform_indices = @transform_6, window_bounds = array<i64: 128, 128>}, {pipeline_mode = #tpu.pipeline_mode<synchronous>, transform_indices = @transform_7, window_bounds = array<i64: 1, 128>}, {pipeline_mode = #tpu.pipeline_mode<synchronous>, transform_indices = @transform_8, window_bounds = array<i64: 128, 128>}, {pipeline_mode = #tpu.pipeline_mode<synchronous>, transform_indices = @transform_9, window_bounds = array<i64: 128, 128>}, {pipeline_mode = #tpu.pipeline_mode<synchronous>, transform_indices = @transform_10, window_bounds = array<i64: 128, 128>}, {pipeline_mode = #tpu.pipeline_mode<synchronous>, transform_indices = @transform_11, window_bounds = array<i64: 1, 128>}, {pipeline_mode = #tpu.pipeline_mode<synchronous>, transform_indices = @transform_12, window_bounds = array<i64: 128, 128>}, {pipeline_mode = #tpu.pipeline_mode<synchronous>, transform_indices = @transform_13, window_bounds = array<i64: 1, 128>}, {transform_indices = @transform_14, window_bounds = array<i64: 1000, 128>}, {pipeline_mode = #tpu.pipeline_mode<synchronous>, transform_indices = @transform_15, window_bounds = array<i64: 1, 128>}]} {
    %get3A = arith.constant 0 : index
    %get3A_0 = arith.constant 0 : index
    %get3A_1 = arith.constant 0 : index
    %get3A_2 = vector.load %arg2[%get3A, %get3A_0, %get3A_1] : memref<2x1000x128xf32, #tpu.memory_space<vmem>>, vector<1x1000x128xf32>
    %get3A_3 = vector.shape_cast %get3A_2 : vector<1x1000x128xf32> to vector<1000x128xf32>
    %get3A_4 = arith.constant 1 : index
    %get3A_5 = arith.constant 0 : index
    %get3A_6 = arith.constant 0 : index
    %get3A_7 = vector.load %arg2[%get3A_4, %get3A_5, %get3A_6] : memref<2x1000x128xf32, #tpu.memory_space<vmem>>, vector<1x1000x128xf32>
    %get3A_8 = vector.shape_cast %get3A_7 : vector<1x1000x128xf32> to vector<1000x128xf32>
    %add3A = arith.addf %get3A_3, %get3A_8 : vector<1000x128xf32>
    %get3A_9 = arith.constant 0 : index
    %get3A_10 = arith.constant 0 : index
    %get3A_11 = vector.load %arg1[%get3A_9, %get3A_10] : memref<1000x128xf32, #tpu.memory_space<vmem>>, vector<1000x128xf32>
    %get3A_12 = arith.constant 0 : index
    %get3A_13 = arith.constant 0 : index
    %get3A_14 = vector.load %arg4[%get3A_12, %get3A_13] : memref<128x128xf32, #tpu.memory_space<vmem>>, vector<128x128xf32>
    %dot_general3A = arith.constant dense<0.000000e+00> : vector<1000x128xf32>
    %dot_general3A_15 = tpu.matmul %get3A_11, %get3A_14, %dot_general3A {dimension_numbers = #tpu.dot_dimension_numbers<[1], [0], [0], [1], [0, 0, 1, 1], [], []>, transpose_lhs_hint = false} : vector<1000x128xf32>, vector<128x128xf32>, vector<1000x128xf32> -> vector<1000x128xf32>
    %get3A_16 = arith.constant 0 : index
    %get3A_17 = arith.constant 0 : index
    %get3A_18 = vector.load %arg5[%get3A_16, %get3A_17] : memref<128x128xf32, #tpu.memory_space<vmem>>, vector<128x128xf32>
    %dot_general3A_19 = arith.constant dense<0.000000e+00> : vector<1000x128xf32>
    %dot_general3A_20 = tpu.matmul %add3A, %get3A_18, %dot_general3A_19 {dimension_numbers = #tpu.dot_dimension_numbers<[1], [0], [0], [1], [0, 0, 1, 1], [], []>, transpose_lhs_hint = false} : vector<1000x128xf32>, vector<128x128xf32>, vector<1000x128xf32> -> vector<1000x128xf32>
    %add3A_21 = arith.addf %dot_general3A_15, %dot_general3A_20 : vector<1000x128xf32>
    %get3A_22 = arith.constant 0 : index
    %get3A_23 = arith.constant 0 : index
    %get3A_24 = vector.load %arg6[%get3A_22, %get3A_23] : memref<1x128xf32, #tpu.memory_space<vmem>>, vector<1x128xf32>
    %add3A_25 = vector.broadcast %get3A_24 : vector<1x128xf32> to vector<1000x128xf32>
    %add3A_26 = arith.addf %add3A_21, %add3A_25 : vector<1000x128xf32>
    %max3A = arith.constant 0.000000e+00 : f32
    %max3A_27 = vector.broadcast %max3A : f32 to vector<1000x128xf32>
    %max3A_28 = arith.maximumf %add3A_26, %max3A_27 : vector<1000x128xf32>
    %abs3A = math.absf %add3A_26 : vector<1000x128xf32>
    %neg3A = arith.constant 0.000000e+00 : f32
    %neg3A_29 = vector.broadcast %neg3A : f32 to vector<1000x128xf32>
    %neg3A_30 = arith.subf %neg3A_29, %abs3A : vector<1000x128xf32>
    %exp3A = math.exp %neg3A_30 : vector<1000x128xf32>
    %log1p3A = math.log1p %exp3A : vector<1000x128xf32>
    %add3A_31 = arith.addf %max3A_28, %log1p3A : vector<1000x128xf32>
    %get3A_32 = arith.constant 0 : index
    %get3A_33 = arith.constant 0 : index
    %get3A_34 = vector.load %arg7[%get3A_32, %get3A_33] : memref<128x128xf32, #tpu.memory_space<vmem>>, vector<128x128xf32>
    %dot_general3A_35 = arith.constant dense<0.000000e+00> : vector<1000x128xf32>
    %dot_general3A_36 = tpu.matmul %add3A_31, %get3A_34, %dot_general3A_35 {dimension_numbers = #tpu.dot_dimension_numbers<[1], [0], [0], [1], [0, 0, 1, 1], [], []>, transpose_lhs_hint = false} : vector<1000x128xf32>, vector<128x128xf32>, vector<1000x128xf32> -> vector<1000x128xf32>
    %get3A_37 = arith.constant 0 : index
    %get3A_38 = arith.constant 0 : index
    %get3A_39 = vector.load %arg8[%get3A_37, %get3A_38] : memref<1x128xf32, #tpu.memory_space<vmem>>, vector<1x128xf32>
    %add3A_40 = vector.broadcast %get3A_39 : vector<1x128xf32> to vector<1000x128xf32>
    %add3A_41 = arith.addf %dot_general3A_36, %add3A_40 : vector<1000x128xf32>
    %swap3A = arith.constant 0 : index
    %swap3A_42 = arith.constant 0 : index
    %swap3A_43 = vector.load %arg15[%swap3A, %swap3A_42] : memref<1000x128xf32, #tpu.memory_space<vmem>>, vector<1000x128xf32>
    tpu.vector_store %arg15[%swap3A, %swap3A_42], %add3A_41 {strides = array<i32>} : memref<1000x128xf32, #tpu.memory_space<vmem>>, vector<1000x128xf32>,
    %reduce_sum3A = arith.constant dense<0.000000e+00> : vector<128xf32>
    %reduce_sum3A_44 = vector.multi_reduction <add>, %add3A_41, %reduce_sum3A [0] : vector<1000x128xf32> to vector<128xf32>
    %broadcast_in_dim3A = vector.shape_cast %reduce_sum3A_44 : vector<128xf32> to vector<1x128xf32>
    %reduce_sum3A_45 = arith.constant dense<0.000000e+00> : vector<128xf32>
    %reduce_sum3A_46 = vector.multi_reduction <add>, %add3A, %reduce_sum3A_45 [0] : vector<1000x128xf32> to vector<128xf32>
    %broadcast_in_dim3A_47 = vector.shape_cast %reduce_sum3A_46 : vector<128xf32> to vector<1x128xf32>
    %eq3A = arith.constant 0 : i32
    %eq3A_48 = arith.cmpi eq, %arg0, %eq3A : i32
    %convert_element_type3A = arith.extui %eq3A_48 : i1 to i32
    %cond3A = arith.constant 0 : i32
    %cond3A_49 = arith.cmpi ne, %convert_element_type3A, %cond3A : i32
    scf.if %cond3A_49 {
      %swap3A_59 = arith.constant 0 : index
      %swap3A_60 = arith.constant 0 : index
      %swap3A_61 = vector.load %arg17[%swap3A_59, %swap3A_60] : memref<1x128xf32, #tpu.memory_space<vmem>>, vector<1x128xf32>
      tpu.vector_store %arg17[%swap3A_59, %swap3A_60], %broadcast_in_dim3A {strides = array<i32>} : memref<1x128xf32, #tpu.memory_space<vmem>>, vector<1x128xf32>,
      %swap3A_62 = arith.constant 0 : index
      %swap3A_63 = arith.constant 0 : index
      %swap3A_64 = vector.load %arg18[%swap3A_62, %swap3A_63] : memref<1x128xf32, #tpu.memory_space<vmem>>, vector<1x128xf32>
      tpu.vector_store %arg18[%swap3A_62, %swap3A_63], %broadcast_in_dim3A_47 {strides = array<i32>} : memref<1x128xf32, #tpu.memory_space<vmem>>, vector<1x128xf32>,
    } else {
    }
    %gt3A = arith.constant 0 : i32
    %gt3A_50 = arith.cmpi sgt, %arg0, %gt3A : i32
    %convert_element_type3A_51 = arith.extui %gt3A_50 : i1 to i32
    %cond3A_52 = arith.constant 0 : i32
    %cond3A_53 = arith.cmpi ne, %convert_element_type3A_51, %cond3A_52 : i32
    scf.if %cond3A_53 {
      %get3A_59 = arith.constant 0 : index
      %get3A_60 = arith.constant 0 : index
      %get3A_61 = vector.load %arg17[%get3A_59, %get3A_60] : memref<1x128xf32, #tpu.memory_space<vmem>>, vector<1x128xf32>
      %add3A_62 = arith.addf %get3A_61, %broadcast_in_dim3A : vector<1x128xf32>
      %swap3A_63 = arith.constant 0 : index
      %swap3A_64 = arith.constant 0 : index
      %swap3A_65 = vector.load %arg17[%swap3A_63, %swap3A_64] : memref<1x128xf32, #tpu.memory_space<vmem>>, vector<1x128xf32>
      tpu.vector_store %arg17[%swap3A_63, %swap3A_64], %add3A_62 {strides = array<i32>} : memref<1x128xf32, #tpu.memory_space<vmem>>, vector<1x128xf32>,
      %get3A_66 = arith.constant 0 : index
      %get3A_67 = arith.constant 0 : index
      %get3A_68 = vector.load %arg18[%get3A_66, %get3A_67] : memref<1x128xf32, #tpu.memory_space<vmem>>, vector<1x128xf32>
      %add3A_69 = arith.addf %get3A_68, %broadcast_in_dim3A_47 : vector<1x128xf32>
      %swap3A_70 = arith.constant 0 : index
      %swap3A_71 = arith.constant 0 : index
      %swap3A_72 = vector.load %arg18[%swap3A_70, %swap3A_71] : memref<1x128xf32, #tpu.memory_space<vmem>>, vector<1x128xf32>
      tpu.vector_store %arg18[%swap3A_70, %swap3A_71], %add3A_69 {strides = array<i32>} : memref<1x128xf32, #tpu.memory_space<vmem>>, vector<1x128xf32>,
    } else {
    }
    %eq3A_54 = arith.constant 9 : i32
    %eq3A_55 = arith.cmpi eq, %arg0, %eq3A_54 : i32
    %convert_element_type3A_56 = arith.extui %eq3A_55 : i1 to i32
    %cond3A_57 = arith.constant 0 : i32
    %cond3A_58 = arith.cmpi ne, %convert_element_type3A_56, %cond3A_57 : i32
    scf.if %cond3A_58 {
      %get3A_59 = arith.constant 0 : index
      %get3A_60 = arith.constant 0 : index
      %get3A_61 = vector.load %arg17[%get3A_59, %get3A_60] : memref<1x128xf32, #tpu.memory_space<vmem>>, vector<1x128xf32>
      %mul3A = arith.constant 9.99999974E-5 : f32
      %mul3A_62 = vector.broadcast %mul3A : f32 to vector<1x128xf32>
      %mul3A_63 = arith.mulf %get3A_61, %mul3A_62 : vector<1x128xf32>
      %get3A_64 = arith.constant 0 : index
      %get3A_65 = arith.constant 0 : index
      %get3A_66 = vector.load %arg18[%get3A_64, %get3A_65] : memref<1x128xf32, #tpu.memory_space<vmem>>, vector<1x128xf32>
      %mul3A_67 = arith.constant 3.125000e-06 : f32
      %mul3A_68 = vector.broadcast %mul3A_67 : f32 to vector<1x128xf32>
      %mul3A_69 = arith.mulf %get3A_66, %mul3A_68 : vector<1x128xf32>
      %get3A_70 = arith.constant 0 : index
      %get3A_71 = arith.constant 0 : index
      %get3A_72 = vector.load %arg9[%get3A_70, %get3A_71] : memref<128x128xf32, #tpu.memory_space<vmem>>, vector<128x128xf32>
      %dot_general3A_73 = arith.constant dense<0.000000e+00> : vector<1x128xf32>
      %dot_general3A_74 = tpu.matmul %mul3A_63, %get3A_72, %dot_general3A_73 {dimension_numbers = #tpu.dot_dimension_numbers<[1], [0], [0], [1], [0, 0, 1, 1], [], []>, transpose_lhs_hint = false} : vector<1x128xf32>, vector<128x128xf32>, vector<1x128xf32> -> vector<1x128xf32>
      %get3A_75 = arith.constant 0 : index
      %get3A_76 = arith.constant 0 : index
      %get3A_77 = vector.load %arg10[%get3A_75, %get3A_76] : memref<128x128xf32, #tpu.memory_space<vmem>>, vector<128x128xf32>
      %dot_general3A_78 = arith.constant dense<0.000000e+00> : vector<1x128xf32>
      %dot_general3A_79 = tpu.matmul %mul3A_69, %get3A_77, %dot_general3A_78 {dimension_numbers = #tpu.dot_dimension_numbers<[1], [0], [0], [1], [0, 0, 1, 1], [], []>, transpose_lhs_hint = false} : vector<1x128xf32>, vector<128x128xf32>, vector<1x128xf32> -> vector<1x128xf32>
      %add3A_80 = arith.addf %dot_general3A_74, %dot_general3A_79 : vector<1x128xf32>
      %get3A_81 = arith.constant 0 : index
      %get3A_82 = arith.constant 0 : index
      %get3A_83 = vector.load %arg3[%get3A_81, %get3A_82] : memref<1x128xf32, #tpu.memory_space<vmem>>, vector<1x128xf32>
      %get3A_84 = arith.constant 0 : index
      %get3A_85 = arith.constant 0 : index
      %get3A_86 = vector.load %arg11[%get3A_84, %get3A_85] : memref<128x128xf32, #tpu.memory_space<vmem>>, vector<128x128xf32>
      %dot_general3A_87 = arith.constant dense<0.000000e+00> : vector<1x128xf32>
      %dot_general3A_88 = tpu.matmul %get3A_83, %get3A_86, %dot_general3A_87 {dimension_numbers = #tpu.dot_dimension_numbers<[1], [0], [0], [1], [0, 0, 1, 1], [], []>, transpose_lhs_hint = false} : vector<1x128xf32>, vector<128x128xf32>, vector<1x128xf32> -> vector<1x128xf32>
      %add3A_89 = arith.addf %add3A_80, %dot_general3A_88 : vector<1x128xf32>
      %get3A_90 = arith.constant 0 : index
      %get3A_91 = arith.constant 0 : index
      %get3A_92 = vector.load %arg12[%get3A_90, %get3A_91] : memref<1x128xf32, #tpu.memory_space<vmem>>, vector<1x128xf32>
      %add3A_93 = arith.addf %add3A_89, %get3A_92 : vector<1x128xf32>
      %max3A_94 = arith.constant 0.000000e+00 : f32
      %max3A_95 = vector.broadcast %max3A_94 : f32 to vector<1x128xf32>
      %max3A_96 = arith.maximumf %add3A_93, %max3A_95 : vector<1x128xf32>
      %abs3A_97 = math.absf %add3A_93 : vector<1x128xf32>
      %neg3A_98 = arith.constant 0.000000e+00 : f32
      %neg3A_99 = vector.broadcast %neg3A_98 : f32 to vector<1x128xf32>
      %neg3A_100 = arith.subf %neg3A_99, %abs3A_97 : vector<1x128xf32>
      %exp3A_101 = math.exp %neg3A_100 : vector<1x128xf32>
      %log1p3A_102 = math.log1p %exp3A_101 : vector<1x128xf32>
      %add3A_103 = arith.addf %max3A_96, %log1p3A_102 : vector<1x128xf32>
      %get3A_104 = arith.constant 0 : index
      %get3A_105 = arith.constant 0 : index
      %get3A_106 = vector.load %arg13[%get3A_104, %get3A_105] : memref<128x128xf32, #tpu.memory_space<vmem>>, vector<128x128xf32>
      %dot_general3A_107 = arith.constant dense<0.000000e+00> : vector<1x128xf32>
      %dot_general3A_108 = tpu.matmul %add3A_103, %get3A_106, %dot_general3A_107 {dimension_numbers = #tpu.dot_dimension_numbers<[1], [0], [0], [1], [0, 0, 1, 1], [], []>, transpose_lhs_hint = false} : vector<1x128xf32>, vector<128x128xf32>, vector<1x128xf32> -> vector<1x128xf32>
      %get3A_109 = arith.constant 0 : index
      %get3A_110 = arith.constant 0 : index
      %get3A_111 = vector.load %arg14[%get3A_109, %get3A_110] : memref<1x128xf32, #tpu.memory_space<vmem>>, vector<1x128xf32>
      %add3A_112 = arith.addf %dot_general3A_108, %get3A_111 : vector<1x128xf32>
      %swap3A_113 = arith.constant 0 : index
      %swap3A_114 = arith.constant 0 : index
      %swap3A_115 = vector.load %arg16[%swap3A_113, %swap3A_114] : memref<1x128xf32, #tpu.memory_space<vmem>>, vector<1x128xf32>
      tpu.vector_store %arg16[%swap3A_113, %swap3A_114], %add3A_112 {strides = array<i32>} : memref<1x128xf32, #tpu.memory_space<vmem>>, vector<1x128xf32>,
    } else {
    }
    return
  }
  func.func @transform_0(%arg0: i32) -> (i32, i32) {
    %c0_i32 = arith.constant 0 : i32
    %c0_i32_0 = arith.constant 0 : i32
    return %arg0, %c0_i32 : i32, i32
  }
  func.func @transform_1(%arg0: i32) -> (i32, i32, i32) {
    %c0_i32 = arith.constant 0 : i32
    %c0_i32_0 = arith.constant 0 : i32
    %c0_i32_1 = arith.constant 0 : i32
    return %c0_i32, %arg0, %c0_i32_0 : i32, i32, i32
  }
  func.func @transform_2(%arg0: i32) -> (i32, i32) {
    %c0_i32 = arith.constant 0 : i32
    %c0_i32_0 = arith.constant 0 : i32
    %c0_i32_1 = arith.constant 0 : i32
    return %c0_i32, %c0_i32_0 : i32, i32
  }
  func.func @transform_3(%arg0: i32) -> (i32, i32) {
    %c0_i32 = arith.constant 0 : i32
    %c0_i32_0 = arith.constant 0 : i32
    %c0_i32_1 = arith.constant 0 : i32
    return %c0_i32, %c0_i32_0 : i32, i32
  }
  func.func @transform_4(%arg0: i32) -> (i32, i32) {
    %c0_i32 = arith.constant 0 : i32
    %c0_i32_0 = arith.constant 0 : i32
    %c0_i32_1 = arith.constant 0 : i32
    return %c0_i32, %c0_i32_0 : i32, i32
  }
  func.func @transform_5(%arg0: i32) -> (i32, i32) {
    %c0_i32 = arith.constant 0 : i32
    %c0_i32_0 = arith.constant 0 : i32
    %c0_i32_1 = arith.constant 0 : i32
    return %c0_i32, %c0_i32_0 : i32, i32
  }
  func.func @transform_6(%arg0: i32) -> (i32, i32) {
    %c0_i32 = arith.constant 0 : i32
    %c0_i32_0 = arith.constant 0 : i32
    %c0_i32_1 = arith.constant 0 : i32
    return %c0_i32, %c0_i32_0 : i32, i32
  }
  func.func @transform_7(%arg0: i32) -> (i32, i32) {
    %c0_i32 = arith.constant 0 : i32
    %c0_i32_0 = arith.constant 0 : i32
    %c0_i32_1 = arith.constant 0 : i32
    return %c0_i32, %c0_i32_0 : i32, i32
  }
  func.func @transform_8(%arg0: i32) -> (i32, i32) {
    %c0_i32 = arith.constant 0 : i32
    %c0_i32_0 = arith.constant 0 : i32
    %c0_i32_1 = arith.constant 0 : i32
    return %c0_i32, %c0_i32_0 : i32, i32
  }
  func.func @transform_9(%arg0: i32) -> (i32, i32) {
    %c0_i32 = arith.constant 0 : i32
    %c0_i32_0 = arith.constant 0 : i32
    %c0_i32_1 = arith.constant 0 : i32
    return %c0_i32, %c0_i32_0 : i32, i32
  }
  func.func @transform_10(%arg0: i32) -> (i32, i32) {
    %c0_i32 = arith.constant 0 : i32
    %c0_i32_0 = arith.constant 0 : i32
    %c0_i32_1 = arith.constant 0 : i32
    return %c0_i32, %c0_i32_0 : i32, i32
  }
  func.func @transform_11(%arg0: i32) -> (i32, i32) {
    %c0_i32 = arith.constant 0 : i32
    %c0_i32_0 = arith.constant 0 : i32
    %c0_i32_1 = arith.constant 0 : i32
    return %c0_i32, %c0_i32_0 : i32, i32
  }
  func.func @transform_12(%arg0: i32) -> (i32, i32) {
    %c0_i32 = arith.constant 0 : i32
    %c0_i32_0 = arith.constant 0 : i32
    %c0_i32_1 = arith.constant 0 : i32
    return %c0_i32, %c0_i32_0 : i32, i32
  }
  func.func @transform_13(%arg0: i32) -> (i32, i32) {
    %c0_i32 = arith.constant 0 : i32
    %c0_i32_0 = arith.constant 0 : i32
    %c0_i32_1 = arith.constant 0 : i32
    return %c0_i32, %c0_i32_0 : i32, i32
  }
  func.func @transform_14(%arg0: i32) -> (i32, i32) {
    %c0_i32 = arith.constant 0 : i32
    %c0_i32_0 = arith.constant 0 : i32
    return %arg0, %c0_i32 : i32, i32
  }
  func.func @transform_15(%arg0: i32) -> (i32, i32) {
    %c0_i32 = arith.constant 0 : i32
    %c0_i32_0 = arith.constant 0 : i32
    %c0_i32_1 = arith.constant 0 : i32
    return %c0_i32, %c0_i32_0 : i32, i32
  }
}

</mosaic_0001>

<sc_bundles>
// kernel: kernel.11.cloned.1.call-start
scs
__scs_entry_jumppad:
0x0: {  	(pc) =	sbr.rel $0x88, $3  }
0x1: {  	(tag) =	ssettag $0x0;
	lr =	simm.s32 $0x1  }
0x2: {  	[smem:$0x3F91] =	sst lr;
	_ =	strace $0xD0000000  }
0x3: {  	_ = 	snop  }
0x4: {  	_ = 	snop  }
0x5: {  	_ = 	snop  }
0x6: {  	_ = 	snop  }
0x7: {  	_ = 	snop  }
__scs_overlays_trampoline_lowered:
0x8: {  	[smem:$0x3FA0] =	sst s0  }
0x9: {  	[smem:$0x3FA1] =	sst s1  }
0xa: {  	[smem:$0x3FA2] =	sst s2  }
0xb: {  	[smem:$0x3FA3] =	sst s3  }
0xc: {  	[smem:$0x3FA4] =	sst s4  }
0xd: {  	[smem:$0x3FA5] =	sst s5  }
0xe: {  	[smem:$0x3FA6] =	sst s6  }
0xf: {  	[smem:$0x3FA7] =	sst s7  }
0x10: {  	[smem:$0x3FA8] =	sst s8  }
0x11: {  	[smem:$0x3FA9] =	sst s9;
	s0 =	simm.s32 @!p0 $0x0  }
0x12: {  	s1 =	sld [smem:$0x3F8F];
	s0 =	simm.s32 @p0 $0x1  }
0x13: {  	[smem:$0x3FAA] =	sst s0;
	s0 =	simm.s32 @!p1 $0x0  }
0x14: {  	s2 =	sld [smem:$0x3F8E];
	s0 =	simm.s32 @p1 $0x1  }
0x15: {  	[smem:$0x3FAB] =	sst s0;
	s0 =	simm.s32 @!p2 $0x0  }
0x16: {  	s3 =	sld [smem:$0x3FDB];
	s0 =	simm.s32 @p2 $0x1  }
0x17: {  	s4 =	simm.s32 $0x1BF5;
	[smem:$0x3FAD] =	sst s0  }
0x18: {  	s0 =	sld [smem:$0x3F90];
	_ =	swait.ge [sflag:s4], $0x0  }
0x19: {  	s7 =	sld [smem:$0x3F91]  }
0x1a: {  	s8 =	sadd.s32 $0xFFFFE003, lr  }
0x1b: {  	s9 =	sadd.s32 $0xFFFFFEF7, lr;
	s5 =	simm.s32 $0xFFFFFFFF;
	p2 =	slt.u32 s8, $0xFFFFF086  }
0x1c: {  	p1 =	slt.u32 s9, $0xF7A;
	s5 =	simm.s32 @!p2 $0x0  }
0x1d: {  	s5 =	simm.s32 @p1 $0x1;
	p0 =	seq.s32 s7, s2  }
0x1e: {  	s7 =	smul.u32 @!p0 $0xF7A, s2;
	p2 =	seq.s32 @!p0 s5, $0x0  }
0x1f: {  	s9 =	smul.u32 $0xF7A, s1;
	s8 =	simm.s32 @!p0 $0x1BF5;
	p2 =	por !p2, p0  }
0x20: {  	[sflag:s8] =	ssyncset.s32 @!p0 $0xFFFFF086;
	s6 =	sadd.s32 @!p0 s3, s7;
	s7 =	simm.s32 @!p0 $0x108  }
0x21: {  	s3 =	sadd.s32 s3, s9;
	s6 =	sadd.s32 @!p0 $0x88, s6;
	s7 =	simm.s32 @p2 $0x1082  }
0x22: {  	[simem:s7], [sflag:s8] =	dma.local @!p0 [hbm:s6], $0xF7A  }
0x23: {  	s9 =	sor.u32 $0xD0000000, s2;
	s6 =	simm.s32 $0x108;
	_ =	swait.ge @!p0 [sflag:s8], $0x0  }
0x24: {  	s3 =	sadd.s32 $0x88, s3;
	s6 =	simm.s32 @!p1 $0x1082;
	[sflag:s4] =	ssyncset.s32 $0xFFFFF086  }
0x25: {  	[simem:s6], [sflag:s4] =	dma.local [hbm:s3], $0xF7A  }
0x26: {  	[smem:$0x3F91] =	sst s1;
	(tag) =	ssettag s2;
	_ =	strace s9  }
0x27: {  	s1 =	sld [smem:$0x3FA1]  }
0x28: {  	s2 =	sld [smem:$0x3FA2]  }
0x29: {  	s4 =	sld [smem:$0x3FA4]  }
0x2a: {  	p0 =	seq.s32 s5, $0x0;
	s5 =	sld [smem:$0x3FA5]  }
0x2b: {  	s6 =	sld [smem:$0x3FA6]  }
0x2c: {  	s7 =	sld [smem:$0x3FA7]  }
0x2d: {  	s3 =	simm.s32 $0x108;
	s8 =	sld [smem:$0x3FA8]  }
0x2e: {  	s3 =	simm.s32 @!p0 $0x1082;
	s9 =	sld [smem:$0x3FA9]  }
0x2f: {  	lr =	sadd.s32 s0, s3;
	s0 =	sld [smem:$0x3FA0]  }
0x30: {  	s3 =	sld [smem:$0x3FA3]  }
0x31: {  	[smem:$0x3FAC] =	sst s10  }
0x32: {  	s10 =	sld [smem:$0x3FAA];
	_ =	sdelay $0x3  }
0x33: {  	p0 =	seq.s32 s10, $0x1;
	s10 =	sld [smem:$0x3FAC];
	_ =	sdelay $0x3  }
0x34: {  	[smem:$0x3FAC] =	sst s10  }
0x35: {  	s10 =	sld [smem:$0x3FAB];
	_ =	sdelay $0x3  }
0x36: {  	p1 =	seq.s32 s10, $0x1;
	s10 =	sld [smem:$0x3FAC];
	_ =	sdelay $0x3  }
0x37: {  	[smem:$0x3FAC] =	sst s10  }
0x38: {  	s10 =	sld [smem:$0x3FAD]  }
0x39: {  	_ = 	snop;
	(pc) =	sbr.ind lr, $3  }
0x3a: {  	_ = 	snop  }
0x3b: {  	_ = 	snop  }
0x3c: {  	p2 =	seq.s32 s10, $0x1;
	s10 =	sld [smem:$0x3FAC]  }
0x3d: {  	_ =	shalt  }
0x3e: {  	_ =	shalt  }
0x3f: {  	_ =	shalt  }
0x40: {  	_ =	shalt  }
0x41: {  	_ =	shalt  }
0x42: {  	_ =	shalt  }
0x43: {  	_ =	shalt  }
0x44: {  	_ =	shalt  }
0x45: {  	_ =	shalt  }
0x46: {  	_ =	shalt  }
0x47: {  	_ =	shalt  }
0x48: {  	_ =	shalt  }
0x49: {  	_ =	shalt  }
0x4a: {  	_ =	shalt  }
0x4b: {  	_ =	shalt  }
0x4c: {  	_ =	shalt  }
0x4d: {  	_ =	shalt  }
0x4e: {  	_ =	shalt  }
0x4f: {  	_ =	shalt  }
0x50: {  	_ =	shalt  }
0x51: {  	_ =	shalt  }
0x52: {  	_ =	shalt  }
0x53: {  	_ =	shalt  }
0x54: {  	_ =	shalt  }
0x55: {  	_ =	shalt  }
0x56: {  	_ =	shalt  }
0x57: {  	_ =	shalt  }
0x58: {  	_ =	shalt  }
0x59: {  	_ =	shalt  }
0x5a: {  	_ =	shalt  }
0x5b: {  	_ =	shalt  }
0x5c: {  	_ =	shalt  }
0x5d: {  	_ =	shalt  }
0x5e: {  	_ =	shalt  }
0x5f: {  	_ =	shalt  }
0x60: {  	_ =	shalt  }
0x61: {  	_ =	shalt  }
0x62: {  	_ =	shalt  }
0x63: {  	_ =	shalt  }
0x64: {  	_ =	shalt  }
0x65: {  	_ =	shalt  }
0x66: {  	_ =	shalt  }
0x67: {  	_ =	shalt  }
0x68: {  	_ =	shalt  }
0x69: {  	_ =	shalt  }
0x6a: {  	_ =	shalt  }
0x6b: {  	_ =	shalt  }
0x6c: {  	_ =	shalt  }
0x6d: {  	_ =	shalt  }
0x6e: {  	_ =	shalt  }
0x6f: {  	_ =	shalt  }
0x70: {  	_ =	shalt  }
0x71: {  	_ =	shalt  }
0x72: {  	_ =	shalt  }
0x73: {  	_ =	shalt  }
0x74: {  	_ =	shalt  }
0x75: {  	_ =	shalt  }
0x76: {  	_ =	shalt  }
0x77: {  	_ =	shalt  }
0x78: {  	_ =	shalt  }
0x79: {  	_ =	shalt  }
0x7a: {  	_ =	shalt  }
0x7b: {  	_ =	shalt  }
0x7c: {  	_ =	shalt  }
0x7d: {  	_ =	shalt  }
0x7e: {  	_ =	shalt  }
0x7f: {  	_ =	shalt  }
0x80: {  	_ =	shalt  }
0x81: {  	_ =	shalt  }
0x82: {  	_ =	shalt  }
0x83: {  	_ =	shalt  }
0x84: {  	_ =	shalt  }
0x85: {  	_ =	shalt  }
0x86: {  	_ =	shalt  }
0x87: {  	_ =	shalt  }
.Lfunc_end0:
.L_simem_size_0:
called_computation_lowered:
.L_overlay_start_0:
0x88: {  	s2 =	sld [smem:$0x3FD9]  }
0x89: {  	s3 =	sld [smem:$0x3FFE];
	_ =	sdelay $0x1  }
0x8a: {  	s1 =	srdreg.scid  }
0x8b: {  	s0 =	sand.u32 $0x1, s1  }
0x8c: {  	s14 =	sshll.u32 s0, $0xA;
	s2 =	sadd.s32 s3, s2  }
0x8d: {  	s2 =	sadd.s32 s2, s14  }
0x8e: {  	[smem:$0x3FB8] =	sst s2  }
0x8f: {  	_ = 	snop  }
0x90: {  	s2 =	sld [smem:$0x3FD0];
	_ =	sdelay $0x2  }
0x91: {  	s15 =	simm.s32 $0xC;
	s4 =	simm.s32 $0x10  }
0x92: {  	[smem:s4], [sflag:s15] =	dma.local [hbm:s2], $0x1  }
0x93: {  	_ =	swait.eq [sflag:s15], $0x1  }
0x94: {  	[sflag:s15] =	ssyncset.done $0x0  }
0x95: {  	s16 =	sld [smem:$0x10];
	[sflag:s15] =	ssyncadd.s32 $0xFFFFFFFF  }
0x96: {  	s17 =	sld [smem:$0x11];
	(tm) =	ssettm $0x1  }
0x97: {  	s18 =	sld [smem:$0x3FFB];
	_ =	sdelay $0x3  }
0x98: {  	_ =	strace s18  }
0x99: {  	s4 =	sld [smem:$0x3FFC];
	_ =	sdelay $0x3  }
0x9a: {  	_ =	strace s4  }
0x9b: {  	s4 =	sld [smem:$0x3FFD];
	_ =	sdelay $0x3  }
0x9c: {  	_ =	strace s4  }
0x9d: {  	_ =	strace $0x8FFFFFFF  }
0x9e: {  	s19 =	sld [smem:$0x3FDB];
	_ =	sdelay $0x1  }
0x9f: {  	s5 =	simm.s32 $_scs_section_size  }
0xa0: {  	s6 =	simm.s32 $_size__tile_overlayer_lowered;
	s7 =	simm.s32 $_tile_overlayer_lowered  }
0xa1: {  	s22 =	simm.s32 $0x1BFF;
	s21 =	sshll.u32 s7, $0x1;
	s4 =	sadd.s32 s5, s19  }
0xa2: {  	s8 =	simm.s32 $0x0;
	s20 =	sshll.u32 s6, $0x1;
	s6 =	sadd.s32 s21, s4  }
0xa3: {  	[timem:s8], [sflag:s22] =	dma.local [hbm:s6], s20  }
0xa4: {  	_ =	swait.ge [sflag:s22], s20  }
0xa5: {  	s5 =	ssub.s32 $0x0, s20;
	[sflag:s22] =	ssyncset.done $0x0  }
0xa6: {  	[sflag:s22] =	ssyncadd.s32 s5;
	_ =	sdelay $0x1  }
0xa7: {  	s23 =	simm.s32 $0x1B8B  }
0xa8: {  	_ =	swait.ge [sflag:s23], $0x1  }
0xa9: {  	[sflag:s23] =	ssyncset.done $0x0  }
0xaa: {  	s25 =	simm.s32 $0x1B8E;
	s24 =	sld [smem:$0x3FFE];
	[sflag:s23] =	ssyncadd.s32 $0xFFFFFFFF  }
0xab: {  	s26 =	simm.s32 $execute0_lowered;
	[smem:$0x3FD2] =	sst s25  }
0xac: {  	s6 =	sshll.u32 s26, $0x1;
	_ =	strace $0x80000046;
	[dreg:$0x1] =	wrdreg $0xFFFFFFFF  }
0xad: {  	s28 =	simm.s32 $_size_execute0_lowered;
	s4 =	sadd.s32 s4, s6;
	[dreg:$0x0] =	wrdreg $0x0  }
0xae: {  	s6 =	sshll.u32 s28, $0x1;
	[dreg:$0x2] =	wrdreg s4  }
0xaf: {  	[dreg:$0x3] =	wrdreg s6  }
0xb0: {  	[dreg:$0x4] =	wrdreg $0xC0  }
0xb1: {  	_ =	task [dreg:s8], $0x5FFFF  }
0xb2: {  	[dreg:$0x1] =	wrdreg $0xFFFFFFFF  }
0xb3: {  	[dreg:$0x0] =	wrdreg $0x60  }
0xb4: {  	[dreg:$0x2] =	wrdreg s17  }
0xb5: {  	[dreg:$0x3] =	wrdreg s24  }
0xb6: {  	[dreg:$0x4] =	wrdreg s16  }
0xb7: {  	[dreg:$0x5] =	wrdreg $0x9  }
0xb8: {  	_ =	task.clear_ibuf [dreg:s8], $0x6FFFF;
	_ =	strace $0x90000046  }
0xb9: {  	s29 =	simm.s32 $0x9;
	_ =	strace $0x80000048  }
0xba: {  	_ =	swait.ge [sflag:s29], $0x1  }
0xbb: {  	[sflag:s29] =	ssyncadd.s32 $0xFFFFFFFF  }
0xbc: {  	_ =	strace $0x90000048  }
0xbd: {  	_ =	sfence  }
0xbe: {  	s30 =	sld [smem:$0x0];
	_ =	sdelay $0x2  }
0xbf: {  	s31 =	sshll.u32 s1, $0xD;
	s1 =	sshrl.u32 s1, $0x2  }
0xc0: {  	s3 =	sand.u32 $0x4000, s31;
	s1 =	sadd.s32 s1, s30  }
0xc1: {  	s0 =	sor.u32 s3, s0;
	s1 =	sshll.u32 s1, $0x11  }
0xc2: {  	s0 =	sor.u32 s1, s0  }
0xc3: {  	s0 =	sadd.s32 $0x8F2B, s0  }
0xc4: {  	[sflag:s0] =	ssyncadd.remote.s32 $0x1  }
0xc5: {  	_ =	sfence.sel $0xFFFF  }
0xc6: {  	[dreg:$0x0] =	wrdreg $0xFFFFFFFF;
	(pc) =	sbr.abs _section_cstart, $3  }
0xc7: {  	[dreg:$0x1] =	wrdreg $0xFFFFFFFF  }
0xc8: {  	_ =	task.clear_ibuf [dreg:s8], $0x2FFFF;
	_ =	strace $0x9FFFFFFF  }
0xc9: {  	(tm) =	ssettm $0x7FFFFFFF  }
tec
execute0_lowered:
.L_overlay_start_1:
0x0: {  	(tag) =	ssettag $0x1  }
0x1: {  	s7 =	rddreg [dreg:$0x0];
	s1 =	srdreg.scid  }
0x2: {  	s0 =	stileid.u32;
	s6 =	rddreg [dreg:$0x1]  }
0x3: {  	s2 =	rddreg [dreg:$0x2];
	s3 =	simm.s32 $0x0;
	s14 =	simm.s32 $0xC00  }
0x4: {  	s15 =	simm.s32 $0x80;
	s16 =	simm.s32 $0x1800;
	s17 =	simm.s32 $0x5800  }
0x5: {  	s18 =	simm.s32 $0x9800;
	s19 =	simm.s32 $0xC80;
	s20 =	simm.s32 $0xD800  }
0x6: {  	s21 =	simm.s32 $0x1;
	s22 =	simm.s32 $0x2;
	s23 =	simm.s32 $0x3  }
0x7: {  	s24 =	simm.s32 $0x4;
	s5 =	sand.u32 $0x1, s1;
	s30 =	sshll.u32 s0, $0x1  }
0x8: {  	s25 =	simm.s32 $0x5;
	s26 =	simm.s32 $0x6;
	s8 =	sor.u32 s5, s30  }
0x9: {  	s28 =	simm.s32 $0x0;
	[smem:$0x7FF] =	sst s3;
	s9 =	smul.u32 $0x180, s8  }
0xa: {  	s4 =	sadd.s32 $0x6E00, s6;
	s11 =	ssub.s32 $0x2, s5;
	s5 =	smul.u32 $0x50000, s8  }
0xb: {  	_ =	strace $0x80000047;
	s12 =	sshrl.u32 s11, $0x1;
	s13 =	smul.u32 $0xA00, s8  }
0xc: {  	s12 =	ssub.s32 s11, s12;
	s10 =	sadd.s32 s9, s6;
	s6 =	sadd.s32 $0x2E200, s6  }
0xd: {  	s7 =	sadd.s32 s7, s9;
	s31 =	sshrl.u32 s5, $0x3;
	s9 =	sor.u32 $0x80, s13  }
0xe: {  	s12 =	smax.u32 s12, $0x1;
	s13 =	simm.s32 $0x7;
	s11 =	sadd.s32 s6, s31  }
0xf: {  	s8 =	sadd.s32 $0x3E00, s10;
	s10 =	sadd.s32 $0x9000, s11;
	s11 =	sadd.s32 $0x9800, s11  }
.LBB2_1:
0x10: {  	[tilespmem:s3], [sflag:$0x7] =	stream.linear.gather [hbm4b:s7+s3], $0xA00, $0x38;
	[tilespmem:$0x11800] =	vst v63  }
0x11: {  	_ =	swait.ge [sflag:s13], $0xA00  }
0x12: {  	[sflag:s13] =	ssyncset.done $0x0  }
0x13: {  	[sflag:s13] =	ssyncadd.s32 $0xFFFFF600  }
0x14: {  	[tilespmem:s14], [sflag:$0x7] =	stream.linear.gather [hbm4b:s8+s3], $0xA00, $0x38;
	[tilespmem:$0x11800] =	vst v63  }
0x15: {  	_ =	swait.ge [sflag:s13], $0xA00  }
0x16: {  	[sflag:s13] =	ssyncset.done $0x0  }
0x17: {  	[sflag:s13] =	ssyncadd.s32 $0xFFFFF600  }
0x18: {  	[tilespmem:s16], [sflag:$0x1] =	stream.indirect.gather [hbm4b:s2+s15], $0x80, s3, s15, $0xb8;
	[tilespmem:$0x11800] =	vst v63  }
0x19: {  	_ = 	snop  }
0x1a: {  	[tilespmem:s17], [sflag:$0x2] =	stream.indirect.gather [hbm4b:s4+s15], $0x80, s14, s15, $0xb8;
	[tilespmem:$0x11800] =	vst v63  }
0x1b: {  	_ = 	snop  }
0x1c: {  	[tilespmem:s18], [sflag:$0x3] =	stream.indirect.gather [hbm4b:s2+s15], $0x80, s15, s15, $0xb8;
	[tilespmem:$0x11800] =	vst v63  }
0x1d: {  	s29 =	simm.s32 $0x0  }
0x1e: {  	[tilespmem:s20], [sflag:$0x4] =	stream.indirect.gather [hbm4b:s4+s15], $0x80, s19, s15, $0xb8;
	[tilespmem:$0x11800] =	vst v63  }
.LBB2_2:
0x1f: {  	_ =	swait.ge [sflag:s21], $0x4000  }
0x20: {  	[sflag:s21] =	ssyncset.done $0x0  }
0x21: {  	[sflag:s21] =	ssyncadd.s32 $0xFFFFC000  }
0x22: {  	_ =	swait.ge [sflag:s22], $0x4000  }
0x23: {  	[sflag:s22] =	ssyncset.done $0x0  }
0x24: {  	s30 =	simm.s32 $0x0;
	s31 =	simm.s32 $0x200;
	[sflag:s22] =	ssyncadd.s32 $0xFFFFC000  }
.LBB2_3:
0x25: {  	p0 =	sne.s32 s31, $0xFE00;
	v0 =	vld [tilespmem:s30+$0x5870]  }
0x26: {  	v1 =	vld [tilespmem:s30+$0x5800]  }
0x27: {  	v2 =	vld [tilespmem:s30+$0x5810]  }
0x28: {  	v3 =	vld [tilespmem:s30+$0x5820]  }
0x29: {  	v4 =	vld [tilespmem:s30+$0x5830]  }
0x2a: {  	[tilespmem:s30+$0x1870] =	vst.add.f32.msk $0xffff, v0  }
0x2b: {  	v0 =	vld [tilespmem:s30+$0x5840]  }
0x2c: {  	v5 =	vld [tilespmem:s30+$0x5850]  }
0x2d: {  	v6 =	vld [tilespmem:s30+$0x5860]  }
0x2e: {  	[tilespmem:s30+$0x1800] =	vst.add.f32.msk $0xffff, v1  }
0x2f: {  	[tilespmem:s30+$0x1810] =	vst.add.f32.msk $0xffff, v2  }
.Ltmp0:
0x30: {  	[tilespmem:s30+$0x1820] =	vst.add.f32.msk $0xffff, v3;
	(pc) =	sbr.rel @p0 .LBB2_3-.Ltmp0, $4  }
0x31: {  	[tilespmem:s30+$0x1830] =	vst.add.f32.msk $0xffff, v4  }
0x32: {  	[tilespmem:s30+$0x1840] =	vst.add.f32.msk $0xffff, v0  }
0x33: {  	[tilespmem:s30+$0x1850] =	vst.add.f32.msk $0xffff, v5  }
0x34: {  	[tilespmem:s30+$0x1860] =	vst.add.f32.msk $0xffff, v6;
	s30 =	sshra.s32 s31, $0x2;
	s31 =	sadd.s32 $0x200, s31  }
0x35: {  	v0 =	vld [tilespmem:s30+$0x5870]  }
0x36: {  	v1 =	vld [tilespmem:s30+$0x5800]  }
0x37: {  	v2 =	vld [tilespmem:s30+$0x5810]  }
0x38: {  	v3 =	vld [tilespmem:s30+$0x5820]  }
0x39: {  	v4 =	vld [tilespmem:s30+$0x5830]  }
0x3a: {  	v63 =	vld [tilespmem:s30+$0x5840]  }
0x3b: {  	v5 =	vld [tilespmem:s30+$0x5850]  }
0x3c: {  	v6 =	vld [tilespmem:s30+$0x5860]  }
0x3d: {  	[tilespmem:s30+$0x1870] =	vst.add.f32.msk $0xffff, v0  }
0x3e: {  	[tilespmem:s30+$0x1800] =	vst.add.f32.msk $0xffff, v1  }
0x3f: {  	[tilespmem:s30+$0x1810] =	vst.add.f32.msk $0xffff, v2  }
0x40: {  	[tilespmem:s30+$0x1820] =	vst.add.f32.msk $0xffff, v3  }
0x41: {  	s31 =	sshll.u32 s29, $0xF;
	[tilespmem:s30+$0x1830] =	vst.add.f32.msk $0xffff, v4  }
0x42: {  	s31 =	sadd.s32 s5, s31;
	[tilespmem:s30+$0x1840] =	vst.add.f32.msk $0xffff, v63  }
0x43: {  	s31 =	sshrl.u32 s31, $0x3;
	[tilespmem:s30+$0x1850] =	vst.add.f32.msk $0xffff, v5  }
0x44: {  	[tilespmem:s30+$0x1860] =	vst.add.f32.msk $0xffff, v6;
	s30 =	sadd.s32 s6, s31;
	s31 =	simm.s32 $0x0  }
0x45: {  	[hbm4b:s30+s31] =	stream.linear.scatter [tilespmem:s16], [sflag:$0x5], $0x4000, $0x38;
	[tilespmem:$0x11800] =	vst v63  }
0x46: {  	_ =	swait.ge [sflag:s23], $0x4000  }
0x47: {  	[sflag:s23] =	ssyncset.done $0x0  }
0x48: {  	[sflag:s23] =	ssyncadd.s32 $0xFFFFC000  }
0x49: {  	_ =	swait.ge [sflag:s24], $0x4000  }
0x4a: {  	[sflag:s24] =	ssyncset.done $0x0  }
0x4b: {  	s30 =	simm.s32 $0x0;
	s31 =	simm.s32 $0x200;
	[sflag:s24] =	ssyncadd.s32 $0xFFFFC000  }
.LBB2_5:
0x4c: {  	p0 =	sne.s32 s31, $0xFE00;
	v0 =	vld [tilespmem:s30+$0xD870]  }
0x4d: {  	v1 =	vld [tilespmem:s30+$0xD800]  }
0x4e: {  	v2 =	vld [tilespmem:s30+$0xD810]  }
0x4f: {  	v3 =	vld [tilespmem:s30+$0xD820]  }
0x50: {  	v4 =	vld [tilespmem:s30+$0xD830]  }
0x51: {  	[tilespmem:s30+$0x9870] =	vst.add.f32.msk $0xffff, v0  }
0x52: {  	v0 =	vld [tilespmem:s30+$0xD840]  }
0x53: {  	v5 =	vld [tilespmem:s30+$0xD850]  }
0x54: {  	v6 =	vld [tilespmem:s30+$0xD860]  }
0x55: {  	[tilespmem:s30+$0x9800] =	vst.add.f32.msk $0xffff, v1  }
0x56: {  	[tilespmem:s30+$0x9810] =	vst.add.f32.msk $0xffff, v2  }
.Ltmp1:
0x57: {  	[tilespmem:s30+$0x9820] =	vst.add.f32.msk $0xffff, v3;
	(pc) =	sbr.rel @p0 .LBB2_5-.Ltmp1, $4  }
0x58: {  	[tilespmem:s30+$0x9830] =	vst.add.f32.msk $0xffff, v4  }
0x59: {  	[tilespmem:s30+$0x9840] =	vst.add.f32.msk $0xffff, v0  }
0x5a: {  	[tilespmem:s30+$0x9850] =	vst.add.f32.msk $0xffff, v5  }
0x5b: {  	[tilespmem:s30+$0x9860] =	vst.add.f32.msk $0xffff, v6;
	s30 =	sshra.s32 s31, $0x2;
	s31 =	sadd.s32 $0x200, s31  }
0x5c: {  	v0 =	vld [tilespmem:s30+$0xD870]  }
0x5d: {  	v1 =	vld [tilespmem:s30+$0xD800]  }
0x5e: {  	v2 =	vld [tilespmem:s30+$0xD810]  }
0x5f: {  	v3 =	vld [tilespmem:s30+$0xD820]  }
0x60: {  	v4 =	vld [tilespmem:s30+$0xD830]  }
0x61: {  	v63 =	vld [tilespmem:s30+$0xD840]  }
0x62: {  	v5 =	vld [tilespmem:s30+$0xD850]  }
0x63: {  	v6 =	vld [tilespmem:s30+$0xD860]  }
0x64: {  	[tilespmem:s30+$0x9870] =	vst.add.f32.msk $0xffff, v0  }
0x65: {  	[tilespmem:s30+$0x9800] =	vst.add.f32.msk $0xffff, v1  }
0x66: {  	[tilespmem:s30+$0x9810] =	vst.add.f32.msk $0xffff, v2  }
0x67: {  	[tilespmem:s30+$0x9820] =	vst.add.f32.msk $0xffff, v3  }
0x68: {  	s31 =	sshll.u32 s29, $0x8;
	[tilespmem:s30+$0x9830] =	vst.add.f32.msk $0xffff, v4  }
0x69: {  	s1 =	sadd.s32 s31, s9;
	[tilespmem:s30+$0x9840] =	vst.add.f32.msk $0xffff, v63  }
0x6a: {  	s1 =	sshll.u32 s1, $0x4;
	[tilespmem:s30+$0x9850] =	vst.add.f32.msk $0xffff, v5  }
0x6b: {  	s1 =	sadd.s32 s6, s1;
	[tilespmem:s30+$0x9860] =	vst.add.f32.msk $0xffff, v6  }
0x6c: {  	[hbm4b:s1+s3] =	stream.linear.scatter [tilespmem:s18], [sflag:$0x6], $0x4000, $0x38;
	[tilespmem:$0x11800] =	vst v63  }
0x6d: {  	_ =	swait.ge [sflag:s25], $0x4000  }
0x6e: {  	[sflag:s25] =	ssyncset.done $0x0  }
0x6f: {  	s30 =	sadd.s32 $0x100, s31;
	[sflag:s25] =	ssyncadd.s32 $0xFFFFC000  }
0x70: {  	[tilespmem:s16], [sflag:$0x1] =	stream.indirect.gather [hbm4b:s2+s15], $0x80, s30, s15, $0xb8;
	[tilespmem:$0x11800] =	vst v63  }
0x71: {  	s29 =	sadd.s32 $0x1, s29;
	s30 =	sadd.s32 $0xD00, s31  }
0x72: {  	[tilespmem:s17], [sflag:$0x2] =	stream.indirect.gather [hbm4b:s4+s15], $0x80, s30, s15, $0xb8;
	[tilespmem:$0x11800] =	vst v63  }
0x73: {  	p0 =	sne.s32 s29, $0x9;
	_ =	swait.ge [sflag:s26], $0x4000  }
.Ltmp2:
0x74: {  	[sflag:s26] =	ssyncset.done $0x0;
	(pc) =	sbr.rel @p0 .LBB2_2-.Ltmp2, $4  }
0x75: {  	s30 =	sadd.s32 $0x180, s31;
	[sflag:s26] =	ssyncadd.s32 $0xFFFFC000  }
0x76: {  	[tilespmem:s18], [sflag:$0x3] =	stream.indirect.gather [hbm4b:s2+s15], $0x80, s30, s15, $0xb8;
	[tilespmem:$0x11800] =	vst v63  }
0x77: {  	s31 =	sadd.s32 $0xD80, s31  }
0x78: {  	[tilespmem:s20], [sflag:$0x4] =	stream.indirect.gather [hbm4b:s4+s15], $0x80, s31, s15, $0xb8;
	[tilespmem:$0x11800] =	vst v63  }
0x79: {  	_ =	swait.ge [sflag:s21], $0x4000  }
0x7a: {  	[sflag:s21] =	ssyncset.done $0x0  }
0x7b: {  	[sflag:s21] =	ssyncadd.s32 $0xFFFFC000  }
0x7c: {  	_ =	swait.ge [sflag:s22], $0x4000  }
0x7d: {  	[sflag:s22] =	ssyncset.done $0x0  }
0x7e: {  	s29 =	simm.s32 $0x0;
	s30 =	simm.s32 $0x200;
	[sflag:s22] =	ssyncadd.s32 $0xFFFFC000  }
.LBB2_8:
0x7f: {  	p0 =	sne.s32 s30, $0xFE00;
	v0 =	vld [tilespmem:s29+$0x5870]  }
0x80: {  	v1 =	vld [tilespmem:s29+$0x5800]  }
0x81: {  	v2 =	vld [tilespmem:s29+$0x5810]  }
0x82: {  	v3 =	vld [tilespmem:s29+$0x5820]  }
0x83: {  	v4 =	vld [tilespmem:s29+$0x5830]  }
0x84: {  	[tilespmem:s29+$0x1870] =	vst.add.f32.msk $0xffff, v0  }
0x85: {  	v0 =	vld [tilespmem:s29+$0x5840]  }
0x86: {  	v5 =	vld [tilespmem:s29+$0x5850]  }
0x87: {  	v6 =	vld [tilespmem:s29+$0x5860]  }
0x88: {  	[tilespmem:s29+$0x1800] =	vst.add.f32.msk $0xffff, v1  }
0x89: {  	[tilespmem:s29+$0x1810] =	vst.add.f32.msk $0xffff, v2  }
.Ltmp3:
0x8a: {  	[tilespmem:s29+$0x1820] =	vst.add.f32.msk $0xffff, v3;
	(pc) =	sbr.rel @p0 .LBB2_8-.Ltmp3, $4  }
0x8b: {  	[tilespmem:s29+$0x1830] =	vst.add.f32.msk $0xffff, v4  }
0x8c: {  	[tilespmem:s29+$0x1840] =	vst.add.f32.msk $0xffff, v0  }
0x8d: {  	[tilespmem:s29+$0x1850] =	vst.add.f32.msk $0xffff, v5  }
0x8e: {  	[tilespmem:s29+$0x1860] =	vst.add.f32.msk $0xffff, v6;
	s29 =	sshra.s32 s30, $0x2;
	s30 =	sadd.s32 $0x200, s30  }
0x8f: {  	v0 =	vld [tilespmem:s29+$0x5870]  }
0x90: {  	v1 =	vld [tilespmem:s29+$0x5800]  }
0x91: {  	v2 =	vld [tilespmem:s29+$0x5810]  }
0x92: {  	v3 =	vld [tilespmem:s29+$0x5820]  }
0x93: {  	v4 =	vld [tilespmem:s29+$0x5830]  }
0x94: {  	v63 =	vld [tilespmem:s29+$0x5840]  }
0x95: {  	v5 =	vld [tilespmem:s29+$0x5850]  }
0x96: {  	v6 =	vld [tilespmem:s29+$0x5860]  }
0x97: {  	[tilespmem:s29+$0x1870] =	vst.add.f32.msk $0xffff, v0  }
0x98: {  	[tilespmem:s29+$0x1800] =	vst.add.f32.msk $0xffff, v1  }
0x99: {  	[tilespmem:s29+$0x1810] =	vst.add.f32.msk $0xffff, v2  }
0x9a: {  	[tilespmem:s29+$0x1820] =	vst.add.f32.msk $0xffff, v3  }
0x9b: {  	[tilespmem:s29+$0x1830] =	vst.add.f32.msk $0xffff, v4  }
0x9c: {  	[tilespmem:s29+$0x1840] =	vst.add.f32.msk $0xffff, v63  }
0x9d: {  	[tilespmem:s29+$0x1850] =	vst.add.f32.msk $0xffff, v5  }
0x9e: {  	s1 =	simm.s32 $0x0;
	[tilespmem:s29+$0x1860] =	vst.add.f32.msk $0xffff, v6  }
0x9f: {  	[hbm4b:s10+s1] =	stream.linear.scatter [tilespmem:s16], [sflag:$0x7], $0x4000, $0x38;
	[tilespmem:$0x11800] =	vst v63  }
0xa0: {  	_ =	swait.ge [sflag:s13], $0x4000  }
0xa1: {  	[sflag:s13] =	ssyncset.done $0x0  }
0xa2: {  	[sflag:s13] =	ssyncadd.s32 $0xFFFFC000  }
0xa3: {  	_ =	swait.ge [sflag:s23], $0x4000  }
0xa4: {  	[sflag:s23] =	ssyncset.done $0x0  }
0xa5: {  	[sflag:s23] =	ssyncadd.s32 $0xFFFFC000  }
0xa6: {  	_ =	swait.ge [sflag:s24], $0x4000  }
0xa7: {  	[sflag:s24] =	ssyncset.done $0x0  }
0xa8: {  	s30 =	simm.s32 $0x200;
	s29 =	simm.s32 $0x0;
	[sflag:s24] =	ssyncadd.s32 $0xFFFFC000  }
.LBB2_10:
0xa9: {  	p0 =	sne.s32 s30, $0xFE00;
	v0 =	vld [tilespmem:s29+$0xD870]  }
0xaa: {  	v1 =	vld [tilespmem:s29+$0xD800]  }
0xab: {  	v2 =	vld [tilespmem:s29+$0xD810]  }
0xac: {  	v3 =	vld [tilespmem:s29+$0xD820]  }
0xad: {  	v4 =	vld [tilespmem:s29+$0xD830]  }
0xae: {  	[tilespmem:s29+$0x9870] =	vst.add.f32.msk $0xffff, v0  }
0xaf: {  	v0 =	vld [tilespmem:s29+$0xD840]  }
0xb0: {  	v5 =	vld [tilespmem:s29+$0xD850]  }
0xb1: {  	v6 =	vld [tilespmem:s29+$0xD860]  }
0xb2: {  	[tilespmem:s29+$0x9800] =	vst.add.f32.msk $0xffff, v1  }
0xb3: {  	[tilespmem:s29+$0x9810] =	vst.add.f32.msk $0xffff, v2  }
.Ltmp4:
0xb4: {  	[tilespmem:s29+$0x9820] =	vst.add.f32.msk $0xffff, v3;
	(pc) =	sbr.rel @p0 .LBB2_10-.Ltmp4, $4  }
0xb5: {  	[tilespmem:s29+$0x9830] =	vst.add.f32.msk $0xffff, v4  }
0xb6: {  	[tilespmem:s29+$0x9840] =	vst.add.f32.msk $0xffff, v0  }
0xb7: {  	[tilespmem:s29+$0x9850] =	vst.add.f32.msk $0xffff, v5  }
0xb8: {  	[tilespmem:s29+$0x9860] =	vst.add.f32.msk $0xffff, v6;
	s29 =	sshra.s32 s30, $0x2;
	s30 =	sadd.s32 $0x200, s30  }
0xb9: {  	v0 =	vld [tilespmem:s29+$0xD870]  }
0xba: {  	v1 =	vld [tilespmem:s29+$0xD800]  }
0xbb: {  	v2 =	vld [tilespmem:s29+$0xD810]  }
0xbc: {  	v3 =	vld [tilespmem:s29+$0xD820]  }
0xbd: {  	v4 =	vld [tilespmem:s29+$0xD830]  }
0xbe: {  	v63 =	vld [tilespmem:s29+$0xD840]  }
0xbf: {  	v5 =	vld [tilespmem:s29+$0xD850]  }
0xc0: {  	v6 =	vld [tilespmem:s29+$0xD860]  }
0xc1: {  	[tilespmem:s29+$0x9870] =	vst.add.f32.msk $0xffff, v0  }
0xc2: {  	[tilespmem:s29+$0x9800] =	vst.add.f32.msk $0xffff, v1  }
0xc3: {  	[tilespmem:s29+$0x9810] =	vst.add.f32.msk $0xffff, v2  }
0xc4: {  	[tilespmem:s29+$0x9820] =	vst.add.f32.msk $0xffff, v3  }
0xc5: {  	[tilespmem:s29+$0x9830] =	vst.add.f32.msk $0xffff, v4  }
0xc6: {  	s28 =	sadd.s32 $0x1, s28;
	[tilespmem:s29+$0x9840] =	vst.add.f32.msk $0xffff, v63  }
0xc7: {  	p0 =	sne.s32 s28, s12;
	[tilespmem:s29+$0x9850] =	vst.add.f32.msk $0xffff, v5  }
.Ltmp5:
0xc8: {  	[tilespmem:s29+$0x9860] =	vst.add.f32.msk $0xffff, v6;
	(pc) =	sbr.rel @p0 .LBB2_1-.Ltmp5, $4  }
0xc9: {  	[hbm4b:s11+s3] =	stream.linear.scatter [tilespmem:s18], [sflag:$0x7], $0x4000, $0x38;
	[tilespmem:$0x11800] =	vst v63  }
0xca: {  	_ =	swait.ge [sflag:s13], $0x4000  }
0xcb: {  	[sflag:s13] =	ssyncset.done $0x0  }
0xcc: {  	[sflag:s13] =	ssyncadd.s32 $0xFFFFC000  }
0xcd: {  	_ =	sfence.sel $0x180000  }
0xce: {  	[bflag:$0x0] =	sbarrier.arrive $0xFFFF  }
0xcf: {  	_ =	strace $0x90000047  }
0xd0: {  	[bflag:$0x2] =	sbarrier.arrive $0xFFFF  }
0xd1: {  	p0 =	sne.s32 s0, $0x0;
	s0 =	rddreg [dreg:$0x3]  }
0xd2: {  	s0 =	sadd.s32 @!p0 $0x100000, s0  }
0xd3: {  	[sflag:s0] =	ssyncadd.tile.s32 @!p0 $0x1;
	_ =	shalt  }
.Lfunc_end2:
_tile_overlayer_lowered:
.L_overlay_start_2:
0xd4: {  	(tag) =	ssettag $0x2  }
0xd5: {  	s0 =	rddreg [dreg:$0x0];
	s2 =	stileid.u32  }
0xd6: {  	s1 =	rddreg [dreg:$0x1];
	p0 =	sne.s32 s2, $0x0  }
0xd7: {  	s3 =	rddreg [dreg:$0x2];
	[bflag:$0x3] =	sbarrier.arrive $0xFFFF;
	s2 =	simm.s32 @!p0 $0x1C07  }
0xd8: {  	[timem:s3], [sflag:s2] =	dma.local @!p0 [hbm:s0], s1  }
0xd9: {  	s0 =	simm.s32 @!p0 $0x7  }
0xda: {  	_ =	swait.ge @!p0 [sflag:s0], s1  }
0xdb: {  	s1 =	ssub.s32 @!p0 $0x0, s1;
	[sflag:s0] =	ssyncset.done @!p0 $0x0  }
0xdc: {  	[sflag:s0] =	ssyncadd.s32 @!p0 s1  }
0xdd: {  	[bflag:$0x3] =	sbarrier.arrive $0xFFFF  }
0xde: {  	_ =	shalt  }

// kernel: kernel.14.cloned.1.call-start
scs
__scs_entry_jumppad:
0x0: {  	(pc) =	sbr.rel $0x88, $3  }
0x1: {  	(tag) =	ssettag $0x0;
	lr =	simm.s32 $0x1  }
0x2: {  	[smem:$0x3F91] =	sst lr;
	_ =	strace $0xD0000000  }
0x3: {  	_ = 	snop  }
0x4: {  	_ = 	snop  }
0x5: {  	_ = 	snop  }
0x6: {  	_ = 	snop  }
0x7: {  	_ = 	snop  }
__scs_overlays_trampoline_lowered:
0x8: {  	[smem:$0x3FA0] =	sst s0  }
0x9: {  	[smem:$0x3FA1] =	sst s1  }
0xa: {  	[smem:$0x3FA2] =	sst s2  }
0xb: {  	[smem:$0x3FA3] =	sst s3  }
0xc: {  	[smem:$0x3FA4] =	sst s4  }
0xd: {  	[smem:$0x3FA5] =	sst s5  }
0xe: {  	[smem:$0x3FA6] =	sst s6  }
0xf: {  	[smem:$0x3FA7] =	sst s7  }
0x10: {  	[smem:$0x3FA8] =	sst s8  }
0x11: {  	[smem:$0x3FA9] =	sst s9;
	s0 =	simm.s32 @!p0 $0x0  }
0x12: {  	s1 =	sld [smem:$0x3F8F];
	s0 =	simm.s32 @p0 $0x1  }
0x13: {  	[smem:$0x3FAA] =	sst s0;
	s0 =	simm.s32 @!p1 $0x0  }
0x14: {  	s2 =	sld [smem:$0x3F8E];
	s0 =	simm.s32 @p1 $0x1  }
0x15: {  	[smem:$0x3FAB] =	sst s0;
	s0 =	simm.s32 @!p2 $0x0  }
0x16: {  	s3 =	sld [smem:$0x3FDB];
	s0 =	simm.s32 @p2 $0x1  }
0x17: {  	s4 =	simm.s32 $0x1BF5;
	[smem:$0x3FAD] =	sst s0  }
0x18: {  	s0 =	sld [smem:$0x3F90];
	_ =	swait.ge [sflag:s4], $0x0  }
0x19: {  	s7 =	sld [smem:$0x3F91]  }
0x1a: {  	s8 =	sadd.s32 $0xFFFFE003, lr  }
0x1b: {  	s9 =	sadd.s32 $0xFFFFFEF7, lr;
	s5 =	simm.s32 $0xFFFFFFFF;
	p2 =	slt.u32 s8, $0xFFFFF086  }
0x1c: {  	p1 =	slt.u32 s9, $0xF7A;
	s5 =	simm.s32 @!p2 $0x0  }
0x1d: {  	s5 =	simm.s32 @p1 $0x1;
	p0 =	seq.s32 s7, s2  }
0x1e: {  	s7 =	smul.u32 @!p0 $0xF7A, s2;
	p2 =	seq.s32 @!p0 s5, $0x0  }
0x1f: {  	s9 =	smul.u32 $0xF7A, s1;
	s8 =	simm.s32 @!p0 $0x1BF5;
	p2 =	por !p2, p0  }
0x20: {  	[sflag:s8] =	ssyncset.s32 @!p0 $0xFFFFF086;
	s6 =	sadd.s32 @!p0 s3, s7;
	s7 =	simm.s32 @!p0 $0x108  }
0x21: {  	s3 =	sadd.s32 s3, s9;
	s6 =	sadd.s32 @!p0 $0x88, s6;
	s7 =	simm.s32 @p2 $0x1082  }
0x22: {  	[simem:s7], [sflag:s8] =	dma.local @!p0 [hbm:s6], $0xF7A  }
0x23: {  	s9 =	sor.u32 $0xD0000000, s2;
	s6 =	simm.s32 $0x108;
	_ =	swait.ge @!p0 [sflag:s8], $0x0  }
0x24: {  	s3 =	sadd.s32 $0x88, s3;
	s6 =	simm.s32 @!p1 $0x1082;
	[sflag:s4] =	ssyncset.s32 $0xFFFFF086  }
0x25: {  	[simem:s6], [sflag:s4] =	dma.local [hbm:s3], $0xF7A  }
0x26: {  	[smem:$0x3F91] =	sst s1;
	(tag) =	ssettag s2;
	_ =	strace s9  }
0x27: {  	s1 =	sld [smem:$0x3FA1]  }
0x28: {  	s2 =	sld [smem:$0x3FA2]  }
0x29: {  	s4 =	sld [smem:$0x3FA4]  }
0x2a: {  	p0 =	seq.s32 s5, $0x0;
	s5 =	sld [smem:$0x3FA5]  }
0x2b: {  	s6 =	sld [smem:$0x3FA6]  }
0x2c: {  	s7 =	sld [smem:$0x3FA7]  }
0x2d: {  	s3 =	simm.s32 $0x108;
	s8 =	sld [smem:$0x3FA8]  }
0x2e: {  	s3 =	simm.s32 @!p0 $0x1082;
	s9 =	sld [smem:$0x3FA9]  }
0x2f: {  	lr =	sadd.s32 s0, s3;
	s0 =	sld [smem:$0x3FA0]  }
0x30: {  	s3 =	sld [smem:$0x3FA3]  }
0x31: {  	[smem:$0x3FAC] =	sst s10  }
0x32: {  	s10 =	sld [smem:$0x3FAA];
	_ =	sdelay $0x3  }
0x33: {  	p0 =	seq.s32 s10, $0x1;
	s10 =	sld [smem:$0x3FAC];
	_ =	sdelay $0x3  }
0x34: {  	[smem:$0x3FAC] =	sst s10  }
0x35: {  	s10 =	sld [smem:$0x3FAB];
	_ =	sdelay $0x3  }
0x36: {  	p1 =	seq.s32 s10, $0x1;
	s10 =	sld [smem:$0x3FAC];
	_ =	sdelay $0x3  }
0x37: {  	[smem:$0x3FAC] =	sst s10  }
0x38: {  	s10 =	sld [smem:$0x3FAD]  }
0x39: {  	_ = 	snop;
	(pc) =	sbr.ind lr, $3  }
0x3a: {  	_ = 	snop  }
0x3b: {  	_ = 	snop  }
0x3c: {  	p2 =	seq.s32 s10, $0x1;
	s10 =	sld [smem:$0x3FAC]  }
0x3d: {  	_ =	shalt  }
0x3e: {  	_ =	shalt  }
0x3f: {  	_ =	shalt  }
0x40: {  	_ =	shalt  }
0x41: {  	_ =	shalt  }
0x42: {  	_ =	shalt  }
0x43: {  	_ =	shalt  }
0x44: {  	_ =	shalt  }
0x45: {  	_ =	shalt  }
0x46: {  	_ =	shalt  }
0x47: {  	_ =	shalt  }
0x48: {  	_ =	shalt  }
0x49: {  	_ =	shalt  }
0x4a: {  	_ =	shalt  }
0x4b: {  	_ =	shalt  }
0x4c: {  	_ =	shalt  }
0x4d: {  	_ =	shalt  }
0x4e: {  	_ =	shalt  }
0x4f: {  	_ =	shalt  }
0x50: {  	_ =	shalt  }
0x51: {  	_ =	shalt  }
0x52: {  	_ =	shalt  }
0x53: {  	_ =	shalt  }
0x54: {  	_ =	shalt  }
0x55: {  	_ =	shalt  }
0x56: {  	_ =	shalt  }
0x57: {  	_ =	shalt  }
0x58: {  	_ =	shalt  }
0x59: {  	_ =	shalt  }
0x5a: {  	_ =	shalt  }
0x5b: {  	_ =	shalt  }
0x5c: {  	_ =	shalt  }
0x5d: {  	_ =	shalt  }
0x5e: {  	_ =	shalt  }
0x5f: {  	_ =	shalt  }
0x60: {  	_ =	shalt  }
0x61: {  	_ =	shalt  }
0x62: {  	_ =	shalt  }
0x63: {  	_ =	shalt  }
0x64: {  	_ =	shalt  }
0x65: {  	_ =	shalt  }
0x66: {  	_ =	shalt  }
0x67: {  	_ =	shalt  }
0x68: {  	_ =	shalt  }
0x69: {  	_ =	shalt  }
0x6a: {  	_ =	shalt  }
0x6b: {  	_ =	shalt  }
0x6c: {  	_ =	shalt  }
0x6d: {  	_ =	shalt  }
0x6e: {  	_ =	shalt  }
0x6f: {  	_ =	shalt  }
0x70: {  	_ =	shalt  }
0x71: {  	_ =	shalt  }
0x72: {  	_ =	shalt  }
0x73: {  	_ =	shalt  }
0x74: {  	_ =	shalt  }
0x75: {  	_ =	shalt  }
0x76: {  	_ =	shalt  }
0x77: {  	_ =	shalt  }
0x78: {  	_ =	shalt  }
0x79: {  	_ =	shalt  }
0x7a: {  	_ =	shalt  }
0x7b: {  	_ =	shalt  }
0x7c: {  	_ =	shalt  }
0x7d: {  	_ =	shalt  }
0x7e: {  	_ =	shalt  }
0x7f: {  	_ =	shalt  }
0x80: {  	_ =	shalt  }
0x81: {  	_ =	shalt  }
0x82: {  	_ =	shalt  }
0x83: {  	_ =	shalt  }
0x84: {  	_ =	shalt  }
0x85: {  	_ =	shalt  }
0x86: {  	_ =	shalt  }
0x87: {  	_ =	shalt  }
.Lfunc_end0:
.L_simem_size_0:
called_computation.1_lowered:
.L_overlay_start_0:
0x88: {  	s2 =	sld [smem:$0x3FD9]  }
0x89: {  	s3 =	sld [smem:$0x3FFE];
	_ =	sdelay $0x1  }
0x8a: {  	s1 =	srdreg.scid  }
0x8b: {  	s0 =	sand.u32 $0x1, s1  }
0x8c: {  	s15 =	sshll.u32 s0, $0xA;
	s2 =	sadd.s32 s3, s2  }
0x8d: {  	s2 =	sadd.s32 s2, s15  }
0x8e: {  	[smem:$0x3FB8] =	sst s2  }
0x8f: {  	_ = 	snop  }
0x90: {  	s2 =	sld [smem:$0x3FD0];
	_ =	sdelay $0x2  }
0x91: {  	s16 =	simm.s32 $0xC;
	s4 =	simm.s32 $0x10  }
0x92: {  	[smem:s4], [sflag:s16] =	dma.local [hbm:s2], $0x1  }
0x93: {  	_ =	swait.eq [sflag:s16], $0x1  }
0x94: {  	[sflag:s16] =	ssyncset.done $0x0  }
0x95: {  	[sflag:s16] =	ssyncadd.s32 $0xFFFFFFFF  }
0x96: {  	s17 =	sld [smem:$0x10];
	(tm) =	ssettm $0x1  }
0x97: {  	s18 =	sld [smem:$0x3FFB];
	_ =	sdelay $0x3  }
0x98: {  	_ =	strace s18  }
0x99: {  	s2 =	sld [smem:$0x3FFC];
	_ =	sdelay $0x3  }
0x9a: {  	_ =	strace s2  }
0x9b: {  	s2 =	sld [smem:$0x3FFD];
	_ =	sdelay $0x3  }
0x9c: {  	_ =	strace s2  }
0x9d: {  	_ =	strace $0x8FFFFFFF  }
0x9e: {  	s19 =	sld [smem:$0x3FDB];
	_ =	sdelay $0x1  }
0x9f: {  	s20 =	simm.s32 $_scs_section_size  }
0xa0: {  	s5 =	simm.s32 $_size__tile_overlayer_lowered;
	s6 =	simm.s32 $_tile_overlayer_lowered  }
0xa1: {  	s7 =	simm.s32 $0x1BFF;
	s21 =	sshll.u32 s6, $0x1;
	s4 =	sadd.s32 s20, s19  }
0xa2: {  	s22 =	simm.s32 $0x0;
	s5 =	sshll.u32 s5, $0x1;
	s6 =	sadd.s32 s21, s4  }
0xa3: {  	[timem:s22], [sflag:s7] =	dma.local [hbm:s6], s5  }
0xa4: {  	_ =	swait.ge [sflag:s7], s5  }
0xa5: {  	s5 =	ssub.s32 $0x0, s5;
	[sflag:s7] =	ssyncset.done $0x0  }
0xa6: {  	[sflag:s7] =	ssyncadd.s32 s5;
	_ =	sdelay $0x1  }
0xa7: {  	s23 =	simm.s32 $0x1B8B  }
0xa8: {  	_ =	swait.ge [sflag:s23], $0x1  }
0xa9: {  	[sflag:s23] =	ssyncset.done $0x0  }
0xaa: {  	[sflag:s23] =	ssyncadd.s32 $0xFFFFFFFF  }
0xab: {  	s5 =	sld [smem:$0x0]  }
0xac: {  	s6 =	sand.u32 $0xFFFFFFFE, s1  }
0xad: {  	p0 =	sne.s32 s1, s6  }
0xae: {  	s6 =	sshll.u32 @p0 s6, $0xE  }
0xaf: {  	s6 =	sadd.s32 @p0 $0x11B8D, s6;
	s7 =	sshll.u32 @p0 s5, $0x11  }
0xb0: {  	s6 =	sor.u32 @p0 s7, s6  }
0xb1: {  	[sflag:s6] =	ssyncadd.remote.s32 @p0 $0x1;
	_ =	sdelay $0x1  }
0xb2: {  	s6 =	simm.s32 @p0 $0x1B8D  }
0xb3: {  	_ =	swait.eq @p0 [sflag:s6], $0x1  }
0xb4: {  	[sflag:s6] =	ssyncadd.s32 @p0 $0xFFFFFFFF  }
0xb5: {  	s7 =	sshll.u32 @!p0 s1, $0xE  }
0xb6: {  	s7 =	sor.u32 @!p0 $0x4000, s7;
	s6 =	simm.s32 @!p0 $0x1B8D  }
0xb7: {  	s5 =	sshll.u32 @!p0 s5, $0x11;
	s7 =	sadd.s32 @!p0 $0x11B8D, s7;
	_ =	swait.eq @!p0 [sflag:s6], $0x1  }
0xb8: {  	s5 =	sor.u32 @!p0 s5, s7;
	[sflag:s6] =	ssyncadd.s32 @!p0 $0xFFFFFFFF  }
0xb9: {  	s25 =	simm.s32 $0x1B8E;
	s24 =	sld [smem:$0x3FFE];
	[sflag:s5] =	ssyncadd.remote.s32 @!p0 $0x1  }
0xba: {  	s26 =	simm.s32 $execute0_lowered;
	[smem:$0x3FD2] =	sst s25  }
0xbb: {  	s6 =	sshll.u32 s26, $0x1;
	_ =	strace $0x80000049;
	[dreg:$0x1] =	wrdreg $0xFFFFFFFF  }
0xbc: {  	s28 =	simm.s32 $_size_execute0_lowered;
	s4 =	sadd.s32 s4, s6;
	[dreg:$0x0] =	wrdreg $0x0  }
0xbd: {  	s6 =	sshll.u32 s28, $0x1;
	[dreg:$0x2] =	wrdreg s4  }
0xbe: {  	[dreg:$0x3] =	wrdreg s6  }
0xbf: {  	[dreg:$0x4] =	wrdreg $0xC0  }
0xc0: {  	_ =	task [dreg:s22], $0x5FFFF  }
0xc1: {  	[dreg:$0x1] =	wrdreg $0xFFFFFFFF  }
0xc2: {  	[dreg:$0x0] =	wrdreg $0x60  }
0xc3: {  	[dreg:$0x2] =	wrdreg s24  }
0xc4: {  	[dreg:$0x3] =	wrdreg s17  }
0xc5: {  	[dreg:$0x4] =	wrdreg $0xA  }
0xc6: {  	_ =	task.clear_ibuf [dreg:s22], $0x5FFFF;
	_ =	strace $0x90000049  }
0xc7: {  	s29 =	simm.s32 $0xA;
	_ =	strace $0x8000004B  }
0xc8: {  	_ =	swait.ge [sflag:s29], $0x1  }
0xc9: {  	[sflag:s29] =	ssyncadd.s32 $0xFFFFFFFF  }
0xca: {  	_ =	strace $0x9000004B  }
0xcb: {  	_ =	sfence  }
0xcc: {  	s30 =	sld [smem:$0x0];
	_ =	sdelay $0x2  }
0xcd: {  	s31 =	sshll.u32 s1, $0xD;
	s1 =	sshrl.u32 s1, $0x2  }
0xce: {  	s4 =	sand.u32 $0x4000, s31;
	s1 =	sadd.s32 s1, s30  }
0xcf: {  	s0 =	sor.u32 s4, s0;
	s1 =	sshll.u32 s1, $0x11  }
0xd0: {  	s0 =	sor.u32 s1, s0  }
0xd1: {  	s0 =	sadd.s32 $0x8F2B, s0  }
0xd2: {  	[sflag:s0] =	ssyncadd.remote.s32 $0x1  }
0xd3: {  	_ =	sfence.sel $0xFFFF  }
0xd4: {  	[dreg:$0x0] =	wrdreg $0xFFFFFFFF;
	(pc) =	sbr.abs _section_cstart, $3  }
0xd5: {  	[dreg:$0x1] =	wrdreg $0xFFFFFFFF  }
0xd6: {  	_ =	task.clear_ibuf [dreg:s22], $0x2FFFF;
	_ =	strace $0x9FFFFFFF  }
0xd7: {  	(tm) =	ssettm $0x7FFFFFFF  }
tec
execute0_lowered:
.L_overlay_start_1:
0x0: {  	(tag) =	ssettag $0x1  }
0x1: {  	s0 =	rddreg [dreg:$0x0]  }
0x2: {  	s2 =	rddreg [dreg:$0x1]  }
0x3: {  	s1 =	srdreg.scid;
	s4 =	stileid.u32;
	s3 =	simm.s32 $0x0  }
0x4: {  	s16 =	simm.s32 $0x7;
	s17 =	simm.s32 $0x1000;
	s18 =	simm.s32 $0x2000  }
0x5: {  	s19 =	simm.s32 $0x2080;
	s28 =	simm.s32 $0x2;
	s29 =	simm.s32 $0x3  }
0x6: {  	s30 =	simm.s32 $0x4;
	s31 =	simm.s32 $0x5;
	s1 =	sand.u32 $0x1, s1  }
0x7: {  	s4 =	sshll.u32 s4, $0x1;
	[smem:$0x7FF] =	sst s3;
	s5 =	sadd.s32 $0x6E00, s0  }
0x8: {  	s6 =	sadd.s32 $0x176600, s0;
	s7 =	sor.u32 s1, s4;
	_ =	strace $0x8000004A  }
0x9: {  	s1 =	ssub.s32 $0x2, s1;
	s4 =	sshll.u32 s7, $0x9;
	s20 =	sshll.u32 s7, $0x4  }
0xa: {  	s10 =	sshrl.u32 s1, $0x1;
	s22 =	smul.u32 $0xE10, s7;
	s8 =	sadd.s32 s4, s0  }
0xb: {  	s9 =	sadd.s32 s20, s0;
	s4 =	smul.u32 $0x70800, s7;
	s21 =	ssub.s32 s1, s10  }
0xc: {  	s20 =	simm.s32 $0x80;
	s0 =	simm.s32 $0x6;
	s23 =	sadd.s32 $0x16E600, s8  }
0xd: {  	s1 =	simm.s32 $0x10;
	s8 =	sadd.s32 $0x172600, s8;
	s25 =	sadd.s32 $0x16E200, s9  }
0xe: {  	s26 =	sadd.s32 $0x16E400, s9;
	s11 =	sadd.s32 $0x80, s22;
	[dreg:$0x3] =	wrdreg s23  }
0xf: {  	s15 =	smax.u32 s21, $0x1;
	s21 =	simm.s32 $0x2100;
	[dreg:$0x4] =	wrdreg s8  }
0x10: {  	s22 =	simm.s32 $0x6100;
	s24 =	sshrl.u32 s4, $0x3;
	[dreg:$0x5] =	wrdreg s25  }
0x11: {  	[dreg:$0x6] =	wrdreg s26;
	s23 =	simm.s32 $0xA100;
	s25 =	simm.s32 $0xE100  }
0x12: {  	s26 =	simm.s32 $0x1;
	s7 =	sadd.s32 s6, s24;
	s24 =	simm.s32 $0x0  }
0x13: {  	s12 =	sadd.s32 $0xD000, s7;
	s13 =	sadd.s32 $0xD800, s7;
	s14 =	sadd.s32 $0xE000, s7  }
.LBB2_1:
0x14: {  	s7 =	rddreg [dreg:$0x3]  }
0x15: {  	[tilespmem:s3], [sflag:$0x7] =	stream.linear.gather [hbm4b:s7+s3], $0xE00, $0x38;
	[tilespmem:$0x12100] =	vst v63  }
0x16: {  	_ =	swait.ge [sflag:s16], $0xE00  }
0x17: {  	[sflag:s16] =	ssyncset.done $0x0  }
0x18: {  	s10 =	rddreg [dreg:$0x4];
	[sflag:s16] =	ssyncadd.s32 $0xFFFFF200  }
0x19: {  	[tilespmem:s17], [sflag:$0x7] =	stream.linear.gather [hbm4b:s10+s3], $0xE00, $0x38;
	[tilespmem:$0x12100] =	vst v63  }
0x1a: {  	_ =	swait.ge [sflag:s16], $0xE00  }
0x1b: {  	[sflag:s16] =	ssyncset.done $0x0  }
0x1c: {  	s8 =	rddreg [dreg:$0x5];
	[sflag:s16] =	ssyncadd.s32 $0xFFFFF200  }
0x1d: {  	[tilespmem:s18], [sflag:$0x7] =	stream.linear.gather [hbm4b:s8+s3], $0x80, $0x38;
	[tilespmem:$0x12100] =	vst v63  }
0x1e: {  	_ =	swait.ge [sflag:s16], $0x80  }
0x1f: {  	[sflag:s16] =	ssyncset.done $0x0  }
0x20: {  	s9 =	rddreg [dreg:$0x6];
	[sflag:s16] =	ssyncadd.s32 $0xFFFFFF80  }
0x21: {  	[tilespmem:s19], [sflag:$0x7] =	stream.linear.gather [hbm4b:s9+s3], $0x80, $0x38;
	[tilespmem:$0x12100] =	vst v63  }
0x22: {  	_ =	swait.ge [sflag:s16], $0x80  }
0x23: {  	[sflag:s16] =	ssyncset.done $0x0  }
0x24: {  	[sflag:s16] =	ssyncadd.s32 $0xFFFFFF80  }
0x25: {  	[tilespmem:s21], [sflag:$0x1] =	stream.indirect.gather [hbm4b:s2+s20], $0x80, s3, s20, $0xb8;
	[tilespmem:$0x12100] =	vst v63  }
0x26: {  	_ = 	snop  }
0x27: {  	[tilespmem:s22], [sflag:$0x2] =	stream.indirect.gather [hbm4b:s5+s20], $0x80, s17, s20, $0xb8;
	[tilespmem:$0x12100] =	vst v63  }
0x28: {  	_ = 	snop  }
0x29: {  	[tilespmem:s23], [sflag:$0x3] =	stream.indirect.gather [hbm4b:s2+s20], $0x80, s20, s20, $0xb8;
	[tilespmem:$0x12100] =	vst v63  }
0x2a: {  	s7 =	simm.s32 $0x0;
	s10 =	simm.s32 $0x1080  }
0x2b: {  	[tilespmem:s25], [sflag:$0x4] =	stream.indirect.gather [hbm4b:s5+s20], $0x80, s10, s20, $0xb8;
	[tilespmem:$0x12100] =	vst v63  }
.LBB2_2:
0x2c: {  	_ =	swait.ge [sflag:s26], $0x4000  }
0x2d: {  	[sflag:s26] =	ssyncset.done $0x0  }
0x2e: {  	[sflag:s26] =	ssyncadd.s32 $0xFFFFC000  }
0x2f: {  	_ =	swait.ge [sflag:s28], $0x4000  }
0x30: {  	[sflag:s28] =	ssyncset.done $0x0  }
0x31: {  	s8 =	simm.s32 $0x0;
	s9 =	simm.s32 $0x200;
	[sflag:s28] =	ssyncadd.s32 $0xFFFFC000  }
.LBB2_3:
0x32: {  	p0 =	sne.s32 s9, $0xFE00;
	v0 =	vld [tilespmem:s8+$0x6170]  }
0x33: {  	v1 =	vld [tilespmem:s8+$0x6100]  }
0x34: {  	v2 =	vld [tilespmem:s8+$0x6110]  }
0x35: {  	v3 =	vld [tilespmem:s8+$0x6120]  }
0x36: {  	v4 =	vld [tilespmem:s8+$0x6130]  }
0x37: {  	[tilespmem:s8+$0x2170] =	vst.add.f32.msk $0xffff, v0  }
0x38: {  	v0 =	vld [tilespmem:s8+$0x6140]  }
0x39: {  	v5 =	vld [tilespmem:s8+$0x6150]  }
0x3a: {  	v6 =	vld [tilespmem:s8+$0x6160]  }
0x3b: {  	[tilespmem:s8+$0x2100] =	vst.add.f32.msk $0xffff, v1  }
0x3c: {  	[tilespmem:s8+$0x2110] =	vst.add.f32.msk $0xffff, v2  }
.Ltmp0:
0x3d: {  	[tilespmem:s8+$0x2120] =	vst.add.f32.msk $0xffff, v3;
	(pc) =	sbr.rel @p0 .LBB2_3-.Ltmp0, $4  }
0x3e: {  	[tilespmem:s8+$0x2130] =	vst.add.f32.msk $0xffff, v4  }
0x3f: {  	[tilespmem:s8+$0x2140] =	vst.add.f32.msk $0xffff, v0  }
0x40: {  	[tilespmem:s8+$0x2150] =	vst.add.f32.msk $0xffff, v5  }
0x41: {  	[tilespmem:s8+$0x2160] =	vst.add.f32.msk $0xffff, v6;
	s8 =	sshra.s32 s9, $0x2;
	s9 =	sadd.s32 $0x200, s9  }
0x42: {  	v0 =	vld [tilespmem:s8+$0x6170]  }
0x43: {  	v1 =	vld [tilespmem:s8+$0x6100]  }
0x44: {  	v2 =	vld [tilespmem:s8+$0x6110]  }
0x45: {  	v3 =	vld [tilespmem:s8+$0x6120]  }
0x46: {  	v4 =	vld [tilespmem:s8+$0x6130]  }
0x47: {  	v63 =	vld [tilespmem:s8+$0x6140]  }
0x48: {  	v5 =	vld [tilespmem:s8+$0x6150]  }
0x49: {  	v6 =	vld [tilespmem:s8+$0x6160]  }
0x4a: {  	[tilespmem:s8+$0x2170] =	vst.add.f32.msk $0xffff, v0  }
0x4b: {  	[tilespmem:s8+$0x2100] =	vst.add.f32.msk $0xffff, v1  }
0x4c: {  	[tilespmem:s8+$0x2110] =	vst.add.f32.msk $0xffff, v2  }
0x4d: {  	[tilespmem:s8+$0x2120] =	vst.add.f32.msk $0xffff, v3  }
0x4e: {  	s9 =	sshll.u32 s7, $0xF;
	[tilespmem:s8+$0x2130] =	vst.add.f32.msk $0xffff, v4  }
0x4f: {  	s9 =	sadd.s32 s4, s9;
	[tilespmem:s8+$0x2140] =	vst.add.f32.msk $0xffff, v63  }
0x50: {  	s9 =	sshrl.u32 s9, $0x3;
	[tilespmem:s8+$0x2150] =	vst.add.f32.msk $0xffff, v5  }
0x51: {  	s10 =	simm.s32 $0x0;
	s9 =	sadd.s32 s6, s9;
	[tilespmem:s8+$0x2160] =	vst.add.f32.msk $0xffff, v6  }
0x52: {  	[hbm4b:s9+s10] =	stream.linear.scatter [tilespmem:s21], [sflag:$0x5], $0x4000, $0x38;
	[tilespmem:$0x12100] =	vst v63  }
0x53: {  	_ =	swait.ge [sflag:s29], $0x4000  }
0x54: {  	[sflag:s29] =	ssyncset.done $0x0  }
0x55: {  	[sflag:s29] =	ssyncadd.s32 $0xFFFFC000  }
0x56: {  	_ =	swait.ge [sflag:s30], $0x4000  }
0x57: {  	[sflag:s30] =	ssyncset.done $0x0  }
0x58: {  	s8 =	simm.s32 $0x0;
	s9 =	simm.s32 $0x200;
	[sflag:s30] =	ssyncadd.s32 $0xFFFFC000  }
.LBB2_5:
0x59: {  	p0 =	sne.s32 s9, $0xFE00;
	v0 =	vld [tilespmem:s8+$0xE170]  }
0x5a: {  	v1 =	vld [tilespmem:s8+$0xE100]  }
0x5b: {  	v2 =	vld [tilespmem:s8+$0xE110]  }
0x5c: {  	v3 =	vld [tilespmem:s8+$0xE120]  }
0x5d: {  	v4 =	vld [tilespmem:s8+$0xE130]  }
0x5e: {  	[tilespmem:s8+$0xA170] =	vst.add.f32.msk $0xffff, v0  }
0x5f: {  	v0 =	vld [tilespmem:s8+$0xE140]  }
0x60: {  	v5 =	vld [tilespmem:s8+$0xE150]  }
0x61: {  	v6 =	vld [tilespmem:s8+$0xE160]  }
0x62: {  	[tilespmem:s8+$0xA100] =	vst.add.f32.msk $0xffff, v1  }
0x63: {  	[tilespmem:s8+$0xA110] =	vst.add.f32.msk $0xffff, v2  }
.Ltmp1:
0x64: {  	[tilespmem:s8+$0xA120] =	vst.add.f32.msk $0xffff, v3;
	(pc) =	sbr.rel @p0 .LBB2_5-.Ltmp1, $4  }
0x65: {  	[tilespmem:s8+$0xA130] =	vst.add.f32.msk $0xffff, v4  }
0x66: {  	[tilespmem:s8+$0xA140] =	vst.add.f32.msk $0xffff, v0  }
0x67: {  	[tilespmem:s8+$0xA150] =	vst.add.f32.msk $0xffff, v5  }
0x68: {  	[tilespmem:s8+$0xA160] =	vst.add.f32.msk $0xffff, v6;
	s8 =	sshra.s32 s9, $0x2;
	s9 =	sadd.s32 $0x200, s9  }
0x69: {  	v0 =	vld [tilespmem:s8+$0xE170]  }
0x6a: {  	v1 =	vld [tilespmem:s8+$0xE100]  }
0x6b: {  	v2 =	vld [tilespmem:s8+$0xE110]  }
0x6c: {  	v3 =	vld [tilespmem:s8+$0xE120]  }
0x6d: {  	v4 =	vld [tilespmem:s8+$0xE130]  }
0x6e: {  	v63 =	vld [tilespmem:s8+$0xE140]  }
0x6f: {  	v5 =	vld [tilespmem:s8+$0xE150]  }
0x70: {  	v6 =	vld [tilespmem:s8+$0xE160]  }
0x71: {  	[tilespmem:s8+$0xA170] =	vst.add.f32.msk $0xffff, v0  }
0x72: {  	[tilespmem:s8+$0xA100] =	vst.add.f32.msk $0xffff, v1  }
0x73: {  	[tilespmem:s8+$0xA110] =	vst.add.f32.msk $0xffff, v2  }
0x74: {  	[tilespmem:s8+$0xA120] =	vst.add.f32.msk $0xffff, v3  }
0x75: {  	s9 =	sshll.u32 s7, $0x8;
	[tilespmem:s8+$0xA130] =	vst.add.f32.msk $0xffff, v4  }
0x76: {  	s10 =	sadd.s32 s9, s11;
	[tilespmem:s8+$0xA140] =	vst.add.f32.msk $0xffff, v63  }
0x77: {  	s10 =	sshll.u32 s10, $0x4;
	[tilespmem:s8+$0xA150] =	vst.add.f32.msk $0xffff, v5  }
0x78: {  	s10 =	sadd.s32 s6, s10;
	[tilespmem:s8+$0xA160] =	vst.add.f32.msk $0xffff, v6  }
0x79: {  	[hbm4b:s10+s3] =	stream.linear.scatter [tilespmem:s23], [sflag:$0x6], $0x4000, $0x38;
	[tilespmem:$0x12100] =	vst v63  }
0x7a: {  	_ =	swait.ge [sflag:s31], $0x4000  }
0x7b: {  	[sflag:s31] =	ssyncset.done $0x0  }
0x7c: {  	s10 =	sadd.s32 $0x100, s9;
	[sflag:s31] =	ssyncadd.s32 $0xFFFFC000  }
0x7d: {  	[tilespmem:s21], [sflag:$0x1] =	stream.indirect.gather [hbm4b:s2+s20], $0x80, s10, s20, $0xb8;
	[tilespmem:$0x12100] =	vst v63  }
0x7e: {  	s7 =	sadd.s32 $0x1, s7;
	s10 =	sadd.s32 $0x1100, s9  }
0x7f: {  	[tilespmem:s22], [sflag:$0x2] =	stream.indirect.gather [hbm4b:s5+s20], $0x80, s10, s20, $0xb8;
	[tilespmem:$0x12100] =	vst v63  }
0x80: {  	p0 =	sne.s32 s7, $0xD;
	_ =	swait.ge [sflag:s0], $0x4000  }
.Ltmp2:
0x81: {  	[sflag:s0] =	ssyncset.done $0x0;
	(pc) =	sbr.rel @p0 .LBB2_2-.Ltmp2, $4  }
0x82: {  	s10 =	sadd.s32 $0x180, s9;
	[sflag:s0] =	ssyncadd.s32 $0xFFFFC000  }
0x83: {  	[tilespmem:s23], [sflag:$0x3] =	stream.indirect.gather [hbm4b:s2+s20], $0x80, s10, s20, $0xb8;
	[tilespmem:$0x12100] =	vst v63  }
0x84: {  	s10 =	sadd.s32 $0x1180, s9  }
0x85: {  	[tilespmem:s25], [sflag:$0x4] =	stream.indirect.gather [hbm4b:s5+s20], $0x80, s10, s20, $0xb8;
	[tilespmem:$0x12100] =	vst v63  }
0x86: {  	_ =	swait.ge [sflag:s26], $0x4000  }
0x87: {  	[sflag:s26] =	ssyncset.done $0x0  }
0x88: {  	[sflag:s26] =	ssyncadd.s32 $0xFFFFC000  }
0x89: {  	_ =	swait.ge [sflag:s28], $0x4000  }
0x8a: {  	[sflag:s28] =	ssyncset.done $0x0  }
0x8b: {  	s7 =	simm.s32 $0x0;
	s8 =	simm.s32 $0x200;
	[sflag:s28] =	ssyncadd.s32 $0xFFFFC000  }
.LBB2_8:
0x8c: {  	p0 =	sne.s32 s8, $0xFE00;
	v0 =	vld [tilespmem:s7+$0x6170]  }
0x8d: {  	v1 =	vld [tilespmem:s7+$0x6100]  }
0x8e: {  	v2 =	vld [tilespmem:s7+$0x6110]  }
0x8f: {  	v3 =	vld [tilespmem:s7+$0x6120]  }
0x90: {  	v4 =	vld [tilespmem:s7+$0x6130]  }
0x91: {  	[tilespmem:s7+$0x2170] =	vst.add.f32.msk $0xffff, v0  }
0x92: {  	v0 =	vld [tilespmem:s7+$0x6140]  }
0x93: {  	v5 =	vld [tilespmem:s7+$0x6150]  }
0x94: {  	v6 =	vld [tilespmem:s7+$0x6160]  }
0x95: {  	[tilespmem:s7+$0x2100] =	vst.add.f32.msk $0xffff, v1  }
0x96: {  	[tilespmem:s7+$0x2110] =	vst.add.f32.msk $0xffff, v2  }
.Ltmp3:
0x97: {  	[tilespmem:s7+$0x2120] =	vst.add.f32.msk $0xffff, v3;
	(pc) =	sbr.rel @p0 .LBB2_8-.Ltmp3, $4  }
0x98: {  	[tilespmem:s7+$0x2130] =	vst.add.f32.msk $0xffff, v4  }
0x99: {  	[tilespmem:s7+$0x2140] =	vst.add.f32.msk $0xffff, v0  }
0x9a: {  	[tilespmem:s7+$0x2150] =	vst.add.f32.msk $0xffff, v5  }
0x9b: {  	[tilespmem:s7+$0x2160] =	vst.add.f32.msk $0xffff, v6;
	s7 =	sshra.s32 s8, $0x2;
	s8 =	sadd.s32 $0x200, s8  }
0x9c: {  	v0 =	vld [tilespmem:s7+$0x6170]  }
0x9d: {  	v1 =	vld [tilespmem:s7+$0x6100]  }
0x9e: {  	v2 =	vld [tilespmem:s7+$0x6110]  }
0x9f: {  	v3 =	vld [tilespmem:s7+$0x6120]  }
0xa0: {  	v4 =	vld [tilespmem:s7+$0x6130]  }
0xa1: {  	v63 =	vld [tilespmem:s7+$0x6140]  }
0xa2: {  	v5 =	vld [tilespmem:s7+$0x6150]  }
0xa3: {  	v6 =	vld [tilespmem:s7+$0x6160]  }
0xa4: {  	[tilespmem:s7+$0x2170] =	vst.add.f32.msk $0xffff, v0  }
0xa5: {  	[tilespmem:s7+$0x2100] =	vst.add.f32.msk $0xffff, v1  }
0xa6: {  	[tilespmem:s7+$0x2110] =	vst.add.f32.msk $0xffff, v2  }
0xa7: {  	[tilespmem:s7+$0x2120] =	vst.add.f32.msk $0xffff, v3  }
0xa8: {  	[tilespmem:s7+$0x2130] =	vst.add.f32.msk $0xffff, v4  }
0xa9: {  	[tilespmem:s7+$0x2140] =	vst.add.f32.msk $0xffff, v63  }
0xaa: {  	[tilespmem:s7+$0x2150] =	vst.add.f32.msk $0xffff, v5  }
0xab: {  	s10 =	simm.s32 $0x0;
	[tilespmem:s7+$0x2160] =	vst.add.f32.msk $0xffff, v6  }
0xac: {  	[hbm4b:s12+s10] =	stream.linear.scatter [tilespmem:s21], [sflag:$0x7], $0x4000, $0x38;
	[tilespmem:$0x12100] =	vst v63  }
0xad: {  	_ =	swait.ge [sflag:s16], $0x4000  }
0xae: {  	[sflag:s16] =	ssyncset.done $0x0  }
0xaf: {  	[sflag:s16] =	ssyncadd.s32 $0xFFFFC000  }
0xb0: {  	_ =	swait.ge [sflag:s29], $0x4000  }
0xb1: {  	[sflag:s29] =	ssyncset.done $0x0  }
0xb2: {  	[sflag:s29] =	ssyncadd.s32 $0xFFFFC000  }
0xb3: {  	_ =	swait.ge [sflag:s30], $0x4000  }
0xb4: {  	[sflag:s30] =	ssyncset.done $0x0  }
0xb5: {  	s8 =	simm.s32 $0x200;
	s7 =	simm.s32 $0x0;
	[sflag:s30] =	ssyncadd.s32 $0xFFFFC000  }
.LBB2_10:
0xb6: {  	p0 =	sne.s32 s8, $0xFE00;
	v0 =	vld [tilespmem:s7+$0xE170]  }
0xb7: {  	v1 =	vld [tilespmem:s7+$0xE100]  }
0xb8: {  	v2 =	vld [tilespmem:s7+$0xE110]  }
0xb9: {  	v3 =	vld [tilespmem:s7+$0xE120]  }
0xba: {  	v4 =	vld [tilespmem:s7+$0xE130]  }
0xbb: {  	[tilespmem:s7+$0xA170] =	vst.add.f32.msk $0xffff, v0  }
0xbc: {  	v0 =	vld [tilespmem:s7+$0xE140]  }
0xbd: {  	v5 =	vld [tilespmem:s7+$0xE150]  }
0xbe: {  	v6 =	vld [tilespmem:s7+$0xE160]  }
0xbf: {  	[tilespmem:s7+$0xA100] =	vst.add.f32.msk $0xffff, v1  }
0xc0: {  	[tilespmem:s7+$0xA110] =	vst.add.f32.msk $0xffff, v2  }
.Ltmp4:
0xc1: {  	[tilespmem:s7+$0xA120] =	vst.add.f32.msk $0xffff, v3;
	(pc) =	sbr.rel @p0 .LBB2_10-.Ltmp4, $4  }
0xc2: {  	[tilespmem:s7+$0xA130] =	vst.add.f32.msk $0xffff, v4  }
0xc3: {  	[tilespmem:s7+$0xA140] =	vst.add.f32.msk $0xffff, v0  }
0xc4: {  	[tilespmem:s7+$0xA150] =	vst.add.f32.msk $0xffff, v5  }
0xc5: {  	[tilespmem:s7+$0xA160] =	vst.add.f32.msk $0xffff, v6;
	s7 =	sshra.s32 s8, $0x2;
	s8 =	sadd.s32 $0x200, s8  }
0xc6: {  	v0 =	vld [tilespmem:s7+$0xE170]  }
0xc7: {  	v1 =	vld [tilespmem:s7+$0xE100]  }
0xc8: {  	v2 =	vld [tilespmem:s7+$0xE110]  }
0xc9: {  	v3 =	vld [tilespmem:s7+$0xE120]  }
0xca: {  	v4 =	vld [tilespmem:s7+$0xE130]  }
0xcb: {  	v63 =	vld [tilespmem:s7+$0xE140]  }
0xcc: {  	v5 =	vld [tilespmem:s7+$0xE150]  }
0xcd: {  	v6 =	vld [tilespmem:s7+$0xE160]  }
0xce: {  	[tilespmem:s7+$0xA170] =	vst.add.f32.msk $0xffff, v0  }
0xcf: {  	[tilespmem:s7+$0xA100] =	vst.add.f32.msk $0xffff, v1  }
0xd0: {  	[tilespmem:s7+$0xA110] =	vst.add.f32.msk $0xffff, v2  }
0xd1: {  	[tilespmem:s7+$0xA120] =	vst.add.f32.msk $0xffff, v3  }
0xd2: {  	[tilespmem:s7+$0xA130] =	vst.add.f32.msk $0xffff, v4  }
0xd3: {  	[tilespmem:s7+$0xA140] =	vst.add.f32.msk $0xffff, v63  }
0xd4: {  	[tilespmem:s7+$0xA150] =	vst.add.f32.msk $0xffff, v5  }
0xd5: {  	s10 =	simm.s32 $0x0;
	[tilespmem:s7+$0xA160] =	vst.add.f32.msk $0xffff, v6  }
0xd6: {  	[hbm4b:s13+s10] =	stream.linear.scatter [tilespmem:s23], [sflag:$0x7], $0x4000, $0x38;
	[tilespmem:$0x12100] =	vst v63  }
0xd7: {  	_ =	swait.ge [sflag:s16], $0x4000  }
0xd8: {  	[sflag:s16] =	ssyncset.done $0x0  }
0xd9: {  	[sflag:s16] =	ssyncadd.s32 $0xFFFFC000  }
0xda: {  	[tilespmem:s21], [sflag:$0x1] =	stream.indirect.gather [hbm4b:s2+s1], $0x80, s18, s1, $0xb8;
	[tilespmem:$0x12100] =	vst v63  }
0xdb: {  	_ = 	snop  }
0xdc: {  	[tilespmem:s22], [sflag:$0x2] =	stream.indirect.gather [hbm4b:s5+s1], $0x80, s19, s1, $0xb8;
	[tilespmem:$0x12100] =	vst v63  }
0xdd: {  	_ =	swait.ge [sflag:s26], $0x800  }
0xde: {  	[sflag:s26] =	ssyncset.done $0x0  }
0xdf: {  	[sflag:s26] =	ssyncadd.s32 $0xFFFFF800  }
0xe0: {  	_ =	swait.ge [sflag:s28], $0x800  }
0xe1: {  	[sflag:s28] =	ssyncset.done $0x0  }
0xe2: {  	s8 =	simm.s32 $0x200;
	s7 =	simm.s32 $0x0;
	[sflag:s28] =	ssyncadd.s32 $0xFFFFF800  }
.LBB2_12:
0xe3: {  	p0 =	sne.s32 s8, $0x1E00;
	v0 =	vld [tilespmem:s7+$0x6170]  }
0xe4: {  	v1 =	vld [tilespmem:s7+$0x6100]  }
0xe5: {  	v2 =	vld [tilespmem:s7+$0x6110]  }
0xe6: {  	v3 =	vld [tilespmem:s7+$0x6120]  }
0xe7: {  	v4 =	vld [tilespmem:s7+$0x6130]  }
0xe8: {  	[tilespmem:s7+$0x2170] =	vst.add.f32.msk $0xffff, v0  }
0xe9: {  	v0 =	vld [tilespmem:s7+$0x6140]  }
0xea: {  	v5 =	vld [tilespmem:s7+$0x6150]  }
0xeb: {  	v6 =	vld [tilespmem:s7+$0x6160]  }
0xec: {  	[tilespmem:s7+$0x2100] =	vst.add.f32.msk $0xffff, v1  }
0xed: {  	[tilespmem:s7+$0x2110] =	vst.add.f32.msk $0xffff, v2  }
.Ltmp5:
0xee: {  	[tilespmem:s7+$0x2120] =	vst.add.f32.msk $0xffff, v3;
	(pc) =	sbr.rel @p0 .LBB2_12-.Ltmp5, $4  }
0xef: {  	[tilespmem:s7+$0x2130] =	vst.add.f32.msk $0xffff, v4  }
0xf0: {  	[tilespmem:s7+$0x2140] =	vst.add.f32.msk $0xffff, v0  }
0xf1: {  	[tilespmem:s7+$0x2150] =	vst.add.f32.msk $0xffff, v5  }
0xf2: {  	[tilespmem:s7+$0x2160] =	vst.add.f32.msk $0xffff, v6;
	s7 =	sshra.s32 s8, $0x2;
	s8 =	sadd.s32 $0x200, s8  }
0xf3: {  	v0 =	vld [tilespmem:s7+$0x6170]  }
0xf4: {  	v1 =	vld [tilespmem:s7+$0x6100]  }
0xf5: {  	v2 =	vld [tilespmem:s7+$0x6110]  }
0xf6: {  	v3 =	vld [tilespmem:s7+$0x6120]  }
0xf7: {  	v4 =	vld [tilespmem:s7+$0x6130]  }
0xf8: {  	v63 =	vld [tilespmem:s7+$0x6140]  }
0xf9: {  	v5 =	vld [tilespmem:s7+$0x6150]  }
0xfa: {  	v6 =	vld [tilespmem:s7+$0x6160]  }
0xfb: {  	[tilespmem:s7+$0x2170] =	vst.add.f32.msk $0xffff, v0  }
0xfc: {  	[tilespmem:s7+$0x2100] =	vst.add.f32.msk $0xffff, v1  }
0xfd: {  	[tilespmem:s7+$0x2110] =	vst.add.f32.msk $0xffff, v2  }
0xfe: {  	[tilespmem:s7+$0x2120] =	vst.add.f32.msk $0xffff, v3  }
0xff: {  	[tilespmem:s7+$0x2130] =	vst.add.f32.msk $0xffff, v4  }
0x100: {  	s24 =	sadd.s32 $0x1, s24;
	[tilespmem:s7+$0x2140] =	vst.add.f32.msk $0xffff, v63  }
0x101: {  	p0 =	sne.s32 s24, s15;
	[tilespmem:s7+$0x2150] =	vst.add.f32.msk $0xffff, v5  }
.Ltmp6:
0x102: {  	[tilespmem:s7+$0x2160] =	vst.add.f32.msk $0xffff, v6;
	(pc) =	sbr.rel @p0 .LBB2_1-.Ltmp6, $4  }
0x103: {  	[hbm4b:s14+s3] =	stream.linear.scatter [tilespmem:s21], [sflag:$0x7], $0x800, $0x38;
	[tilespmem:$0x12100] =	vst v63  }
0x104: {  	_ =	swait.ge [sflag:s16], $0x800  }
0x105: {  	[sflag:s16] =	ssyncset.done $0x0  }
0x106: {  	[sflag:s16] =	ssyncadd.s32 $0xFFFFF800  }
0x107: {  	_ =	sfence.sel $0x180000  }
0x108: {  	[bflag:$0x0] =	sbarrier.arrive $0xFFFF  }
0x109: {  	_ =	strace $0x9000004A  }
0x10a: {  	s0 =	stileid.u32;
	[bflag:$0x2] =	sbarrier.arrive $0xFFFF  }
0x10b: {  	p0 =	sne.s32 s0, $0x0;
	s0 =	rddreg [dreg:$0x2]  }
0x10c: {  	s0 =	sadd.s32 @!p0 $0x100000, s0  }
0x10d: {  	[sflag:s0] =	ssyncadd.tile.s32 @!p0 $0x1;
	_ =	shalt  }
.Lfunc_end2:
_tile_overlayer_lowered:
.L_overlay_start_2:
0x10e: {  	(tag) =	ssettag $0x2  }
0x10f: {  	s0 =	rddreg [dreg:$0x0];
	s2 =	stileid.u32  }
0x110: {  	s1 =	rddreg [dreg:$0x1];
	p0 =	sne.s32 s2, $0x0  }
0x111: {  	s3 =	rddreg [dreg:$0x2];
	[bflag:$0x3] =	sbarrier.arrive $0xFFFF;
	s2 =	simm.s32 @!p0 $0x1C07  }
0x112: {  	[timem:s3], [sflag:s2] =	dma.local @!p0 [hbm:s0], s1  }
0x113: {  	s0 =	simm.s32 @!p0 $0x7  }
0x114: {  	_ =	swait.ge @!p0 [sflag:s0], s1  }
0x115: {  	s1 =	ssub.s32 @!p0 $0x0, s1;
	[sflag:s0] =	ssyncset.done @!p0 $0x0  }
0x116: {  	[sflag:s0] =	ssyncadd.s32 @!p0 s1  }
0x117: {  	[bflag:$0x3] =	sbarrier.arrive $0xFFFF  }
0x118: {  	_ =	shalt  }

// kernel: kernel.17.cloned.1.call-start
scs
__scs_entry_jumppad:
0x0: {  	(pc) =	sbr.rel $0x88, $3  }
0x1: {  	(tag) =	ssettag $0x0;
	lr =	simm.s32 $0x1  }
0x2: {  	[smem:$0x3F91] =	sst lr;
	_ =	strace $0xD0000000  }
0x3: {  	_ = 	snop  }
0x4: {  	_ = 	snop  }
0x5: {  	_ = 	snop  }
0x6: {  	_ = 	snop  }
0x7: {  	_ = 	snop  }
__scs_overlays_trampoline_lowered:
0x8: {  	[smem:$0x3FA0] =	sst s0  }
0x9: {  	[smem:$0x3FA1] =	sst s1  }
0xa: {  	[smem:$0x3FA2] =	sst s2  }
0xb: {  	[smem:$0x3FA3] =	sst s3  }
0xc: {  	[smem:$0x3FA4] =	sst s4  }
0xd: {  	[smem:$0x3FA5] =	sst s5  }
0xe: {  	[smem:$0x3FA6] =	sst s6  }
0xf: {  	[smem:$0x3FA7] =	sst s7  }
0x10: {  	[smem:$0x3FA8] =	sst s8  }
0x11: {  	[smem:$0x3FA9] =	sst s9;
	s0 =	simm.s32 @!p0 $0x0  }
0x12: {  	s1 =	sld [smem:$0x3F8F];
	s0 =	simm.s32 @p0 $0x1  }
0x13: {  	[smem:$0x3FAA] =	sst s0;
	s0 =	simm.s32 @!p1 $0x0  }
0x14: {  	s2 =	sld [smem:$0x3F8E];
	s0 =	simm.s32 @p1 $0x1  }
0x15: {  	[smem:$0x3FAB] =	sst s0;
	s0 =	simm.s32 @!p2 $0x0  }
0x16: {  	s3 =	sld [smem:$0x3FDB];
	s0 =	simm.s32 @p2 $0x1  }
0x17: {  	s4 =	simm.s32 $0x1BF5;
	[smem:$0x3FAD] =	sst s0  }
0x18: {  	s0 =	sld [smem:$0x3F90];
	_ =	swait.ge [sflag:s4], $0x0  }
0x19: {  	s7 =	sld [smem:$0x3F91]  }
0x1a: {  	s8 =	sadd.s32 $0xFFFFE003, lr  }
0x1b: {  	s9 =	sadd.s32 $0xFFFFFEF7, lr;
	s5 =	simm.s32 $0xFFFFFFFF;
	p2 =	slt.u32 s8, $0xFFFFF086  }
0x1c: {  	p1 =	slt.u32 s9, $0xF7A;
	s5 =	simm.s32 @!p2 $0x0  }
0x1d: {  	s5 =	simm.s32 @p1 $0x1;
	p0 =	seq.s32 s7, s2  }
0x1e: {  	s7 =	smul.u32 @!p0 $0xF7A, s2;
	p2 =	seq.s32 @!p0 s5, $0x0  }
0x1f: {  	s9 =	smul.u32 $0xF7A, s1;
	s8 =	simm.s32 @!p0 $0x1BF5;
	p2 =	por !p2, p0  }
0x20: {  	[sflag:s8] =	ssyncset.s32 @!p0 $0xFFFFF086;
	s6 =	sadd.s32 @!p0 s3, s7;
	s7 =	simm.s32 @!p0 $0x108  }
0x21: {  	s3 =	sadd.s32 s3, s9;
	s6 =	sadd.s32 @!p0 $0x88, s6;
	s7 =	simm.s32 @p2 $0x1082  }
0x22: {  	[simem:s7], [sflag:s8] =	dma.local @!p0 [hbm:s6], $0xF7A  }
0x23: {  	s9 =	sor.u32 $0xD0000000, s2;
	s6 =	simm.s32 $0x108;
	_ =	swait.ge @!p0 [sflag:s8], $0x0  }
0x24: {  	s3 =	sadd.s32 $0x88, s3;
	s6 =	simm.s32 @!p1 $0x1082;
	[sflag:s4] =	ssyncset.s32 $0xFFFFF086  }
0x25: {  	[simem:s6], [sflag:s4] =	dma.local [hbm:s3], $0xF7A  }
0x26: {  	[smem:$0x3F91] =	sst s1;
	(tag) =	ssettag s2;
	_ =	strace s9  }
0x27: {  	s1 =	sld [smem:$0x3FA1]  }
0x28: {  	s2 =	sld [smem:$0x3FA2]  }
0x29: {  	s4 =	sld [smem:$0x3FA4]  }
0x2a: {  	p0 =	seq.s32 s5, $0x0;
	s5 =	sld [smem:$0x3FA5]  }
0x2b: {  	s6 =	sld [smem:$0x3FA6]  }
0x2c: {  	s7 =	sld [smem:$0x3FA7]  }
0x2d: {  	s3 =	simm.s32 $0x108;
	s8 =	sld [smem:$0x3FA8]  }
0x2e: {  	s3 =	simm.s32 @!p0 $0x1082;
	s9 =	sld [smem:$0x3FA9]  }
0x2f: {  	lr =	sadd.s32 s0, s3;
	s0 =	sld [smem:$0x3FA0]  }
0x30: {  	s3 =	sld [smem:$0x3FA3]  }
0x31: {  	[smem:$0x3FAC] =	sst s10  }
0x32: {  	s10 =	sld [smem:$0x3FAA];
	_ =	sdelay $0x3  }
0x33: {  	p0 =	seq.s32 s10, $0x1;
	s10 =	sld [smem:$0x3FAC];
	_ =	sdelay $0x3  }
0x34: {  	[smem:$0x3FAC] =	sst s10  }
0x35: {  	s10 =	sld [smem:$0x3FAB];
	_ =	sdelay $0x3  }
0x36: {  	p1 =	seq.s32 s10, $0x1;
	s10 =	sld [smem:$0x3FAC];
	_ =	sdelay $0x3  }
0x37: {  	[smem:$0x3FAC] =	sst s10  }
0x38: {  	s10 =	sld [smem:$0x3FAD]  }
0x39: {  	_ = 	snop;
	(pc) =	sbr.ind lr, $3  }
0x3a: {  	_ = 	snop  }
0x3b: {  	_ = 	snop  }
0x3c: {  	p2 =	seq.s32 s10, $0x1;
	s10 =	sld [smem:$0x3FAC]  }
0x3d: {  	_ =	shalt  }
0x3e: {  	_ =	shalt  }
0x3f: {  	_ =	shalt  }
0x40: {  	_ =	shalt  }
0x41: {  	_ =	shalt  }
0x42: {  	_ =	shalt  }
0x43: {  	_ =	shalt  }
0x44: {  	_ =	shalt  }
0x45: {  	_ =	shalt  }
0x46: {  	_ =	shalt  }
0x47: {  	_ =	shalt  }
0x48: {  	_ =	shalt  }
0x49: {  	_ =	shalt  }
0x4a: {  	_ =	shalt  }
0x4b: {  	_ =	shalt  }
0x4c: {  	_ =	shalt  }
0x4d: {  	_ =	shalt  }
0x4e: {  	_ =	shalt  }
0x4f: {  	_ =	shalt  }
0x50: {  	_ =	shalt  }
0x51: {  	_ =	shalt  }
0x52: {  	_ =	shalt  }
0x53: {  	_ =	shalt  }
0x54: {  	_ =	shalt  }
0x55: {  	_ =	shalt  }
0x56: {  	_ =	shalt  }
0x57: {  	_ =	shalt  }
0x58: {  	_ =	shalt  }
0x59: {  	_ =	shalt  }
0x5a: {  	_ =	shalt  }
0x5b: {  	_ =	shalt  }
0x5c: {  	_ =	shalt  }
0x5d: {  	_ =	shalt  }
0x5e: {  	_ =	shalt  }
0x5f: {  	_ =	shalt  }
0x60: {  	_ =	shalt  }
0x61: {  	_ =	shalt  }
0x62: {  	_ =	shalt  }
0x63: {  	_ =	shalt  }
0x64: {  	_ =	shalt  }
0x65: {  	_ =	shalt  }
0x66: {  	_ =	shalt  }
0x67: {  	_ =	shalt  }
0x68: {  	_ =	shalt  }
0x69: {  	_ =	shalt  }
0x6a: {  	_ =	shalt  }
0x6b: {  	_ =	shalt  }
0x6c: {  	_ =	shalt  }
0x6d: {  	_ =	shalt  }
0x6e: {  	_ =	shalt  }
0x6f: {  	_ =	shalt  }
0x70: {  	_ =	shalt  }
0x71: {  	_ =	shalt  }
0x72: {  	_ =	shalt  }
0x73: {  	_ =	shalt  }
0x74: {  	_ =	shalt  }
0x75: {  	_ =	shalt  }
0x76: {  	_ =	shalt  }
0x77: {  	_ =	shalt  }
0x78: {  	_ =	shalt  }
0x79: {  	_ =	shalt  }
0x7a: {  	_ =	shalt  }
0x7b: {  	_ =	shalt  }
0x7c: {  	_ =	shalt  }
0x7d: {  	_ =	shalt  }
0x7e: {  	_ =	shalt  }
0x7f: {  	_ =	shalt  }
0x80: {  	_ =	shalt  }
0x81: {  	_ =	shalt  }
0x82: {  	_ =	shalt  }
0x83: {  	_ =	shalt  }
0x84: {  	_ =	shalt  }
0x85: {  	_ =	shalt  }
0x86: {  	_ =	shalt  }
0x87: {  	_ =	shalt  }
.Lfunc_end0:
.L_simem_size_0:
called_computation.2_lowered:
.L_overlay_start_0:
0x88: {  	s2 =	sld [smem:$0x3FD9]  }
0x89: {  	s3 =	sld [smem:$0x3FFE];
	_ =	sdelay $0x1  }
0x8a: {  	s1 =	srdreg.scid  }
0x8b: {  	s0 =	sand.u32 $0x1, s1  }
0x8c: {  	s15 =	sshll.u32 s0, $0xA;
	s2 =	sadd.s32 s3, s2  }
0x8d: {  	s2 =	sadd.s32 s2, s15  }
0x8e: {  	[smem:$0x3FB8] =	sst s2  }
0x8f: {  	_ = 	snop  }
0x90: {  	s2 =	sld [smem:$0x3FD0];
	_ =	sdelay $0x2  }
0x91: {  	s16 =	simm.s32 $0xC;
	s4 =	simm.s32 $0x10  }
0x92: {  	[smem:s4], [sflag:s16] =	dma.local [hbm:s2], $0x1  }
0x93: {  	_ =	swait.eq [sflag:s16], $0x1  }
0x94: {  	[sflag:s16] =	ssyncset.done $0x0  }
0x95: {  	[sflag:s16] =	ssyncadd.s32 $0xFFFFFFFF  }
0x96: {  	s17 =	sld [smem:$0x10];
	(tm) =	ssettm $0x1  }
0x97: {  	s18 =	sld [smem:$0x3FFB];
	_ =	sdelay $0x3  }
0x98: {  	_ =	strace s18  }
0x99: {  	s2 =	sld [smem:$0x3FFC];
	_ =	sdelay $0x3  }
0x9a: {  	_ =	strace s2  }
0x9b: {  	s2 =	sld [smem:$0x3FFD];
	_ =	sdelay $0x3  }
0x9c: {  	_ =	strace s2  }
0x9d: {  	_ =	strace $0x8FFFFFFF  }
0x9e: {  	s19 =	sld [smem:$0x3FDB];
	_ =	sdelay $0x1  }
0x9f: {  	s20 =	simm.s32 $_scs_section_size  }
0xa0: {  	s5 =	simm.s32 $_size__tile_overlayer_lowered;
	s6 =	simm.s32 $_tile_overlayer_lowered  }
0xa1: {  	s7 =	simm.s32 $0x1BFF;
	s21 =	sshll.u32 s6, $0x1;
	s4 =	sadd.s32 s20, s19  }
0xa2: {  	s22 =	simm.s32 $0x0;
	s5 =	sshll.u32 s5, $0x1;
	s6 =	sadd.s32 s21, s4  }
0xa3: {  	[timem:s22], [sflag:s7] =	dma.local [hbm:s6], s5  }
0xa4: {  	_ =	swait.ge [sflag:s7], s5  }
0xa5: {  	s5 =	ssub.s32 $0x0, s5;
	[sflag:s7] =	ssyncset.done $0x0  }
0xa6: {  	[sflag:s7] =	ssyncadd.s32 s5;
	_ =	sdelay $0x1  }
0xa7: {  	s23 =	simm.s32 $0x1B8B  }
0xa8: {  	_ =	swait.ge [sflag:s23], $0x1  }
0xa9: {  	[sflag:s23] =	ssyncset.done $0x0  }
0xaa: {  	[sflag:s23] =	ssyncadd.s32 $0xFFFFFFFF  }
0xab: {  	s5 =	sld [smem:$0x0]  }
0xac: {  	s6 =	sand.u32 $0xFFFFFFFE, s1  }
0xad: {  	p0 =	sne.s32 s1, s6  }
0xae: {  	s6 =	sshll.u32 @p0 s6, $0xE  }
0xaf: {  	s6 =	sadd.s32 @p0 $0x11B8D, s6;
	s7 =	sshll.u32 @p0 s5, $0x11  }
0xb0: {  	s6 =	sor.u32 @p0 s7, s6  }
0xb1: {  	[sflag:s6] =	ssyncadd.remote.s32 @p0 $0x1;
	_ =	sdelay $0x1  }
0xb2: {  	s6 =	simm.s32 @p0 $0x1B8D  }
0xb3: {  	_ =	swait.eq @p0 [sflag:s6], $0x1  }
0xb4: {  	[sflag:s6] =	ssyncadd.s32 @p0 $0xFFFFFFFF  }
0xb5: {  	s7 =	sshll.u32 @!p0 s1, $0xE  }
0xb6: {  	s7 =	sor.u32 @!p0 $0x4000, s7;
	s6 =	simm.s32 @!p0 $0x1B8D  }
0xb7: {  	s5 =	sshll.u32 @!p0 s5, $0x11;
	s7 =	sadd.s32 @!p0 $0x11B8D, s7;
	_ =	swait.eq @!p0 [sflag:s6], $0x1  }
0xb8: {  	s5 =	sor.u32 @!p0 s5, s7;
	[sflag:s6] =	ssyncadd.s32 @!p0 $0xFFFFFFFF  }
0xb9: {  	s25 =	simm.s32 $0x1B8E;
	s24 =	sld [smem:$0x3FFE];
	[sflag:s5] =	ssyncadd.remote.s32 @!p0 $0x1  }
0xba: {  	s26 =	simm.s32 $execute0_lowered;
	[smem:$0x3FD2] =	sst s25  }
0xbb: {  	s6 =	sshll.u32 s26, $0x1;
	_ =	strace $0x8000004C;
	[dreg:$0x1] =	wrdreg $0xFFFFFFFF  }
0xbc: {  	s28 =	simm.s32 $_size_execute0_lowered;
	s4 =	sadd.s32 s4, s6;
	[dreg:$0x0] =	wrdreg $0x0  }
0xbd: {  	s6 =	sshll.u32 s28, $0x1;
	[dreg:$0x2] =	wrdreg s4  }
0xbe: {  	[dreg:$0x3] =	wrdreg s6  }
0xbf: {  	[dreg:$0x4] =	wrdreg $0xC0  }
0xc0: {  	_ =	task [dreg:s22], $0x5FFFF  }
0xc1: {  	[dreg:$0x1] =	wrdreg $0xFFFFFFFF  }
0xc2: {  	[dreg:$0x0] =	wrdreg $0x60  }
0xc3: {  	[dreg:$0x2] =	wrdreg s24  }
0xc4: {  	[dreg:$0x3] =	wrdreg s17  }
0xc5: {  	[dreg:$0x4] =	wrdreg $0xB  }
0xc6: {  	_ =	task.clear_ibuf [dreg:s22], $0x5FFFF;
	_ =	strace $0x9000004C  }
0xc7: {  	s29 =	simm.s32 $0xB;
	_ =	strace $0x8000004E  }
0xc8: {  	_ =	swait.ge [sflag:s29], $0x1  }
0xc9: {  	[sflag:s29] =	ssyncadd.s32 $0xFFFFFFFF  }
0xca: {  	_ =	strace $0x9000004E  }
0xcb: {  	_ =	sfence  }
0xcc: {  	s30 =	sld [smem:$0x0];
	_ =	sdelay $0x2  }
0xcd: {  	s31 =	sshll.u32 s1, $0xD;
	s1 =	sshrl.u32 s1, $0x2  }
0xce: {  	s4 =	sand.u32 $0x4000, s31;
	s1 =	sadd.s32 s1, s30  }
0xcf: {  	s0 =	sor.u32 s4, s0;
	s1 =	sshll.u32 s1, $0x11  }
0xd0: {  	s0 =	sor.u32 s1, s0  }
0xd1: {  	s0 =	sadd.s32 $0x8F2B, s0  }
0xd2: {  	[sflag:s0] =	ssyncadd.remote.s32 $0x1  }
0xd3: {  	_ =	sfence.sel $0xFFFF  }
0xd4: {  	[dreg:$0x0] =	wrdreg $0xFFFFFFFF;
	(pc) =	sbr.abs _section_cstart, $3  }
0xd5: {  	[dreg:$0x1] =	wrdreg $0xFFFFFFFF  }
0xd6: {  	_ =	task.clear_ibuf [dreg:s22], $0x2FFFF;
	_ =	strace $0x9FFFFFFF  }
0xd7: {  	(tm) =	ssettm $0x7FFFFFFF  }
tec
execute0_lowered:
.L_overlay_start_1:
0x0: {  	(tag) =	ssettag $0x1  }
0x1: {  	s6 =	rddreg [dreg:$0x0]  }
0x2: {  	s1 =	srdreg.scid;
	s0 =	stileid.u32  }
0x3: {  	s2 =	rddreg [dreg:$0x1];
	s3 =	simm.s32 $0x0;
	s13 =	simm.s32 $0x7  }
0x4: {  	s14 =	simm.s32 $0x1000;
	s15 =	simm.s32 $0x80;
	s16 =	simm.s32 $0x2000  }
0x5: {  	s17 =	simm.s32 $0x6000;
	s18 =	simm.s32 $0xA000;
	s19 =	simm.s32 $0x1080  }
0x6: {  	s20 =	simm.s32 $0xE000;
	s21 =	simm.s32 $0x1;
	s22 =	simm.s32 $0x2  }
0x7: {  	s23 =	simm.s32 $0x3;
	s24 =	simm.s32 $0x4;
	s25 =	simm.s32 $0x5  }
0x8: {  	s26 =	simm.s32 $0x6;
	s5 =	sand.u32 $0x1, s1;
	s4 =	sshll.u32 s0, $0x1  }
0x9: {  	s28 =	simm.s32 $0x0;
	[smem:$0x7FF] =	sst s3;
	s7 =	sor.u32 s5, s4  }
0xa: {  	_ =	strace $0x8000004D;
	s9 =	ssub.s32 $0x2, s5;
	s5 =	smul.u32 $0x78000, s7  }
0xb: {  	s4 =	sshll.u32 s7, $0x9;
	s10 =	sshrl.u32 s9, $0x1;
	s11 =	smul.u32 $0xF00, s7  }
0xc: {  	s8 =	sadd.s32 s4, s6;
	s4 =	sadd.s32 $0x6E00, s6;
	s6 =	sadd.s32 $0x340600, s6  }
0xd: {  	s12 =	ssub.s32 s9, s10;
	s7 =	sadd.s32 $0x338600, s8;
	s30 =	sshrl.u32 s5, $0x3  }
0xe: {  	s8 =	sadd.s32 $0x33C600, s8;
	s9 =	sor.u32 $0x80, s11;
	s31 =	sadd.s32 s6, s30  }
0xf: {  	s12 =	smax.u32 s12, $0x1;
	s10 =	sadd.s32 $0xE000, s31;
	s11 =	sadd.s32 $0xE800, s31  }
.LBB2_1:
0x10: {  	[tilespmem:s3], [sflag:$0x7] =	stream.linear.gather [hbm4b:s7+s3], $0xF00, $0x38;
	[tilespmem:$0x12000] =	vst v63  }
0x11: {  	_ =	swait.ge [sflag:s13], $0xF00  }
0x12: {  	[sflag:s13] =	ssyncset.done $0x0  }
0x13: {  	[sflag:s13] =	ssyncadd.s32 $0xFFFFF100  }
0x14: {  	[tilespmem:s14], [sflag:$0x7] =	stream.linear.gather [hbm4b:s8+s3], $0xF00, $0x38;
	[tilespmem:$0x12000] =	vst v63  }
0x15: {  	_ =	swait.ge [sflag:s13], $0xF00  }
0x16: {  	[sflag:s13] =	ssyncset.done $0x0  }
0x17: {  	[sflag:s13] =	ssyncadd.s32 $0xFFFFF100  }
0x18: {  	[tilespmem:s16], [sflag:$0x1] =	stream.indirect.gather [hbm4b:s2+s15], $0x80, s3, s15, $0xb8;
	[tilespmem:$0x12000] =	vst v63  }
0x19: {  	_ = 	snop  }
0x1a: {  	[tilespmem:s17], [sflag:$0x2] =	stream.indirect.gather [hbm4b:s4+s15], $0x80, s14, s15, $0xb8;
	[tilespmem:$0x12000] =	vst v63  }
0x1b: {  	_ = 	snop  }
0x1c: {  	[tilespmem:s18], [sflag:$0x3] =	stream.indirect.gather [hbm4b:s2+s15], $0x80, s15, s15, $0xb8;
	[tilespmem:$0x12000] =	vst v63  }
0x1d: {  	s29 =	simm.s32 $0x0  }
0x1e: {  	[tilespmem:s20], [sflag:$0x4] =	stream.indirect.gather [hbm4b:s4+s15], $0x80, s19, s15, $0xb8;
	[tilespmem:$0x12000] =	vst v63  }
.LBB2_2:
0x1f: {  	_ =	swait.ge [sflag:s21], $0x4000  }
0x20: {  	[sflag:s21] =	ssyncset.done $0x0  }
0x21: {  	[sflag:s21] =	ssyncadd.s32 $0xFFFFC000  }
0x22: {  	_ =	swait.ge [sflag:s22], $0x4000  }
0x23: {  	[sflag:s22] =	ssyncset.done $0x0  }
0x24: {  	s30 =	simm.s32 $0x0;
	s31 =	simm.s32 $0x200;
	[sflag:s22] =	ssyncadd.s32 $0xFFFFC000  }
.LBB2_3:
0x25: {  	p0 =	sne.s32 s31, $0xFE00;
	v0 =	vld [tilespmem:s30+$0x6070]  }
0x26: {  	v1 =	vld [tilespmem:s30+$0x6000]  }
0x27: {  	v2 =	vld [tilespmem:s30+$0x6010]  }
0x28: {  	v3 =	vld [tilespmem:s30+$0x6020]  }
0x29: {  	v4 =	vld [tilespmem:s30+$0x6030]  }
0x2a: {  	[tilespmem:s30+$0x2070] =	vst.add.f32.msk $0xffff, v0  }
0x2b: {  	v0 =	vld [tilespmem:s30+$0x6040]  }
0x2c: {  	v5 =	vld [tilespmem:s30+$0x6050]  }
0x2d: {  	v6 =	vld [tilespmem:s30+$0x6060]  }
0x2e: {  	[tilespmem:s30+$0x2000] =	vst.add.f32.msk $0xffff, v1  }
0x2f: {  	[tilespmem:s30+$0x2010] =	vst.add.f32.msk $0xffff, v2  }
.Ltmp0:
0x30: {  	[tilespmem:s30+$0x2020] =	vst.add.f32.msk $0xffff, v3;
	(pc) =	sbr.rel @p0 .LBB2_3-.Ltmp0, $4  }
0x31: {  	[tilespmem:s30+$0x2030] =	vst.add.f32.msk $0xffff, v4  }
0x32: {  	[tilespmem:s30+$0x2040] =	vst.add.f32.msk $0xffff, v0  }
0x33: {  	[tilespmem:s30+$0x2050] =	vst.add.f32.msk $0xffff, v5  }
0x34: {  	[tilespmem:s30+$0x2060] =	vst.add.f32.msk $0xffff, v6;
	s30 =	sshra.s32 s31, $0x2;
	s31 =	sadd.s32 $0x200, s31  }
0x35: {  	v0 =	vld [tilespmem:s30+$0x6070]  }
0x36: {  	v1 =	vld [tilespmem:s30+$0x6000]  }
0x37: {  	v2 =	vld [tilespmem:s30+$0x6010]  }
0x38: {  	v3 =	vld [tilespmem:s30+$0x6020]  }
0x39: {  	v4 =	vld [tilespmem:s30+$0x6030]  }
0x3a: {  	v63 =	vld [tilespmem:s30+$0x6040]  }
0x3b: {  	v5 =	vld [tilespmem:s30+$0x6050]  }
0x3c: {  	v6 =	vld [tilespmem:s30+$0x6060]  }
0x3d: {  	[tilespmem:s30+$0x2070] =	vst.add.f32.msk $0xffff, v0  }
0x3e: {  	[tilespmem:s30+$0x2000] =	vst.add.f32.msk $0xffff, v1  }
0x3f: {  	[tilespmem:s30+$0x2010] =	vst.add.f32.msk $0xffff, v2  }
0x40: {  	[tilespmem:s30+$0x2020] =	vst.add.f32.msk $0xffff, v3  }
0x41: {  	s31 =	sshll.u32 s29, $0xF;
	[tilespmem:s30+$0x2030] =	vst.add.f32.msk $0xffff, v4  }
0x42: {  	s31 =	sadd.s32 s5, s31;
	[tilespmem:s30+$0x2040] =	vst.add.f32.msk $0xffff, v63  }
0x43: {  	s31 =	sshrl.u32 s31, $0x3;
	[tilespmem:s30+$0x2050] =	vst.add.f32.msk $0xffff, v5  }
0x44: {  	[tilespmem:s30+$0x2060] =	vst.add.f32.msk $0xffff, v6;
	s30 =	sadd.s32 s6, s31;
	s31 =	simm.s32 $0x0  }
0x45: {  	[hbm4b:s30+s31] =	stream.linear.scatter [tilespmem:s16], [sflag:$0x5], $0x4000, $0x38;
	[tilespmem:$0x12000] =	vst v63  }
0x46: {  	_ =	swait.ge [sflag:s23], $0x4000  }
0x47: {  	[sflag:s23] =	ssyncset.done $0x0  }
0x48: {  	[sflag:s23] =	ssyncadd.s32 $0xFFFFC000  }
0x49: {  	_ =	swait.ge [sflag:s24], $0x4000  }
0x4a: {  	[sflag:s24] =	ssyncset.done $0x0  }
0x4b: {  	s30 =	simm.s32 $0x0;
	s31 =	simm.s32 $0x200;
	[sflag:s24] =	ssyncadd.s32 $0xFFFFC000  }
.LBB2_5:
0x4c: {  	p0 =	sne.s32 s31, $0xFE00;
	v0 =	vld [tilespmem:s30+$0xE070]  }
0x4d: {  	v1 =	vld [tilespmem:s30+$0xE000]  }
0x4e: {  	v2 =	vld [tilespmem:s30+$0xE010]  }
0x4f: {  	v3 =	vld [tilespmem:s30+$0xE020]  }
0x50: {  	v4 =	vld [tilespmem:s30+$0xE030]  }
0x51: {  	[tilespmem:s30+$0xA070] =	vst.add.f32.msk $0xffff, v0  }
0x52: {  	v0 =	vld [tilespmem:s30+$0xE040]  }
0x53: {  	v5 =	vld [tilespmem:s30+$0xE050]  }
0x54: {  	v6 =	vld [tilespmem:s30+$0xE060]  }
0x55: {  	[tilespmem:s30+$0xA000] =	vst.add.f32.msk $0xffff, v1  }
0x56: {  	[tilespmem:s30+$0xA010] =	vst.add.f32.msk $0xffff, v2  }
.Ltmp1:
0x57: {  	[tilespmem:s30+$0xA020] =	vst.add.f32.msk $0xffff, v3;
	(pc) =	sbr.rel @p0 .LBB2_5-.Ltmp1, $4  }
0x58: {  	[tilespmem:s30+$0xA030] =	vst.add.f32.msk $0xffff, v4  }
0x59: {  	[tilespmem:s30+$0xA040] =	vst.add.f32.msk $0xffff, v0  }
0x5a: {  	[tilespmem:s30+$0xA050] =	vst.add.f32.msk $0xffff, v5  }
0x5b: {  	[tilespmem:s30+$0xA060] =	vst.add.f32.msk $0xffff, v6;
	s30 =	sshra.s32 s31, $0x2;
	s31 =	sadd.s32 $0x200, s31  }
0x5c: {  	v0 =	vld [tilespmem:s30+$0xE070]  }
0x5d: {  	v1 =	vld [tilespmem:s30+$0xE000]  }
0x5e: {  	v2 =	vld [tilespmem:s30+$0xE010]  }
0x5f: {  	v3 =	vld [tilespmem:s30+$0xE020]  }
0x60: {  	v4 =	vld [tilespmem:s30+$0xE030]  }
0x61: {  	v63 =	vld [tilespmem:s30+$0xE040]  }
0x62: {  	v5 =	vld [tilespmem:s30+$0xE050]  }
0x63: {  	v6 =	vld [tilespmem:s30+$0xE060]  }
0x64: {  	[tilespmem:s30+$0xA070] =	vst.add.f32.msk $0xffff, v0  }
0x65: {  	[tilespmem:s30+$0xA000] =	vst.add.f32.msk $0xffff, v1  }
0x66: {  	[tilespmem:s30+$0xA010] =	vst.add.f32.msk $0xffff, v2  }
0x67: {  	[tilespmem:s30+$0xA020] =	vst.add.f32.msk $0xffff, v3  }
0x68: {  	s31 =	sshll.u32 s29, $0x8;
	[tilespmem:s30+$0xA030] =	vst.add.f32.msk $0xffff, v4  }
0x69: {  	s1 =	sadd.s32 s31, s9;
	[tilespmem:s30+$0xA040] =	vst.add.f32.msk $0xffff, v63  }
0x6a: {  	s1 =	sshll.u32 s1, $0x4;
	[tilespmem:s30+$0xA050] =	vst.add.f32.msk $0xffff, v5  }
0x6b: {  	s1 =	sadd.s32 s6, s1;
	[tilespmem:s30+$0xA060] =	vst.add.f32.msk $0xffff, v6  }
0x6c: {  	[hbm4b:s1+s3] =	stream.linear.scatter [tilespmem:s18], [sflag:$0x6], $0x4000, $0x38;
	[tilespmem:$0x12000] =	vst v63  }
0x6d: {  	_ =	swait.ge [sflag:s25], $0x4000  }
0x6e: {  	[sflag:s25] =	ssyncset.done $0x0  }
0x6f: {  	s30 =	sadd.s32 $0x100, s31;
	[sflag:s25] =	ssyncadd.s32 $0xFFFFC000  }
0x70: {  	[tilespmem:s16], [sflag:$0x1] =	stream.indirect.gather [hbm4b:s2+s15], $0x80, s30, s15, $0xb8;
	[tilespmem:$0x12000] =	vst v63  }
0x71: {  	s29 =	sadd.s32 $0x1, s29;
	s30 =	sadd.s32 $0x1100, s31  }
0x72: {  	[tilespmem:s17], [sflag:$0x2] =	stream.indirect.gather [hbm4b:s4+s15], $0x80, s30, s15, $0xb8;
	[tilespmem:$0x12000] =	vst v63  }
0x73: {  	p0 =	sne.s32 s29, $0xE;
	_ =	swait.ge [sflag:s26], $0x4000  }
.Ltmp2:
0x74: {  	[sflag:s26] =	ssyncset.done $0x0;
	(pc) =	sbr.rel @p0 .LBB2_2-.Ltmp2, $4  }
0x75: {  	s30 =	sadd.s32 $0x180, s31;
	[sflag:s26] =	ssyncadd.s32 $0xFFFFC000  }
0x76: {  	[tilespmem:s18], [sflag:$0x3] =	stream.indirect.gather [hbm4b:s2+s15], $0x80, s30, s15, $0xb8;
	[tilespmem:$0x12000] =	vst v63  }
0x77: {  	s31 =	sadd.s32 $0x1180, s31  }
0x78: {  	[tilespmem:s20], [sflag:$0x4] =	stream.indirect.gather [hbm4b:s4+s15], $0x80, s31, s15, $0xb8;
	[tilespmem:$0x12000] =	vst v63  }
0x79: {  	_ =	swait.ge [sflag:s21], $0x4000  }
0x7a: {  	[sflag:s21] =	ssyncset.done $0x0  }
0x7b: {  	[sflag:s21] =	ssyncadd.s32 $0xFFFFC000  }
0x7c: {  	_ =	swait.ge [sflag:s22], $0x4000  }
0x7d: {  	[sflag:s22] =	ssyncset.done $0x0  }
0x7e: {  	s29 =	simm.s32 $0x0;
	s30 =	simm.s32 $0x200;
	[sflag:s22] =	ssyncadd.s32 $0xFFFFC000  }
.LBB2_8:
0x7f: {  	p0 =	sne.s32 s30, $0xFE00;
	v0 =	vld [tilespmem:s29+$0x6070]  }
0x80: {  	v1 =	vld [tilespmem:s29+$0x6000]  }
0x81: {  	v2 =	vld [tilespmem:s29+$0x6010]  }
0x82: {  	v3 =	vld [tilespmem:s29+$0x6020]  }
0x83: {  	v4 =	vld [tilespmem:s29+$0x6030]  }
0x84: {  	[tilespmem:s29+$0x2070] =	vst.add.f32.msk $0xffff, v0  }
0x85: {  	v0 =	vld [tilespmem:s29+$0x6040]  }
0x86: {  	v5 =	vld [tilespmem:s29+$0x6050]  }
0x87: {  	v6 =	vld [tilespmem:s29+$0x6060]  }
0x88: {  	[tilespmem:s29+$0x2000] =	vst.add.f32.msk $0xffff, v1  }
0x89: {  	[tilespmem:s29+$0x2010] =	vst.add.f32.msk $0xffff, v2  }
.Ltmp3:
0x8a: {  	[tilespmem:s29+$0x2020] =	vst.add.f32.msk $0xffff, v3;
	(pc) =	sbr.rel @p0 .LBB2_8-.Ltmp3, $4  }
0x8b: {  	[tilespmem:s29+$0x2030] =	vst.add.f32.msk $0xffff, v4  }
0x8c: {  	[tilespmem:s29+$0x2040] =	vst.add.f32.msk $0xffff, v0  }
0x8d: {  	[tilespmem:s29+$0x2050] =	vst.add.f32.msk $0xffff, v5  }
0x8e: {  	[tilespmem:s29+$0x2060] =	vst.add.f32.msk $0xffff, v6;
	s29 =	sshra.s32 s30, $0x2;
	s30 =	sadd.s32 $0x200, s30  }
0x8f: {  	v0 =	vld [tilespmem:s29+$0x6070]  }
0x90: {  	v1 =	vld [tilespmem:s29+$0x6000]  }
0x91: {  	v2 =	vld [tilespmem:s29+$0x6010]  }
0x92: {  	v3 =	vld [tilespmem:s29+$0x6020]  }
0x93: {  	v4 =	vld [tilespmem:s29+$0x6030]  }
0x94: {  	v63 =	vld [tilespmem:s29+$0x6040]  }
0x95: {  	v5 =	vld [tilespmem:s29+$0x6050]  }
0x96: {  	v6 =	vld [tilespmem:s29+$0x6060]  }
0x97: {  	[tilespmem:s29+$0x2070] =	vst.add.f32.msk $0xffff, v0  }
0x98: {  	[tilespmem:s29+$0x2000] =	vst.add.f32.msk $0xffff, v1  }
0x99: {  	[tilespmem:s29+$0x2010] =	vst.add.f32.msk $0xffff, v2  }
0x9a: {  	[tilespmem:s29+$0x2020] =	vst.add.f32.msk $0xffff, v3  }
0x9b: {  	[tilespmem:s29+$0x2030] =	vst.add.f32.msk $0xffff, v4  }
0x9c: {  	[tilespmem:s29+$0x2040] =	vst.add.f32.msk $0xffff, v63  }
0x9d: {  	[tilespmem:s29+$0x2050] =	vst.add.f32.msk $0xffff, v5  }
0x9e: {  	s1 =	simm.s32 $0x0;
	[tilespmem:s29+$0x2060] =	vst.add.f32.msk $0xffff, v6  }
0x9f: {  	[hbm4b:s10+s1] =	stream.linear.scatter [tilespmem:s16], [sflag:$0x7], $0x4000, $0x38;
	[tilespmem:$0x12000] =	vst v63  }
0xa0: {  	_ =	swait.ge [sflag:s13], $0x4000  }
0xa1: {  	[sflag:s13] =	ssyncset.done $0x0  }
0xa2: {  	[sflag:s13] =	ssyncadd.s32 $0xFFFFC000  }
0xa3: {  	_ =	swait.ge [sflag:s23], $0x4000  }
0xa4: {  	[sflag:s23] =	ssyncset.done $0x0  }
0xa5: {  	[sflag:s23] =	ssyncadd.s32 $0xFFFFC000  }
0xa6: {  	_ =	swait.ge [sflag:s24], $0x4000  }
0xa7: {  	[sflag:s24] =	ssyncset.done $0x0  }
0xa8: {  	s30 =	simm.s32 $0x200;
	s29 =	simm.s32 $0x0;
	[sflag:s24] =	ssyncadd.s32 $0xFFFFC000  }
.LBB2_10:
0xa9: {  	p0 =	sne.s32 s30, $0xFE00;
	v0 =	vld [tilespmem:s29+$0xE070]  }
0xaa: {  	v1 =	vld [tilespmem:s29+$0xE000]  }
0xab: {  	v2 =	vld [tilespmem:s29+$0xE010]  }
0xac: {  	v3 =	vld [tilespmem:s29+$0xE020]  }
0xad: {  	v4 =	vld [tilespmem:s29+$0xE030]  }
0xae: {  	[tilespmem:s29+$0xA070] =	vst.add.f32.msk $0xffff, v0  }
0xaf: {  	v0 =	vld [tilespmem:s29+$0xE040]  }
0xb0: {  	v5 =	vld [tilespmem:s29+$0xE050]  }
0xb1: {  	v6 =	vld [tilespmem:s29+$0xE060]  }
0xb2: {  	[tilespmem:s29+$0xA000] =	vst.add.f32.msk $0xffff, v1  }
0xb3: {  	[tilespmem:s29+$0xA010] =	vst.add.f32.msk $0xffff, v2  }
.Ltmp4:
0xb4: {  	[tilespmem:s29+$0xA020] =	vst.add.f32.msk $0xffff, v3;
	(pc) =	sbr.rel @p0 .LBB2_10-.Ltmp4, $4  }
0xb5: {  	[tilespmem:s29+$0xA030] =	vst.add.f32.msk $0xffff, v4  }
0xb6: {  	[tilespmem:s29+$0xA040] =	vst.add.f32.msk $0xffff, v0  }
0xb7: {  	[tilespmem:s29+$0xA050] =	vst.add.f32.msk $0xffff, v5  }
0xb8: {  	[tilespmem:s29+$0xA060] =	vst.add.f32.msk $0xffff, v6;
	s29 =	sshra.s32 s30, $0x2;
	s30 =	sadd.s32 $0x200, s30  }
0xb9: {  	v0 =	vld [tilespmem:s29+$0xE070]  }
0xba: {  	v1 =	vld [tilespmem:s29+$0xE000]  }
0xbb: {  	v2 =	vld [tilespmem:s29+$0xE010]  }
0xbc: {  	v3 =	vld [tilespmem:s29+$0xE020]  }
0xbd: {  	v4 =	vld [tilespmem:s29+$0xE030]  }
0xbe: {  	v63 =	vld [tilespmem:s29+$0xE040]  }
0xbf: {  	v5 =	vld [tilespmem:s29+$0xE050]  }
0xc0: {  	v6 =	vld [tilespmem:s29+$0xE060]  }
0xc1: {  	[tilespmem:s29+$0xA070] =	vst.add.f32.msk $0xffff, v0  }
0xc2: {  	[tilespmem:s29+$0xA000] =	vst.add.f32.msk $0xffff, v1  }
0xc3: {  	[tilespmem:s29+$0xA010] =	vst.add.f32.msk $0xffff, v2  }
0xc4: {  	[tilespmem:s29+$0xA020] =	vst.add.f32.msk $0xffff, v3  }
0xc5: {  	[tilespmem:s29+$0xA030] =	vst.add.f32.msk $0xffff, v4  }
0xc6: {  	s28 =	sadd.s32 $0x1, s28;
	[tilespmem:s29+$0xA040] =	vst.add.f32.msk $0xffff, v63  }
0xc7: {  	p0 =	sne.s32 s28, s12;
	[tilespmem:s29+$0xA050] =	vst.add.f32.msk $0xffff, v5  }
.Ltmp5:
0xc8: {  	[tilespmem:s29+$0xA060] =	vst.add.f32.msk $0xffff, v6;
	(pc) =	sbr.rel @p0 .LBB2_1-.Ltmp5, $4  }
0xc9: {  	[hbm4b:s11+s3] =	stream.linear.scatter [tilespmem:s18], [sflag:$0x7], $0x4000, $0x38;
	[tilespmem:$0x12000] =	vst v63  }
0xca: {  	_ =	swait.ge [sflag:s13], $0x4000  }
0xcb: {  	[sflag:s13] =	ssyncset.done $0x0  }
0xcc: {  	[sflag:s13] =	ssyncadd.s32 $0xFFFFC000  }
0xcd: {  	_ =	sfence.sel $0x180000  }
0xce: {  	[bflag:$0x0] =	sbarrier.arrive $0xFFFF  }
0xcf: {  	_ =	strace $0x9000004D  }
0xd0: {  	[bflag:$0x2] =	sbarrier.arrive $0xFFFF  }
0xd1: {  	p0 =	sne.s32 s0, $0x0;
	s0 =	rddreg [dreg:$0x2]  }
0xd2: {  	s0 =	sadd.s32 @!p0 $0x100000, s0  }
0xd3: {  	[sflag:s0] =	ssyncadd.tile.s32 @!p0 $0x1;
	_ =	shalt  }
.Lfunc_end2:
_tile_overlayer_lowered:
.L_overlay_start_2:
0xd4: {  	(tag) =	ssettag $0x2  }
0xd5: {  	s0 =	rddreg [dreg:$0x0];
	s2 =	stileid.u32  }
0xd6: {  	s1 =	rddreg [dreg:$0x1];
	p0 =	sne.s32 s2, $0x0  }
0xd7: {  	s3 =	rddreg [dreg:$0x2];
	[bflag:$0x3] =	sbarrier.arrive $0xFFFF;
	s2 =	simm.s32 @!p0 $0x1C07  }
0xd8: {  	[timem:s3], [sflag:s2] =	dma.local @!p0 [hbm:s0], s1  }
0xd9: {  	s0 =	simm.s32 @!p0 $0x7  }
0xda: {  	_ =	swait.ge @!p0 [sflag:s0], s1  }
0xdb: {  	s1 =	ssub.s32 @!p0 $0x0, s1;
	[sflag:s0] =	ssyncset.done @!p0 $0x0  }
0xdc: {  	[sflag:s0] =	ssyncadd.s32 @!p0 s1  }
0xdd: {  	[bflag:$0x3] =	sbarrier.arrive $0xFFFF  }
0xde: {  	_ =	shalt  }

// kernel: kernel.20.cloned.1.call-start
scs
__scs_entry_jumppad:
0x0: {  	(pc) =	sbr.rel $0x88, $3  }
0x1: {  	(tag) =	ssettag $0x0;
	lr =	simm.s32 $0x1  }
0x2: {  	[smem:$0x3F91] =	sst lr;
	_ =	strace $0xD0000000  }
0x3: {  	_ = 	snop  }
0x4: {  	_ = 	snop  }
0x5: {  	_ = 	snop  }
0x6: {  	_ = 	snop  }
0x7: {  	_ = 	snop  }
__scs_overlays_trampoline_lowered:
0x8: {  	[smem:$0x3FA0] =	sst s0  }
0x9: {  	[smem:$0x3FA1] =	sst s1  }
0xa: {  	[smem:$0x3FA2] =	sst s2  }
0xb: {  	[smem:$0x3FA3] =	sst s3  }
0xc: {  	[smem:$0x3FA4] =	sst s4  }
0xd: {  	[smem:$0x3FA5] =	sst s5  }
0xe: {  	[smem:$0x3FA6] =	sst s6  }
0xf: {  	[smem:$0x3FA7] =	sst s7  }
0x10: {  	[smem:$0x3FA8] =	sst s8  }
0x11: {  	[smem:$0x3FA9] =	sst s9;
	s0 =	simm.s32 @!p0 $0x0  }
0x12: {  	s1 =	sld [smem:$0x3F8F];
	s0 =	simm.s32 @p0 $0x1  }
0x13: {  	[smem:$0x3FAA] =	sst s0;
	s0 =	simm.s32 @!p1 $0x0  }
0x14: {  	s2 =	sld [smem:$0x3F8E];
	s0 =	simm.s32 @p1 $0x1  }
0x15: {  	[smem:$0x3FAB] =	sst s0;
	s0 =	simm.s32 @!p2 $0x0  }
0x16: {  	s3 =	sld [smem:$0x3FDB];
	s0 =	simm.s32 @p2 $0x1  }
0x17: {  	s4 =	simm.s32 $0x1BF5;
	[smem:$0x3FAD] =	sst s0  }
0x18: {  	s0 =	sld [smem:$0x3F90];
	_ =	swait.ge [sflag:s4], $0x0  }
0x19: {  	s7 =	sld [smem:$0x3F91]  }
0x1a: {  	s8 =	sadd.s32 $0xFFFFE003, lr  }
0x1b: {  	s9 =	sadd.s32 $0xFFFFFEF7, lr;
	s5 =	simm.s32 $0xFFFFFFFF;
	p2 =	slt.u32 s8, $0xFFFFF086  }
0x1c: {  	p1 =	slt.u32 s9, $0xF7A;
	s5 =	simm.s32 @!p2 $0x0  }
0x1d: {  	s5 =	simm.s32 @p1 $0x1;
	p0 =	seq.s32 s7, s2  }
0x1e: {  	s7 =	smul.u32 @!p0 $0xF7A, s2;
	p2 =	seq.s32 @!p0 s5, $0x0  }
0x1f: {  	s9 =	smul.u32 $0xF7A, s1;
	s8 =	simm.s32 @!p0 $0x1BF5;
	p2 =	por !p2, p0  }
0x20: {  	[sflag:s8] =	ssyncset.s32 @!p0 $0xFFFFF086;
	s6 =	sadd.s32 @!p0 s3, s7;
	s7 =	simm.s32 @!p0 $0x108  }
0x21: {  	s3 =	sadd.s32 s3, s9;
	s6 =	sadd.s32 @!p0 $0x88, s6;
	s7 =	simm.s32 @p2 $0x1082  }
0x22: {  	[simem:s7], [sflag:s8] =	dma.local @!p0 [hbm:s6], $0xF7A  }
0x23: {  	s9 =	sor.u32 $0xD0000000, s2;
	s6 =	simm.s32 $0x108;
	_ =	swait.ge @!p0 [sflag:s8], $0x0  }
0x24: {  	s3 =	sadd.s32 $0x88, s3;
	s6 =	simm.s32 @!p1 $0x1082;
	[sflag:s4] =	ssyncset.s32 $0xFFFFF086  }
0x25: {  	[simem:s6], [sflag:s4] =	dma.local [hbm:s3], $0xF7A  }
0x26: {  	[smem:$0x3F91] =	sst s1;
	(tag) =	ssettag s2;
	_ =	strace s9  }
0x27: {  	s1 =	sld [smem:$0x3FA1]  }
0x28: {  	s2 =	sld [smem:$0x3FA2]  }
0x29: {  	s4 =	sld [smem:$0x3FA4]  }
0x2a: {  	p0 =	seq.s32 s5, $0x0;
	s5 =	sld [smem:$0x3FA5]  }
0x2b: {  	s6 =	sld [smem:$0x3FA6]  }
0x2c: {  	s7 =	sld [smem:$0x3FA7]  }
0x2d: {  	s3 =	simm.s32 $0x108;
	s8 =	sld [smem:$0x3FA8]  }
0x2e: {  	s3 =	simm.s32 @!p0 $0x1082;
	s9 =	sld [smem:$0x3FA9]  }
0x2f: {  	lr =	sadd.s32 s0, s3;
	s0 =	sld [smem:$0x3FA0]  }
0x30: {  	s3 =	sld [smem:$0x3FA3]  }
0x31: {  	[smem:$0x3FAC] =	sst s10  }
0x32: {  	s10 =	sld [smem:$0x3FAA];
	_ =	sdelay $0x3  }
0x33: {  	p0 =	seq.s32 s10, $0x1;
	s10 =	sld [smem:$0x3FAC];
	_ =	sdelay $0x3  }
0x34: {  	[smem:$0x3FAC] =	sst s10  }
0x35: {  	s10 =	sld [smem:$0x3FAB];
	_ =	sdelay $0x3  }
0x36: {  	p1 =	seq.s32 s10, $0x1;
	s10 =	sld [smem:$0x3FAC];
	_ =	sdelay $0x3  }
0x37: {  	[smem:$0x3FAC] =	sst s10  }
0x38: {  	s10 =	sld [smem:$0x3FAD]  }
0x39: {  	_ = 	snop;
	(pc) =	sbr.ind lr, $3  }
0x3a: {  	_ = 	snop  }
0x3b: {  	_ = 	snop  }
0x3c: {  	p2 =	seq.s32 s10, $0x1;
	s10 =	sld [smem:$0x3FAC]  }
0x3d: {  	_ =	shalt  }
0x3e: {  	_ =	shalt  }
0x3f: {  	_ =	shalt  }
0x40: {  	_ =	shalt  }
0x41: {  	_ =	shalt  }
0x42: {  	_ =	shalt  }
0x43: {  	_ =	shalt  }
0x44: {  	_ =	shalt  }
0x45: {  	_ =	shalt  }
0x46: {  	_ =	shalt  }
0x47: {  	_ =	shalt  }
0x48: {  	_ =	shalt  }
0x49: {  	_ =	shalt  }
0x4a: {  	_ =	shalt  }
0x4b: {  	_ =	shalt  }
0x4c: {  	_ =	shalt  }
0x4d: {  	_ =	shalt  }
0x4e: {  	_ =	shalt  }
0x4f: {  	_ =	shalt  }
0x50: {  	_ =	shalt  }
0x51: {  	_ =	shalt  }
0x52: {  	_ =	shalt  }
0x53: {  	_ =	shalt  }
0x54: {  	_ =	shalt  }
0x55: {  	_ =	shalt  }
0x56: {  	_ =	shalt  }
0x57: {  	_ =	shalt  }
0x58: {  	_ =	shalt  }
0x59: {  	_ =	shalt  }
0x5a: {  	_ =	shalt  }
0x5b: {  	_ =	shalt  }
0x5c: {  	_ =	shalt  }
0x5d: {  	_ =	shalt  }
0x5e: {  	_ =	shalt  }
0x5f: {  	_ =	shalt  }
0x60: {  	_ =	shalt  }
0x61: {  	_ =	shalt  }
0x62: {  	_ =	shalt  }
0x63: {  	_ =	shalt  }
0x64: {  	_ =	shalt  }
0x65: {  	_ =	shalt  }
0x66: {  	_ =	shalt  }
0x67: {  	_ =	shalt  }
0x68: {  	_ =	shalt  }
0x69: {  	_ =	shalt  }
0x6a: {  	_ =	shalt  }
0x6b: {  	_ =	shalt  }
0x6c: {  	_ =	shalt  }
0x6d: {  	_ =	shalt  }
0x6e: {  	_ =	shalt  }
0x6f: {  	_ =	shalt  }
0x70: {  	_ =	shalt  }
0x71: {  	_ =	shalt  }
0x72: {  	_ =	shalt  }
0x73: {  	_ =	shalt  }
0x74: {  	_ =	shalt  }
0x75: {  	_ =	shalt  }
0x76: {  	_ =	shalt  }
0x77: {  	_ =	shalt  }
0x78: {  	_ =	shalt  }
0x79: {  	_ =	shalt  }
0x7a: {  	_ =	shalt  }
0x7b: {  	_ =	shalt  }
0x7c: {  	_ =	shalt  }
0x7d: {  	_ =	shalt  }
0x7e: {  	_ =	shalt  }
0x7f: {  	_ =	shalt  }
0x80: {  	_ =	shalt  }
0x81: {  	_ =	shalt  }
0x82: {  	_ =	shalt  }
0x83: {  	_ =	shalt  }
0x84: {  	_ =	shalt  }
0x85: {  	_ =	shalt  }
0x86: {  	_ =	shalt  }
0x87: {  	_ =	shalt  }
.Lfunc_end0:
.L_simem_size_0:
called_computation.3_lowered:
.L_overlay_start_0:
0x88: {  	s2 =	sld [smem:$0x3FD9]  }
0x89: {  	s3 =	sld [smem:$0x3FFE];
	_ =	sdelay $0x1  }
0x8a: {  	s1 =	srdreg.scid  }
0x8b: {  	s0 =	sand.u32 $0x1, s1  }
0x8c: {  	s14 =	sshll.u32 s0, $0xA;
	s2 =	sadd.s32 s3, s2  }
0x8d: {  	s2 =	sadd.s32 s2, s14  }
0x8e: {  	[smem:$0x3FB8] =	sst s2  }
0x8f: {  	_ = 	snop  }
0x90: {  	s2 =	sld [smem:$0x3FD0];
	_ =	sdelay $0x2  }
0x91: {  	s15 =	simm.s32 $0xC;
	s4 =	simm.s32 $0x10  }
0x92: {  	[smem:s4], [sflag:s15] =	dma.local [hbm:s2], $0x1  }
0x93: {  	_ =	swait.eq [sflag:s15], $0x1  }
0x94: {  	[sflag:s15] =	ssyncset.done $0x0  }
0x95: {  	[sflag:s15] =	ssyncadd.s32 $0xFFFFFFFF  }
0x96: {  	s16 =	sld [smem:$0x11];
	(tm) =	ssettm $0x1  }
0x97: {  	s17 =	sld [smem:$0x3FFB];
	_ =	sdelay $0x3  }
0x98: {  	_ =	strace s17  }
0x99: {  	s3 =	sld [smem:$0x3FFC];
	_ =	sdelay $0x3  }
0x9a: {  	_ =	strace s3  }
0x9b: {  	s3 =	sld [smem:$0x3FFD];
	_ =	sdelay $0x3  }
0x9c: {  	_ =	strace s3  }
0x9d: {  	_ =	strace $0x8FFFFFFF  }
0x9e: {  	s18 =	sld [smem:$0x3FDB];
	_ =	sdelay $0x1  }
0x9f: {  	s19 =	simm.s32 $_scs_section_size  }
0xa0: {  	s5 =	simm.s32 $_size__tile_overlayer_lowered;
	s6 =	simm.s32 $_tile_overlayer_lowered  }
0xa1: {  	s22 =	simm.s32 $0x1BFF;
	s21 =	sshll.u32 s6, $0x1;
	s3 =	sadd.s32 s19, s18  }
0xa2: {  	s7 =	simm.s32 $0x0;
	s20 =	sshll.u32 s5, $0x1;
	s5 =	sadd.s32 s21, s3  }
0xa3: {  	[timem:s7], [sflag:s22] =	dma.local [hbm:s5], s20  }
0xa4: {  	_ =	swait.ge [sflag:s22], s20  }
0xa5: {  	s4 =	ssub.s32 $0x0, s20;
	[sflag:s22] =	ssyncset.done $0x0  }
0xa6: {  	[sflag:s22] =	ssyncadd.s32 s4;
	_ =	sdelay $0x1  }
0xa7: {  	s23 =	simm.s32 $0x1B8B  }
0xa8: {  	_ =	swait.ge [sflag:s23], $0x1  }
0xa9: {  	[sflag:s23] =	ssyncset.done $0x0  }
0xaa: {  	s25 =	simm.s32 $0x1B8E;
	s24 =	sld [smem:$0x3FFE];
	[sflag:s23] =	ssyncadd.s32 $0xFFFFFFFF  }
0xab: {  	s26 =	simm.s32 $execute0_lowered;
	[smem:$0x3FD2] =	sst s25  }
0xac: {  	s5 =	sshll.u32 s26, $0x1;
	_ =	strace $0x8000004F;
	[dreg:$0x1] =	wrdreg $0xFFFFFFFF  }
0xad: {  	s28 =	simm.s32 $_size_execute0_lowered;
	s3 =	sadd.s32 s3, s5;
	[dreg:$0x0] =	wrdreg $0x0  }
0xae: {  	s5 =	sshll.u32 s28, $0x1;
	[dreg:$0x2] =	wrdreg s3  }
0xaf: {  	[dreg:$0x3] =	wrdreg s5  }
0xb0: {  	[dreg:$0x4] =	wrdreg $0xC0  }
0xb1: {  	_ =	task [dreg:s7], $0x5FFFF  }
0xb2: {  	[dreg:$0x1] =	wrdreg $0xFFFFFFFF  }
0xb3: {  	[dreg:$0x0] =	wrdreg $0x60  }
0xb4: {  	[dreg:$0x2] =	wrdreg s24  }
0xb5: {  	[dreg:$0x3] =	wrdreg s16  }
0xb6: {  	[dreg:$0x4] =	wrdreg $0xB0800  }
0xb7: {  	[dreg:$0x5] =	wrdreg $0x9  }
0xb8: {  	_ =	task.clear_ibuf [dreg:s7], $0x6FFFF;
	_ =	strace $0x9000004F  }
0xb9: {  	s29 =	simm.s32 $0x9;
	_ =	strace $0x80000051  }
0xba: {  	_ =	swait.ge [sflag:s29], $0x1  }
0xbb: {  	[sflag:s29] =	ssyncadd.s32 $0xFFFFFFFF  }
0xbc: {  	_ =	strace $0x90000051  }
0xbd: {  	_ =	sfence  }
0xbe: {  	s30 =	sld [smem:$0x0];
	_ =	sdelay $0x2  }
0xbf: {  	s31 =	sshll.u32 s1, $0xD;
	s1 =	sshrl.u32 s1, $0x2  }
0xc0: {  	s3 =	sand.u32 $0x4000, s31;
	s1 =	sadd.s32 s1, s30  }
0xc1: {  	s0 =	sor.u32 s3, s0;
	s1 =	sshll.u32 s1, $0x11  }
0xc2: {  	s0 =	sor.u32 s1, s0  }
0xc3: {  	s0 =	sadd.s32 $0x8F2B, s0  }
0xc4: {  	[sflag:s0] =	ssyncadd.remote.s32 $0x1  }
0xc5: {  	_ =	sfence.sel $0xFFFF  }
0xc6: {  	[dreg:$0x0] =	wrdreg $0xFFFFFFFF;
	(pc) =	sbr.abs _section_cstart, $3  }
0xc7: {  	[dreg:$0x1] =	wrdreg $0xFFFFFFFF  }
0xc8: {  	_ =	task.clear_ibuf [dreg:s7], $0x2FFFF;
	_ =	strace $0x9FFFFFFF  }
0xc9: {  	(tm) =	ssettm $0x7FFFFFFF  }
tec
execute0_lowered:
.L_overlay_start_1:
0x0: {  	(tag) =	ssettag $0x1  }
0x1: {  	s1 =	srdreg.scid  }
0x2: {  	s0 =	stileid.u32;
	s4 =	rddreg [dreg:$0x0]  }
0x3: {  	s12 =	rddreg [dreg:$0x1];
	s3 =	simm.s32 $0x0;
	s18 =	simm.s32 $0x2800  }
0x4: {  	s19 =	simm.s32 $0x2880;
	s20 =	simm.s32 $0x6880;
	s21 =	simm.s32 $0x1  }
0x5: {  	s22 =	simm.s32 $0x80;
	s23 =	simm.s32 $0x2;
	s7 =	smul.u32 $0x14000, s0  }
0x6: {  	s28 =	simm.s32 $0x10;
	s29 =	simm.s32 $0x0;
	s9 =	smul.u32 $0x50000, s0  }
0x7: {  	s1 =	sand.u32 $0x1, s1;
	s2 =	sshll.u32 s0, $0x1;
	s16 =	smul.u32 $0x4E200, s0  }
0x8: {  	[smem:$0x7FF] =	sst s3;
	s8 =	sor.u32 s1, s2;
	s6 =	smul.u32 $0x140000, s1  }
0x9: {  	s2 =	rddreg [dreg:$0x2];
	s10 =	ssub.s32 $0x2, s1;
	s1 =	smul.u32 $0x27100, s1  }
0xa: {  	_ =	strace $0x80000050;
	s5 =	smul.u32 $0x500, s8;
	s25 =	sshll.u32 s8, $0x4  }
0xb: {  	s11 =	sshrl.u32 s10, $0x1;
	s26 =	sshrl.u32 s9, $0x2;
	s13 =	smul.u32 $0x27100, s8  }
0xc: {  	s30 =	smul.u32 $0x138800, s8;
	s16 =	sadd.s32 s16, s12;
	s6 =	sadd.s32 s7, s6  }
0xd: {  	s7 =	sadd.s32 s25, s4;
	s15 =	ssub.s32 s10, s11;
	s1 =	sadd.s32 s1, s16  }
0xe: {  	s25 =	simm.s32 $0x2680;
	s5 =	sadd.s32 s5, s4;
	s6 =	sshrl.u32 s6, $0x3  }
0xf: {  	s17 =	sshrl.u32 s30, $0x3;
	s11 =	sadd.s32 s12, s13;
	s15 =	smax.u32 s15, $0x1  }
0x10: {  	s1 =	sadd.s32 $0x1800, s1;
	s14 =	sadd.s32 s6, s4;
	s4 =	sadd.s32 $0x520800, s5  }
0x11: {  	s5 =	sadd.s32 $0x520600, s7;
	s6 =	sadd.s32 s26, s2;
	s31 =	sadd.s32 s12, s17  }
0x12: {  	s17 =	simm.s32 $0x3;
	s26 =	simm.s32 $0xA880;
	s7 =	sadd.s32 $0x4000, s6  }
0x13: {  	s8 =	sadd.s32 $0x8000, s6;
	s9 =	sadd.s32 $0xC000, s6;
	s10 =	sadd.s32 $0x10000, s6  }
0x14: {  	v0 =	vimm.f32 $0.0e+00;
	s12 =	sadd.s32 $0x800, s31;
	s13 =	sadd.s32 $0x27000, s31;
	s14 =	sadd.s32 $0x3E00, s14  }
.LBB2_1:
0x15: {  	[tilespmem:s3], [sflag:$0x3] =	stream.linear.gather [hbm4b:s4+s3], $0x2700, $0x38;
	[tilespmem:$0x1F080] =	vst v63  }
0x16: {  	_ =	swait.ge [sflag:s17], $0x2700  }
0x17: {  	[sflag:s17] =	ssyncset.done $0x0  }
0x18: {  	[sflag:s17] =	ssyncadd.s32 $0xFFFFD900  }
0x19: {  	[tilespmem:s18], [sflag:$0x3] =	stream.linear.gather [hbm4b:s5+s3], $0x80, $0x38;
	[tilespmem:$0x1F080] =	vst v63  }
0x1a: {  	_ =	swait.ge [sflag:s17], $0x80  }
0x1b: {  	[sflag:s17] =	ssyncset.done $0x0  }
0x1c: {  	s16 =	simm.s32 $0x0;
	s30 =	simm.s32 $0x200;
	[sflag:s17] =	ssyncadd.s32 $0xFFFFFF80  }
.LBB2_2:
0x1d: {  	p0 =	sne.s32 s30, $0xFE00;
	[tilespmem:s16+$0x28F0] =	vst v0  }
0x1e: {  	[tilespmem:s16+$0x2880] =	vst v0  }
0x1f: {  	[tilespmem:s16+$0x2890] =	vst v0  }
.Ltmp0:
0x20: {  	[tilespmem:s16+$0x28A0] =	vst v0;
	(pc) =	sbr.rel @p0 .LBB2_2-.Ltmp0, $4  }
0x21: {  	[tilespmem:s16+$0x28B0] =	vst v0  }
0x22: {  	[tilespmem:s16+$0x28C0] =	vst v0  }
0x23: {  	[tilespmem:s16+$0x28D0] =	vst v0  }
0x24: {  	[tilespmem:s16+$0x28E0] =	vst v0;
	s16 =	sshra.s32 s30, $0x2;
	s30 =	sadd.s32 $0x200, s30  }
0x25: {  	[tilespmem:s16+$0x28F0] =	vst v0  }
0x26: {  	[tilespmem:s16+$0x2880] =	vst v0  }
0x27: {  	[tilespmem:s16+$0x2890] =	vst v0  }
0x28: {  	[tilespmem:s16+$0x28A0] =	vst v0  }
0x29: {  	[tilespmem:s16+$0x28B0] =	vst v0  }
0x2a: {  	[tilespmem:s16+$0x28C0] =	vst v0  }
0x2b: {  	[tilespmem:s16+$0x28D0] =	vst v0  }
0x2c: {  	[tilespmem:s16+$0x28E0] =	vst v0  }
0x2d: {  	[spmem:s6] =	stream.linear.scatter [tilespmem:s19], [sflag:$0x3], $0x4000, $0x38;
	[tilespmem:$0x1F080] =	vst v63  }
0x2e: {  	_ =	swait.ge [sflag:s17], $0x4000  }
0x2f: {  	[sflag:s17] =	ssyncset.done $0x0  }
0x30: {  	[sflag:s17] =	ssyncadd.s32 $0xFFFFC000  }
0x31: {  	[spmem:s7] =	stream.linear.scatter [tilespmem:s19], [sflag:$0x3], $0x4000, $0x38;
	[tilespmem:$0x1F080] =	vst v63  }
0x32: {  	_ =	swait.ge [sflag:s17], $0x4000  }
0x33: {  	[sflag:s17] =	ssyncset.done $0x0  }
0x34: {  	[sflag:s17] =	ssyncadd.s32 $0xFFFFC000  }
0x35: {  	[spmem:s8] =	stream.linear.scatter [tilespmem:s19], [sflag:$0x3], $0x4000, $0x38;
	[tilespmem:$0x1F080] =	vst v63  }
0x36: {  	_ =	swait.ge [sflag:s17], $0x4000  }
0x37: {  	[sflag:s17] =	ssyncset.done $0x0  }
0x38: {  	[sflag:s17] =	ssyncadd.s32 $0xFFFFC000  }
0x39: {  	[spmem:s9] =	stream.linear.scatter [tilespmem:s19], [sflag:$0x3], $0x4000, $0x38;
	[tilespmem:$0x1F080] =	vst v63  }
0x3a: {  	_ =	swait.ge [sflag:s17], $0x4000  }
0x3b: {  	[sflag:s17] =	ssyncset.done $0x0  }
0x3c: {  	[sflag:s17] =	ssyncadd.s32 $0xFFFFC000  }
0x3d: {  	[spmem:s10] =	stream.linear.scatter [tilespmem:s19], [sflag:$0x3], $0x4000, $0x38;
	[tilespmem:$0x1F080] =	vst v63  }
0x3e: {  	_ =	swait.ge [sflag:s17], $0x4000  }
0x3f: {  	[sflag:s17] =	ssyncset.done $0x0  }
0x40: {  	[sflag:s17] =	ssyncadd.s32 $0xFFFFC000  }
0x41: {  	s0 =	simm.s32 $0x0;
	[bflag:$0x0] =	sbarrier.arrive $0xFFFF  }
0x42: {  	[tilespmem:s19], [sflag:$0x1] =	stream.linear.gather [hbm4b:s11+s0], $0x4000, $0x38;
	[tilespmem:$0x1F080] =	vst v63  }
0x43: {  	_ = 	snop  }
0x44: {  	[tilespmem:s20], [sflag:$0x2] =	stream.linear.gather [hbm4b:s12+s0], $0x4000, $0x38;
	[tilespmem:$0x1F080] =	vst v63  }
0x45: {  	_ =	swait.ge [sflag:s21], $0x4000  }
0x46: {  	[sflag:s21] =	ssyncset.done $0x0  }
0x47: {  	s24 =	simm.s32 $0x0;
	[sflag:s21] =	ssyncadd.s32 $0xFFFFC000  }
0x48: {  	[spmem:s2] =	stream.indirect.scatter.add.f32 [tilespmem:s19], [sflag:$0x3], $0x80, s24, s22, $0xb8;
	[tilespmem:$0x1F080] =	vst v63  }
0x49: {  	_ =	swait.ge [sflag:s17], $0x4000  }
0x4a: {  	[sflag:s17] =	ssyncset.done $0x0  }
0x4b: {  	s0 =	sadd.s32 $0xFFFFF800, s1;
	[sflag:s17] =	ssyncadd.s32 $0xFFFFC000  }
0x4c: {  	[tilespmem:s19], [sflag:$0x1] =	stream.linear.gather [hbm4b:s0+s3], $0x4000, $0x38;
	[tilespmem:$0x1F080] =	vst v63  }
0x4d: {  	_ =	swait.ge [sflag:s23], $0x4000  }
0x4e: {  	[sflag:s23] =	ssyncset.done $0x0  }
0x4f: {  	s24 =	simm.s32 $0x80;
	[sflag:s23] =	ssyncadd.s32 $0xFFFFC000  }
0x50: {  	[spmem:s2] =	stream.indirect.scatter.add.f32 [tilespmem:s20], [sflag:$0x3], $0x80, s24, s22, $0xb8;
	[tilespmem:$0x1F080] =	vst v63  }
0x51: {  	_ =	swait.ge [sflag:s17], $0x4000  }
0x52: {  	s30 =	simm.s32 $0x400;
	[sflag:s17] =	ssyncset.done $0x0  }
0x53: {  	s31 =	sadd.s32 $0x1000, s1;
	s16 =	smov.u32 s1;
	[sflag:s17] =	ssyncadd.s32 $0xFFFFC000  }
.LBB2_4:
0x54: {  	[tilespmem:s20], [sflag:$0x2] =	stream.linear.gather [hbm4b:s16+s3], $0x4000, $0x38;
	[tilespmem:$0x1F080] =	vst v63  }
0x55: {  	s0 =	smov.u32 s30;
	s16 =	smov.u32 s31  }
0x56: {  	p0 =	sne.s32 s30, $0x9400;
	s30 =	sadd.s32 $0x400, s30;
	_ =	swait.ge [sflag:s21], $0x4000  }
0x57: {  	[sflag:s21] =	ssyncset.done $0x0  }
0x58: {  	s0 =	sshra.s32 s0, $0x2;
	[sflag:s21] =	ssyncadd.s32 $0xFFFFC000  }
0x59: {  	[spmem:s2] =	stream.indirect.scatter.add.f32 [tilespmem:s19], [sflag:$0x3], $0x80, s0, s22, $0xb8;
	[tilespmem:$0x1F080] =	vst v63  }
0x5a: {  	_ =	swait.ge [sflag:s17], $0x4000  }
0x5b: {  	[sflag:s17] =	ssyncset.done $0x0  }
0x5c: {  	s24 =	sadd.s32 $0xFFFFF800, s31;
	[sflag:s17] =	ssyncadd.s32 $0xFFFFC000  }
0x5d: {  	[tilespmem:s19], [sflag:$0x1] =	stream.linear.gather [hbm4b:s24+s3], $0x4000, $0x38;
	[tilespmem:$0x1F080] =	vst v63  }
0x5e: {  	_ =	swait.ge [sflag:s23], $0x4000  }
0x5f: {  	[sflag:s23] =	ssyncset.done $0x0  }
.Ltmp1:
0x60: {  	s0 =	sadd.s32 $0x80, s0;
	[sflag:s23] =	ssyncadd.s32 $0xFFFFC000;
	(pc) =	sbr.rel @p0 .LBB2_4-.Ltmp1, $4  }
0x61: {  	[spmem:s2] =	stream.indirect.scatter.add.f32 [tilespmem:s20], [sflag:$0x3], $0x80, s0, s22, $0xb8;
	[tilespmem:$0x1F080] =	vst v63  }
0x62: {  	_ =	swait.ge [sflag:s17], $0x4000  }
0x63: {  	[sflag:s17] =	ssyncset.done $0x0  }
0x64: {  	s31 =	sadd.s32 $0x1000, s31;
	[sflag:s17] =	ssyncadd.s32 $0xFFFFC000  }
0x65: {  	[tilespmem:s20], [sflag:$0x2] =	stream.linear.gather [hbm4b:s16+s3], $0x4000, $0x38;
	[tilespmem:$0x1F080] =	vst v63  }
0x66: {  	_ =	swait.ge [sflag:s21], $0x4000  }
0x67: {  	[sflag:s21] =	ssyncset.done $0x0  }
0x68: {  	s0 =	simm.s32 $0x2600;
	[sflag:s21] =	ssyncadd.s32 $0xFFFFC000  }
0x69: {  	[spmem:s2] =	stream.indirect.scatter.add.f32 [tilespmem:s19], [sflag:$0x3], $0x80, s0, s22, $0xb8;
	[tilespmem:$0x1F080] =	vst v63  }
0x6a: {  	_ =	swait.ge [sflag:s17], $0x4000  }
0x6b: {  	[sflag:s17] =	ssyncset.done $0x0  }
0x6c: {  	[sflag:s17] =	ssyncadd.s32 $0xFFFFC000  }
0x6d: {  	_ =	swait.ge [sflag:s23], $0x4000  }
0x6e: {  	[sflag:s23] =	ssyncset.done $0x0  }
0x6f: {  	[sflag:s23] =	ssyncadd.s32 $0xFFFFC000  }
0x70: {  	[spmem:s2] =	stream.indirect.scatter.add.f32 [tilespmem:s20], [sflag:$0x3], $0x80, s25, s22, $0xb8;
	[tilespmem:$0x1F080] =	vst v63  }
0x71: {  	_ =	swait.ge [sflag:s17], $0x4000  }
0x72: {  	[sflag:s17] =	ssyncset.done $0x0  }
0x73: {  	[sflag:s17] =	ssyncadd.s32 $0xFFFFC000  }
0x74: {  	[tilespmem:s26], [sflag:$0x3] =	stream.linear.gather [hbm4b:s13+s3], $0x800, $0x38;
	[tilespmem:$0x1F080] =	vst v63  }
0x75: {  	_ =	swait.ge [sflag:s17], $0x800  }
0x76: {  	[sflag:s17] =	ssyncset.done $0x0  }
0x77: {  	[sflag:s17] =	ssyncadd.s32 $0xFFFFF800  }
0x78: {  	[spmem:s2] =	stream.indirect.scatter.add.f32 [tilespmem:s26], [sflag:$0x3], $0x80, s18, s28, $0xb8;
	[tilespmem:$0x1F080] =	vst v63  }
0x79: {  	s30 =	stileid.u32;
	_ =	swait.ge [sflag:s17], $0x800  }
0x7a: {  	s31 =	sshrl.u32 s6, $0x3;
	s29 =	sadd.s32 $0x1, s29;
	[sflag:s17] =	ssyncset.done $0x0  }
0x7b: {  	p0 =	sne.s32 s29, s15;
	s0 =	sshll.u32 s30, $0x6;
	[sflag:s17] =	ssyncadd.s32 $0xFFFFF800  }
.Ltmp2:
0x7c: {  	s0 =	sor.u32 $0x1C03, s0;
	[bflag:$0x0] =	sbarrier.arrive $0xFFFF;
	(pc) =	sbr.rel @p0 .LBB2_1-.Ltmp2, $4  }
0x7d: {  	[hbm:s14], [sflag:s0] =	dma.local [spmem:s31], $0x2800  }
0x7e: {  	_ =	swait.ge [sflag:s17], $0x2800  }
0x7f: {  	[sflag:s17] =	ssyncset.done $0x0  }
0x80: {  	[sflag:s17] =	ssyncadd.s32 $0xFFFFD800  }
0x81: {  	_ =	sfence.sel $0x180000  }
0x82: {  	[bflag:$0x0] =	sbarrier.arrive $0xFFFF  }
0x83: {  	_ =	strace $0x90000050  }
0x84: {  	s0 =	stileid.u32;
	[bflag:$0x2] =	sbarrier.arrive $0xFFFF  }
0x85: {  	p0 =	sne.s32 s0, $0x0;
	s0 =	rddreg [dreg:$0x3]  }
0x86: {  	s0 =	sadd.s32 @!p0 $0x100000, s0  }
0x87: {  	[sflag:s0] =	ssyncadd.tile.s32 @!p0 $0x1;
	_ =	shalt  }
.Lfunc_end2:
_tile_overlayer_lowered:
.L_overlay_start_2:
0x88: {  	(tag) =	ssettag $0x2  }
0x89: {  	s0 =	rddreg [dreg:$0x0];
	s2 =	stileid.u32  }
0x8a: {  	s1 =	rddreg [dreg:$0x1];
	p0 =	sne.s32 s2, $0x0  }
0x8b: {  	s3 =	rddreg [dreg:$0x2];
	[bflag:$0x3] =	sbarrier.arrive $0xFFFF;
	s2 =	simm.s32 @!p0 $0x1C03  }
0x8c: {  	[timem:s3], [sflag:s2] =	dma.local @!p0 [hbm:s0], s1  }
0x8d: {  	s0 =	simm.s32 @!p0 $0x3  }
0x8e: {  	_ =	swait.ge @!p0 [sflag:s0], s1  }
0x8f: {  	s1 =	ssub.s32 @!p0 $0x0, s1;
	[sflag:s0] =	ssyncset.done @!p0 $0x0  }
0x90: {  	[sflag:s0] =	ssyncadd.s32 @!p0 s1  }
0x91: {  	[bflag:$0x3] =	sbarrier.arrive $0xFFFF  }
0x92: {  	_ =	shalt  }

</sc_bundles>
